<compile_context>
chip_gen: v7x
topology: tpu7x:2x2x1
jax: 0.10.2.dev20260603
libtpu: 0.0.44.dev20260713+nightly
codegen_flags: <defaults>
</compile_context>

<pallas_src>
import functools

import jax
import jax.numpy as jnp
from jax import lax
from jax.experimental import pallas as pl
from jax.experimental.pallas import tpu as pltpu
from jax.experimental.pallas import tpu_sc as plsc

N_NODES = 4096
N_EDGES = 262144
F_EDGE = 16

NC = 2
NS = 16
NW = NC * NS
EPW = N_EDGES // NW
CE = 1024
NCH = EPW // CE
GP = CE // 16


def _sc_scatter_body(idx_hbm, eat_hbm, zt_hbm, out_hbm,
                     iv0, iv1, et0, et1, acct, iotav, acc_sh,
                     sem_i0, sem_i1, sem_e0, sem_e1):
    c = lax.axis_index("c")
    s = lax.axis_index("s")
    w = c * NS + s

    bufs = ((iv0, et0, sem_i0, sem_e0), (iv1, et1, sem_i1, sem_e1))

    def start(k):
        iv, et, si, se = bufs[k % 2]
        base_e = pl.multiple_of(w * EPW + k * CE, CE)
        return (pltpu.async_copy(idx_hbm.at[0, pl.ds(base_e, CE)], iv, si),
                pltpu.async_copy(eat_hbm.at[:, pl.ds(base_e, CE)], et, se))

    pend = start(0)

    pltpu.sync_copy(zt_hbm, acct)
    r0 = pl.multiple_of(s * (N_NODES // NS), N_NODES // NS)
    pltpu.sync_copy(zt_hbm.at[:, pl.ds(r0, N_NODES // NS)],
                    acc_sh.at[:, pl.ds(r0, N_NODES // NS)])
    iotav[...] = lax.iota(jnp.int32, 16)

    fvecs = [jnp.full((16,), f, jnp.int32) for f in range(F_EDGE)]

    for k in range(NCH):
        nxt = start(k + 1) if k + 1 < NCH else None
        for d in pend:
            d.wait()
        iv, et, _, _ = bufs[k % 2]

        @plsc.parallel_loop(0, GP, 1, unroll=4)
        def g_body(g, iv=iv, et=et):
            o = pl.multiple_of(g * 16, 16)
            idxv = iv[pl.ds(o, 16)]
            for f in range(F_EDGE):
                vals = et[f, pl.ds(o, 16)]
                plsc.addupdate_scatter(acct.at[f], [idxv], vals)
        pend = nxt

    plsc.subcore_barrier()
    pltpu.sync_copy(acct, acc_sh.at[iotav], add=True)
    plsc.subcore_barrier()
    pltpu.sync_copy(acc_sh.at[:, pl.ds(r0, N_NODES // NS)],
                    out_hbm.at[c, :, pl.ds(r0, N_NODES // NS)])


@functools.partial(
    pl.kernel,
    out_type=jax.ShapeDtypeStruct((NC, F_EDGE, N_NODES), jnp.float32),
    mesh=plsc.VectorSubcoreMesh(core_axis_name="c", subcore_axis_name="s"),
    scratch_types=[
        pltpu.VMEM((CE,), jnp.int32),
        pltpu.VMEM((CE,), jnp.int32),
        pltpu.VMEM((F_EDGE, CE), jnp.float32),
        pltpu.VMEM((F_EDGE, CE), jnp.float32),
        pltpu.VMEM((F_EDGE, N_NODES), jnp.float32),
        pltpu.VMEM((16,), jnp.int32),
        pltpu.VMEM_SHARED((F_EDGE, N_NODES), jnp.float32),
        pltpu.SemaphoreType.DMA,
        pltpu.SemaphoreType.DMA,
        pltpu.SemaphoreType.DMA,
        pltpu.SemaphoreType.DMA,
    ],
    compiler_params=pltpu.CompilerParams(use_tc_tiling_on_sc=False,
                                         needs_layout_passes=False),
)
def _sc_scatter(idx_hbm, eat_hbm, zt_hbm, out_hbm, *rest):
    _sc_scatter_body(idx_hbm, eat_hbm, zt_hbm, out_hbm, *rest)


def _mlp_body(nf_ref, agg32_ref, w1a_ref, w1b_ref, b1_ref, w2_ref, b2_ref,
              we_ref, be_ref, emb_ref, wt_ref, sur_ref, suc_ref):
    agg_t = agg32_ref[0] + agg32_ref[1]
    x = nf_ref[...]
    h_agg = lax.dot_general(agg_t, w1b_ref[...], (((0,), (0,)), ((), ())),
                            preferred_element_type=jnp.float32)
    h = (jnp.dot(x, w1a_ref[...], preferred_element_type=jnp.float32)
         + h_agg + b1_ref[...])
    h = jnp.dot(h, w2_ref[...], preferred_element_type=jnp.float32) + b2_ref[...]
    emb = jnp.dot(h, we_ref[...], preferred_element_type=jnp.float32) + be_ref[...]
    emb_ref[...] = emb
    wt_ref[...] = (-10.0 * emb).T
    su = 5.0 * jnp.sum(emb * emb, axis=1, keepdims=True)
    sur_ref[...] = su
    suc_ref[...] = su.T - 0.5


def _mlp(node_feats, agg32, w1a, w1b, b1, w2, b2, we, be):
    return pl.pallas_call(
        _mlp_body,
        out_shape=(
            jax.ShapeDtypeStruct((N_NODES, 2), jnp.float32),
            jax.ShapeDtypeStruct((2, N_NODES), jnp.float32),
            jax.ShapeDtypeStruct((N_NODES, 1), jnp.float32),
            jax.ShapeDtypeStruct((1, N_NODES), jnp.float32),
        ),
    )(node_feats, agg32, w1a, w1b, b1, w2, b2, we, be)


DEC_B = 512


def _decode_body(emb_ref, wt_ref, sur_ref, suc_ref, out_ref):
    pid = pl.program_id(0)
    m = (emb_ref[:, 0:1] * wt_ref[0:1, :] + emb_ref[:, 1:2] * wt_ref[1:2, :])
    t = m + sur_ref[...] + suc_ref[...]
    val = 0.5 + 0.5 * jnp.tanh(t)
    out_ref[...] = val
    c0 = pl.multiple_of(pid * DEC_B, DEC_B)
    sub = out_ref[:, pl.ds(c0, DEC_B)]
    eq = (lax.broadcasted_iota(jnp.int32, (DEC_B, DEC_B), 0)
          == lax.broadcasted_iota(jnp.int32, (DEC_B, DEC_B), 1))
    out_ref[:, pl.ds(c0, DEC_B)] = jnp.where(eq, 0.0, sub)


def _decode(emb, wt, sur, suc):
    nb = N_NODES // DEC_B
    return pl.pallas_call(
        _decode_body,
        grid=(nb,),
        in_specs=[
            pl.BlockSpec((DEC_B, 2), lambda i: (i, 0)),
            pl.BlockSpec((2, N_NODES), lambda i: (0, 0)),
            pl.BlockSpec((DEC_B, 1), lambda i: (i, 0)),
            pl.BlockSpec((1, N_NODES), lambda i: (0, 0)),
        ],
        out_specs=pl.BlockSpec((DEC_B, N_NODES), lambda i: (i, 0)),
        out_shape=jax.ShapeDtypeStruct((N_NODES, N_NODES), jnp.float32),
    )(emb, wt, sur, suc)


def kernel(node_feats, edge_index, edge_attr, W1, b1, W2, b2, W_emb, b_emb):
    zt = jnp.zeros((F_EDGE, N_NODES), jnp.float32)
    agg32 = _sc_scatter(edge_index.astype(jnp.int32), edge_attr.T, zt)
    emb, wt, sur, suc = _mlp(
        node_feats, agg32,
        W1[:128, :], W1[128:, :], b1[None, :],
        W2, b2[None, :], W_emb, b_emb[None, :],
    )
    adj = _decode(emb, wt, sur, suc)
    return (adj, emb)

# --- scband reference (transcript-rebuilt; emitter-appended) ---
"""Pipeline reference for scband-node-ae-14499809591358 (READ-ONLY COPY).

The authoritative reference and input builder live on the scoring server;
editing this copy changes nothing except your own understanding.
"""

import jax, jax.numpy as jnp
import numpy as np

N_NODES = 4096
N_EDGES = 262144
IN_NODE_NF = 128
IN_EDGE_NF = 16
H_NF = 128
OUT_NF = 128
EMB_NF = 2


def setup_inputs(seed: int = 0) -> dict:
    key = jax.random.key(seed)
    ks = jax.random.split(key, 10)
    node_feats = jax.random.normal(ks[0], (N_NODES, IN_NODE_NF), dtype=jnp.float32)
    edge_index = jax.random.randint(ks[1], (2, N_EDGES), 0, N_NODES, dtype=jnp.int64)
    edge_attr = jax.random.normal(ks[2], (N_EDGES, IN_EDGE_NF), dtype=jnp.float32)
    in_nf = IN_NODE_NF + IN_EDGE_NF
    W1 = jax.random.normal(ks[3], (in_nf, H_NF), dtype=jnp.float32) * (1.0 / np.sqrt(in_nf))
    b1 = jax.random.normal(ks[4], (H_NF,), dtype=jnp.float32) * 0.01
    W2 = jax.random.normal(ks[5], (H_NF, OUT_NF), dtype=jnp.float32) * (1.0 / np.sqrt(H_NF))
    b2 = jax.random.normal(ks[6], (OUT_NF,), dtype=jnp.float32) * 0.01
    W_emb = jax.random.normal(ks[7], (OUT_NF, EMB_NF), dtype=jnp.float32) * (1.0 / np.sqrt(OUT_NF))
    b_emb = jax.random.normal(ks[8], (EMB_NF,), dtype=jnp.float32) * 0.01
    return {"node_feats": node_feats, "edge_index": edge_index, "edge_attr": edge_attr,
            "W1": W1, "b1": b1, "W2": W2, "b2": b2, "W_emb": W_emb, "b_emb": b_emb}


def reference(node_feats, edge_index, edge_attr, W1, b1, W2, b2, W_emb, b_emb):
    # Node_Layer: unsorted_segment_sum (scatter-add) over destination rows
    row = edge_index[0]
    num_nodes = node_feats.shape[0]
    agg = jnp.zeros((num_nodes, edge_attr.shape[1]), dtype=edge_attr.dtype).at[row].add(edge_attr)
    node_in = jnp.concatenate([node_feats, agg], axis=1)
    h = node_in @ W1 + b1
    h = h @ W2 + b2
    # fc_emb
    node_emb = h @ W_emb + b_emb
    # decode: pairwise squared distance -> sigmoid adjacency
    W_const = 10.0
    b_const = -1.0
    x_a = node_emb[None, :, :]          # unsqueeze(0) -> [1, N, emb]
    x_b = jnp.transpose(x_a, (1, 0, 2))  # [N, 1, emb]
    X = (x_a - x_b) ** 2                 # [N, N, emb]
    X = X.reshape(num_nodes * num_nodes, -1)
    X = jax.nn.sigmoid(W_const * jnp.sum(X, axis=1) + b_const)
    adj_pred = X.reshape(num_nodes, num_nodes)
    adj_pred = adj_pred * (1.0 - jnp.eye(num_nodes, dtype=adj_pred.dtype))
    return (adj_pred, node_emb)

if __name__ == "__main__":
    import jax
    _d = setup_inputs()
    print(jax.jit(kernel)(*tuple(_d.values())))

</pallas_src>

<mosaic_0001>
#map = affine_map<(d0, d1) -> (0, 0)>
#map1 = affine_map<(d0, d1) -> (0, 0, 0)>
module attributes {stable_mosaic.version = 14 : i64} {
  func.func @_sc_scatter(%arg0: i32, %arg1: i32, %arg2: memref<2x262144xi32, #tpu.memory_space<hbm>>, %arg3: memref<16x262144xf32, #tpu.memory_space<hbm>>, %arg4: memref<16x4096xf32, #tpu.memory_space<hbm>>, %arg5: memref<2x16x4096xf32, #tpu.memory_space<hbm>>, %arg6: memref<1024xi32, #tpu.memory_space<vmem>>, %arg7: memref<1024xi32, #tpu.memory_space<vmem>>, %arg8: memref<16x1024xf32, #tpu.memory_space<vmem>>, %arg9: memref<16x1024xf32, #tpu.memory_space<vmem>>, %arg10: memref<16x4096xf32, #tpu.memory_space<vmem>>, %arg11: memref<16xi32, #tpu.memory_space<vmem>>, %arg12: memref<16x4096xf32, #tpu.memory_space<vmem_shared>>, %arg13: memref<!tpu.dma_semaphore, #tpu.memory_space<semaphore_mem>>, %arg14: memref<!tpu.dma_semaphore, #tpu.memory_space<semaphore_mem>>, %arg15: memref<!tpu.dma_semaphore, #tpu.memory_space<semaphore_mem>>, %arg16: memref<!tpu.dma_semaphore, #tpu.memory_space<semaphore_mem>>) attributes {dimension_semantics = [#tpu.dimension_semantics<core_parallel>, #tpu.dimension_semantics<subcore_parallel>], iteration_bounds = array<i64: 2, 16>, scalar_prefetch = 0 : i64, scratch_operands = 11 : i64, tpu.core_type = #tpu.core_type<sc_vector_subcore>, window_params = [{transform_indices = #map}, {transform_indices = #map}, {transform_indices = #map}, {transform_indices = #map1}]} {
    %mul3A = arith.constant 16 : i32
    %mul3A_0 = arith.muli %arg0, %mul3A : i32
    %add3A = arith.addi %mul3A_0, %arg1 : i32
    %mul3A_1 = arith.constant 8192 : i32
    %mul3A_2 = arith.muli %add3A, %mul3A_1 : i32
    %add3A_3 = arith.constant 0 : i32
    %add3A_4 = arith.addi %mul3A_2, %add3A_3 : i32
    %multiple_of3A = tpu.assume_multiple %add3A_4, 1024 : i32
    %dma_start3A = arith.constant 0 : i32
    %dma_start3A_5 = tpu.memref_slice %arg2[%dma_start3A, %multiple_of3A] : memref<2x262144xi32, #tpu.memory_space<hbm>> -> memref<1x1024xi32, #tpu.memory_space<hbm>>
    %dma_start3A_6 = tpu.memref_squeeze %dma_start3A_5 : memref<1x1024xi32, #tpu.memory_space<hbm>> -> memref<1024xi32, #tpu.memory_space<hbm>>
    %dma_start3A_7 = tpu.memref_slice %arg2[%dma_start3A, %multiple_of3A] : memref<2x262144xi32, #tpu.memory_space<hbm>> -> memref<1x1024xi32, #tpu.memory_space<hbm>>
    %dma_start3A_8 = tpu.memref_squeeze %dma_start3A_7 : memref<1x1024xi32, #tpu.memory_space<hbm>> -> memref<1024xi32, #tpu.memory_space<hbm>>
    tpu.enqueue_dma source(%dma_start3A_8 : memref<1024xi32, #tpu.memory_space<hbm>>) target(%arg6 : memref<1024xi32, #tpu.memory_space<vmem>>) target_semaphore(%arg13 : memref<!tpu.dma_semaphore, #tpu.memory_space<semaphore_mem>>)
    %dma_start3A_9 = arith.constant 0 : i32
    %dma_start3A_10 = tpu.memref_slice %arg3[%dma_start3A_9, %multiple_of3A] : memref<16x262144xf32, #tpu.memory_space<hbm>> -> memref<16x1024xf32, #tpu.memory_space<hbm>>
    %dma_start3A_11 = arith.constant 0 : i32
    %dma_start3A_12 = tpu.memref_slice %arg3[%dma_start3A_11, %multiple_of3A] : memref<16x262144xf32, #tpu.memory_space<hbm>> -> memref<16x1024xf32, #tpu.memory_space<hbm>>
    tpu.enqueue_dma source(%dma_start3A_12 : memref<16x1024xf32, #tpu.memory_space<hbm>>) target(%arg8 : memref<16x1024xf32, #tpu.memory_space<vmem>>) target_semaphore(%arg15 : memref<!tpu.dma_semaphore, #tpu.memory_space<semaphore_mem>>)
    "tpu.region"() ({
      %run_scoped3A = tpu.sem_alloc : memref<!tpu.dma_semaphore, #tpu.memory_space<semaphore_mem>>
      tpu.enqueue_dma source(%arg4 : memref<16x4096xf32, #tpu.memory_space<hbm>>) target(%arg10 : memref<16x4096xf32, #tpu.memory_space<vmem>>) target_semaphore(%run_scoped3A : memref<!tpu.dma_semaphore, #tpu.memory_space<semaphore_mem>>)
      tpu.wait_dma2 semaphore(%run_scoped3A : memref<!tpu.dma_semaphore, #tpu.memory_space<semaphore_mem>>) src(%arg4 : memref<16x4096xf32, #tpu.memory_space<hbm>>) dst(%arg10 : memref<16x4096xf32, #tpu.memory_space<vmem>>)
      tpu.yield
    }) : () -> ()
    %mul3A_13 = arith.constant 256 : i32
    %mul3A_14 = arith.muli %arg1, %mul3A_13 : i32
    %multiple_of3A_15 = tpu.assume_multiple %mul3A_14, 256 : i32
    "tpu.region"() ({
      %run_scoped3A = tpu.sem_alloc : memref<!tpu.dma_semaphore, #tpu.memory_space<semaphore_mem>>
      %dma_start3A_241 = arith.constant 0 : i32
      %dma_start3A_242 = tpu.memref_slice %arg12[%dma_start3A_241, %multiple_of3A_15] : memref<16x4096xf32, #tpu.memory_space<vmem_shared>> -> memref<16x256xf32, #tpu.memory_space<vmem_shared>>
      %dma_start3A_243 = arith.constant 0 : i32
      %dma_start3A_244 = tpu.memref_slice %arg4[%dma_start3A_243, %multiple_of3A_15] : memref<16x4096xf32, #tpu.memory_space<hbm>> -> memref<16x256xf32, #tpu.memory_space<hbm>>
      tpu.enqueue_dma source(%dma_start3A_244 : memref<16x256xf32, #tpu.memory_space<hbm>>) target(%dma_start3A_242 : memref<16x256xf32, #tpu.memory_space<vmem_shared>>) target_semaphore(%run_scoped3A : memref<!tpu.dma_semaphore, #tpu.memory_space<semaphore_mem>>)
      %dma_wait3A_245 = arith.constant 0 : i32
      %dma_wait3A_246 = tpu.memref_slice %arg12[%dma_wait3A_245, %multiple_of3A_15] : memref<16x4096xf32, #tpu.memory_space<vmem_shared>> -> memref<16x256xf32, #tpu.memory_space<vmem_shared>>
      %dma_wait3A_247 = arith.constant 0 : i32
      %dma_wait3A_248 = tpu.memref_slice %arg4[%dma_wait3A_247, %multiple_of3A_15] : memref<16x4096xf32, #tpu.memory_space<hbm>> -> memref<16x256xf32, #tpu.memory_space<hbm>>
      tpu.wait_dma2 semaphore(%run_scoped3A : memref<!tpu.dma_semaphore, #tpu.memory_space<semaphore_mem>>) src(%dma_wait3A_248 : memref<16x256xf32, #tpu.memory_space<hbm>>) dst(%dma_wait3A_246 : memref<16x256xf32, #tpu.memory_space<vmem_shared>>)
      tpu.yield
    }) : () -> ()
    %iota3A = tpu.iota {dimensions = array<i32: 0>} : vector<16xi32>
    %swap3A = arith.constant 0 : index
    %swap3A_16 = tpu.vector_load %arg11[%swap3A] {strides = array<i32>} : memref<16xi32, #tpu.memory_space<vmem>>, vector<16xi32>,
    tpu.vector_store %arg11[%swap3A], %iota3A {strides = array<i32>} : memref<16xi32, #tpu.memory_space<vmem>>, vector<16xi32>,
    %broadcast_in_dim3A = arith.constant 0 : i32
    %broadcast_in_dim3A_17 = vector.broadcast %broadcast_in_dim3A : i32 to vector<16xi32>
    %broadcast_in_dim3A_18 = arith.constant 1 : i32
    %broadcast_in_dim3A_19 = vector.broadcast %broadcast_in_dim3A_18 : i32 to vector<16xi32>
    %broadcast_in_dim3A_20 = arith.constant 2 : i32
    %broadcast_in_dim3A_21 = vector.broadcast %broadcast_in_dim3A_20 : i32 to vector<16xi32>
    %broadcast_in_dim3A_22 = arith.constant 3 : i32
    %broadcast_in_dim3A_23 = vector.broadcast %broadcast_in_dim3A_22 : i32 to vector<16xi32>
    %broadcast_in_dim3A_24 = arith.constant 4 : i32
    %broadcast_in_dim3A_25 = vector.broadcast %broadcast_in_dim3A_24 : i32 to vector<16xi32>
    %broadcast_in_dim3A_26 = arith.constant 5 : i32
    %broadcast_in_dim3A_27 = vector.broadcast %broadcast_in_dim3A_26 : i32 to vector<16xi32>
    %broadcast_in_dim3A_28 = arith.constant 6 : i32
    %broadcast_in_dim3A_29 = vector.broadcast %broadcast_in_dim3A_28 : i32 to vector<16xi32>
    %broadcast_in_dim3A_30 = arith.constant 7 : i32
    %broadcast_in_dim3A_31 = vector.broadcast %broadcast_in_dim3A_30 : i32 to vector<16xi32>
    %broadcast_in_dim3A_32 = arith.constant 8 : i32
    %broadcast_in_dim3A_33 = vector.broadcast %broadcast_in_dim3A_32 : i32 to vector<16xi32>
    %broadcast_in_dim3A_34 = arith.constant 9 : i32
    %broadcast_in_dim3A_35 = vector.broadcast %broadcast_in_dim3A_34 : i32 to vector<16xi32>
    %broadcast_in_dim3A_36 = arith.constant 10 : i32
    %broadcast_in_dim3A_37 = vector.broadcast %broadcast_in_dim3A_36 : i32 to vector<16xi32>
    %broadcast_in_dim3A_38 = arith.constant 11 : i32
    %broadcast_in_dim3A_39 = vector.broadcast %broadcast_in_dim3A_38 : i32 to vector<16xi32>
    %broadcast_in_dim3A_40 = arith.constant 12 : i32
    %broadcast_in_dim3A_41 = vector.broadcast %broadcast_in_dim3A_40 : i32 to vector<16xi32>
    %broadcast_in_dim3A_42 = arith.constant 13 : i32
    %broadcast_in_dim3A_43 = vector.broadcast %broadcast_in_dim3A_42 : i32 to vector<16xi32>
    %broadcast_in_dim3A_44 = arith.constant 14 : i32
    %broadcast_in_dim3A_45 = vector.broadcast %broadcast_in_dim3A_44 : i32 to vector<16xi32>
    %broadcast_in_dim3A_46 = arith.constant 15 : i32
    %broadcast_in_dim3A_47 = vector.broadcast %broadcast_in_dim3A_46 : i32 to vector<16xi32>
    %mul3A_48 = arith.constant 8192 : i32
    %mul3A_49 = arith.muli %add3A, %mul3A_48 : i32
    %add3A_50 = arith.constant 1024 : i32
    %add3A_51 = arith.addi %mul3A_49, %add3A_50 : i32
    %multiple_of3A_52 = tpu.assume_multiple %add3A_51, 1024 : i32
    %dma_start3A_53 = arith.constant 0 : i32
    %dma_start3A_54 = tpu.memref_slice %arg2[%dma_start3A_53, %multiple_of3A_52] : memref<2x262144xi32, #tpu.memory_space<hbm>> -> memref<1x1024xi32, #tpu.memory_space<hbm>>
    %dma_start3A_55 = tpu.memref_squeeze %dma_start3A_54 : memref<1x1024xi32, #tpu.memory_space<hbm>> -> memref<1024xi32, #tpu.memory_space<hbm>>
    %dma_start3A_56 = tpu.memref_slice %arg2[%dma_start3A_53, %multiple_of3A_52] : memref<2x262144xi32, #tpu.memory_space<hbm>> -> memref<1x1024xi32, #tpu.memory_space<hbm>>
    %dma_start3A_57 = tpu.memref_squeeze %dma_start3A_56 : memref<1x1024xi32, #tpu.memory_space<hbm>> -> memref<1024xi32, #tpu.memory_space<hbm>>
    tpu.enqueue_dma source(%dma_start3A_57 : memref<1024xi32, #tpu.memory_space<hbm>>) target(%arg7 : memref<1024xi32, #tpu.memory_space<vmem>>) target_semaphore(%arg14 : memref<!tpu.dma_semaphore, #tpu.memory_space<semaphore_mem>>)
    %dma_start3A_58 = arith.constant 0 : i32
    %dma_start3A_59 = tpu.memref_slice %arg3[%dma_start3A_58, %multiple_of3A_52] : memref<16x262144xf32, #tpu.memory_space<hbm>> -> memref<16x1024xf32, #tpu.memory_space<hbm>>
    %dma_start3A_60 = arith.constant 0 : i32
    %dma_start3A_61 = tpu.memref_slice %arg3[%dma_start3A_60, %multiple_of3A_52] : memref<16x262144xf32, #tpu.memory_space<hbm>> -> memref<16x1024xf32, #tpu.memory_space<hbm>>
    tpu.enqueue_dma source(%dma_start3A_61 : memref<16x1024xf32, #tpu.memory_space<hbm>>) target(%arg9 : memref<16x1024xf32, #tpu.memory_space<vmem>>) target_semaphore(%arg16 : memref<!tpu.dma_semaphore, #tpu.memory_space<semaphore_mem>>)
    %dma_wait3A = arith.constant 0 : i32
    %dma_wait3A_62 = tpu.memref_slice %arg2[%dma_wait3A, %multiple_of3A] : memref<2x262144xi32, #tpu.memory_space<hbm>> -> memref<1x1024xi32, #tpu.memory_space<hbm>>
    %dma_wait3A_63 = tpu.memref_squeeze %dma_wait3A_62 : memref<1x1024xi32, #tpu.memory_space<hbm>> -> memref<1024xi32, #tpu.memory_space<hbm>>
    %dma_wait3A_64 = tpu.memref_slice %arg2[%dma_wait3A, %multiple_of3A] : memref<2x262144xi32, #tpu.memory_space<hbm>> -> memref<1x1024xi32, #tpu.memory_space<hbm>>
    %dma_wait3A_65 = tpu.memref_squeeze %dma_wait3A_64 : memref<1x1024xi32, #tpu.memory_space<hbm>> -> memref<1024xi32, #tpu.memory_space<hbm>>
    tpu.wait_dma2 semaphore(%arg13 : memref<!tpu.dma_semaphore, #tpu.memory_space<semaphore_mem>>) src(%dma_wait3A_65 : memref<1024xi32, #tpu.memory_space<hbm>>) dst(%arg6 : memref<1024xi32, #tpu.memory_space<vmem>>)
    %dma_wait3A_66 = arith.constant 0 : i32
    %dma_wait3A_67 = tpu.memref_slice %arg3[%dma_wait3A_66, %multiple_of3A] : memref<16x262144xf32, #tpu.memory_space<hbm>> -> memref<16x1024xf32, #tpu.memory_space<hbm>>
    %dma_wait3A_68 = arith.constant 0 : i32
    %dma_wait3A_69 = tpu.memref_slice %arg3[%dma_wait3A_68, %multiple_of3A] : memref<16x262144xf32, #tpu.memory_space<hbm>> -> memref<16x1024xf32, #tpu.memory_space<hbm>>
    tpu.wait_dma2 semaphore(%arg15 : memref<!tpu.dma_semaphore, #tpu.memory_space<semaphore_mem>>) src(%dma_wait3A_69 : memref<16x1024xf32, #tpu.memory_space<hbm>>) dst(%arg8 : memref<16x1024xf32, #tpu.memory_space<vmem>>)
    %parallel_loop3A = arith.constant 0 : i32
    %parallel_loop3A_70 = arith.constant 64 : i32
    %parallel_loop3A_71 = arith.constant 1 : i32
    scf.for %parallel_loop3A_241 = %parallel_loop3A to %parallel_loop3A_70 step %parallel_loop3A_71  : i32 {
      %parallel_loop3A_242 = arith.constant 16 : i32
      %parallel_loop3A_243 = arith.muli %parallel_loop3A_241, %parallel_loop3A_242 : i32
      %parallel_loop3A_244 = tpu.assume_multiple %parallel_loop3A_243, 16 : i32
      %parallel_loop3A_245 = arith.index_cast %parallel_loop3A_244 : i32 to index
      %parallel_loop3A_246 = tpu.vector_load %arg6[%parallel_loop3A_245] {strides = array<i32>} : memref<1024xi32, #tpu.memory_space<vmem>>, vector<16xi32>,
      %parallel_loop3A_247 = arith.constant 0 : i32
      %parallel_loop3A_248 = arith.index_cast %parallel_loop3A_247 : i32 to index
      %parallel_loop3A_249 = arith.index_cast %parallel_loop3A_244 : i32 to index
      %parallel_loop3A_250 = tpu.vector_load %arg8[%parallel_loop3A_248, %parallel_loop3A_249] {strides = array<i32>} : memref<16x1024xf32, #tpu.memory_space<vmem>>, vector<16xf32>,
      %parallel_loop3A_251 = arith.constant 0 : i32
      %parallel_loop3A_252 = arith.constant 0 : i32
      %parallel_loop3A_253 = tpu.memref_slice %arg10[%parallel_loop3A_251, %parallel_loop3A_252] : memref<16x4096xf32, #tpu.memory_space<vmem>> -> memref<1x4096xf32, #tpu.memory_space<vmem>>
      %parallel_loop3A_254 = tpu.memref_squeeze %parallel_loop3A_253 : memref<1x4096xf32, #tpu.memory_space<vmem>> -> memref<4096xf32, #tpu.memory_space<vmem>>
      tpu.vector_store_idx %parallel_loop3A_254[%parallel_loop3A_246], %parallel_loop3A_250 {add = true} : memref<4096xf32, #tpu.memory_space<vmem>>[vector<16xi32>], vector<16xf32>,
      %parallel_loop3A_255 = arith.constant 1 : i32
      %parallel_loop3A_256 = arith.index_cast %parallel_loop3A_255 : i32 to index
      %parallel_loop3A_257 = arith.index_cast %parallel_loop3A_244 : i32 to index
      %parallel_loop3A_258 = tpu.vector_load %arg8[%parallel_loop3A_256, %parallel_loop3A_257] {strides = array<i32>} : memref<16x1024xf32, #tpu.memory_space<vmem>>, vector<16xf32>,
      %parallel_loop3A_259 = arith.constant 1 : i32
      %parallel_loop3A_260 = arith.constant 0 : i32
      %parallel_loop3A_261 = tpu.memref_slice %arg10[%parallel_loop3A_259, %parallel_loop3A_260] : memref<16x4096xf32, #tpu.memory_space<vmem>> -> memref<1x4096xf32, #tpu.memory_space<vmem>>
      %parallel_loop3A_262 = tpu.memref_squeeze %parallel_loop3A_261 : memref<1x4096xf32, #tpu.memory_space<vmem>> -> memref<4096xf32, #tpu.memory_space<vmem>>
      tpu.vector_store_idx %parallel_loop3A_262[%parallel_loop3A_246], %parallel_loop3A_258 {add = true} : memref<4096xf32, #tpu.memory_space<vmem>>[vector<16xi32>], vector<16xf32>,
      %parallel_loop3A_263 = arith.constant 2 : i32
      %parallel_loop3A_264 = arith.index_cast %parallel_loop3A_263 : i32 to index
      %parallel_loop3A_265 = arith.index_cast %parallel_loop3A_244 : i32 to index
      %parallel_loop3A_266 = tpu.vector_load %arg8[%parallel_loop3A_264, %parallel_loop3A_265] {strides = array<i32>} : memref<16x1024xf32, #tpu.memory_space<vmem>>, vector<16xf32>,
      %parallel_loop3A_267 = arith.constant 2 : i32
      %parallel_loop3A_268 = arith.constant 0 : i32
      %parallel_loop3A_269 = tpu.memref_slice %arg10[%parallel_loop3A_267, %parallel_loop3A_268] : memref<16x4096xf32, #tpu.memory_space<vmem>> -> memref<1x4096xf32, #tpu.memory_space<vmem>>
      %parallel_loop3A_270 = tpu.memref_squeeze %parallel_loop3A_269 : memref<1x4096xf32, #tpu.memory_space<vmem>> -> memref<4096xf32, #tpu.memory_space<vmem>>
      tpu.vector_store_idx %parallel_loop3A_270[%parallel_loop3A_246], %parallel_loop3A_266 {add = true} : memref<4096xf32, #tpu.memory_space<vmem>>[vector<16xi32>], vector<16xf32>,
      %parallel_loop3A_271 = arith.constant 3 : i32
      %parallel_loop3A_272 = arith.index_cast %parallel_loop3A_271 : i32 to index
      %parallel_loop3A_273 = arith.index_cast %parallel_loop3A_244 : i32 to index
      %parallel_loop3A_274 = tpu.vector_load %arg8[%parallel_loop3A_272, %parallel_loop3A_273] {strides = array<i32>} : memref<16x1024xf32, #tpu.memory_space<vmem>>, vector<16xf32>,
      %parallel_loop3A_275 = arith.constant 3 : i32
      %parallel_loop3A_276 = arith.constant 0 : i32
      %parallel_loop3A_277 = tpu.memref_slice %arg10[%parallel_loop3A_275, %parallel_loop3A_276] : memref<16x4096xf32, #tpu.memory_space<vmem>> -> memref<1x4096xf32, #tpu.memory_space<vmem>>
      %parallel_loop3A_278 = tpu.memref_squeeze %parallel_loop3A_277 : memref<1x4096xf32, #tpu.memory_space<vmem>> -> memref<4096xf32, #tpu.memory_space<vmem>>
      tpu.vector_store_idx %parallel_loop3A_278[%parallel_loop3A_246], %parallel_loop3A_274 {add = true} : memref<4096xf32, #tpu.memory_space<vmem>>[vector<16xi32>], vector<16xf32>,
      %parallel_loop3A_279 = arith.constant 4 : i32
      %parallel_loop3A_280 = arith.index_cast %parallel_loop3A_279 : i32 to index
      %parallel_loop3A_281 = arith.index_cast %parallel_loop3A_244 : i32 to index
      %parallel_loop3A_282 = tpu.vector_load %arg8[%parallel_loop3A_280, %parallel_loop3A_281] {strides = array<i32>} : memref<16x1024xf32, #tpu.memory_space<vmem>>, vector<16xf32>,
      %parallel_loop3A_283 = arith.constant 4 : i32
      %parallel_loop3A_284 = arith.constant 0 : i32
      %parallel_loop3A_285 = tpu.memref_slice %arg10[%parallel_loop3A_283, %parallel_loop3A_284] : memref<16x4096xf32, #tpu.memory_space<vmem>> -> memref<1x4096xf32, #tpu.memory_space<vmem>>
      %parallel_loop3A_286 = tpu.memref_squeeze %parallel_loop3A_285 : memref<1x4096xf32, #tpu.memory_space<vmem>> -> memref<4096xf32, #tpu.memory_space<vmem>>
      tpu.vector_store_idx %parallel_loop3A_286[%parallel_loop3A_246], %parallel_loop3A_282 {add = true} : memref<4096xf32, #tpu.memory_space<vmem>>[vector<16xi32>], vector<16xf32>,
      %parallel_loop3A_287 = arith.constant 5 : i32
      %parallel_loop3A_288 = arith.index_cast %parallel_loop3A_287 : i32 to index
      %parallel_loop3A_289 = arith.index_cast %parallel_loop3A_244 : i32 to index
      %parallel_loop3A_290 = tpu.vector_load %arg8[%parallel_loop3A_288, %parallel_loop3A_289] {strides = array<i32>} : memref<16x1024xf32, #tpu.memory_space<vmem>>, vector<16xf32>,
      %parallel_loop3A_291 = arith.constant 5 : i32
      %parallel_loop3A_292 = arith.constant 0 : i32
      %parallel_loop3A_293 = tpu.memref_slice %arg10[%parallel_loop3A_291, %parallel_loop3A_292] : memref<16x4096xf32, #tpu.memory_space<vmem>> -> memref<1x4096xf32, #tpu.memory_space<vmem>>
      %parallel_loop3A_294 = tpu.memref_squeeze %parallel_loop3A_293 : memref<1x4096xf32, #tpu.memory_space<vmem>> -> memref<4096xf32, #tpu.memory_space<vmem>>
      tpu.vector_store_idx %parallel_loop3A_294[%parallel_loop3A_246], %parallel_loop3A_290 {add = true} : memref<4096xf32, #tpu.memory_space<vmem>>[vector<16xi32>], vector<16xf32>,
      %parallel_loop3A_295 = arith.constant 6 : i32
      %parallel_loop3A_296 = arith.index_cast %parallel_loop3A_295 : i32 to index
      %parallel_loop3A_297 = arith.index_cast %parallel_loop3A_244 : i32 to index
      %parallel_loop3A_298 = tpu.vector_load %arg8[%parallel_loop3A_296, %parallel_loop3A_297] {strides = array<i32>} : memref<16x1024xf32, #tpu.memory_space<vmem>>, vector<16xf32>,
      %parallel_loop3A_299 = arith.constant 6 : i32
      %parallel_loop3A_300 = arith.constant 0 : i32
      %parallel_loop3A_301 = tpu.memref_slice %arg10[%parallel_loop3A_299, %parallel_loop3A_300] : memref<16x4096xf32, #tpu.memory_space<vmem>> -> memref<1x4096xf32, #tpu.memory_space<vmem>>
      %parallel_loop3A_302 = tpu.memref_squeeze %parallel_loop3A_301 : memref<1x4096xf32, #tpu.memory_space<vmem>> -> memref<4096xf32, #tpu.memory_space<vmem>>
      tpu.vector_store_idx %parallel_loop3A_302[%parallel_loop3A_246], %parallel_loop3A_298 {add = true} : memref<4096xf32, #tpu.memory_space<vmem>>[vector<16xi32>], vector<16xf32>,
      %parallel_loop3A_303 = arith.constant 7 : i32
      %parallel_loop3A_304 = arith.index_cast %parallel_loop3A_303 : i32 to index
      %parallel_loop3A_305 = arith.index_cast %parallel_loop3A_244 : i32 to index
      %parallel_loop3A_306 = tpu.vector_load %arg8[%parallel_loop3A_304, %parallel_loop3A_305] {strides = array<i32>} : memref<16x1024xf32, #tpu.memory_space<vmem>>, vector<16xf32>,
      %parallel_loop3A_307 = arith.constant 7 : i32
      %parallel_loop3A_308 = arith.constant 0 : i32
      %parallel_loop3A_309 = tpu.memref_slice %arg10[%parallel_loop3A_307, %parallel_loop3A_308] : memref<16x4096xf32, #tpu.memory_space<vmem>> -> memref<1x4096xf32, #tpu.memory_space<vmem>>
      %parallel_loop3A_310 = tpu.memref_squeeze %parallel_loop3A_309 : memref<1x4096xf32, #tpu.memory_space<vmem>> -> memref<4096xf32, #tpu.memory_space<vmem>>
      tpu.vector_store_idx %parallel_loop3A_310[%parallel_loop3A_246], %parallel_loop3A_306 {add = true} : memref<4096xf32, #tpu.memory_space<vmem>>[vector<16xi32>], vector<16xf32>,
      %parallel_loop3A_311 = arith.constant 8 : i32
      %parallel_loop3A_312 = arith.index_cast %parallel_loop3A_311 : i32 to index
      %parallel_loop3A_313 = arith.index_cast %parallel_loop3A_244 : i32 to index
      %parallel_loop3A_314 = tpu.vector_load %arg8[%parallel_loop3A_312, %parallel_loop3A_313] {strides = array<i32>} : memref<16x1024xf32, #tpu.memory_space<vmem>>, vector<16xf32>,
      %parallel_loop3A_315 = arith.constant 8 : i32
      %parallel_loop3A_316 = arith.constant 0 : i32
      %parallel_loop3A_317 = tpu.memref_slice %arg10[%parallel_loop3A_315, %parallel_loop3A_316] : memref<16x4096xf32, #tpu.memory_space<vmem>> -> memref<1x4096xf32, #tpu.memory_space<vmem>>
      %parallel_loop3A_318 = tpu.memref_squeeze %parallel_loop3A_317 : memref<1x4096xf32, #tpu.memory_space<vmem>> -> memref<4096xf32, #tpu.memory_space<vmem>>
      tpu.vector_store_idx %parallel_loop3A_318[%parallel_loop3A_246], %parallel_loop3A_314 {add = true} : memref<4096xf32, #tpu.memory_space<vmem>>[vector<16xi32>], vector<16xf32>,
      %parallel_loop3A_319 = arith.constant 9 : i32
      %parallel_loop3A_320 = arith.index_cast %parallel_loop3A_319 : i32 to index
      %parallel_loop3A_321 = arith.index_cast %parallel_loop3A_244 : i32 to index
      %parallel_loop3A_322 = tpu.vector_load %arg8[%parallel_loop3A_320, %parallel_loop3A_321] {strides = array<i32>} : memref<16x1024xf32, #tpu.memory_space<vmem>>, vector<16xf32>,
      %parallel_loop3A_323 = arith.constant 9 : i32
      %parallel_loop3A_324 = arith.constant 0 : i32
      %parallel_loop3A_325 = tpu.memref_slice %arg10[%parallel_loop3A_323, %parallel_loop3A_324] : memref<16x4096xf32, #tpu.memory_space<vmem>> -> memref<1x4096xf32, #tpu.memory_space<vmem>>
      %parallel_loop3A_326 = tpu.memref_squeeze %parallel_loop3A_325 : memref<1x4096xf32, #tpu.memory_space<vmem>> -> memref<4096xf32, #tpu.memory_space<vmem>>
      tpu.vector_store_idx %parallel_loop3A_326[%parallel_loop3A_246], %parallel_loop3A_322 {add = true} : memref<4096xf32, #tpu.memory_space<vmem>>[vector<16xi32>], vector<16xf32>,
      %parallel_loop3A_327 = arith.constant 10 : i32
      %parallel_loop3A_328 = arith.index_cast %parallel_loop3A_327 : i32 to index
      %parallel_loop3A_329 = arith.index_cast %parallel_loop3A_244 : i32 to index
      %parallel_loop3A_330 = tpu.vector_load %arg8[%parallel_loop3A_328, %parallel_loop3A_329] {strides = array<i32>} : memref<16x1024xf32, #tpu.memory_space<vmem>>, vector<16xf32>,
      %parallel_loop3A_331 = arith.constant 10 : i32
      %parallel_loop3A_332 = arith.constant 0 : i32
      %parallel_loop3A_333 = tpu.memref_slice %arg10[%parallel_loop3A_331, %parallel_loop3A_332] : memref<16x4096xf32, #tpu.memory_space<vmem>> -> memref<1x4096xf32, #tpu.memory_space<vmem>>
      %parallel_loop3A_334 = tpu.memref_squeeze %parallel_loop3A_333 : memref<1x4096xf32, #tpu.memory_space<vmem>> -> memref<4096xf32, #tpu.memory_space<vmem>>
      tpu.vector_store_idx %parallel_loop3A_334[%parallel_loop3A_246], %parallel_loop3A_330 {add = true} : memref<4096xf32, #tpu.memory_space<vmem>>[vector<16xi32>], vector<16xf32>,
      %parallel_loop3A_335 = arith.constant 11 : i32
      %parallel_loop3A_336 = arith.index_cast %parallel_loop3A_335 : i32 to index
      %parallel_loop3A_337 = arith.index_cast %parallel_loop3A_244 : i32 to index
      %parallel_loop3A_338 = tpu.vector_load %arg8[%parallel_loop3A_336, %parallel_loop3A_337] {strides = array<i32>} : memref<16x1024xf32, #tpu.memory_space<vmem>>, vector<16xf32>,
      %parallel_loop3A_339 = arith.constant 11 : i32
      %parallel_loop3A_340 = arith.constant 0 : i32
      %parallel_loop3A_341 = tpu.memref_slice %arg10[%parallel_loop3A_339, %parallel_loop3A_340] : memref<16x4096xf32, #tpu.memory_space<vmem>> -> memref<1x4096xf32, #tpu.memory_space<vmem>>
      %parallel_loop3A_342 = tpu.memref_squeeze %parallel_loop3A_341 : memref<1x4096xf32, #tpu.memory_space<vmem>> -> memref<4096xf32, #tpu.memory_space<vmem>>
      tpu.vector_store_idx %parallel_loop3A_342[%parallel_loop3A_246], %parallel_loop3A_338 {add = true} : memref<4096xf32, #tpu.memory_space<vmem>>[vector<16xi32>], vector<16xf32>,
      %parallel_loop3A_343 = arith.constant 12 : i32
      %parallel_loop3A_344 = arith.index_cast %parallel_loop3A_343 : i32 to index
      %parallel_loop3A_345 = arith.index_cast %parallel_loop3A_244 : i32 to index
      %parallel_loop3A_346 = tpu.vector_load %arg8[%parallel_loop3A_344, %parallel_loop3A_345] {strides = array<i32>} : memref<16x1024xf32, #tpu.memory_space<vmem>>, vector<16xf32>,
      %parallel_loop3A_347 = arith.constant 12 : i32
      %parallel_loop3A_348 = arith.constant 0 : i32
      %parallel_loop3A_349 = tpu.memref_slice %arg10[%parallel_loop3A_347, %parallel_loop3A_348] : memref<16x4096xf32, #tpu.memory_space<vmem>> -> memref<1x4096xf32, #tpu.memory_space<vmem>>
      %parallel_loop3A_350 = tpu.memref_squeeze %parallel_loop3A_349 : memref<1x4096xf32, #tpu.memory_space<vmem>> -> memref<4096xf32, #tpu.memory_space<vmem>>
      tpu.vector_store_idx %parallel_loop3A_350[%parallel_loop3A_246], %parallel_loop3A_346 {add = true} : memref<4096xf32, #tpu.memory_space<vmem>>[vector<16xi32>], vector<16xf32>,
      %parallel_loop3A_351 = arith.constant 13 : i32
      %parallel_loop3A_352 = arith.index_cast %parallel_loop3A_351 : i32 to index
      %parallel_loop3A_353 = arith.index_cast %parallel_loop3A_244 : i32 to index
      %parallel_loop3A_354 = tpu.vector_load %arg8[%parallel_loop3A_352, %parallel_loop3A_353] {strides = array<i32>} : memref<16x1024xf32, #tpu.memory_space<vmem>>, vector<16xf32>,
      %parallel_loop3A_355 = arith.constant 13 : i32
      %parallel_loop3A_356 = arith.constant 0 : i32
      %parallel_loop3A_357 = tpu.memref_slice %arg10[%parallel_loop3A_355, %parallel_loop3A_356] : memref<16x4096xf32, #tpu.memory_space<vmem>> -> memref<1x4096xf32, #tpu.memory_space<vmem>>
      %parallel_loop3A_358 = tpu.memref_squeeze %parallel_loop3A_357 : memref<1x4096xf32, #tpu.memory_space<vmem>> -> memref<4096xf32, #tpu.memory_space<vmem>>
      tpu.vector_store_idx %parallel_loop3A_358[%parallel_loop3A_246], %parallel_loop3A_354 {add = true} : memref<4096xf32, #tpu.memory_space<vmem>>[vector<16xi32>], vector<16xf32>,
      %parallel_loop3A_359 = arith.constant 14 : i32
      %parallel_loop3A_360 = arith.index_cast %parallel_loop3A_359 : i32 to index
      %parallel_loop3A_361 = arith.index_cast %parallel_loop3A_244 : i32 to index
      %parallel_loop3A_362 = tpu.vector_load %arg8[%parallel_loop3A_360, %parallel_loop3A_361] {strides = array<i32>} : memref<16x1024xf32, #tpu.memory_space<vmem>>, vector<16xf32>,
      %parallel_loop3A_363 = arith.constant 14 : i32
      %parallel_loop3A_364 = arith.constant 0 : i32
      %parallel_loop3A_365 = tpu.memref_slice %arg10[%parallel_loop3A_363, %parallel_loop3A_364] : memref<16x4096xf32, #tpu.memory_space<vmem>> -> memref<1x4096xf32, #tpu.memory_space<vmem>>
      %parallel_loop3A_366 = tpu.memref_squeeze %parallel_loop3A_365 : memref<1x4096xf32, #tpu.memory_space<vmem>> -> memref<4096xf32, #tpu.memory_space<vmem>>
      tpu.vector_store_idx %parallel_loop3A_366[%parallel_loop3A_246], %parallel_loop3A_362 {add = true} : memref<4096xf32, #tpu.memory_space<vmem>>[vector<16xi32>], vector<16xf32>,
      %parallel_loop3A_367 = arith.constant 15 : i32
      %parallel_loop3A_368 = arith.index_cast %parallel_loop3A_367 : i32 to index
      %parallel_loop3A_369 = arith.index_cast %parallel_loop3A_244 : i32 to index
      %parallel_loop3A_370 = tpu.vector_load %arg8[%parallel_loop3A_368, %parallel_loop3A_369] {strides = array<i32>} : memref<16x1024xf32, #tpu.memory_space<vmem>>, vector<16xf32>,
      %parallel_loop3A_371 = arith.constant 15 : i32
      %parallel_loop3A_372 = arith.constant 0 : i32
      %parallel_loop3A_373 = tpu.memref_slice %arg10[%parallel_loop3A_371, %parallel_loop3A_372] : memref<16x4096xf32, #tpu.memory_space<vmem>> -> memref<1x4096xf32, #tpu.memory_space<vmem>>
      %parallel_loop3A_374 = tpu.memref_squeeze %parallel_loop3A_373 : memref<1x4096xf32, #tpu.memory_space<vmem>> -> memref<4096xf32, #tpu.memory_space<vmem>>
      tpu.vector_store_idx %parallel_loop3A_374[%parallel_loop3A_246], %parallel_loop3A_370 {add = true} : memref<4096xf32, #tpu.memory_space<vmem>>[vector<16xi32>], vector<16xf32>,
    } {sc.loop_unroll_factor = 4 : i64, sc.parallel_access}
    %mul3A_72 = arith.constant 8192 : i32
    %mul3A_73 = arith.muli %add3A, %mul3A_72 : i32
    %add3A_74 = arith.constant 2048 : i32
    %add3A_75 = arith.addi %mul3A_73, %add3A_74 : i32
    %multiple_of3A_76 = tpu.assume_multiple %add3A_75, 1024 : i32
    %dma_start3A_77 = arith.constant 0 : i32
    %dma_start3A_78 = tpu.memref_slice %arg2[%dma_start3A_77, %multiple_of3A_76] : memref<2x262144xi32, #tpu.memory_space<hbm>> -> memref<1x1024xi32, #tpu.memory_space<hbm>>
    %dma_start3A_79 = tpu.memref_squeeze %dma_start3A_78 : memref<1x1024xi32, #tpu.memory_space<hbm>> -> memref<1024xi32, #tpu.memory_space<hbm>>
    %dma_start3A_80 = tpu.memref_slice %arg2[%dma_start3A_77, %multiple_of3A_76] : memref<2x262144xi32, #tpu.memory_space<hbm>> -> memref<1x1024xi32, #tpu.memory_space<hbm>>
    %dma_start3A_81 = tpu.memref_squeeze %dma_start3A_80 : memref<1x1024xi32, #tpu.memory_space<hbm>> -> memref<1024xi32, #tpu.memory_space<hbm>>
    tpu.enqueue_dma source(%dma_start3A_81 : memref<1024xi32, #tpu.memory_space<hbm>>) target(%arg6 : memref<1024xi32, #tpu.memory_space<vmem>>) target_semaphore(%arg13 : memref<!tpu.dma_semaphore, #tpu.memory_space<semaphore_mem>>)
    %dma_start3A_82 = arith.constant 0 : i32
    %dma_start3A_83 = tpu.memref_slice %arg3[%dma_start3A_82, %multiple_of3A_76] : memref<16x262144xf32, #tpu.memory_space<hbm>> -> memref<16x1024xf32, #tpu.memory_space<hbm>>
    %dma_start3A_84 = arith.constant 0 : i32
    %dma_start3A_85 = tpu.memref_slice %arg3[%dma_start3A_84, %multiple_of3A_76] : memref<16x262144xf32, #tpu.memory_space<hbm>> -> memref<16x1024xf32, #tpu.memory_space<hbm>>
    tpu.enqueue_dma source(%dma_start3A_85 : memref<16x1024xf32, #tpu.memory_space<hbm>>) target(%arg8 : memref<16x1024xf32, #tpu.memory_space<vmem>>) target_semaphore(%arg15 : memref<!tpu.dma_semaphore, #tpu.memory_space<semaphore_mem>>)
    %dma_wait3A_86 = arith.constant 0 : i32
    %dma_wait3A_87 = tpu.memref_slice %arg2[%dma_wait3A_86, %multiple_of3A_52] : memref<2x262144xi32, #tpu.memory_space<hbm>> -> memref<1x1024xi32, #tpu.memory_space<hbm>>
    %dma_wait3A_88 = tpu.memref_squeeze %dma_wait3A_87 : memref<1x1024xi32, #tpu.memory_space<hbm>> -> memref<1024xi32, #tpu.memory_space<hbm>>
    %dma_wait3A_89 = tpu.memref_slice %arg2[%dma_wait3A_86, %multiple_of3A_52] : memref<2x262144xi32, #tpu.memory_space<hbm>> -> memref<1x1024xi32, #tpu.memory_space<hbm>>
    %dma_wait3A_90 = tpu.memref_squeeze %dma_wait3A_89 : memref<1x1024xi32, #tpu.memory_space<hbm>> -> memref<1024xi32, #tpu.memory_space<hbm>>
    tpu.wait_dma2 semaphore(%arg14 : memref<!tpu.dma_semaphore, #tpu.memory_space<semaphore_mem>>) src(%dma_wait3A_90 : memref<1024xi32, #tpu.memory_space<hbm>>) dst(%arg7 : memref<1024xi32, #tpu.memory_space<vmem>>)
    %dma_wait3A_91 = arith.constant 0 : i32
    %dma_wait3A_92 = tpu.memref_slice %arg3[%dma_wait3A_91, %multiple_of3A_52] : memref<16x262144xf32, #tpu.memory_space<hbm>> -> memref<16x1024xf32, #tpu.memory_space<hbm>>
    %dma_wait3A_93 = arith.constant 0 : i32
    %dma_wait3A_94 = tpu.memref_slice %arg3[%dma_wait3A_93, %multiple_of3A_52] : memref<16x262144xf32, #tpu.memory_space<hbm>> -> memref<16x1024xf32, #tpu.memory_space<hbm>>
    tpu.wait_dma2 semaphore(%arg16 : memref<!tpu.dma_semaphore, #tpu.memory_space<semaphore_mem>>) src(%dma_wait3A_94 : memref<16x1024xf32, #tpu.memory_space<hbm>>) dst(%arg9 : memref<16x1024xf32, #tpu.memory_space<vmem>>)
    %parallel_loop3A_95 = arith.constant 0 : i32
    %parallel_loop3A_96 = arith.constant 64 : i32
    %parallel_loop3A_97 = arith.constant 1 : i32
    scf.for %parallel_loop3A_241 = %parallel_loop3A_95 to %parallel_loop3A_96 step %parallel_loop3A_97  : i32 {
      %parallel_loop3A_242 = arith.constant 16 : i32
      %parallel_loop3A_243 = arith.muli %parallel_loop3A_241, %parallel_loop3A_242 : i32
      %parallel_loop3A_244 = tpu.assume_multiple %parallel_loop3A_243, 16 : i32
      %parallel_loop3A_245 = arith.index_cast %parallel_loop3A_244 : i32 to index
      %parallel_loop3A_246 = tpu.vector_load %arg7[%parallel_loop3A_245] {strides = array<i32>} : memref<1024xi32, #tpu.memory_space<vmem>>, vector<16xi32>,
      %parallel_loop3A_247 = arith.constant 0 : i32
      %parallel_loop3A_248 = arith.index_cast %parallel_loop3A_247 : i32 to index
      %parallel_loop3A_249 = arith.index_cast %parallel_loop3A_244 : i32 to index
      %parallel_loop3A_250 = tpu.vector_load %arg9[%parallel_loop3A_248, %parallel_loop3A_249] {strides = array<i32>} : memref<16x1024xf32, #tpu.memory_space<vmem>>, vector<16xf32>,
      %parallel_loop3A_251 = arith.constant 0 : i32
      %parallel_loop3A_252 = arith.constant 0 : i32
      %parallel_loop3A_253 = tpu.memref_slice %arg10[%parallel_loop3A_251, %parallel_loop3A_252] : memref<16x4096xf32, #tpu.memory_space<vmem>> -> memref<1x4096xf32, #tpu.memory_space<vmem>>
      %parallel_loop3A_254 = tpu.memref_squeeze %parallel_loop3A_253 : memref<1x4096xf32, #tpu.memory_space<vmem>> -> memref<4096xf32, #tpu.memory_space<vmem>>
      tpu.vector_store_idx %parallel_loop3A_254[%parallel_loop3A_246], %parallel_loop3A_250 {add = true} : memref<4096xf32, #tpu.memory_space<vmem>>[vector<16xi32>], vector<16xf32>,
      %parallel_loop3A_255 = arith.constant 1 : i32
      %parallel_loop3A_256 = arith.index_cast %parallel_loop3A_255 : i32 to index
      %parallel_loop3A_257 = arith.index_cast %parallel_loop3A_244 : i32 to index
      %parallel_loop3A_258 = tpu.vector_load %arg9[%parallel_loop3A_256, %parallel_loop3A_257] {strides = array<i32>} : memref<16x1024xf32, #tpu.memory_space<vmem>>, vector<16xf32>,
      %parallel_loop3A_259 = arith.constant 1 : i32
      %parallel_loop3A_260 = arith.constant 0 : i32
      %parallel_loop3A_261 = tpu.memref_slice %arg10[%parallel_loop3A_259, %parallel_loop3A_260] : memref<16x4096xf32, #tpu.memory_space<vmem>> -> memref<1x4096xf32, #tpu.memory_space<vmem>>
      %parallel_loop3A_262 = tpu.memref_squeeze %parallel_loop3A_261 : memref<1x4096xf32, #tpu.memory_space<vmem>> -> memref<4096xf32, #tpu.memory_space<vmem>>
      tpu.vector_store_idx %parallel_loop3A_262[%parallel_loop3A_246], %parallel_loop3A_258 {add = true} : memref<4096xf32, #tpu.memory_space<vmem>>[vector<16xi32>], vector<16xf32>,
      %parallel_loop3A_263 = arith.constant 2 : i32
      %parallel_loop3A_264 = arith.index_cast %parallel_loop3A_263 : i32 to index
      %parallel_loop3A_265 = arith.index_cast %parallel_loop3A_244 : i32 to index
      %parallel_loop3A_266 = tpu.vector_load %arg9[%parallel_loop3A_264, %parallel_loop3A_265] {strides = array<i32>} : memref<16x1024xf32, #tpu.memory_space<vmem>>, vector<16xf32>,
      %parallel_loop3A_267 = arith.constant 2 : i32
      %parallel_loop3A_268 = arith.constant 0 : i32
      %parallel_loop3A_269 = tpu.memref_slice %arg10[%parallel_loop3A_267, %parallel_loop3A_268] : memref<16x4096xf32, #tpu.memory_space<vmem>> -> memref<1x4096xf32, #tpu.memory_space<vmem>>
      %parallel_loop3A_270 = tpu.memref_squeeze %parallel_loop3A_269 : memref<1x4096xf32, #tpu.memory_space<vmem>> -> memref<4096xf32, #tpu.memory_space<vmem>>
      tpu.vector_store_idx %parallel_loop3A_270[%parallel_loop3A_246], %parallel_loop3A_266 {add = true} : memref<4096xf32, #tpu.memory_space<vmem>>[vector<16xi32>], vector<16xf32>,
      %parallel_loop3A_271 = arith.constant 3 : i32
      %parallel_loop3A_272 = arith.index_cast %parallel_loop3A_271 : i32 to index
      %parallel_loop3A_273 = arith.index_cast %parallel_loop3A_244 : i32 to index
      %parallel_loop3A_274 = tpu.vector_load %arg9[%parallel_loop3A_272, %parallel_loop3A_273] {strides = array<i32>} : memref<16x1024xf32, #tpu.memory_space<vmem>>, vector<16xf32>,
      %parallel_loop3A_275 = arith.constant 3 : i32
      %parallel_loop3A_276 = arith.constant 0 : i32
      %parallel_loop3A_277 = tpu.memref_slice %arg10[%parallel_loop3A_275, %parallel_loop3A_276] : memref<16x4096xf32, #tpu.memory_space<vmem>> -> memref<1x4096xf32, #tpu.memory_space<vmem>>
      %parallel_loop3A_278 = tpu.memref_squeeze %parallel_loop3A_277 : memref<1x4096xf32, #tpu.memory_space<vmem>> -> memref<4096xf32, #tpu.memory_space<vmem>>
      tpu.vector_store_idx %parallel_loop3A_278[%parallel_loop3A_246], %parallel_loop3A_274 {add = true} : memref<4096xf32, #tpu.memory_space<vmem>>[vector<16xi32>], vector<16xf32>,
      %parallel_loop3A_279 = arith.constant 4 : i32
      %parallel_loop3A_280 = arith.index_cast %parallel_loop3A_279 : i32 to index
      %parallel_loop3A_281 = arith.index_cast %parallel_loop3A_244 : i32 to index
      %parallel_loop3A_282 = tpu.vector_load %arg9[%parallel_loop3A_280, %parallel_loop3A_281] {strides = array<i32>} : memref<16x1024xf32, #tpu.memory_space<vmem>>, vector<16xf32>,
      %parallel_loop3A_283 = arith.constant 4 : i32
      %parallel_loop3A_284 = arith.constant 0 : i32
      %parallel_loop3A_285 = tpu.memref_slice %arg10[%parallel_loop3A_283, %parallel_loop3A_284] : memref<16x4096xf32, #tpu.memory_space<vmem>> -> memref<1x4096xf32, #tpu.memory_space<vmem>>
      %parallel_loop3A_286 = tpu.memref_squeeze %parallel_loop3A_285 : memref<1x4096xf32, #tpu.memory_space<vmem>> -> memref<4096xf32, #tpu.memory_space<vmem>>
      tpu.vector_store_idx %parallel_loop3A_286[%parallel_loop3A_246], %parallel_loop3A_282 {add = true} : memref<4096xf32, #tpu.memory_space<vmem>>[vector<16xi32>], vector<16xf32>,
      %parallel_loop3A_287 = arith.constant 5 : i32
      %parallel_loop3A_288 = arith.index_cast %parallel_loop3A_287 : i32 to index
      %parallel_loop3A_289 = arith.index_cast %parallel_loop3A_244 : i32 to index
      %parallel_loop3A_290 = tpu.vector_load %arg9[%parallel_loop3A_288, %parallel_loop3A_289] {strides = array<i32>} : memref<16x1024xf32, #tpu.memory_space<vmem>>, vector<16xf32>,
      %parallel_loop3A_291 = arith.constant 5 : i32
      %parallel_loop3A_292 = arith.constant 0 : i32
      %parallel_loop3A_293 = tpu.memref_slice %arg10[%parallel_loop3A_291, %parallel_loop3A_292] : memref<16x4096xf32, #tpu.memory_space<vmem>> -> memref<1x4096xf32, #tpu.memory_space<vmem>>
      %parallel_loop3A_294 = tpu.memref_squeeze %parallel_loop3A_293 : memref<1x4096xf32, #tpu.memory_space<vmem>> -> memref<4096xf32, #tpu.memory_space<vmem>>
      tpu.vector_store_idx %parallel_loop3A_294[%parallel_loop3A_246], %parallel_loop3A_290 {add = true} : memref<4096xf32, #tpu.memory_space<vmem>>[vector<16xi32>], vector<16xf32>,
      %parallel_loop3A_295 = arith.constant 6 : i32
      %parallel_loop3A_296 = arith.index_cast %parallel_loop3A_295 : i32 to index
      %parallel_loop3A_297 = arith.index_cast %parallel_loop3A_244 : i32 to index
      %parallel_loop3A_298 = tpu.vector_load %arg9[%parallel_loop3A_296, %parallel_loop3A_297] {strides = array<i32>} : memref<16x1024xf32, #tpu.memory_space<vmem>>, vector<16xf32>,
      %parallel_loop3A_299 = arith.constant 6 : i32
      %parallel_loop3A_300 = arith.constant 0 : i32
      %parallel_loop3A_301 = tpu.memref_slice %arg10[%parallel_loop3A_299, %parallel_loop3A_300] : memref<16x4096xf32, #tpu.memory_space<vmem>> -> memref<1x4096xf32, #tpu.memory_space<vmem>>
      %parallel_loop3A_302 = tpu.memref_squeeze %parallel_loop3A_301 : memref<1x4096xf32, #tpu.memory_space<vmem>> -> memref<4096xf32, #tpu.memory_space<vmem>>
      tpu.vector_store_idx %parallel_loop3A_302[%parallel_loop3A_246], %parallel_loop3A_298 {add = true} : memref<4096xf32, #tpu.memory_space<vmem>>[vector<16xi32>], vector<16xf32>,
      %parallel_loop3A_303 = arith.constant 7 : i32
      %parallel_loop3A_304 = arith.index_cast %parallel_loop3A_303 : i32 to index
      %parallel_loop3A_305 = arith.index_cast %parallel_loop3A_244 : i32 to index
      %parallel_loop3A_306 = tpu.vector_load %arg9[%parallel_loop3A_304, %parallel_loop3A_305] {strides = array<i32>} : memref<16x1024xf32, #tpu.memory_space<vmem>>, vector<16xf32>,
      %parallel_loop3A_307 = arith.constant 7 : i32
      %parallel_loop3A_308 = arith.constant 0 : i32
      %parallel_loop3A_309 = tpu.memref_slice %arg10[%parallel_loop3A_307, %parallel_loop3A_308] : memref<16x4096xf32, #tpu.memory_space<vmem>> -> memref<1x4096xf32, #tpu.memory_space<vmem>>
      %parallel_loop3A_310 = tpu.memref_squeeze %parallel_loop3A_309 : memref<1x4096xf32, #tpu.memory_space<vmem>> -> memref<4096xf32, #tpu.memory_space<vmem>>
      tpu.vector_store_idx %parallel_loop3A_310[%parallel_loop3A_246], %parallel_loop3A_306 {add = true} : memref<4096xf32, #tpu.memory_space<vmem>>[vector<16xi32>], vector<16xf32>,
      %parallel_loop3A_311 = arith.constant 8 : i32
      %parallel_loop3A_312 = arith.index_cast %parallel_loop3A_311 : i32 to index
      %parallel_loop3A_313 = arith.index_cast %parallel_loop3A_244 : i32 to index
      %parallel_loop3A_314 = tpu.vector_load %arg9[%parallel_loop3A_312, %parallel_loop3A_313] {strides = array<i32>} : memref<16x1024xf32, #tpu.memory_space<vmem>>, vector<16xf32>,
      %parallel_loop3A_315 = arith.constant 8 : i32
      %parallel_loop3A_316 = arith.constant 0 : i32
      %parallel_loop3A_317 = tpu.memref_slice %arg10[%parallel_loop3A_315, %parallel_loop3A_316] : memref<16x4096xf32, #tpu.memory_space<vmem>> -> memref<1x4096xf32, #tpu.memory_space<vmem>>
      %parallel_loop3A_318 = tpu.memref_squeeze %parallel_loop3A_317 : memref<1x4096xf32, #tpu.memory_space<vmem>> -> memref<4096xf32, #tpu.memory_space<vmem>>
      tpu.vector_store_idx %parallel_loop3A_318[%parallel_loop3A_246], %parallel_loop3A_314 {add = true} : memref<4096xf32, #tpu.memory_space<vmem>>[vector<16xi32>], vector<16xf32>,
      %parallel_loop3A_319 = arith.constant 9 : i32
      %parallel_loop3A_320 = arith.index_cast %parallel_loop3A_319 : i32 to index
      %parallel_loop3A_321 = arith.index_cast %parallel_loop3A_244 : i32 to index
      %parallel_loop3A_322 = tpu.vector_load %arg9[%parallel_loop3A_320, %parallel_loop3A_321] {strides = array<i32>} : memref<16x1024xf32, #tpu.memory_space<vmem>>, vector<16xf32>,
      %parallel_loop3A_323 = arith.constant 9 : i32
      %parallel_loop3A_324 = arith.constant 0 : i32
      %parallel_loop3A_325 = tpu.memref_slice %arg10[%parallel_loop3A_323, %parallel_loop3A_324] : memref<16x4096xf32, #tpu.memory_space<vmem>> -> memref<1x4096xf32, #tpu.memory_space<vmem>>
      %parallel_loop3A_326 = tpu.memref_squeeze %parallel_loop3A_325 : memref<1x4096xf32, #tpu.memory_space<vmem>> -> memref<4096xf32, #tpu.memory_space<vmem>>
      tpu.vector_store_idx %parallel_loop3A_326[%parallel_loop3A_246], %parallel_loop3A_322 {add = true} : memref<4096xf32, #tpu.memory_space<vmem>>[vector<16xi32>], vector<16xf32>,
      %parallel_loop3A_327 = arith.constant 10 : i32
      %parallel_loop3A_328 = arith.index_cast %parallel_loop3A_327 : i32 to index
      %parallel_loop3A_329 = arith.index_cast %parallel_loop3A_244 : i32 to index
      %parallel_loop3A_330 = tpu.vector_load %arg9[%parallel_loop3A_328, %parallel_loop3A_329] {strides = array<i32>} : memref<16x1024xf32, #tpu.memory_space<vmem>>, vector<16xf32>,
      %parallel_loop3A_331 = arith.constant 10 : i32
      %parallel_loop3A_332 = arith.constant 0 : i32
      %parallel_loop3A_333 = tpu.memref_slice %arg10[%parallel_loop3A_331, %parallel_loop3A_332] : memref<16x4096xf32, #tpu.memory_space<vmem>> -> memref<1x4096xf32, #tpu.memory_space<vmem>>
      %parallel_loop3A_334 = tpu.memref_squeeze %parallel_loop3A_333 : memref<1x4096xf32, #tpu.memory_space<vmem>> -> memref<4096xf32, #tpu.memory_space<vmem>>
      tpu.vector_store_idx %parallel_loop3A_334[%parallel_loop3A_246], %parallel_loop3A_330 {add = true} : memref<4096xf32, #tpu.memory_space<vmem>>[vector<16xi32>], vector<16xf32>,
      %parallel_loop3A_335 = arith.constant 11 : i32
      %parallel_loop3A_336 = arith.index_cast %parallel_loop3A_335 : i32 to index
      %parallel_loop3A_337 = arith.index_cast %parallel_loop3A_244 : i32 to index
      %parallel_loop3A_338 = tpu.vector_load %arg9[%parallel_loop3A_336, %parallel_loop3A_337] {strides = array<i32>} : memref<16x1024xf32, #tpu.memory_space<vmem>>, vector<16xf32>,
      %parallel_loop3A_339 = arith.constant 11 : i32
      %parallel_loop3A_340 = arith.constant 0 : i32
      %parallel_loop3A_341 = tpu.memref_slice %arg10[%parallel_loop3A_339, %parallel_loop3A_340] : memref<16x4096xf32, #tpu.memory_space<vmem>> -> memref<1x4096xf32, #tpu.memory_space<vmem>>
      %parallel_loop3A_342 = tpu.memref_squeeze %parallel_loop3A_341 : memref<1x4096xf32, #tpu.memory_space<vmem>> -> memref<4096xf32, #tpu.memory_space<vmem>>
      tpu.vector_store_idx %parallel_loop3A_342[%parallel_loop3A_246], %parallel_loop3A_338 {add = true} : memref<4096xf32, #tpu.memory_space<vmem>>[vector<16xi32>], vector<16xf32>,
      %parallel_loop3A_343 = arith.constant 12 : i32
      %parallel_loop3A_344 = arith.index_cast %parallel_loop3A_343 : i32 to index
      %parallel_loop3A_345 = arith.index_cast %parallel_loop3A_244 : i32 to index
      %parallel_loop3A_346 = tpu.vector_load %arg9[%parallel_loop3A_344, %parallel_loop3A_345] {strides = array<i32>} : memref<16x1024xf32, #tpu.memory_space<vmem>>, vector<16xf32>,
      %parallel_loop3A_347 = arith.constant 12 : i32
      %parallel_loop3A_348 = arith.constant 0 : i32
      %parallel_loop3A_349 = tpu.memref_slice %arg10[%parallel_loop3A_347, %parallel_loop3A_348] : memref<16x4096xf32, #tpu.memory_space<vmem>> -> memref<1x4096xf32, #tpu.memory_space<vmem>>
      %parallel_loop3A_350 = tpu.memref_squeeze %parallel_loop3A_349 : memref<1x4096xf32, #tpu.memory_space<vmem>> -> memref<4096xf32, #tpu.memory_space<vmem>>
      tpu.vector_store_idx %parallel_loop3A_350[%parallel_loop3A_246], %parallel_loop3A_346 {add = true} : memref<4096xf32, #tpu.memory_space<vmem>>[vector<16xi32>], vector<16xf32>,
      %parallel_loop3A_351 = arith.constant 13 : i32
      %parallel_loop3A_352 = arith.index_cast %parallel_loop3A_351 : i32 to index
      %parallel_loop3A_353 = arith.index_cast %parallel_loop3A_244 : i32 to index
      %parallel_loop3A_354 = tpu.vector_load %arg9[%parallel_loop3A_352, %parallel_loop3A_353] {strides = array<i32>} : memref<16x1024xf32, #tpu.memory_space<vmem>>, vector<16xf32>,
      %parallel_loop3A_355 = arith.constant 13 : i32
      %parallel_loop3A_356 = arith.constant 0 : i32
      %parallel_loop3A_357 = tpu.memref_slice %arg10[%parallel_loop3A_355, %parallel_loop3A_356] : memref<16x4096xf32, #tpu.memory_space<vmem>> -> memref<1x4096xf32, #tpu.memory_space<vmem>>
      %parallel_loop3A_358 = tpu.memref_squeeze %parallel_loop3A_357 : memref<1x4096xf32, #tpu.memory_space<vmem>> -> memref<4096xf32, #tpu.memory_space<vmem>>
      tpu.vector_store_idx %parallel_loop3A_358[%parallel_loop3A_246], %parallel_loop3A_354 {add = true} : memref<4096xf32, #tpu.memory_space<vmem>>[vector<16xi32>], vector<16xf32>,
      %parallel_loop3A_359 = arith.constant 14 : i32
      %parallel_loop3A_360 = arith.index_cast %parallel_loop3A_359 : i32 to index
      %parallel_loop3A_361 = arith.index_cast %parallel_loop3A_244 : i32 to index
      %parallel_loop3A_362 = tpu.vector_load %arg9[%parallel_loop3A_360, %parallel_loop3A_361] {strides = array<i32>} : memref<16x1024xf32, #tpu.memory_space<vmem>>, vector<16xf32>,
      %parallel_loop3A_363 = arith.constant 14 : i32
      %parallel_loop3A_364 = arith.constant 0 : i32
      %parallel_loop3A_365 = tpu.memref_slice %arg10[%parallel_loop3A_363, %parallel_loop3A_364] : memref<16x4096xf32, #tpu.memory_space<vmem>> -> memref<1x4096xf32, #tpu.memory_space<vmem>>
      %parallel_loop3A_366 = tpu.memref_squeeze %parallel_loop3A_365 : memref<1x4096xf32, #tpu.memory_space<vmem>> -> memref<4096xf32, #tpu.memory_space<vmem>>
      tpu.vector_store_idx %parallel_loop3A_366[%parallel_loop3A_246], %parallel_loop3A_362 {add = true} : memref<4096xf32, #tpu.memory_space<vmem>>[vector<16xi32>], vector<16xf32>,
      %parallel_loop3A_367 = arith.constant 15 : i32
      %parallel_loop3A_368 = arith.index_cast %parallel_loop3A_367 : i32 to index
      %parallel_loop3A_369 = arith.index_cast %parallel_loop3A_244 : i32 to index
      %parallel_loop3A_370 = tpu.vector_load %arg9[%parallel_loop3A_368, %parallel_loop3A_369] {strides = array<i32>} : memref<16x1024xf32, #tpu.memory_space<vmem>>, vector<16xf32>,
      %parallel_loop3A_371 = arith.constant 15 : i32
      %parallel_loop3A_372 = arith.constant 0 : i32
      %parallel_loop3A_373 = tpu.memref_slice %arg10[%parallel_loop3A_371, %parallel_loop3A_372] : memref<16x4096xf32, #tpu.memory_space<vmem>> -> memref<1x4096xf32, #tpu.memory_space<vmem>>
      %parallel_loop3A_374 = tpu.memref_squeeze %parallel_loop3A_373 : memref<1x4096xf32, #tpu.memory_space<vmem>> -> memref<4096xf32, #tpu.memory_space<vmem>>
      tpu.vector_store_idx %parallel_loop3A_374[%parallel_loop3A_246], %parallel_loop3A_370 {add = true} : memref<4096xf32, #tpu.memory_space<vmem>>[vector<16xi32>], vector<16xf32>,
    } {sc.loop_unroll_factor = 4 : i64, sc.parallel_access}
    %mul3A_98 = arith.constant 8192 : i32
    %mul3A_99 = arith.muli %add3A, %mul3A_98 : i32
    %add3A_100 = arith.constant 3072 : i32
    %add3A_101 = arith.addi %mul3A_99, %add3A_100 : i32
    %multiple_of3A_102 = tpu.assume_multiple %add3A_101, 1024 : i32
    %dma_start3A_103 = arith.constant 0 : i32
    %dma_start3A_104 = tpu.memref_slice %arg2[%dma_start3A_103, %multiple_of3A_102] : memref<2x262144xi32, #tpu.memory_space<hbm>> -> memref<1x1024xi32, #tpu.memory_space<hbm>>
    %dma_start3A_105 = tpu.memref_squeeze %dma_start3A_104 : memref<1x1024xi32, #tpu.memory_space<hbm>> -> memref<1024xi32, #tpu.memory_space<hbm>>
    %dma_start3A_106 = tpu.memref_slice %arg2[%dma_start3A_103, %multiple_of3A_102] : memref<2x262144xi32, #tpu.memory_space<hbm>> -> memref<1x1024xi32, #tpu.memory_space<hbm>>
    %dma_start3A_107 = tpu.memref_squeeze %dma_start3A_106 : memref<1x1024xi32, #tpu.memory_space<hbm>> -> memref<1024xi32, #tpu.memory_space<hbm>>
    tpu.enqueue_dma source(%dma_start3A_107 : memref<1024xi32, #tpu.memory_space<hbm>>) target(%arg7 : memref<1024xi32, #tpu.memory_space<vmem>>) target_semaphore(%arg14 : memref<!tpu.dma_semaphore, #tpu.memory_space<semaphore_mem>>)
    %dma_start3A_108 = arith.constant 0 : i32
    %dma_start3A_109 = tpu.memref_slice %arg3[%dma_start3A_108, %multiple_of3A_102] : memref<16x262144xf32, #tpu.memory_space<hbm>> -> memref<16x1024xf32, #tpu.memory_space<hbm>>
    %dma_start3A_110 = arith.constant 0 : i32
    %dma_start3A_111 = tpu.memref_slice %arg3[%dma_start3A_110, %multiple_of3A_102] : memref<16x262144xf32, #tpu.memory_space<hbm>> -> memref<16x1024xf32, #tpu.memory_space<hbm>>
    tpu.enqueue_dma source(%dma_start3A_111 : memref<16x1024xf32, #tpu.memory_space<hbm>>) target(%arg9 : memref<16x1024xf32, #tpu.memory_space<vmem>>) target_semaphore(%arg16 : memref<!tpu.dma_semaphore, #tpu.memory_space<semaphore_mem>>)
    %dma_wait3A_112 = arith.constant 0 : i32
    %dma_wait3A_113 = tpu.memref_slice %arg2[%dma_wait3A_112, %multiple_of3A_76] : memref<2x262144xi32, #tpu.memory_space<hbm>> -> memref<1x1024xi32, #tpu.memory_space<hbm>>
    %dma_wait3A_114 = tpu.memref_squeeze %dma_wait3A_113 : memref<1x1024xi32, #tpu.memory_space<hbm>> -> memref<1024xi32, #tpu.memory_space<hbm>>
    %dma_wait3A_115 = tpu.memref_slice %arg2[%dma_wait3A_112, %multiple_of3A_76] : memref<2x262144xi32, #tpu.memory_space<hbm>> -> memref<1x1024xi32, #tpu.memory_space<hbm>>
    %dma_wait3A_116 = tpu.memref_squeeze %dma_wait3A_115 : memref<1x1024xi32, #tpu.memory_space<hbm>> -> memref<1024xi32, #tpu.memory_space<hbm>>
    tpu.wait_dma2 semaphore(%arg13 : memref<!tpu.dma_semaphore, #tpu.memory_space<semaphore_mem>>) src(%dma_wait3A_116 : memref<1024xi32, #tpu.memory_space<hbm>>) dst(%arg6 : memref<1024xi32, #tpu.memory_space<vmem>>)
    %dma_wait3A_117 = arith.constant 0 : i32
    %dma_wait3A_118 = tpu.memref_slice %arg3[%dma_wait3A_117, %multiple_of3A_76] : memref<16x262144xf32, #tpu.memory_space<hbm>> -> memref<16x1024xf32, #tpu.memory_space<hbm>>
    %dma_wait3A_119 = arith.constant 0 : i32
    %dma_wait3A_120 = tpu.memref_slice %arg3[%dma_wait3A_119, %multiple_of3A_76] : memref<16x262144xf32, #tpu.memory_space<hbm>> -> memref<16x1024xf32, #tpu.memory_space<hbm>>
    tpu.wait_dma2 semaphore(%arg15 : memref<!tpu.dma_semaphore, #tpu.memory_space<semaphore_mem>>) src(%dma_wait3A_120 : memref<16x1024xf32, #tpu.memory_space<hbm>>) dst(%arg8 : memref<16x1024xf32, #tpu.memory_space<vmem>>)
    %parallel_loop3A_121 = arith.constant 0 : i32
    %parallel_loop3A_122 = arith.constant 64 : i32
    %parallel_loop3A_123 = arith.constant 1 : i32
    scf.for %parallel_loop3A_241 = %parallel_loop3A_121 to %parallel_loop3A_122 step %parallel_loop3A_123  : i32 {
      %parallel_loop3A_242 = arith.constant 16 : i32
      %parallel_loop3A_243 = arith.muli %parallel_loop3A_241, %parallel_loop3A_242 : i32
      %parallel_loop3A_244 = tpu.assume_multiple %parallel_loop3A_243, 16 : i32
      %parallel_loop3A_245 = arith.index_cast %parallel_loop3A_244 : i32 to index
      %parallel_loop3A_246 = tpu.vector_load %arg6[%parallel_loop3A_245] {strides = array<i32>} : memref<1024xi32, #tpu.memory_space<vmem>>, vector<16xi32>,
      %parallel_loop3A_247 = arith.constant 0 : i32
      %parallel_loop3A_248 = arith.index_cast %parallel_loop3A_247 : i32 to index
      %parallel_loop3A_249 = arith.index_cast %parallel_loop3A_244 : i32 to index
      %parallel_loop3A_250 = tpu.vector_load %arg8[%parallel_loop3A_248, %parallel_loop3A_249] {strides = array<i32>} : memref<16x1024xf32, #tpu.memory_space<vmem>>, vector<16xf32>,
      %parallel_loop3A_251 = arith.constant 0 : i32
      %parallel_loop3A_252 = arith.constant 0 : i32
      %parallel_loop3A_253 = tpu.memref_slice %arg10[%parallel_loop3A_251, %parallel_loop3A_252] : memref<16x4096xf32, #tpu.memory_space<vmem>> -> memref<1x4096xf32, #tpu.memory_space<vmem>>
      %parallel_loop3A_254 = tpu.memref_squeeze %parallel_loop3A_253 : memref<1x4096xf32, #tpu.memory_space<vmem>> -> memref<4096xf32, #tpu.memory_space<vmem>>
      tpu.vector_store_idx %parallel_loop3A_254[%parallel_loop3A_246], %parallel_loop3A_250 {add = true} : memref<4096xf32, #tpu.memory_space<vmem>>[vector<16xi32>], vector<16xf32>,
      %parallel_loop3A_255 = arith.constant 1 : i32
      %parallel_loop3A_256 = arith.index_cast %parallel_loop3A_255 : i32 to index
      %parallel_loop3A_257 = arith.index_cast %parallel_loop3A_244 : i32 to index
      %parallel_loop3A_258 = tpu.vector_load %arg8[%parallel_loop3A_256, %parallel_loop3A_257] {strides = array<i32>} : memref<16x1024xf32, #tpu.memory_space<vmem>>, vector<16xf32>,
      %parallel_loop3A_259 = arith.constant 1 : i32
      %parallel_loop3A_260 = arith.constant 0 : i32
      %parallel_loop3A_261 = tpu.memref_slice %arg10[%parallel_loop3A_259, %parallel_loop3A_260] : memref<16x4096xf32, #tpu.memory_space<vmem>> -> memref<1x4096xf32, #tpu.memory_space<vmem>>
      %parallel_loop3A_262 = tpu.memref_squeeze %parallel_loop3A_261 : memref<1x4096xf32, #tpu.memory_space<vmem>> -> memref<4096xf32, #tpu.memory_space<vmem>>
      tpu.vector_store_idx %parallel_loop3A_262[%parallel_loop3A_246], %parallel_loop3A_258 {add = true} : memref<4096xf32, #tpu.memory_space<vmem>>[vector<16xi32>], vector<16xf32>,
      %parallel_loop3A_263 = arith.constant 2 : i32
      %parallel_loop3A_264 = arith.index_cast %parallel_loop3A_263 : i32 to index
      %parallel_loop3A_265 = arith.index_cast %parallel_loop3A_244 : i32 to index
      %parallel_loop3A_266 = tpu.vector_load %arg8[%parallel_loop3A_264, %parallel_loop3A_265] {strides = array<i32>} : memref<16x1024xf32, #tpu.memory_space<vmem>>, vector<16xf32>,
      %parallel_loop3A_267 = arith.constant 2 : i32
      %parallel_loop3A_268 = arith.constant 0 : i32
      %parallel_loop3A_269 = tpu.memref_slice %arg10[%parallel_loop3A_267, %parallel_loop3A_268] : memref<16x4096xf32, #tpu.memory_space<vmem>> -> memref<1x4096xf32, #tpu.memory_space<vmem>>
      %parallel_loop3A_270 = tpu.memref_squeeze %parallel_loop3A_269 : memref<1x4096xf32, #tpu.memory_space<vmem>> -> memref<4096xf32, #tpu.memory_space<vmem>>
      tpu.vector_store_idx %parallel_loop3A_270[%parallel_loop3A_246], %parallel_loop3A_266 {add = true} : memref<4096xf32, #tpu.memory_space<vmem>>[vector<16xi32>], vector<16xf32>,
      %parallel_loop3A_271 = arith.constant 3 : i32
      %parallel_loop3A_272 = arith.index_cast %parallel_loop3A_271 : i32 to index
      %parallel_loop3A_273 = arith.index_cast %parallel_loop3A_244 : i32 to index
      %parallel_loop3A_274 = tpu.vector_load %arg8[%parallel_loop3A_272, %parallel_loop3A_273] {strides = array<i32>} : memref<16x1024xf32, #tpu.memory_space<vmem>>, vector<16xf32>,
      %parallel_loop3A_275 = arith.constant 3 : i32
      %parallel_loop3A_276 = arith.constant 0 : i32
      %parallel_loop3A_277 = tpu.memref_slice %arg10[%parallel_loop3A_275, %parallel_loop3A_276] : memref<16x4096xf32, #tpu.memory_space<vmem>> -> memref<1x4096xf32, #tpu.memory_space<vmem>>
      %parallel_loop3A_278 = tpu.memref_squeeze %parallel_loop3A_277 : memref<1x4096xf32, #tpu.memory_space<vmem>> -> memref<4096xf32, #tpu.memory_space<vmem>>
      tpu.vector_store_idx %parallel_loop3A_278[%parallel_loop3A_246], %parallel_loop3A_274 {add = true} : memref<4096xf32, #tpu.memory_space<vmem>>[vector<16xi32>], vector<16xf32>,
      %parallel_loop3A_279 = arith.constant 4 : i32
      %parallel_loop3A_280 = arith.index_cast %parallel_loop3A_279 : i32 to index
      %parallel_loop3A_281 = arith.index_cast %parallel_loop3A_244 : i32 to index
      %parallel_loop3A_282 = tpu.vector_load %arg8[%parallel_loop3A_280, %parallel_loop3A_281] {strides = array<i32>} : memref<16x1024xf32, #tpu.memory_space<vmem>>, vector<16xf32>,
      %parallel_loop3A_283 = arith.constant 4 : i32
      %parallel_loop3A_284 = arith.constant 0 : i32
      %parallel_loop3A_285 = tpu.memref_slice %arg10[%parallel_loop3A_283, %parallel_loop3A_284] : memref<16x4096xf32, #tpu.memory_space<vmem>> -> memref<1x4096xf32, #tpu.memory_space<vmem>>
      %parallel_loop3A_286 = tpu.memref_squeeze %parallel_loop3A_285 : memref<1x4096xf32, #tpu.memory_space<vmem>> -> memref<4096xf32, #tpu.memory_space<vmem>>
      tpu.vector_store_idx %parallel_loop3A_286[%parallel_loop3A_246], %parallel_loop3A_282 {add = true} : memref<4096xf32, #tpu.memory_space<vmem>>[vector<16xi32>], vector<16xf32>,
      %parallel_loop3A_287 = arith.constant 5 : i32
      %parallel_loop3A_288 = arith.index_cast %parallel_loop3A_287 : i32 to index
      %parallel_loop3A_289 = arith.index_cast %parallel_loop3A_244 : i32 to index
      %parallel_loop3A_290 = tpu.vector_load %arg8[%parallel_loop3A_288, %parallel_loop3A_289] {strides = array<i32>} : memref<16x1024xf32, #tpu.memory_space<vmem>>, vector<16xf32>,
      %parallel_loop3A_291 = arith.constant 5 : i32
      %parallel_loop3A_292 = arith.constant 0 : i32
      %parallel_loop3A_293 = tpu.memref_slice %arg10[%parallel_loop3A_291, %parallel_loop3A_292] : memref<16x4096xf32, #tpu.memory_space<vmem>> -> memref<1x4096xf32, #tpu.memory_space<vmem>>
      %parallel_loop3A_294 = tpu.memref_squeeze %parallel_loop3A_293 : memref<1x4096xf32, #tpu.memory_space<vmem>> -> memref<4096xf32, #tpu.memory_space<vmem>>
      tpu.vector_store_idx %parallel_loop3A_294[%parallel_loop3A_246], %parallel_loop3A_290 {add = true} : memref<4096xf32, #tpu.memory_space<vmem>>[vector<16xi32>], vector<16xf32>,
      %parallel_loop3A_295 = arith.constant 6 : i32
      %parallel_loop3A_296 = arith.index_cast %parallel_loop3A_295 : i32 to index
      %parallel_loop3A_297 = arith.index_cast %parallel_loop3A_244 : i32 to index
      %parallel_loop3A_298 = tpu.vector_load %arg8[%parallel_loop3A_296, %parallel_loop3A_297] {strides = array<i32>} : memref<16x1024xf32, #tpu.memory_space<vmem>>, vector<16xf32>,
      %parallel_loop3A_299 = arith.constant 6 : i32
      %parallel_loop3A_300 = arith.constant 0 : i32
      %parallel_loop3A_301 = tpu.memref_slice %arg10[%parallel_loop3A_299, %parallel_loop3A_300] : memref<16x4096xf32, #tpu.memory_space<vmem>> -> memref<1x4096xf32, #tpu.memory_space<vmem>>
      %parallel_loop3A_302 = tpu.memref_squeeze %parallel_loop3A_301 : memref<1x4096xf32, #tpu.memory_space<vmem>> -> memref<4096xf32, #tpu.memory_space<vmem>>
      tpu.vector_store_idx %parallel_loop3A_302[%parallel_loop3A_246], %parallel_loop3A_298 {add = true} : memref<4096xf32, #tpu.memory_space<vmem>>[vector<16xi32>], vector<16xf32>,
      %parallel_loop3A_303 = arith.constant 7 : i32
      %parallel_loop3A_304 = arith.index_cast %parallel_loop3A_303 : i32 to index
      %parallel_loop3A_305 = arith.index_cast %parallel_loop3A_244 : i32 to index
      %parallel_loop3A_306 = tpu.vector_load %arg8[%parallel_loop3A_304, %parallel_loop3A_305] {strides = array<i32>} : memref<16x1024xf32, #tpu.memory_space<vmem>>, vector<16xf32>,
      %parallel_loop3A_307 = arith.constant 7 : i32
      %parallel_loop3A_308 = arith.constant 0 : i32
      %parallel_loop3A_309 = tpu.memref_slice %arg10[%parallel_loop3A_307, %parallel_loop3A_308] : memref<16x4096xf32, #tpu.memory_space<vmem>> -> memref<1x4096xf32, #tpu.memory_space<vmem>>
      %parallel_loop3A_310 = tpu.memref_squeeze %parallel_loop3A_309 : memref<1x4096xf32, #tpu.memory_space<vmem>> -> memref<4096xf32, #tpu.memory_space<vmem>>
      tpu.vector_store_idx %parallel_loop3A_310[%parallel_loop3A_246], %parallel_loop3A_306 {add = true} : memref<4096xf32, #tpu.memory_space<vmem>>[vector<16xi32>], vector<16xf32>,
      %parallel_loop3A_311 = arith.constant 8 : i32
      %parallel_loop3A_312 = arith.index_cast %parallel_loop3A_311 : i32 to index
      %parallel_loop3A_313 = arith.index_cast %parallel_loop3A_244 : i32 to index
      %parallel_loop3A_314 = tpu.vector_load %arg8[%parallel_loop3A_312, %parallel_loop3A_313] {strides = array<i32>} : memref<16x1024xf32, #tpu.memory_space<vmem>>, vector<16xf32>,
      %parallel_loop3A_315 = arith.constant 8 : i32
      %parallel_loop3A_316 = arith.constant 0 : i32
      %parallel_loop3A_317 = tpu.memref_slice %arg10[%parallel_loop3A_315, %parallel_loop3A_316] : memref<16x4096xf32, #tpu.memory_space<vmem>> -> memref<1x4096xf32, #tpu.memory_space<vmem>>
      %parallel_loop3A_318 = tpu.memref_squeeze %parallel_loop3A_317 : memref<1x4096xf32, #tpu.memory_space<vmem>> -> memref<4096xf32, #tpu.memory_space<vmem>>
      tpu.vector_store_idx %parallel_loop3A_318[%parallel_loop3A_246], %parallel_loop3A_314 {add = true} : memref<4096xf32, #tpu.memory_space<vmem>>[vector<16xi32>], vector<16xf32>,
      %parallel_loop3A_319 = arith.constant 9 : i32
      %parallel_loop3A_320 = arith.index_cast %parallel_loop3A_319 : i32 to index
      %parallel_loop3A_321 = arith.index_cast %parallel_loop3A_244 : i32 to index
      %parallel_loop3A_322 = tpu.vector_load %arg8[%parallel_loop3A_320, %parallel_loop3A_321] {strides = array<i32>} : memref<16x1024xf32, #tpu.memory_space<vmem>>, vector<16xf32>,
      %parallel_loop3A_323 = arith.constant 9 : i32
      %parallel_loop3A_324 = arith.constant 0 : i32
      %parallel_loop3A_325 = tpu.memref_slice %arg10[%parallel_loop3A_323, %parallel_loop3A_324] : memref<16x4096xf32, #tpu.memory_space<vmem>> -> memref<1x4096xf32, #tpu.memory_space<vmem>>
      %parallel_loop3A_326 = tpu.memref_squeeze %parallel_loop3A_325 : memref<1x4096xf32, #tpu.memory_space<vmem>> -> memref<4096xf32, #tpu.memory_space<vmem>>
      tpu.vector_store_idx %parallel_loop3A_326[%parallel_loop3A_246], %parallel_loop3A_322 {add = true} : memref<4096xf32, #tpu.memory_space<vmem>>[vector<16xi32>], vector<16xf32>,
      %parallel_loop3A_327 = arith.constant 10 : i32
      %parallel_loop3A_328 = arith.index_cast %parallel_loop3A_327 : i32 to index
      %parallel_loop3A_329 = arith.index_cast %parallel_loop3A_244 : i32 to index
      %parallel_loop3A_330 = tpu.vector_load %arg8[%parallel_loop3A_328, %parallel_loop3A_329] {strides = array<i32>} : memref<16x1024xf32, #tpu.memory_space<vmem>>, vector<16xf32>,
      %parallel_loop3A_331 = arith.constant 10 : i32
      %parallel_loop3A_332 = arith.constant 0 : i32
      %parallel_loop3A_333 = tpu.memref_slice %arg10[%parallel_loop3A_331, %parallel_loop3A_332] : memref<16x4096xf32, #tpu.memory_space<vmem>> -> memref<1x4096xf32, #tpu.memory_space<vmem>>
      %parallel_loop3A_334 = tpu.memref_squeeze %parallel_loop3A_333 : memref<1x4096xf32, #tpu.memory_space<vmem>> -> memref<4096xf32, #tpu.memory_space<vmem>>
      tpu.vector_store_idx %parallel_loop3A_334[%parallel_loop3A_246], %parallel_loop3A_330 {add = true} : memref<4096xf32, #tpu.memory_space<vmem>>[vector<16xi32>], vector<16xf32>,
      %parallel_loop3A_335 = arith.constant 11 : i32
      %parallel_loop3A_336 = arith.index_cast %parallel_loop3A_335 : i32 to index
      %parallel_loop3A_337 = arith.index_cast %parallel_loop3A_244 : i32 to index
      %parallel_loop3A_338 = tpu.vector_load %arg8[%parallel_loop3A_336, %parallel_loop3A_337] {strides = array<i32>} : memref<16x1024xf32, #tpu.memory_space<vmem>>, vector<16xf32>,
      %parallel_loop3A_339 = arith.constant 11 : i32
      %parallel_loop3A_340 = arith.constant 0 : i32
      %parallel_loop3A_341 = tpu.memref_slice %arg10[%parallel_loop3A_339, %parallel_loop3A_340] : memref<16x4096xf32, #tpu.memory_space<vmem>> -> memref<1x4096xf32, #tpu.memory_space<vmem>>
      %parallel_loop3A_342 = tpu.memref_squeeze %parallel_loop3A_341 : memref<1x4096xf32, #tpu.memory_space<vmem>> -> memref<4096xf32, #tpu.memory_space<vmem>>
      tpu.vector_store_idx %parallel_loop3A_342[%parallel_loop3A_246], %parallel_loop3A_338 {add = true} : memref<4096xf32, #tpu.memory_space<vmem>>[vector<16xi32>], vector<16xf32>,
      %parallel_loop3A_343 = arith.constant 12 : i32
      %parallel_loop3A_344 = arith.index_cast %parallel_loop3A_343 : i32 to index
      %parallel_loop3A_345 = arith.index_cast %parallel_loop3A_244 : i32 to index
      %parallel_loop3A_346 = tpu.vector_load %arg8[%parallel_loop3A_344, %parallel_loop3A_345] {strides = array<i32>} : memref<16x1024xf32, #tpu.memory_space<vmem>>, vector<16xf32>,
      %parallel_loop3A_347 = arith.constant 12 : i32
      %parallel_loop3A_348 = arith.constant 0 : i32
      %parallel_loop3A_349 = tpu.memref_slice %arg10[%parallel_loop3A_347, %parallel_loop3A_348] : memref<16x4096xf32, #tpu.memory_space<vmem>> -> memref<1x4096xf32, #tpu.memory_space<vmem>>
      %parallel_loop3A_350 = tpu.memref_squeeze %parallel_loop3A_349 : memref<1x4096xf32, #tpu.memory_space<vmem>> -> memref<4096xf32, #tpu.memory_space<vmem>>
      tpu.vector_store_idx %parallel_loop3A_350[%parallel_loop3A_246], %parallel_loop3A_346 {add = true} : memref<4096xf32, #tpu.memory_space<vmem>>[vector<16xi32>], vector<16xf32>,
      %parallel_loop3A_351 = arith.constant 13 : i32
      %parallel_loop3A_352 = arith.index_cast %parallel_loop3A_351 : i32 to index
      %parallel_loop3A_353 = arith.index_cast %parallel_loop3A_244 : i32 to index
      %parallel_loop3A_354 = tpu.vector_load %arg8[%parallel_loop3A_352, %parallel_loop3A_353] {strides = array<i32>} : memref<16x1024xf32, #tpu.memory_space<vmem>>, vector<16xf32>,
      %parallel_loop3A_355 = arith.constant 13 : i32
      %parallel_loop3A_356 = arith.constant 0 : i32
      %parallel_loop3A_357 = tpu.memref_slice %arg10[%parallel_loop3A_355, %parallel_loop3A_356] : memref<16x4096xf32, #tpu.memory_space<vmem>> -> memref<1x4096xf32, #tpu.memory_space<vmem>>
      %parallel_loop3A_358 = tpu.memref_squeeze %parallel_loop3A_357 : memref<1x4096xf32, #tpu.memory_space<vmem>> -> memref<4096xf32, #tpu.memory_space<vmem>>
      tpu.vector_store_idx %parallel_loop3A_358[%parallel_loop3A_246], %parallel_loop3A_354 {add = true} : memref<4096xf32, #tpu.memory_space<vmem>>[vector<16xi32>], vector<16xf32>,
      %parallel_loop3A_359 = arith.constant 14 : i32
      %parallel_loop3A_360 = arith.index_cast %parallel_loop3A_359 : i32 to index
      %parallel_loop3A_361 = arith.index_cast %parallel_loop3A_244 : i32 to index
      %parallel_loop3A_362 = tpu.vector_load %arg8[%parallel_loop3A_360, %parallel_loop3A_361] {strides = array<i32>} : memref<16x1024xf32, #tpu.memory_space<vmem>>, vector<16xf32>,
      %parallel_loop3A_363 = arith.constant 14 : i32
      %parallel_loop3A_364 = arith.constant 0 : i32
      %parallel_loop3A_365 = tpu.memref_slice %arg10[%parallel_loop3A_363, %parallel_loop3A_364] : memref<16x4096xf32, #tpu.memory_space<vmem>> -> memref<1x4096xf32, #tpu.memory_space<vmem>>
      %parallel_loop3A_366 = tpu.memref_squeeze %parallel_loop3A_365 : memref<1x4096xf32, #tpu.memory_space<vmem>> -> memref<4096xf32, #tpu.memory_space<vmem>>
      tpu.vector_store_idx %parallel_loop3A_366[%parallel_loop3A_246], %parallel_loop3A_362 {add = true} : memref<4096xf32, #tpu.memory_space<vmem>>[vector<16xi32>], vector<16xf32>,
      %parallel_loop3A_367 = arith.constant 15 : i32
      %parallel_loop3A_368 = arith.index_cast %parallel_loop3A_367 : i32 to index
      %parallel_loop3A_369 = arith.index_cast %parallel_loop3A_244 : i32 to index
      %parallel_loop3A_370 = tpu.vector_load %arg8[%parallel_loop3A_368, %parallel_loop3A_369] {strides = array<i32>} : memref<16x1024xf32, #tpu.memory_space<vmem>>, vector<16xf32>,
      %parallel_loop3A_371 = arith.constant 15 : i32
      %parallel_loop3A_372 = arith.constant 0 : i32
      %parallel_loop3A_373 = tpu.memref_slice %arg10[%parallel_loop3A_371, %parallel_loop3A_372] : memref<16x4096xf32, #tpu.memory_space<vmem>> -> memref<1x4096xf32, #tpu.memory_space<vmem>>
      %parallel_loop3A_374 = tpu.memref_squeeze %parallel_loop3A_373 : memref<1x4096xf32, #tpu.memory_space<vmem>> -> memref<4096xf32, #tpu.memory_space<vmem>>
      tpu.vector_store_idx %parallel_loop3A_374[%parallel_loop3A_246], %parallel_loop3A_370 {add = true} : memref<4096xf32, #tpu.memory_space<vmem>>[vector<16xi32>], vector<16xf32>,
    } {sc.loop_unroll_factor = 4 : i64, sc.parallel_access}
    %mul3A_124 = arith.constant 8192 : i32
    %mul3A_125 = arith.muli %add3A, %mul3A_124 : i32
    %add3A_126 = arith.constant 4096 : i32
    %add3A_127 = arith.addi %mul3A_125, %add3A_126 : i32
    %multiple_of3A_128 = tpu.assume_multiple %add3A_127, 1024 : i32
    %dma_start3A_129 = arith.constant 0 : i32
    %dma_start3A_130 = tpu.memref_slice %arg2[%dma_start3A_129, %multiple_of3A_128] : memref<2x262144xi32, #tpu.memory_space<hbm>> -> memref<1x1024xi32, #tpu.memory_space<hbm>>
    %dma_start3A_131 = tpu.memref_squeeze %dma_start3A_130 : memref<1x1024xi32, #tpu.memory_space<hbm>> -> memref<1024xi32, #tpu.memory_space<hbm>>
    %dma_start3A_132 = tpu.memref_slice %arg2[%dma_start3A_129, %multiple_of3A_128] : memref<2x262144xi32, #tpu.memory_space<hbm>> -> memref<1x1024xi32, #tpu.memory_space<hbm>>
    %dma_start3A_133 = tpu.memref_squeeze %dma_start3A_132 : memref<1x1024xi32, #tpu.memory_space<hbm>> -> memref<1024xi32, #tpu.memory_space<hbm>>
    tpu.enqueue_dma source(%dma_start3A_133 : memref<1024xi32, #tpu.memory_space<hbm>>) target(%arg6 : memref<1024xi32, #tpu.memory_space<vmem>>) target_semaphore(%arg13 : memref<!tpu.dma_semaphore, #tpu.memory_space<semaphore_mem>>)
    %dma_start3A_134 = arith.constant 0 : i32
    %dma_start3A_135 = tpu.memref_slice %arg3[%dma_start3A_134, %multiple_of3A_128] : memref<16x262144xf32, #tpu.memory_space<hbm>> -> memref<16x1024xf32, #tpu.memory_space<hbm>>
    %dma_start3A_136 = arith.constant 0 : i32
    %dma_start3A_137 = tpu.memref_slice %arg3[%dma_start3A_136, %multiple_of3A_128] : memref<16x262144xf32, #tpu.memory_space<hbm>> -> memref<16x1024xf32, #tpu.memory_space<hbm>>
    tpu.enqueue_dma source(%dma_start3A_137 : memref<16x1024xf32, #tpu.memory_space<hbm>>) target(%arg8 : memref<16x1024xf32, #tpu.memory_space<vmem>>) target_semaphore(%arg15 : memref<!tpu.dma_semaphore, #tpu.memory_space<semaphore_mem>>)
    %dma_wait3A_138 = arith.constant 0 : i32
    %dma_wait3A_139 = tpu.memref_slice %arg2[%dma_wait3A_138, %multiple_of3A_102] : memref<2x262144xi32, #tpu.memory_space<hbm>> -> memref<1x1024xi32, #tpu.memory_space<hbm>>
    %dma_wait3A_140 = tpu.memref_squeeze %dma_wait3A_139 : memref<1x1024xi32, #tpu.memory_space<hbm>> -> memref<1024xi32, #tpu.memory_space<hbm>>
    %dma_wait3A_141 = tpu.memref_slice %arg2[%dma_wait3A_138, %multiple_of3A_102] : memref<2x262144xi32, #tpu.memory_space<hbm>> -> memref<1x1024xi32, #tpu.memory_space<hbm>>
    %dma_wait3A_142 = tpu.memref_squeeze %dma_wait3A_141 : memref<1x1024xi32, #tpu.memory_space<hbm>> -> memref<1024xi32, #tpu.memory_space<hbm>>
    tpu.wait_dma2 semaphore(%arg14 : memref<!tpu.dma_semaphore, #tpu.memory_space<semaphore_mem>>) src(%dma_wait3A_142 : memref<1024xi32, #tpu.memory_space<hbm>>) dst(%arg7 : memref<1024xi32, #tpu.memory_space<vmem>>)
    %dma_wait3A_143 = arith.constant 0 : i32
    %dma_wait3A_144 = tpu.memref_slice %arg3[%dma_wait3A_143, %multiple_of3A_102] : memref<16x262144xf32, #tpu.memory_space<hbm>> -> memref<16x1024xf32, #tpu.memory_space<hbm>>
    %dma_wait3A_145 = arith.constant 0 : i32
    %dma_wait3A_146 = tpu.memref_slice %arg3[%dma_wait3A_145, %multiple_of3A_102] : memref<16x262144xf32, #tpu.memory_space<hbm>> -> memref<16x1024xf32, #tpu.memory_space<hbm>>
    tpu.wait_dma2 semaphore(%arg16 : memref<!tpu.dma_semaphore, #tpu.memory_space<semaphore_mem>>) src(%dma_wait3A_146 : memref<16x1024xf32, #tpu.memory_space<hbm>>) dst(%arg9 : memref<16x1024xf32, #tpu.memory_space<vmem>>)
    %parallel_loop3A_147 = arith.constant 0 : i32
    %parallel_loop3A_148 = arith.constant 64 : i32
    %parallel_loop3A_149 = arith.constant 1 : i32
    scf.for %parallel_loop3A_241 = %parallel_loop3A_147 to %parallel_loop3A_148 step %parallel_loop3A_149  : i32 {
      %parallel_loop3A_242 = arith.constant 16 : i32
      %parallel_loop3A_243 = arith.muli %parallel_loop3A_241, %parallel_loop3A_242 : i32
      %parallel_loop3A_244 = tpu.assume_multiple %parallel_loop3A_243, 16 : i32
      %parallel_loop3A_245 = arith.index_cast %parallel_loop3A_244 : i32 to index
      %parallel_loop3A_246 = tpu.vector_load %arg7[%parallel_loop3A_245] {strides = array<i32>} : memref<1024xi32, #tpu.memory_space<vmem>>, vector<16xi32>,
      %parallel_loop3A_247 = arith.constant 0 : i32
      %parallel_loop3A_248 = arith.index_cast %parallel_loop3A_247 : i32 to index
      %parallel_loop3A_249 = arith.index_cast %parallel_loop3A_244 : i32 to index
      %parallel_loop3A_250 = tpu.vector_load %arg9[%parallel_loop3A_248, %parallel_loop3A_249] {strides = array<i32>} : memref<16x1024xf32, #tpu.memory_space<vmem>>, vector<16xf32>,
      %parallel_loop3A_251 = arith.constant 0 : i32
      %parallel_loop3A_252 = arith.constant 0 : i32
      %parallel_loop3A_253 = tpu.memref_slice %arg10[%parallel_loop3A_251, %parallel_loop3A_252] : memref<16x4096xf32, #tpu.memory_space<vmem>> -> memref<1x4096xf32, #tpu.memory_space<vmem>>
      %parallel_loop3A_254 = tpu.memref_squeeze %parallel_loop3A_253 : memref<1x4096xf32, #tpu.memory_space<vmem>> -> memref<4096xf32, #tpu.memory_space<vmem>>
      tpu.vector_store_idx %parallel_loop3A_254[%parallel_loop3A_246], %parallel_loop3A_250 {add = true} : memref<4096xf32, #tpu.memory_space<vmem>>[vector<16xi32>], vector<16xf32>,
      %parallel_loop3A_255 = arith.constant 1 : i32
      %parallel_loop3A_256 = arith.index_cast %parallel_loop3A_255 : i32 to index
      %parallel_loop3A_257 = arith.index_cast %parallel_loop3A_244 : i32 to index
      %parallel_loop3A_258 = tpu.vector_load %arg9[%parallel_loop3A_256, %parallel_loop3A_257] {strides = array<i32>} : memref<16x1024xf32, #tpu.memory_space<vmem>>, vector<16xf32>,
      %parallel_loop3A_259 = arith.constant 1 : i32
      %parallel_loop3A_260 = arith.constant 0 : i32
      %parallel_loop3A_261 = tpu.memref_slice %arg10[%parallel_loop3A_259, %parallel_loop3A_260] : memref<16x4096xf32, #tpu.memory_space<vmem>> -> memref<1x4096xf32, #tpu.memory_space<vmem>>
      %parallel_loop3A_262 = tpu.memref_squeeze %parallel_loop3A_261 : memref<1x4096xf32, #tpu.memory_space<vmem>> -> memref<4096xf32, #tpu.memory_space<vmem>>
      tpu.vector_store_idx %parallel_loop3A_262[%parallel_loop3A_246], %parallel_loop3A_258 {add = true} : memref<4096xf32, #tpu.memory_space<vmem>>[vector<16xi32>], vector<16xf32>,
      %parallel_loop3A_263 = arith.constant 2 : i32
      %parallel_loop3A_264 = arith.index_cast %parallel_loop3A_263 : i32 to index
      %parallel_loop3A_265 = arith.index_cast %parallel_loop3A_244 : i32 to index
      %parallel_loop3A_266 = tpu.vector_load %arg9[%parallel_loop3A_264, %parallel_loop3A_265] {strides = array<i32>} : memref<16x1024xf32, #tpu.memory_space<vmem>>, vector<16xf32>,
      %parallel_loop3A_267 = arith.constant 2 : i32
      %parallel_loop3A_268 = arith.constant 0 : i32
      %parallel_loop3A_269 = tpu.memref_slice %arg10[%parallel_loop3A_267, %parallel_loop3A_268] : memref<16x4096xf32, #tpu.memory_space<vmem>> -> memref<1x4096xf32, #tpu.memory_space<vmem>>
      %parallel_loop3A_270 = tpu.memref_squeeze %parallel_loop3A_269 : memref<1x4096xf32, #tpu.memory_space<vmem>> -> memref<4096xf32, #tpu.memory_space<vmem>>
      tpu.vector_store_idx %parallel_loop3A_270[%parallel_loop3A_246], %parallel_loop3A_266 {add = true} : memref<4096xf32, #tpu.memory_space<vmem>>[vector<16xi32>], vector<16xf32>,
      %parallel_loop3A_271 = arith.constant 3 : i32
      %parallel_loop3A_272 = arith.index_cast %parallel_loop3A_271 : i32 to index
      %parallel_loop3A_273 = arith.index_cast %parallel_loop3A_244 : i32 to index
      %parallel_loop3A_274 = tpu.vector_load %arg9[%parallel_loop3A_272, %parallel_loop3A_273] {strides = array<i32>} : memref<16x1024xf32, #tpu.memory_space<vmem>>, vector<16xf32>,
      %parallel_loop3A_275 = arith.constant 3 : i32
      %parallel_loop3A_276 = arith.constant 0 : i32
      %parallel_loop3A_277 = tpu.memref_slice %arg10[%parallel_loop3A_275, %parallel_loop3A_276] : memref<16x4096xf32, #tpu.memory_space<vmem>> -> memref<1x4096xf32, #tpu.memory_space<vmem>>
      %parallel_loop3A_278 = tpu.memref_squeeze %parallel_loop3A_277 : memref<1x4096xf32, #tpu.memory_space<vmem>> -> memref<4096xf32, #tpu.memory_space<vmem>>
      tpu.vector_store_idx %parallel_loop3A_278[%parallel_loop3A_246], %parallel_loop3A_274 {add = true} : memref<4096xf32, #tpu.memory_space<vmem>>[vector<16xi32>], vector<16xf32>,
      %parallel_loop3A_279 = arith.constant 4 : i32
      %parallel_loop3A_280 = arith.index_cast %parallel_loop3A_279 : i32 to index
      %parallel_loop3A_281 = arith.index_cast %parallel_loop3A_244 : i32 to index
      %parallel_loop3A_282 = tpu.vector_load %arg9[%parallel_loop3A_280, %parallel_loop3A_281] {strides = array<i32>} : memref<16x1024xf32, #tpu.memory_space<vmem>>, vector<16xf32>,
      %parallel_loop3A_283 = arith.constant 4 : i32
      %parallel_loop3A_284 = arith.constant 0 : i32
      %parallel_loop3A_285 = tpu.memref_slice %arg10[%parallel_loop3A_283, %parallel_loop3A_284] : memref<16x4096xf32, #tpu.memory_space<vmem>> -> memref<1x4096xf32, #tpu.memory_space<vmem>>
      %parallel_loop3A_286 = tpu.memref_squeeze %parallel_loop3A_285 : memref<1x4096xf32, #tpu.memory_space<vmem>> -> memref<4096xf32, #tpu.memory_space<vmem>>
      tpu.vector_store_idx %parallel_loop3A_286[%parallel_loop3A_246], %parallel_loop3A_282 {add = true} : memref<4096xf32, #tpu.memory_space<vmem>>[vector<16xi32>], vector<16xf32>,
      %parallel_loop3A_287 = arith.constant 5 : i32
      %parallel_loop3A_288 = arith.index_cast %parallel_loop3A_287 : i32 to index
      %parallel_loop3A_289 = arith.index_cast %parallel_loop3A_244 : i32 to index
      %parallel_loop3A_290 = tpu.vector_load %arg9[%parallel_loop3A_288, %parallel_loop3A_289] {strides = array<i32>} : memref<16x1024xf32, #tpu.memory_space<vmem>>, vector<16xf32>,
      %parallel_loop3A_291 = arith.constant 5 : i32
      %parallel_loop3A_292 = arith.constant 0 : i32
      %parallel_loop3A_293 = tpu.memref_slice %arg10[%parallel_loop3A_291, %parallel_loop3A_292] : memref<16x4096xf32, #tpu.memory_space<vmem>> -> memref<1x4096xf32, #tpu.memory_space<vmem>>
      %parallel_loop3A_294 = tpu.memref_squeeze %parallel_loop3A_293 : memref<1x4096xf32, #tpu.memory_space<vmem>> -> memref<4096xf32, #tpu.memory_space<vmem>>
      tpu.vector_store_idx %parallel_loop3A_294[%parallel_loop3A_246], %parallel_loop3A_290 {add = true} : memref<4096xf32, #tpu.memory_space<vmem>>[vector<16xi32>], vector<16xf32>,
      %parallel_loop3A_295 = arith.constant 6 : i32
      %parallel_loop3A_296 = arith.index_cast %parallel_loop3A_295 : i32 to index
      %parallel_loop3A_297 = arith.index_cast %parallel_loop3A_244 : i32 to index
      %parallel_loop3A_298 = tpu.vector_load %arg9[%parallel_loop3A_296, %parallel_loop3A_297] {strides = array<i32>} : memref<16x1024xf32, #tpu.memory_space<vmem>>, vector<16xf32>,
      %parallel_loop3A_299 = arith.constant 6 : i32
      %parallel_loop3A_300 = arith.constant 0 : i32
      %parallel_loop3A_301 = tpu.memref_slice %arg10[%parallel_loop3A_299, %parallel_loop3A_300] : memref<16x4096xf32, #tpu.memory_space<vmem>> -> memref<1x4096xf32, #tpu.memory_space<vmem>>
      %parallel_loop3A_302 = tpu.memref_squeeze %parallel_loop3A_301 : memref<1x4096xf32, #tpu.memory_space<vmem>> -> memref<4096xf32, #tpu.memory_space<vmem>>
      tpu.vector_store_idx %parallel_loop3A_302[%parallel_loop3A_246], %parallel_loop3A_298 {add = true} : memref<4096xf32, #tpu.memory_space<vmem>>[vector<16xi32>], vector<16xf32>,
      %parallel_loop3A_303 = arith.constant 7 : i32
      %parallel_loop3A_304 = arith.index_cast %parallel_loop3A_303 : i32 to index
      %parallel_loop3A_305 = arith.index_cast %parallel_loop3A_244 : i32 to index
      %parallel_loop3A_306 = tpu.vector_load %arg9[%parallel_loop3A_304, %parallel_loop3A_305] {strides = array<i32>} : memref<16x1024xf32, #tpu.memory_space<vmem>>, vector<16xf32>,
      %parallel_loop3A_307 = arith.constant 7 : i32
      %parallel_loop3A_308 = arith.constant 0 : i32
      %parallel_loop3A_309 = tpu.memref_slice %arg10[%parallel_loop3A_307, %parallel_loop3A_308] : memref<16x4096xf32, #tpu.memory_space<vmem>> -> memref<1x4096xf32, #tpu.memory_space<vmem>>
      %parallel_loop3A_310 = tpu.memref_squeeze %parallel_loop3A_309 : memref<1x4096xf32, #tpu.memory_space<vmem>> -> memref<4096xf32, #tpu.memory_space<vmem>>
      tpu.vector_store_idx %parallel_loop3A_310[%parallel_loop3A_246], %parallel_loop3A_306 {add = true} : memref<4096xf32, #tpu.memory_space<vmem>>[vector<16xi32>], vector<16xf32>,
      %parallel_loop3A_311 = arith.constant 8 : i32
      %parallel_loop3A_312 = arith.index_cast %parallel_loop3A_311 : i32 to index
      %parallel_loop3A_313 = arith.index_cast %parallel_loop3A_244 : i32 to index
      %parallel_loop3A_314 = tpu.vector_load %arg9[%parallel_loop3A_312, %parallel_loop3A_313] {strides = array<i32>} : memref<16x1024xf32, #tpu.memory_space<vmem>>, vector<16xf32>,
      %parallel_loop3A_315 = arith.constant 8 : i32
      %parallel_loop3A_316 = arith.constant 0 : i32
      %parallel_loop3A_317 = tpu.memref_slice %arg10[%parallel_loop3A_315, %parallel_loop3A_316] : memref<16x4096xf32, #tpu.memory_space<vmem>> -> memref<1x4096xf32, #tpu.memory_space<vmem>>
      %parallel_loop3A_318 = tpu.memref_squeeze %parallel_loop3A_317 : memref<1x4096xf32, #tpu.memory_space<vmem>> -> memref<4096xf32, #tpu.memory_space<vmem>>
      tpu.vector_store_idx %parallel_loop3A_318[%parallel_loop3A_246], %parallel_loop3A_314 {add = true} : memref<4096xf32, #tpu.memory_space<vmem>>[vector<16xi32>], vector<16xf32>,
      %parallel_loop3A_319 = arith.constant 9 : i32
      %parallel_loop3A_320 = arith.index_cast %parallel_loop3A_319 : i32 to index
      %parallel_loop3A_321 = arith.index_cast %parallel_loop3A_244 : i32 to index
      %parallel_loop3A_322 = tpu.vector_load %arg9[%parallel_loop3A_320, %parallel_loop3A_321] {strides = array<i32>} : memref<16x1024xf32, #tpu.memory_space<vmem>>, vector<16xf32>,
      %parallel_loop3A_323 = arith.constant 9 : i32
      %parallel_loop3A_324 = arith.constant 0 : i32
      %parallel_loop3A_325 = tpu.memref_slice %arg10[%parallel_loop3A_323, %parallel_loop3A_324] : memref<16x4096xf32, #tpu.memory_space<vmem>> -> memref<1x4096xf32, #tpu.memory_space<vmem>>
      %parallel_loop3A_326 = tpu.memref_squeeze %parallel_loop3A_325 : memref<1x4096xf32, #tpu.memory_space<vmem>> -> memref<4096xf32, #tpu.memory_space<vmem>>
      tpu.vector_store_idx %parallel_loop3A_326[%parallel_loop3A_246], %parallel_loop3A_322 {add = true} : memref<4096xf32, #tpu.memory_space<vmem>>[vector<16xi32>], vector<16xf32>,
      %parallel_loop3A_327 = arith.constant 10 : i32
      %parallel_loop3A_328 = arith.index_cast %parallel_loop3A_327 : i32 to index
      %parallel_loop3A_329 = arith.index_cast %parallel_loop3A_244 : i32 to index
      %parallel_loop3A_330 = tpu.vector_load %arg9[%parallel_loop3A_328, %parallel_loop3A_329] {strides = array<i32>} : memref<16x1024xf32, #tpu.memory_space<vmem>>, vector<16xf32>,
      %parallel_loop3A_331 = arith.constant 10 : i32
      %parallel_loop3A_332 = arith.constant 0 : i32
      %parallel_loop3A_333 = tpu.memref_slice %arg10[%parallel_loop3A_331, %parallel_loop3A_332] : memref<16x4096xf32, #tpu.memory_space<vmem>> -> memref<1x4096xf32, #tpu.memory_space<vmem>>
      %parallel_loop3A_334 = tpu.memref_squeeze %parallel_loop3A_333 : memref<1x4096xf32, #tpu.memory_space<vmem>> -> memref<4096xf32, #tpu.memory_space<vmem>>
      tpu.vector_store_idx %parallel_loop3A_334[%parallel_loop3A_246], %parallel_loop3A_330 {add = true} : memref<4096xf32, #tpu.memory_space<vmem>>[vector<16xi32>], vector<16xf32>,
      %parallel_loop3A_335 = arith.constant 11 : i32
      %parallel_loop3A_336 = arith.index_cast %parallel_loop3A_335 : i32 to index
      %parallel_loop3A_337 = arith.index_cast %parallel_loop3A_244 : i32 to index
      %parallel_loop3A_338 = tpu.vector_load %arg9[%parallel_loop3A_336, %parallel_loop3A_337] {strides = array<i32>} : memref<16x1024xf32, #tpu.memory_space<vmem>>, vector<16xf32>,
      %parallel_loop3A_339 = arith.constant 11 : i32
      %parallel_loop3A_340 = arith.constant 0 : i32
      %parallel_loop3A_341 = tpu.memref_slice %arg10[%parallel_loop3A_339, %parallel_loop3A_340] : memref<16x4096xf32, #tpu.memory_space<vmem>> -> memref<1x4096xf32, #tpu.memory_space<vmem>>
      %parallel_loop3A_342 = tpu.memref_squeeze %parallel_loop3A_341 : memref<1x4096xf32, #tpu.memory_space<vmem>> -> memref<4096xf32, #tpu.memory_space<vmem>>
      tpu.vector_store_idx %parallel_loop3A_342[%parallel_loop3A_246], %parallel_loop3A_338 {add = true} : memref<4096xf32, #tpu.memory_space<vmem>>[vector<16xi32>], vector<16xf32>,
      %parallel_loop3A_343 = arith.constant 12 : i32
      %parallel_loop3A_344 = arith.index_cast %parallel_loop3A_343 : i32 to index
      %parallel_loop3A_345 = arith.index_cast %parallel_loop3A_244 : i32 to index
      %parallel_loop3A_346 = tpu.vector_load %arg9[%parallel_loop3A_344, %parallel_loop3A_345] {strides = array<i32>} : memref<16x1024xf32, #tpu.memory_space<vmem>>, vector<16xf32>,
      %parallel_loop3A_347 = arith.constant 12 : i32
      %parallel_loop3A_348 = arith.constant 0 : i32
      %parallel_loop3A_349 = tpu.memref_slice %arg10[%parallel_loop3A_347, %parallel_loop3A_348] : memref<16x4096xf32, #tpu.memory_space<vmem>> -> memref<1x4096xf32, #tpu.memory_space<vmem>>
      %parallel_loop3A_350 = tpu.memref_squeeze %parallel_loop3A_349 : memref<1x4096xf32, #tpu.memory_space<vmem>> -> memref<4096xf32, #tpu.memory_space<vmem>>
      tpu.vector_store_idx %parallel_loop3A_350[%parallel_loop3A_246], %parallel_loop3A_346 {add = true} : memref<4096xf32, #tpu.memory_space<vmem>>[vector<16xi32>], vector<16xf32>,
      %parallel_loop3A_351 = arith.constant 13 : i32
      %parallel_loop3A_352 = arith.index_cast %parallel_loop3A_351 : i32 to index
      %parallel_loop3A_353 = arith.index_cast %parallel_loop3A_244 : i32 to index
      %parallel_loop3A_354 = tpu.vector_load %arg9[%parallel_loop3A_352, %parallel_loop3A_353] {strides = array<i32>} : memref<16x1024xf32, #tpu.memory_space<vmem>>, vector<16xf32>,
      %parallel_loop3A_355 = arith.constant 13 : i32
      %parallel_loop3A_356 = arith.constant 0 : i32
      %parallel_loop3A_357 = tpu.memref_slice %arg10[%parallel_loop3A_355, %parallel_loop3A_356] : memref<16x4096xf32, #tpu.memory_space<vmem>> -> memref<1x4096xf32, #tpu.memory_space<vmem>>
      %parallel_loop3A_358 = tpu.memref_squeeze %parallel_loop3A_357 : memref<1x4096xf32, #tpu.memory_space<vmem>> -> memref<4096xf32, #tpu.memory_space<vmem>>
      tpu.vector_store_idx %parallel_loop3A_358[%parallel_loop3A_246], %parallel_loop3A_354 {add = true} : memref<4096xf32, #tpu.memory_space<vmem>>[vector<16xi32>], vector<16xf32>,
      %parallel_loop3A_359 = arith.constant 14 : i32
      %parallel_loop3A_360 = arith.index_cast %parallel_loop3A_359 : i32 to index
      %parallel_loop3A_361 = arith.index_cast %parallel_loop3A_244 : i32 to index
      %parallel_loop3A_362 = tpu.vector_load %arg9[%parallel_loop3A_360, %parallel_loop3A_361] {strides = array<i32>} : memref<16x1024xf32, #tpu.memory_space<vmem>>, vector<16xf32>,
      %parallel_loop3A_363 = arith.constant 14 : i32
      %parallel_loop3A_364 = arith.constant 0 : i32
      %parallel_loop3A_365 = tpu.memref_slice %arg10[%parallel_loop3A_363, %parallel_loop3A_364] : memref<16x4096xf32, #tpu.memory_space<vmem>> -> memref<1x4096xf32, #tpu.memory_space<vmem>>
      %parallel_loop3A_366 = tpu.memref_squeeze %parallel_loop3A_365 : memref<1x4096xf32, #tpu.memory_space<vmem>> -> memref<4096xf32, #tpu.memory_space<vmem>>
      tpu.vector_store_idx %parallel_loop3A_366[%parallel_loop3A_246], %parallel_loop3A_362 {add = true} : memref<4096xf32, #tpu.memory_space<vmem>>[vector<16xi32>], vector<16xf32>,
      %parallel_loop3A_367 = arith.constant 15 : i32
      %parallel_loop3A_368 = arith.index_cast %parallel_loop3A_367 : i32 to index
      %parallel_loop3A_369 = arith.index_cast %parallel_loop3A_244 : i32 to index
      %parallel_loop3A_370 = tpu.vector_load %arg9[%parallel_loop3A_368, %parallel_loop3A_369] {strides = array<i32>} : memref<16x1024xf32, #tpu.memory_space<vmem>>, vector<16xf32>,
      %parallel_loop3A_371 = arith.constant 15 : i32
      %parallel_loop3A_372 = arith.constant 0 : i32
      %parallel_loop3A_373 = tpu.memref_slice %arg10[%parallel_loop3A_371, %parallel_loop3A_372] : memref<16x4096xf32, #tpu.memory_space<vmem>> -> memref<1x4096xf32, #tpu.memory_space<vmem>>
      %parallel_loop3A_374 = tpu.memref_squeeze %parallel_loop3A_373 : memref<1x4096xf32, #tpu.memory_space<vmem>> -> memref<4096xf32, #tpu.memory_space<vmem>>
      tpu.vector_store_idx %parallel_loop3A_374[%parallel_loop3A_246], %parallel_loop3A_370 {add = true} : memref<4096xf32, #tpu.memory_space<vmem>>[vector<16xi32>], vector<16xf32>,
    } {sc.loop_unroll_factor = 4 : i64, sc.parallel_access}
    %mul3A_150 = arith.constant 8192 : i32
    %mul3A_151 = arith.muli %add3A, %mul3A_150 : i32
    %add3A_152 = arith.constant 5120 : i32
    %add3A_153 = arith.addi %mul3A_151, %add3A_152 : i32
    %multiple_of3A_154 = tpu.assume_multiple %add3A_153, 1024 : i32
    %dma_start3A_155 = arith.constant 0 : i32
    %dma_start3A_156 = tpu.memref_slice %arg2[%dma_start3A_155, %multiple_of3A_154] : memref<2x262144xi32, #tpu.memory_space<hbm>> -> memref<1x1024xi32, #tpu.memory_space<hbm>>
    %dma_start3A_157 = tpu.memref_squeeze %dma_start3A_156 : memref<1x1024xi32, #tpu.memory_space<hbm>> -> memref<1024xi32, #tpu.memory_space<hbm>>
    %dma_start3A_158 = tpu.memref_slice %arg2[%dma_start3A_155, %multiple_of3A_154] : memref<2x262144xi32, #tpu.memory_space<hbm>> -> memref<1x1024xi32, #tpu.memory_space<hbm>>
    %dma_start3A_159 = tpu.memref_squeeze %dma_start3A_158 : memref<1x1024xi32, #tpu.memory_space<hbm>> -> memref<1024xi32, #tpu.memory_space<hbm>>
    tpu.enqueue_dma source(%dma_start3A_159 : memref<1024xi32, #tpu.memory_space<hbm>>) target(%arg7 : memref<1024xi32, #tpu.memory_space<vmem>>) target_semaphore(%arg14 : memref<!tpu.dma_semaphore, #tpu.memory_space<semaphore_mem>>)
    %dma_start3A_160 = arith.constant 0 : i32
    %dma_start3A_161 = tpu.memref_slice %arg3[%dma_start3A_160, %multiple_of3A_154] : memref<16x262144xf32, #tpu.memory_space<hbm>> -> memref<16x1024xf32, #tpu.memory_space<hbm>>
    %dma_start3A_162 = arith.constant 0 : i32
    %dma_start3A_163 = tpu.memref_slice %arg3[%dma_start3A_162, %multiple_of3A_154] : memref<16x262144xf32, #tpu.memory_space<hbm>> -> memref<16x1024xf32, #tpu.memory_space<hbm>>
    tpu.enqueue_dma source(%dma_start3A_163 : memref<16x1024xf32, #tpu.memory_space<hbm>>) target(%arg9 : memref<16x1024xf32, #tpu.memory_space<vmem>>) target_semaphore(%arg16 : memref<!tpu.dma_semaphore, #tpu.memory_space<semaphore_mem>>)
    %dma_wait3A_164 = arith.constant 0 : i32
    %dma_wait3A_165 = tpu.memref_slice %arg2[%dma_wait3A_164, %multiple_of3A_128] : memref<2x262144xi32, #tpu.memory_space<hbm>> -> memref<1x1024xi32, #tpu.memory_space<hbm>>
    %dma_wait3A_166 = tpu.memref_squeeze %dma_wait3A_165 : memref<1x1024xi32, #tpu.memory_space<hbm>> -> memref<1024xi32, #tpu.memory_space<hbm>>
    %dma_wait3A_167 = tpu.memref_slice %arg2[%dma_wait3A_164, %multiple_of3A_128] : memref<2x262144xi32, #tpu.memory_space<hbm>> -> memref<1x1024xi32, #tpu.memory_space<hbm>>
    %dma_wait3A_168 = tpu.memref_squeeze %dma_wait3A_167 : memref<1x1024xi32, #tpu.memory_space<hbm>> -> memref<1024xi32, #tpu.memory_space<hbm>>
    tpu.wait_dma2 semaphore(%arg13 : memref<!tpu.dma_semaphore, #tpu.memory_space<semaphore_mem>>) src(%dma_wait3A_168 : memref<1024xi32, #tpu.memory_space<hbm>>) dst(%arg6 : memref<1024xi32, #tpu.memory_space<vmem>>)
    %dma_wait3A_169 = arith.constant 0 : i32
    %dma_wait3A_170 = tpu.memref_slice %arg3[%dma_wait3A_169, %multiple_of3A_128] : memref<16x262144xf32, #tpu.memory_space<hbm>> -> memref<16x1024xf32, #tpu.memory_space<hbm>>
    %dma_wait3A_171 = arith.constant 0 : i32
    %dma_wait3A_172 = tpu.memref_slice %arg3[%dma_wait3A_171, %multiple_of3A_128] : memref<16x262144xf32, #tpu.memory_space<hbm>> -> memref<16x1024xf32, #tpu.memory_space<hbm>>
    tpu.wait_dma2 semaphore(%arg15 : memref<!tpu.dma_semaphore, #tpu.memory_space<semaphore_mem>>) src(%dma_wait3A_172 : memref<16x1024xf32, #tpu.memory_space<hbm>>) dst(%arg8 : memref<16x1024xf32, #tpu.memory_space<vmem>>)
    %parallel_loop3A_173 = arith.constant 0 : i32
    %parallel_loop3A_174 = arith.constant 64 : i32
    %parallel_loop3A_175 = arith.constant 1 : i32
    scf.for %parallel_loop3A_241 = %parallel_loop3A_173 to %parallel_loop3A_174 step %parallel_loop3A_175  : i32 {
      %parallel_loop3A_242 = arith.constant 16 : i32
      %parallel_loop3A_243 = arith.muli %parallel_loop3A_241, %parallel_loop3A_242 : i32
      %parallel_loop3A_244 = tpu.assume_multiple %parallel_loop3A_243, 16 : i32
      %parallel_loop3A_245 = arith.index_cast %parallel_loop3A_244 : i32 to index
      %parallel_loop3A_246 = tpu.vector_load %arg6[%parallel_loop3A_245] {strides = array<i32>} : memref<1024xi32, #tpu.memory_space<vmem>>, vector<16xi32>,
      %parallel_loop3A_247 = arith.constant 0 : i32
      %parallel_loop3A_248 = arith.index_cast %parallel_loop3A_247 : i32 to index
      %parallel_loop3A_249 = arith.index_cast %parallel_loop3A_244 : i32 to index
      %parallel_loop3A_250 = tpu.vector_load %arg8[%parallel_loop3A_248, %parallel_loop3A_249] {strides = array<i32>} : memref<16x1024xf32, #tpu.memory_space<vmem>>, vector<16xf32>,
      %parallel_loop3A_251 = arith.constant 0 : i32
      %parallel_loop3A_252 = arith.constant 0 : i32
      %parallel_loop3A_253 = tpu.memref_slice %arg10[%parallel_loop3A_251, %parallel_loop3A_252] : memref<16x4096xf32, #tpu.memory_space<vmem>> -> memref<1x4096xf32, #tpu.memory_space<vmem>>
      %parallel_loop3A_254 = tpu.memref_squeeze %parallel_loop3A_253 : memref<1x4096xf32, #tpu.memory_space<vmem>> -> memref<4096xf32, #tpu.memory_space<vmem>>
      tpu.vector_store_idx %parallel_loop3A_254[%parallel_loop3A_246], %parallel_loop3A_250 {add = true} : memref<4096xf32, #tpu.memory_space<vmem>>[vector<16xi32>], vector<16xf32>,
      %parallel_loop3A_255 = arith.constant 1 : i32
      %parallel_loop3A_256 = arith.index_cast %parallel_loop3A_255 : i32 to index
      %parallel_loop3A_257 = arith.index_cast %parallel_loop3A_244 : i32 to index
      %parallel_loop3A_258 = tpu.vector_load %arg8[%parallel_loop3A_256, %parallel_loop3A_257] {strides = array<i32>} : memref<16x1024xf32, #tpu.memory_space<vmem>>, vector<16xf32>,
      %parallel_loop3A_259 = arith.constant 1 : i32
      %parallel_loop3A_260 = arith.constant 0 : i32
      %parallel_loop3A_261 = tpu.memref_slice %arg10[%parallel_loop3A_259, %parallel_loop3A_260] : memref<16x4096xf32, #tpu.memory_space<vmem>> -> memref<1x4096xf32, #tpu.memory_space<vmem>>
      %parallel_loop3A_262 = tpu.memref_squeeze %parallel_loop3A_261 : memref<1x4096xf32, #tpu.memory_space<vmem>> -> memref<4096xf32, #tpu.memory_space<vmem>>
      tpu.vector_store_idx %parallel_loop3A_262[%parallel_loop3A_246], %parallel_loop3A_258 {add = true} : memref<4096xf32, #tpu.memory_space<vmem>>[vector<16xi32>], vector<16xf32>,
      %parallel_loop3A_263 = arith.constant 2 : i32
      %parallel_loop3A_264 = arith.index_cast %parallel_loop3A_263 : i32 to index
      %parallel_loop3A_265 = arith.index_cast %parallel_loop3A_244 : i32 to index
      %parallel_loop3A_266 = tpu.vector_load %arg8[%parallel_loop3A_264, %parallel_loop3A_265] {strides = array<i32>} : memref<16x1024xf32, #tpu.memory_space<vmem>>, vector<16xf32>,
      %parallel_loop3A_267 = arith.constant 2 : i32
      %parallel_loop3A_268 = arith.constant 0 : i32
      %parallel_loop3A_269 = tpu.memref_slice %arg10[%parallel_loop3A_267, %parallel_loop3A_268] : memref<16x4096xf32, #tpu.memory_space<vmem>> -> memref<1x4096xf32, #tpu.memory_space<vmem>>
      %parallel_loop3A_270 = tpu.memref_squeeze %parallel_loop3A_269 : memref<1x4096xf32, #tpu.memory_space<vmem>> -> memref<4096xf32, #tpu.memory_space<vmem>>
      tpu.vector_store_idx %parallel_loop3A_270[%parallel_loop3A_246], %parallel_loop3A_266 {add = true} : memref<4096xf32, #tpu.memory_space<vmem>>[vector<16xi32>], vector<16xf32>,
      %parallel_loop3A_271 = arith.constant 3 : i32
      %parallel_loop3A_272 = arith.index_cast %parallel_loop3A_271 : i32 to index
      %parallel_loop3A_273 = arith.index_cast %parallel_loop3A_244 : i32 to index
      %parallel_loop3A_274 = tpu.vector_load %arg8[%parallel_loop3A_272, %parallel_loop3A_273] {strides = array<i32>} : memref<16x1024xf32, #tpu.memory_space<vmem>>, vector<16xf32>,
      %parallel_loop3A_275 = arith.constant 3 : i32
      %parallel_loop3A_276 = arith.constant 0 : i32
      %parallel_loop3A_277 = tpu.memref_slice %arg10[%parallel_loop3A_275, %parallel_loop3A_276] : memref<16x4096xf32, #tpu.memory_space<vmem>> -> memref<1x4096xf32, #tpu.memory_space<vmem>>
      %parallel_loop3A_278 = tpu.memref_squeeze %parallel_loop3A_277 : memref<1x4096xf32, #tpu.memory_space<vmem>> -> memref<4096xf32, #tpu.memory_space<vmem>>
      tpu.vector_store_idx %parallel_loop3A_278[%parallel_loop3A_246], %parallel_loop3A_274 {add = true} : memref<4096xf32, #tpu.memory_space<vmem>>[vector<16xi32>], vector<16xf32>,
      %parallel_loop3A_279 = arith.constant 4 : i32
      %parallel_loop3A_280 = arith.index_cast %parallel_loop3A_279 : i32 to index
      %parallel_loop3A_281 = arith.index_cast %parallel_loop3A_244 : i32 to index
      %parallel_loop3A_282 = tpu.vector_load %arg8[%parallel_loop3A_280, %parallel_loop3A_281] {strides = array<i32>} : memref<16x1024xf32, #tpu.memory_space<vmem>>, vector<16xf32>,
      %parallel_loop3A_283 = arith.constant 4 : i32
      %parallel_loop3A_284 = arith.constant 0 : i32
      %parallel_loop3A_285 = tpu.memref_slice %arg10[%parallel_loop3A_283, %parallel_loop3A_284] : memref<16x4096xf32, #tpu.memory_space<vmem>> -> memref<1x4096xf32, #tpu.memory_space<vmem>>
      %parallel_loop3A_286 = tpu.memref_squeeze %parallel_loop3A_285 : memref<1x4096xf32, #tpu.memory_space<vmem>> -> memref<4096xf32, #tpu.memory_space<vmem>>
      tpu.vector_store_idx %parallel_loop3A_286[%parallel_loop3A_246], %parallel_loop3A_282 {add = true} : memref<4096xf32, #tpu.memory_space<vmem>>[vector<16xi32>], vector<16xf32>,
      %parallel_loop3A_287 = arith.constant 5 : i32
      %parallel_loop3A_288 = arith.index_cast %parallel_loop3A_287 : i32 to index
      %parallel_loop3A_289 = arith.index_cast %parallel_loop3A_244 : i32 to index
      %parallel_loop3A_290 = tpu.vector_load %arg8[%parallel_loop3A_288, %parallel_loop3A_289] {strides = array<i32>} : memref<16x1024xf32, #tpu.memory_space<vmem>>, vector<16xf32>,
      %parallel_loop3A_291 = arith.constant 5 : i32
      %parallel_loop3A_292 = arith.constant 0 : i32
      %parallel_loop3A_293 = tpu.memref_slice %arg10[%parallel_loop3A_291, %parallel_loop3A_292] : memref<16x4096xf32, #tpu.memory_space<vmem>> -> memref<1x4096xf32, #tpu.memory_space<vmem>>
      %parallel_loop3A_294 = tpu.memref_squeeze %parallel_loop3A_293 : memref<1x4096xf32, #tpu.memory_space<vmem>> -> memref<4096xf32, #tpu.memory_space<vmem>>
      tpu.vector_store_idx %parallel_loop3A_294[%parallel_loop3A_246], %parallel_loop3A_290 {add = true} : memref<4096xf32, #tpu.memory_space<vmem>>[vector<16xi32>], vector<16xf32>,
      %parallel_loop3A_295 = arith.constant 6 : i32
      %parallel_loop3A_296 = arith.index_cast %parallel_loop3A_295 : i32 to index
      %parallel_loop3A_297 = arith.index_cast %parallel_loop3A_244 : i32 to index
      %parallel_loop3A_298 = tpu.vector_load %arg8[%parallel_loop3A_296, %parallel_loop3A_297] {strides = array<i32>} : memref<16x1024xf32, #tpu.memory_space<vmem>>, vector<16xf32>,
      %parallel_loop3A_299 = arith.constant 6 : i32
      %parallel_loop3A_300 = arith.constant 0 : i32
      %parallel_loop3A_301 = tpu.memref_slice %arg10[%parallel_loop3A_299, %parallel_loop3A_300] : memref<16x4096xf32, #tpu.memory_space<vmem>> -> memref<1x4096xf32, #tpu.memory_space<vmem>>
      %parallel_loop3A_302 = tpu.memref_squeeze %parallel_loop3A_301 : memref<1x4096xf32, #tpu.memory_space<vmem>> -> memref<4096xf32, #tpu.memory_space<vmem>>
      tpu.vector_store_idx %parallel_loop3A_302[%parallel_loop3A_246], %parallel_loop3A_298 {add = true} : memref<4096xf32, #tpu.memory_space<vmem>>[vector<16xi32>], vector<16xf32>,
      %parallel_loop3A_303 = arith.constant 7 : i32
      %parallel_loop3A_304 = arith.index_cast %parallel_loop3A_303 : i32 to index
      %parallel_loop3A_305 = arith.index_cast %parallel_loop3A_244 : i32 to index
      %parallel_loop3A_306 = tpu.vector_load %arg8[%parallel_loop3A_304, %parallel_loop3A_305] {strides = array<i32>} : memref<16x1024xf32, #tpu.memory_space<vmem>>, vector<16xf32>,
      %parallel_loop3A_307 = arith.constant 7 : i32
      %parallel_loop3A_308 = arith.constant 0 : i32
      %parallel_loop3A_309 = tpu.memref_slice %arg10[%parallel_loop3A_307, %parallel_loop3A_308] : memref<16x4096xf32, #tpu.memory_space<vmem>> -> memref<1x4096xf32, #tpu.memory_space<vmem>>
      %parallel_loop3A_310 = tpu.memref_squeeze %parallel_loop3A_309 : memref<1x4096xf32, #tpu.memory_space<vmem>> -> memref<4096xf32, #tpu.memory_space<vmem>>
      tpu.vector_store_idx %parallel_loop3A_310[%parallel_loop3A_246], %parallel_loop3A_306 {add = true} : memref<4096xf32, #tpu.memory_space<vmem>>[vector<16xi32>], vector<16xf32>,
      %parallel_loop3A_311 = arith.constant 8 : i32
      %parallel_loop3A_312 = arith.index_cast %parallel_loop3A_311 : i32 to index
      %parallel_loop3A_313 = arith.index_cast %parallel_loop3A_244 : i32 to index
      %parallel_loop3A_314 = tpu.vector_load %arg8[%parallel_loop3A_312, %parallel_loop3A_313] {strides = array<i32>} : memref<16x1024xf32, #tpu.memory_space<vmem>>, vector<16xf32>,
      %parallel_loop3A_315 = arith.constant 8 : i32
      %parallel_loop3A_316 = arith.constant 0 : i32
      %parallel_loop3A_317 = tpu.memref_slice %arg10[%parallel_loop3A_315, %parallel_loop3A_316] : memref<16x4096xf32, #tpu.memory_space<vmem>> -> memref<1x4096xf32, #tpu.memory_space<vmem>>
      %parallel_loop3A_318 = tpu.memref_squeeze %parallel_loop3A_317 : memref<1x4096xf32, #tpu.memory_space<vmem>> -> memref<4096xf32, #tpu.memory_space<vmem>>
      tpu.vector_store_idx %parallel_loop3A_318[%parallel_loop3A_246], %parallel_loop3A_314 {add = true} : memref<4096xf32, #tpu.memory_space<vmem>>[vector<16xi32>], vector<16xf32>,
      %parallel_loop3A_319 = arith.constant 9 : i32
      %parallel_loop3A_320 = arith.index_cast %parallel_loop3A_319 : i32 to index
      %parallel_loop3A_321 = arith.index_cast %parallel_loop3A_244 : i32 to index
      %parallel_loop3A_322 = tpu.vector_load %arg8[%parallel_loop3A_320, %parallel_loop3A_321] {strides = array<i32>} : memref<16x1024xf32, #tpu.memory_space<vmem>>, vector<16xf32>,
      %parallel_loop3A_323 = arith.constant 9 : i32
      %parallel_loop3A_324 = arith.constant 0 : i32
      %parallel_loop3A_325 = tpu.memref_slice %arg10[%parallel_loop3A_323, %parallel_loop3A_324] : memref<16x4096xf32, #tpu.memory_space<vmem>> -> memref<1x4096xf32, #tpu.memory_space<vmem>>
      %parallel_loop3A_326 = tpu.memref_squeeze %parallel_loop3A_325 : memref<1x4096xf32, #tpu.memory_space<vmem>> -> memref<4096xf32, #tpu.memory_space<vmem>>
      tpu.vector_store_idx %parallel_loop3A_326[%parallel_loop3A_246], %parallel_loop3A_322 {add = true} : memref<4096xf32, #tpu.memory_space<vmem>>[vector<16xi32>], vector<16xf32>,
      %parallel_loop3A_327 = arith.constant 10 : i32
      %parallel_loop3A_328 = arith.index_cast %parallel_loop3A_327 : i32 to index
      %parallel_loop3A_329 = arith.index_cast %parallel_loop3A_244 : i32 to index
      %parallel_loop3A_330 = tpu.vector_load %arg8[%parallel_loop3A_328, %parallel_loop3A_329] {strides = array<i32>} : memref<16x1024xf32, #tpu.memory_space<vmem>>, vector<16xf32>,
      %parallel_loop3A_331 = arith.constant 10 : i32
      %parallel_loop3A_332 = arith.constant 0 : i32
      %parallel_loop3A_333 = tpu.memref_slice %arg10[%parallel_loop3A_331, %parallel_loop3A_332] : memref<16x4096xf32, #tpu.memory_space<vmem>> -> memref<1x4096xf32, #tpu.memory_space<vmem>>
      %parallel_loop3A_334 = tpu.memref_squeeze %parallel_loop3A_333 : memref<1x4096xf32, #tpu.memory_space<vmem>> -> memref<4096xf32, #tpu.memory_space<vmem>>
      tpu.vector_store_idx %parallel_loop3A_334[%parallel_loop3A_246], %parallel_loop3A_330 {add = true} : memref<4096xf32, #tpu.memory_space<vmem>>[vector<16xi32>], vector<16xf32>,
      %parallel_loop3A_335 = arith.constant 11 : i32
      %parallel_loop3A_336 = arith.index_cast %parallel_loop3A_335 : i32 to index
      %parallel_loop3A_337 = arith.index_cast %parallel_loop3A_244 : i32 to index
      %parallel_loop3A_338 = tpu.vector_load %arg8[%parallel_loop3A_336, %parallel_loop3A_337] {strides = array<i32>} : memref<16x1024xf32, #tpu.memory_space<vmem>>, vector<16xf32>,
      %parallel_loop3A_339 = arith.constant 11 : i32
      %parallel_loop3A_340 = arith.constant 0 : i32
      %parallel_loop3A_341 = tpu.memref_slice %arg10[%parallel_loop3A_339, %parallel_loop3A_340] : memref<16x4096xf32, #tpu.memory_space<vmem>> -> memref<1x4096xf32, #tpu.memory_space<vmem>>
      %parallel_loop3A_342 = tpu.memref_squeeze %parallel_loop3A_341 : memref<1x4096xf32, #tpu.memory_space<vmem>> -> memref<4096xf32, #tpu.memory_space<vmem>>
      tpu.vector_store_idx %parallel_loop3A_342[%parallel_loop3A_246], %parallel_loop3A_338 {add = true} : memref<4096xf32, #tpu.memory_space<vmem>>[vector<16xi32>], vector<16xf32>,
      %parallel_loop3A_343 = arith.constant 12 : i32
      %parallel_loop3A_344 = arith.index_cast %parallel_loop3A_343 : i32 to index
      %parallel_loop3A_345 = arith.index_cast %parallel_loop3A_244 : i32 to index
      %parallel_loop3A_346 = tpu.vector_load %arg8[%parallel_loop3A_344, %parallel_loop3A_345] {strides = array<i32>} : memref<16x1024xf32, #tpu.memory_space<vmem>>, vector<16xf32>,
      %parallel_loop3A_347 = arith.constant 12 : i32
      %parallel_loop3A_348 = arith.constant 0 : i32
      %parallel_loop3A_349 = tpu.memref_slice %arg10[%parallel_loop3A_347, %parallel_loop3A_348] : memref<16x4096xf32, #tpu.memory_space<vmem>> -> memref<1x4096xf32, #tpu.memory_space<vmem>>
      %parallel_loop3A_350 = tpu.memref_squeeze %parallel_loop3A_349 : memref<1x4096xf32, #tpu.memory_space<vmem>> -> memref<4096xf32, #tpu.memory_space<vmem>>
      tpu.vector_store_idx %parallel_loop3A_350[%parallel_loop3A_246], %parallel_loop3A_346 {add = true} : memref<4096xf32, #tpu.memory_space<vmem>>[vector<16xi32>], vector<16xf32>,
      %parallel_loop3A_351 = arith.constant 13 : i32
      %parallel_loop3A_352 = arith.index_cast %parallel_loop3A_351 : i32 to index
      %parallel_loop3A_353 = arith.index_cast %parallel_loop3A_244 : i32 to index
      %parallel_loop3A_354 = tpu.vector_load %arg8[%parallel_loop3A_352, %parallel_loop3A_353] {strides = array<i32>} : memref<16x1024xf32, #tpu.memory_space<vmem>>, vector<16xf32>,
      %parallel_loop3A_355 = arith.constant 13 : i32
      %parallel_loop3A_356 = arith.constant 0 : i32
      %parallel_loop3A_357 = tpu.memref_slice %arg10[%parallel_loop3A_355, %parallel_loop3A_356] : memref<16x4096xf32, #tpu.memory_space<vmem>> -> memref<1x4096xf32, #tpu.memory_space<vmem>>
      %parallel_loop3A_358 = tpu.memref_squeeze %parallel_loop3A_357 : memref<1x4096xf32, #tpu.memory_space<vmem>> -> memref<4096xf32, #tpu.memory_space<vmem>>
      tpu.vector_store_idx %parallel_loop3A_358[%parallel_loop3A_246], %parallel_loop3A_354 {add = true} : memref<4096xf32, #tpu.memory_space<vmem>>[vector<16xi32>], vector<16xf32>,
      %parallel_loop3A_359 = arith.constant 14 : i32
      %parallel_loop3A_360 = arith.index_cast %parallel_loop3A_359 : i32 to index
      %parallel_loop3A_361 = arith.index_cast %parallel_loop3A_244 : i32 to index
      %parallel_loop3A_362 = tpu.vector_load %arg8[%parallel_loop3A_360, %parallel_loop3A_361] {strides = array<i32>} : memref<16x1024xf32, #tpu.memory_space<vmem>>, vector<16xf32>,
      %parallel_loop3A_363 = arith.constant 14 : i32
      %parallel_loop3A_364 = arith.constant 0 : i32
      %parallel_loop3A_365 = tpu.memref_slice %arg10[%parallel_loop3A_363, %parallel_loop3A_364] : memref<16x4096xf32, #tpu.memory_space<vmem>> -> memref<1x4096xf32, #tpu.memory_space<vmem>>
      %parallel_loop3A_366 = tpu.memref_squeeze %parallel_loop3A_365 : memref<1x4096xf32, #tpu.memory_space<vmem>> -> memref<4096xf32, #tpu.memory_space<vmem>>
      tpu.vector_store_idx %parallel_loop3A_366[%parallel_loop3A_246], %parallel_loop3A_362 {add = true} : memref<4096xf32, #tpu.memory_space<vmem>>[vector<16xi32>], vector<16xf32>,
      %parallel_loop3A_367 = arith.constant 15 : i32
      %parallel_loop3A_368 = arith.index_cast %parallel_loop3A_367 : i32 to index
      %parallel_loop3A_369 = arith.index_cast %parallel_loop3A_244 : i32 to index
      %parallel_loop3A_370 = tpu.vector_load %arg8[%parallel_loop3A_368, %parallel_loop3A_369] {strides = array<i32>} : memref<16x1024xf32, #tpu.memory_space<vmem>>, vector<16xf32>,
      %parallel_loop3A_371 = arith.constant 15 : i32
      %parallel_loop3A_372 = arith.constant 0 : i32
      %parallel_loop3A_373 = tpu.memref_slice %arg10[%parallel_loop3A_371, %parallel_loop3A_372] : memref<16x4096xf32, #tpu.memory_space<vmem>> -> memref<1x4096xf32, #tpu.memory_space<vmem>>
      %parallel_loop3A_374 = tpu.memref_squeeze %parallel_loop3A_373 : memref<1x4096xf32, #tpu.memory_space<vmem>> -> memref<4096xf32, #tpu.memory_space<vmem>>
      tpu.vector_store_idx %parallel_loop3A_374[%parallel_loop3A_246], %parallel_loop3A_370 {add = true} : memref<4096xf32, #tpu.memory_space<vmem>>[vector<16xi32>], vector<16xf32>,
    } {sc.loop_unroll_factor = 4 : i64, sc.parallel_access}
    %mul3A_176 = arith.constant 8192 : i32
    %mul3A_177 = arith.muli %add3A, %mul3A_176 : i32
    %add3A_178 = arith.constant 6144 : i32
    %add3A_179 = arith.addi %mul3A_177, %add3A_178 : i32
    %multiple_of3A_180 = tpu.assume_multiple %add3A_179, 1024 : i32
    %dma_start3A_181 = arith.constant 0 : i32
    %dma_start3A_182 = tpu.memref_slice %arg2[%dma_start3A_181, %multiple_of3A_180] : memref<2x262144xi32, #tpu.memory_space<hbm>> -> memref<1x1024xi32, #tpu.memory_space<hbm>>
    %dma_start3A_183 = tpu.memref_squeeze %dma_start3A_182 : memref<1x1024xi32, #tpu.memory_space<hbm>> -> memref<1024xi32, #tpu.memory_space<hbm>>
    %dma_start3A_184 = tpu.memref_slice %arg2[%dma_start3A_181, %multiple_of3A_180] : memref<2x262144xi32, #tpu.memory_space<hbm>> -> memref<1x1024xi32, #tpu.memory_space<hbm>>
    %dma_start3A_185 = tpu.memref_squeeze %dma_start3A_184 : memref<1x1024xi32, #tpu.memory_space<hbm>> -> memref<1024xi32, #tpu.memory_space<hbm>>
    tpu.enqueue_dma source(%dma_start3A_185 : memref<1024xi32, #tpu.memory_space<hbm>>) target(%arg6 : memref<1024xi32, #tpu.memory_space<vmem>>) target_semaphore(%arg13 : memref<!tpu.dma_semaphore, #tpu.memory_space<semaphore_mem>>)
    %dma_start3A_186 = arith.constant 0 : i32
    %dma_start3A_187 = tpu.memref_slice %arg3[%dma_start3A_186, %multiple_of3A_180] : memref<16x262144xf32, #tpu.memory_space<hbm>> -> memref<16x1024xf32, #tpu.memory_space<hbm>>
    %dma_start3A_188 = arith.constant 0 : i32
    %dma_start3A_189 = tpu.memref_slice %arg3[%dma_start3A_188, %multiple_of3A_180] : memref<16x262144xf32, #tpu.memory_space<hbm>> -> memref<16x1024xf32, #tpu.memory_space<hbm>>
    tpu.enqueue_dma source(%dma_start3A_189 : memref<16x1024xf32, #tpu.memory_space<hbm>>) target(%arg8 : memref<16x1024xf32, #tpu.memory_space<vmem>>) target_semaphore(%arg15 : memref<!tpu.dma_semaphore, #tpu.memory_space<semaphore_mem>>)
    %dma_wait3A_190 = arith.constant 0 : i32
    %dma_wait3A_191 = tpu.memref_slice %arg2[%dma_wait3A_190, %multiple_of3A_154] : memref<2x262144xi32, #tpu.memory_space<hbm>> -> memref<1x1024xi32, #tpu.memory_space<hbm>>
    %dma_wait3A_192 = tpu.memref_squeeze %dma_wait3A_191 : memref<1x1024xi32, #tpu.memory_space<hbm>> -> memref<1024xi32, #tpu.memory_space<hbm>>
    %dma_wait3A_193 = tpu.memref_slice %arg2[%dma_wait3A_190, %multiple_of3A_154] : memref<2x262144xi32, #tpu.memory_space<hbm>> -> memref<1x1024xi32, #tpu.memory_space<hbm>>
    %dma_wait3A_194 = tpu.memref_squeeze %dma_wait3A_193 : memref<1x1024xi32, #tpu.memory_space<hbm>> -> memref<1024xi32, #tpu.memory_space<hbm>>
    tpu.wait_dma2 semaphore(%arg14 : memref<!tpu.dma_semaphore, #tpu.memory_space<semaphore_mem>>) src(%dma_wait3A_194 : memref<1024xi32, #tpu.memory_space<hbm>>) dst(%arg7 : memref<1024xi32, #tpu.memory_space<vmem>>)
    %dma_wait3A_195 = arith.constant 0 : i32
    %dma_wait3A_196 = tpu.memref_slice %arg3[%dma_wait3A_195, %multiple_of3A_154] : memref<16x262144xf32, #tpu.memory_space<hbm>> -> memref<16x1024xf32, #tpu.memory_space<hbm>>
    %dma_wait3A_197 = arith.constant 0 : i32
    %dma_wait3A_198 = tpu.memref_slice %arg3[%dma_wait3A_197, %multiple_of3A_154] : memref<16x262144xf32, #tpu.memory_space<hbm>> -> memref<16x1024xf32, #tpu.memory_space<hbm>>
    tpu.wait_dma2 semaphore(%arg16 : memref<!tpu.dma_semaphore, #tpu.memory_space<semaphore_mem>>) src(%dma_wait3A_198 : memref<16x1024xf32, #tpu.memory_space<hbm>>) dst(%arg9 : memref<16x1024xf32, #tpu.memory_space<vmem>>)
    %parallel_loop3A_199 = arith.constant 0 : i32
    %parallel_loop3A_200 = arith.constant 64 : i32
    %parallel_loop3A_201 = arith.constant 1 : i32
    scf.for %parallel_loop3A_241 = %parallel_loop3A_199 to %parallel_loop3A_200 step %parallel_loop3A_201  : i32 {
      %parallel_loop3A_242 = arith.constant 16 : i32
      %parallel_loop3A_243 = arith.muli %parallel_loop3A_241, %parallel_loop3A_242 : i32
      %parallel_loop3A_244 = tpu.assume_multiple %parallel_loop3A_243, 16 : i32
      %parallel_loop3A_245 = arith.index_cast %parallel_loop3A_244 : i32 to index
      %parallel_loop3A_246 = tpu.vector_load %arg7[%parallel_loop3A_245] {strides = array<i32>} : memref<1024xi32, #tpu.memory_space<vmem>>, vector<16xi32>,
      %parallel_loop3A_247 = arith.constant 0 : i32
      %parallel_loop3A_248 = arith.index_cast %parallel_loop3A_247 : i32 to index
      %parallel_loop3A_249 = arith.index_cast %parallel_loop3A_244 : i32 to index
      %parallel_loop3A_250 = tpu.vector_load %arg9[%parallel_loop3A_248, %parallel_loop3A_249] {strides = array<i32>} : memref<16x1024xf32, #tpu.memory_space<vmem>>, vector<16xf32>,
      %parallel_loop3A_251 = arith.constant 0 : i32
      %parallel_loop3A_252 = arith.constant 0 : i32
      %parallel_loop3A_253 = tpu.memref_slice %arg10[%parallel_loop3A_251, %parallel_loop3A_252] : memref<16x4096xf32, #tpu.memory_space<vmem>> -> memref<1x4096xf32, #tpu.memory_space<vmem>>
      %parallel_loop3A_254 = tpu.memref_squeeze %parallel_loop3A_253 : memref<1x4096xf32, #tpu.memory_space<vmem>> -> memref<4096xf32, #tpu.memory_space<vmem>>
      tpu.vector_store_idx %parallel_loop3A_254[%parallel_loop3A_246], %parallel_loop3A_250 {add = true} : memref<4096xf32, #tpu.memory_space<vmem>>[vector<16xi32>], vector<16xf32>,
      %parallel_loop3A_255 = arith.constant 1 : i32
      %parallel_loop3A_256 = arith.index_cast %parallel_loop3A_255 : i32 to index
      %parallel_loop3A_257 = arith.index_cast %parallel_loop3A_244 : i32 to index
      %parallel_loop3A_258 = tpu.vector_load %arg9[%parallel_loop3A_256, %parallel_loop3A_257] {strides = array<i32>} : memref<16x1024xf32, #tpu.memory_space<vmem>>, vector<16xf32>,
      %parallel_loop3A_259 = arith.constant 1 : i32
      %parallel_loop3A_260 = arith.constant 0 : i32
      %parallel_loop3A_261 = tpu.memref_slice %arg10[%parallel_loop3A_259, %parallel_loop3A_260] : memref<16x4096xf32, #tpu.memory_space<vmem>> -> memref<1x4096xf32, #tpu.memory_space<vmem>>
      %parallel_loop3A_262 = tpu.memref_squeeze %parallel_loop3A_261 : memref<1x4096xf32, #tpu.memory_space<vmem>> -> memref<4096xf32, #tpu.memory_space<vmem>>
      tpu.vector_store_idx %parallel_loop3A_262[%parallel_loop3A_246], %parallel_loop3A_258 {add = true} : memref<4096xf32, #tpu.memory_space<vmem>>[vector<16xi32>], vector<16xf32>,
      %parallel_loop3A_263 = arith.constant 2 : i32
      %parallel_loop3A_264 = arith.index_cast %parallel_loop3A_263 : i32 to index
      %parallel_loop3A_265 = arith.index_cast %parallel_loop3A_244 : i32 to index
      %parallel_loop3A_266 = tpu.vector_load %arg9[%parallel_loop3A_264, %parallel_loop3A_265] {strides = array<i32>} : memref<16x1024xf32, #tpu.memory_space<vmem>>, vector<16xf32>,
      %parallel_loop3A_267 = arith.constant 2 : i32
      %parallel_loop3A_268 = arith.constant 0 : i32
      %parallel_loop3A_269 = tpu.memref_slice %arg10[%parallel_loop3A_267, %parallel_loop3A_268] : memref<16x4096xf32, #tpu.memory_space<vmem>> -> memref<1x4096xf32, #tpu.memory_space<vmem>>
      %parallel_loop3A_270 = tpu.memref_squeeze %parallel_loop3A_269 : memref<1x4096xf32, #tpu.memory_space<vmem>> -> memref<4096xf32, #tpu.memory_space<vmem>>
      tpu.vector_store_idx %parallel_loop3A_270[%parallel_loop3A_246], %parallel_loop3A_266 {add = true} : memref<4096xf32, #tpu.memory_space<vmem>>[vector<16xi32>], vector<16xf32>,
      %parallel_loop3A_271 = arith.constant 3 : i32
      %parallel_loop3A_272 = arith.index_cast %parallel_loop3A_271 : i32 to index
      %parallel_loop3A_273 = arith.index_cast %parallel_loop3A_244 : i32 to index
      %parallel_loop3A_274 = tpu.vector_load %arg9[%parallel_loop3A_272, %parallel_loop3A_273] {strides = array<i32>} : memref<16x1024xf32, #tpu.memory_space<vmem>>, vector<16xf32>,
      %parallel_loop3A_275 = arith.constant 3 : i32
      %parallel_loop3A_276 = arith.constant 0 : i32
      %parallel_loop3A_277 = tpu.memref_slice %arg10[%parallel_loop3A_275, %parallel_loop3A_276] : memref<16x4096xf32, #tpu.memory_space<vmem>> -> memref<1x4096xf32, #tpu.memory_space<vmem>>
      %parallel_loop3A_278 = tpu.memref_squeeze %parallel_loop3A_277 : memref<1x4096xf32, #tpu.memory_space<vmem>> -> memref<4096xf32, #tpu.memory_space<vmem>>
      tpu.vector_store_idx %parallel_loop3A_278[%parallel_loop3A_246], %parallel_loop3A_274 {add = true} : memref<4096xf32, #tpu.memory_space<vmem>>[vector<16xi32>], vector<16xf32>,
      %parallel_loop3A_279 = arith.constant 4 : i32
      %parallel_loop3A_280 = arith.index_cast %parallel_loop3A_279 : i32 to index
      %parallel_loop3A_281 = arith.index_cast %parallel_loop3A_244 : i32 to index
      %parallel_loop3A_282 = tpu.vector_load %arg9[%parallel_loop3A_280, %parallel_loop3A_281] {strides = array<i32>} : memref<16x1024xf32, #tpu.memory_space<vmem>>, vector<16xf32>,
      %parallel_loop3A_283 = arith.constant 4 : i32
      %parallel_loop3A_284 = arith.constant 0 : i32
      %parallel_loop3A_285 = tpu.memref_slice %arg10[%parallel_loop3A_283, %parallel_loop3A_284] : memref<16x4096xf32, #tpu.memory_space<vmem>> -> memref<1x4096xf32, #tpu.memory_space<vmem>>
      %parallel_loop3A_286 = tpu.memref_squeeze %parallel_loop3A_285 : memref<1x4096xf32, #tpu.memory_space<vmem>> -> memref<4096xf32, #tpu.memory_space<vmem>>
      tpu.vector_store_idx %parallel_loop3A_286[%parallel_loop3A_246], %parallel_loop3A_282 {add = true} : memref<4096xf32, #tpu.memory_space<vmem>>[vector<16xi32>], vector<16xf32>,
      %parallel_loop3A_287 = arith.constant 5 : i32
      %parallel_loop3A_288 = arith.index_cast %parallel_loop3A_287 : i32 to index
      %parallel_loop3A_289 = arith.index_cast %parallel_loop3A_244 : i32 to index
      %parallel_loop3A_290 = tpu.vector_load %arg9[%parallel_loop3A_288, %parallel_loop3A_289] {strides = array<i32>} : memref<16x1024xf32, #tpu.memory_space<vmem>>, vector<16xf32>,
      %parallel_loop3A_291 = arith.constant 5 : i32
      %parallel_loop3A_292 = arith.constant 0 : i32
      %parallel_loop3A_293 = tpu.memref_slice %arg10[%parallel_loop3A_291, %parallel_loop3A_292] : memref<16x4096xf32, #tpu.memory_space<vmem>> -> memref<1x4096xf32, #tpu.memory_space<vmem>>
      %parallel_loop3A_294 = tpu.memref_squeeze %parallel_loop3A_293 : memref<1x4096xf32, #tpu.memory_space<vmem>> -> memref<4096xf32, #tpu.memory_space<vmem>>
      tpu.vector_store_idx %parallel_loop3A_294[%parallel_loop3A_246], %parallel_loop3A_290 {add = true} : memref<4096xf32, #tpu.memory_space<vmem>>[vector<16xi32>], vector<16xf32>,
      %parallel_loop3A_295 = arith.constant 6 : i32
      %parallel_loop3A_296 = arith.index_cast %parallel_loop3A_295 : i32 to index
      %parallel_loop3A_297 = arith.index_cast %parallel_loop3A_244 : i32 to index
      %parallel_loop3A_298 = tpu.vector_load %arg9[%parallel_loop3A_296, %parallel_loop3A_297] {strides = array<i32>} : memref<16x1024xf32, #tpu.memory_space<vmem>>, vector<16xf32>,
      %parallel_loop3A_299 = arith.constant 6 : i32
      %parallel_loop3A_300 = arith.constant 0 : i32
      %parallel_loop3A_301 = tpu.memref_slice %arg10[%parallel_loop3A_299, %parallel_loop3A_300] : memref<16x4096xf32, #tpu.memory_space<vmem>> -> memref<1x4096xf32, #tpu.memory_space<vmem>>
      %parallel_loop3A_302 = tpu.memref_squeeze %parallel_loop3A_301 : memref<1x4096xf32, #tpu.memory_space<vmem>> -> memref<4096xf32, #tpu.memory_space<vmem>>
      tpu.vector_store_idx %parallel_loop3A_302[%parallel_loop3A_246], %parallel_loop3A_298 {add = true} : memref<4096xf32, #tpu.memory_space<vmem>>[vector<16xi32>], vector<16xf32>,
      %parallel_loop3A_303 = arith.constant 7 : i32
      %parallel_loop3A_304 = arith.index_cast %parallel_loop3A_303 : i32 to index
      %parallel_loop3A_305 = arith.index_cast %parallel_loop3A_244 : i32 to index
      %parallel_loop3A_306 = tpu.vector_load %arg9[%parallel_loop3A_304, %parallel_loop3A_305] {strides = array<i32>} : memref<16x1024xf32, #tpu.memory_space<vmem>>, vector<16xf32>,
      %parallel_loop3A_307 = arith.constant 7 : i32
      %parallel_loop3A_308 = arith.constant 0 : i32
      %parallel_loop3A_309 = tpu.memref_slice %arg10[%parallel_loop3A_307, %parallel_loop3A_308] : memref<16x4096xf32, #tpu.memory_space<vmem>> -> memref<1x4096xf32, #tpu.memory_space<vmem>>
      %parallel_loop3A_310 = tpu.memref_squeeze %parallel_loop3A_309 : memref<1x4096xf32, #tpu.memory_space<vmem>> -> memref<4096xf32, #tpu.memory_space<vmem>>
      tpu.vector_store_idx %parallel_loop3A_310[%parallel_loop3A_246], %parallel_loop3A_306 {add = true} : memref<4096xf32, #tpu.memory_space<vmem>>[vector<16xi32>], vector<16xf32>,
      %parallel_loop3A_311 = arith.constant 8 : i32
      %parallel_loop3A_312 = arith.index_cast %parallel_loop3A_311 : i32 to index
      %parallel_loop3A_313 = arith.index_cast %parallel_loop3A_244 : i32 to index
      %parallel_loop3A_314 = tpu.vector_load %arg9[%parallel_loop3A_312, %parallel_loop3A_313] {strides = array<i32>} : memref<16x1024xf32, #tpu.memory_space<vmem>>, vector<16xf32>,
      %parallel_loop3A_315 = arith.constant 8 : i32
      %parallel_loop3A_316 = arith.constant 0 : i32
      %parallel_loop3A_317 = tpu.memref_slice %arg10[%parallel_loop3A_315, %parallel_loop3A_316] : memref<16x4096xf32, #tpu.memory_space<vmem>> -> memref<1x4096xf32, #tpu.memory_space<vmem>>
      %parallel_loop3A_318 = tpu.memref_squeeze %parallel_loop3A_317 : memref<1x4096xf32, #tpu.memory_space<vmem>> -> memref<4096xf32, #tpu.memory_space<vmem>>
      tpu.vector_store_idx %parallel_loop3A_318[%parallel_loop3A_246], %parallel_loop3A_314 {add = true} : memref<4096xf32, #tpu.memory_space<vmem>>[vector<16xi32>], vector<16xf32>,
      %parallel_loop3A_319 = arith.constant 9 : i32
      %parallel_loop3A_320 = arith.index_cast %parallel_loop3A_319 : i32 to index
      %parallel_loop3A_321 = arith.index_cast %parallel_loop3A_244 : i32 to index
      %parallel_loop3A_322 = tpu.vector_load %arg9[%parallel_loop3A_320, %parallel_loop3A_321] {strides = array<i32>} : memref<16x1024xf32, #tpu.memory_space<vmem>>, vector<16xf32>,
      %parallel_loop3A_323 = arith.constant 9 : i32
      %parallel_loop3A_324 = arith.constant 0 : i32
      %parallel_loop3A_325 = tpu.memref_slice %arg10[%parallel_loop3A_323, %parallel_loop3A_324] : memref<16x4096xf32, #tpu.memory_space<vmem>> -> memref<1x4096xf32, #tpu.memory_space<vmem>>
      %parallel_loop3A_326 = tpu.memref_squeeze %parallel_loop3A_325 : memref<1x4096xf32, #tpu.memory_space<vmem>> -> memref<4096xf32, #tpu.memory_space<vmem>>
      tpu.vector_store_idx %parallel_loop3A_326[%parallel_loop3A_246], %parallel_loop3A_322 {add = true} : memref<4096xf32, #tpu.memory_space<vmem>>[vector<16xi32>], vector<16xf32>,
      %parallel_loop3A_327 = arith.constant 10 : i32
      %parallel_loop3A_328 = arith.index_cast %parallel_loop3A_327 : i32 to index
      %parallel_loop3A_329 = arith.index_cast %parallel_loop3A_244 : i32 to index
      %parallel_loop3A_330 = tpu.vector_load %arg9[%parallel_loop3A_328, %parallel_loop3A_329] {strides = array<i32>} : memref<16x1024xf32, #tpu.memory_space<vmem>>, vector<16xf32>,
      %parallel_loop3A_331 = arith.constant 10 : i32
      %parallel_loop3A_332 = arith.constant 0 : i32
      %parallel_loop3A_333 = tpu.memref_slice %arg10[%parallel_loop3A_331, %parallel_loop3A_332] : memref<16x4096xf32, #tpu.memory_space<vmem>> -> memref<1x4096xf32, #tpu.memory_space<vmem>>
      %parallel_loop3A_334 = tpu.memref_squeeze %parallel_loop3A_333 : memref<1x4096xf32, #tpu.memory_space<vmem>> -> memref<4096xf32, #tpu.memory_space<vmem>>
      tpu.vector_store_idx %parallel_loop3A_334[%parallel_loop3A_246], %parallel_loop3A_330 {add = true} : memref<4096xf32, #tpu.memory_space<vmem>>[vector<16xi32>], vector<16xf32>,
      %parallel_loop3A_335 = arith.constant 11 : i32
      %parallel_loop3A_336 = arith.index_cast %parallel_loop3A_335 : i32 to index
      %parallel_loop3A_337 = arith.index_cast %parallel_loop3A_244 : i32 to index
      %parallel_loop3A_338 = tpu.vector_load %arg9[%parallel_loop3A_336, %parallel_loop3A_337] {strides = array<i32>} : memref<16x1024xf32, #tpu.memory_space<vmem>>, vector<16xf32>,
      %parallel_loop3A_339 = arith.constant 11 : i32
      %parallel_loop3A_340 = arith.constant 0 : i32
      %parallel_loop3A_341 = tpu.memref_slice %arg10[%parallel_loop3A_339, %parallel_loop3A_340] : memref<16x4096xf32, #tpu.memory_space<vmem>> -> memref<1x4096xf32, #tpu.memory_space<vmem>>
      %parallel_loop3A_342 = tpu.memref_squeeze %parallel_loop3A_341 : memref<1x4096xf32, #tpu.memory_space<vmem>> -> memref<4096xf32, #tpu.memory_space<vmem>>
      tpu.vector_store_idx %parallel_loop3A_342[%parallel_loop3A_246], %parallel_loop3A_338 {add = true} : memref<4096xf32, #tpu.memory_space<vmem>>[vector<16xi32>], vector<16xf32>,
      %parallel_loop3A_343 = arith.constant 12 : i32
      %parallel_loop3A_344 = arith.index_cast %parallel_loop3A_343 : i32 to index
      %parallel_loop3A_345 = arith.index_cast %parallel_loop3A_244 : i32 to index
      %parallel_loop3A_346 = tpu.vector_load %arg9[%parallel_loop3A_344, %parallel_loop3A_345] {strides = array<i32>} : memref<16x1024xf32, #tpu.memory_space<vmem>>, vector<16xf32>,
      %parallel_loop3A_347 = arith.constant 12 : i32
      %parallel_loop3A_348 = arith.constant 0 : i32
      %parallel_loop3A_349 = tpu.memref_slice %arg10[%parallel_loop3A_347, %parallel_loop3A_348] : memref<16x4096xf32, #tpu.memory_space<vmem>> -> memref<1x4096xf32, #tpu.memory_space<vmem>>
      %parallel_loop3A_350 = tpu.memref_squeeze %parallel_loop3A_349 : memref<1x4096xf32, #tpu.memory_space<vmem>> -> memref<4096xf32, #tpu.memory_space<vmem>>
      tpu.vector_store_idx %parallel_loop3A_350[%parallel_loop3A_246], %parallel_loop3A_346 {add = true} : memref<4096xf32, #tpu.memory_space<vmem>>[vector<16xi32>], vector<16xf32>,
      %parallel_loop3A_351 = arith.constant 13 : i32
      %parallel_loop3A_352 = arith.index_cast %parallel_loop3A_351 : i32 to index
      %parallel_loop3A_353 = arith.index_cast %parallel_loop3A_244 : i32 to index
      %parallel_loop3A_354 = tpu.vector_load %arg9[%parallel_loop3A_352, %parallel_loop3A_353] {strides = array<i32>} : memref<16x1024xf32, #tpu.memory_space<vmem>>, vector<16xf32>,
      %parallel_loop3A_355 = arith.constant 13 : i32
      %parallel_loop3A_356 = arith.constant 0 : i32
      %parallel_loop3A_357 = tpu.memref_slice %arg10[%parallel_loop3A_355, %parallel_loop3A_356] : memref<16x4096xf32, #tpu.memory_space<vmem>> -> memref<1x4096xf32, #tpu.memory_space<vmem>>
      %parallel_loop3A_358 = tpu.memref_squeeze %parallel_loop3A_357 : memref<1x4096xf32, #tpu.memory_space<vmem>> -> memref<4096xf32, #tpu.memory_space<vmem>>
      tpu.vector_store_idx %parallel_loop3A_358[%parallel_loop3A_246], %parallel_loop3A_354 {add = true} : memref<4096xf32, #tpu.memory_space<vmem>>[vector<16xi32>], vector<16xf32>,
      %parallel_loop3A_359 = arith.constant 14 : i32
      %parallel_loop3A_360 = arith.index_cast %parallel_loop3A_359 : i32 to index
      %parallel_loop3A_361 = arith.index_cast %parallel_loop3A_244 : i32 to index
      %parallel_loop3A_362 = tpu.vector_load %arg9[%parallel_loop3A_360, %parallel_loop3A_361] {strides = array<i32>} : memref<16x1024xf32, #tpu.memory_space<vmem>>, vector<16xf32>,
      %parallel_loop3A_363 = arith.constant 14 : i32
      %parallel_loop3A_364 = arith.constant 0 : i32
      %parallel_loop3A_365 = tpu.memref_slice %arg10[%parallel_loop3A_363, %parallel_loop3A_364] : memref<16x4096xf32, #tpu.memory_space<vmem>> -> memref<1x4096xf32, #tpu.memory_space<vmem>>
      %parallel_loop3A_366 = tpu.memref_squeeze %parallel_loop3A_365 : memref<1x4096xf32, #tpu.memory_space<vmem>> -> memref<4096xf32, #tpu.memory_space<vmem>>
      tpu.vector_store_idx %parallel_loop3A_366[%parallel_loop3A_246], %parallel_loop3A_362 {add = true} : memref<4096xf32, #tpu.memory_space<vmem>>[vector<16xi32>], vector<16xf32>,
      %parallel_loop3A_367 = arith.constant 15 : i32
      %parallel_loop3A_368 = arith.index_cast %parallel_loop3A_367 : i32 to index
      %parallel_loop3A_369 = arith.index_cast %parallel_loop3A_244 : i32 to index
      %parallel_loop3A_370 = tpu.vector_load %arg9[%parallel_loop3A_368, %parallel_loop3A_369] {strides = array<i32>} : memref<16x1024xf32, #tpu.memory_space<vmem>>, vector<16xf32>,
      %parallel_loop3A_371 = arith.constant 15 : i32
      %parallel_loop3A_372 = arith.constant 0 : i32
      %parallel_loop3A_373 = tpu.memref_slice %arg10[%parallel_loop3A_371, %parallel_loop3A_372] : memref<16x4096xf32, #tpu.memory_space<vmem>> -> memref<1x4096xf32, #tpu.memory_space<vmem>>
      %parallel_loop3A_374 = tpu.memref_squeeze %parallel_loop3A_373 : memref<1x4096xf32, #tpu.memory_space<vmem>> -> memref<4096xf32, #tpu.memory_space<vmem>>
      tpu.vector_store_idx %parallel_loop3A_374[%parallel_loop3A_246], %parallel_loop3A_370 {add = true} : memref<4096xf32, #tpu.memory_space<vmem>>[vector<16xi32>], vector<16xf32>,
    } {sc.loop_unroll_factor = 4 : i64, sc.parallel_access}
    %mul3A_202 = arith.constant 8192 : i32
    %mul3A_203 = arith.muli %add3A, %mul3A_202 : i32
    %add3A_204 = arith.constant 7168 : i32
    %add3A_205 = arith.addi %mul3A_203, %add3A_204 : i32
    %multiple_of3A_206 = tpu.assume_multiple %add3A_205, 1024 : i32
    %dma_start3A_207 = arith.constant 0 : i32
    %dma_start3A_208 = tpu.memref_slice %arg2[%dma_start3A_207, %multiple_of3A_206] : memref<2x262144xi32, #tpu.memory_space<hbm>> -> memref<1x1024xi32, #tpu.memory_space<hbm>>
    %dma_start3A_209 = tpu.memref_squeeze %dma_start3A_208 : memref<1x1024xi32, #tpu.memory_space<hbm>> -> memref<1024xi32, #tpu.memory_space<hbm>>
    %dma_start3A_210 = tpu.memref_slice %arg2[%dma_start3A_207, %multiple_of3A_206] : memref<2x262144xi32, #tpu.memory_space<hbm>> -> memref<1x1024xi32, #tpu.memory_space<hbm>>
    %dma_start3A_211 = tpu.memref_squeeze %dma_start3A_210 : memref<1x1024xi32, #tpu.memory_space<hbm>> -> memref<1024xi32, #tpu.memory_space<hbm>>
    tpu.enqueue_dma source(%dma_start3A_211 : memref<1024xi32, #tpu.memory_space<hbm>>) target(%arg7 : memref<1024xi32, #tpu.memory_space<vmem>>) target_semaphore(%arg14 : memref<!tpu.dma_semaphore, #tpu.memory_space<semaphore_mem>>)
    %dma_start3A_212 = arith.constant 0 : i32
    %dma_start3A_213 = tpu.memref_slice %arg3[%dma_start3A_212, %multiple_of3A_206] : memref<16x262144xf32, #tpu.memory_space<hbm>> -> memref<16x1024xf32, #tpu.memory_space<hbm>>
    %dma_start3A_214 = arith.constant 0 : i32
    %dma_start3A_215 = tpu.memref_slice %arg3[%dma_start3A_214, %multiple_of3A_206] : memref<16x262144xf32, #tpu.memory_space<hbm>> -> memref<16x1024xf32, #tpu.memory_space<hbm>>
    tpu.enqueue_dma source(%dma_start3A_215 : memref<16x1024xf32, #tpu.memory_space<hbm>>) target(%arg9 : memref<16x1024xf32, #tpu.memory_space<vmem>>) target_semaphore(%arg16 : memref<!tpu.dma_semaphore, #tpu.memory_space<semaphore_mem>>)
    %dma_wait3A_216 = arith.constant 0 : i32
    %dma_wait3A_217 = tpu.memref_slice %arg2[%dma_wait3A_216, %multiple_of3A_180] : memref<2x262144xi32, #tpu.memory_space<hbm>> -> memref<1x1024xi32, #tpu.memory_space<hbm>>
    %dma_wait3A_218 = tpu.memref_squeeze %dma_wait3A_217 : memref<1x1024xi32, #tpu.memory_space<hbm>> -> memref<1024xi32, #tpu.memory_space<hbm>>
    %dma_wait3A_219 = tpu.memref_slice %arg2[%dma_wait3A_216, %multiple_of3A_180] : memref<2x262144xi32, #tpu.memory_space<hbm>> -> memref<1x1024xi32, #tpu.memory_space<hbm>>
    %dma_wait3A_220 = tpu.memref_squeeze %dma_wait3A_219 : memref<1x1024xi32, #tpu.memory_space<hbm>> -> memref<1024xi32, #tpu.memory_space<hbm>>
    tpu.wait_dma2 semaphore(%arg13 : memref<!tpu.dma_semaphore, #tpu.memory_space<semaphore_mem>>) src(%dma_wait3A_220 : memref<1024xi32, #tpu.memory_space<hbm>>) dst(%arg6 : memref<1024xi32, #tpu.memory_space<vmem>>)
    %dma_wait3A_221 = arith.constant 0 : i32
    %dma_wait3A_222 = tpu.memref_slice %arg3[%dma_wait3A_221, %multiple_of3A_180] : memref<16x262144xf32, #tpu.memory_space<hbm>> -> memref<16x1024xf32, #tpu.memory_space<hbm>>
    %dma_wait3A_223 = arith.constant 0 : i32
    %dma_wait3A_224 = tpu.memref_slice %arg3[%dma_wait3A_223, %multiple_of3A_180] : memref<16x262144xf32, #tpu.memory_space<hbm>> -> memref<16x1024xf32, #tpu.memory_space<hbm>>
    tpu.wait_dma2 semaphore(%arg15 : memref<!tpu.dma_semaphore, #tpu.memory_space<semaphore_mem>>) src(%dma_wait3A_224 : memref<16x1024xf32, #tpu.memory_space<hbm>>) dst(%arg8 : memref<16x1024xf32, #tpu.memory_space<vmem>>)
    %parallel_loop3A_225 = arith.constant 0 : i32
    %parallel_loop3A_226 = arith.constant 64 : i32
    %parallel_loop3A_227 = arith.constant 1 : i32
    scf.for %parallel_loop3A_241 = %parallel_loop3A_225 to %parallel_loop3A_226 step %parallel_loop3A_227  : i32 {
      %parallel_loop3A_242 = arith.constant 16 : i32
      %parallel_loop3A_243 = arith.muli %parallel_loop3A_241, %parallel_loop3A_242 : i32
      %parallel_loop3A_244 = tpu.assume_multiple %parallel_loop3A_243, 16 : i32
      %parallel_loop3A_245 = arith.index_cast %parallel_loop3A_244 : i32 to index
      %parallel_loop3A_246 = tpu.vector_load %arg6[%parallel_loop3A_245] {strides = array<i32>} : memref<1024xi32, #tpu.memory_space<vmem>>, vector<16xi32>,
      %parallel_loop3A_247 = arith.constant 0 : i32
      %parallel_loop3A_248 = arith.index_cast %parallel_loop3A_247 : i32 to index
      %parallel_loop3A_249 = arith.index_cast %parallel_loop3A_244 : i32 to index
      %parallel_loop3A_250 = tpu.vector_load %arg8[%parallel_loop3A_248, %parallel_loop3A_249] {strides = array<i32>} : memref<16x1024xf32, #tpu.memory_space<vmem>>, vector<16xf32>,
      %parallel_loop3A_251 = arith.constant 0 : i32
      %parallel_loop3A_252 = arith.constant 0 : i32
      %parallel_loop3A_253 = tpu.memref_slice %arg10[%parallel_loop3A_251, %parallel_loop3A_252] : memref<16x4096xf32, #tpu.memory_space<vmem>> -> memref<1x4096xf32, #tpu.memory_space<vmem>>
      %parallel_loop3A_254 = tpu.memref_squeeze %parallel_loop3A_253 : memref<1x4096xf32, #tpu.memory_space<vmem>> -> memref<4096xf32, #tpu.memory_space<vmem>>
      tpu.vector_store_idx %parallel_loop3A_254[%parallel_loop3A_246], %parallel_loop3A_250 {add = true} : memref<4096xf32, #tpu.memory_space<vmem>>[vector<16xi32>], vector<16xf32>,
      %parallel_loop3A_255 = arith.constant 1 : i32
      %parallel_loop3A_256 = arith.index_cast %parallel_loop3A_255 : i32 to index
      %parallel_loop3A_257 = arith.index_cast %parallel_loop3A_244 : i32 to index
      %parallel_loop3A_258 = tpu.vector_load %arg8[%parallel_loop3A_256, %parallel_loop3A_257] {strides = array<i32>} : memref<16x1024xf32, #tpu.memory_space<vmem>>, vector<16xf32>,
      %parallel_loop3A_259 = arith.constant 1 : i32
      %parallel_loop3A_260 = arith.constant 0 : i32
      %parallel_loop3A_261 = tpu.memref_slice %arg10[%parallel_loop3A_259, %parallel_loop3A_260] : memref<16x4096xf32, #tpu.memory_space<vmem>> -> memref<1x4096xf32, #tpu.memory_space<vmem>>
      %parallel_loop3A_262 = tpu.memref_squeeze %parallel_loop3A_261 : memref<1x4096xf32, #tpu.memory_space<vmem>> -> memref<4096xf32, #tpu.memory_space<vmem>>
      tpu.vector_store_idx %parallel_loop3A_262[%parallel_loop3A_246], %parallel_loop3A_258 {add = true} : memref<4096xf32, #tpu.memory_space<vmem>>[vector<16xi32>], vector<16xf32>,
      %parallel_loop3A_263 = arith.constant 2 : i32
      %parallel_loop3A_264 = arith.index_cast %parallel_loop3A_263 : i32 to index
      %parallel_loop3A_265 = arith.index_cast %parallel_loop3A_244 : i32 to index
      %parallel_loop3A_266 = tpu.vector_load %arg8[%parallel_loop3A_264, %parallel_loop3A_265] {strides = array<i32>} : memref<16x1024xf32, #tpu.memory_space<vmem>>, vector<16xf32>,
      %parallel_loop3A_267 = arith.constant 2 : i32
      %parallel_loop3A_268 = arith.constant 0 : i32
      %parallel_loop3A_269 = tpu.memref_slice %arg10[%parallel_loop3A_267, %parallel_loop3A_268] : memref<16x4096xf32, #tpu.memory_space<vmem>> -> memref<1x4096xf32, #tpu.memory_space<vmem>>
      %parallel_loop3A_270 = tpu.memref_squeeze %parallel_loop3A_269 : memref<1x4096xf32, #tpu.memory_space<vmem>> -> memref<4096xf32, #tpu.memory_space<vmem>>
      tpu.vector_store_idx %parallel_loop3A_270[%parallel_loop3A_246], %parallel_loop3A_266 {add = true} : memref<4096xf32, #tpu.memory_space<vmem>>[vector<16xi32>], vector<16xf32>,
      %parallel_loop3A_271 = arith.constant 3 : i32
      %parallel_loop3A_272 = arith.index_cast %parallel_loop3A_271 : i32 to index
      %parallel_loop3A_273 = arith.index_cast %parallel_loop3A_244 : i32 to index
      %parallel_loop3A_274 = tpu.vector_load %arg8[%parallel_loop3A_272, %parallel_loop3A_273] {strides = array<i32>} : memref<16x1024xf32, #tpu.memory_space<vmem>>, vector<16xf32>,
      %parallel_loop3A_275 = arith.constant 3 : i32
      %parallel_loop3A_276 = arith.constant 0 : i32
      %parallel_loop3A_277 = tpu.memref_slice %arg10[%parallel_loop3A_275, %parallel_loop3A_276] : memref<16x4096xf32, #tpu.memory_space<vmem>> -> memref<1x4096xf32, #tpu.memory_space<vmem>>
      %parallel_loop3A_278 = tpu.memref_squeeze %parallel_loop3A_277 : memref<1x4096xf32, #tpu.memory_space<vmem>> -> memref<4096xf32, #tpu.memory_space<vmem>>
      tpu.vector_store_idx %parallel_loop3A_278[%parallel_loop3A_246], %parallel_loop3A_274 {add = true} : memref<4096xf32, #tpu.memory_space<vmem>>[vector<16xi32>], vector<16xf32>,
      %parallel_loop3A_279 = arith.constant 4 : i32
      %parallel_loop3A_280 = arith.index_cast %parallel_loop3A_279 : i32 to index
      %parallel_loop3A_281 = arith.index_cast %parallel_loop3A_244 : i32 to index
      %parallel_loop3A_282 = tpu.vector_load %arg8[%parallel_loop3A_280, %parallel_loop3A_281] {strides = array<i32>} : memref<16x1024xf32, #tpu.memory_space<vmem>>, vector<16xf32>,
      %parallel_loop3A_283 = arith.constant 4 : i32
      %parallel_loop3A_284 = arith.constant 0 : i32
      %parallel_loop3A_285 = tpu.memref_slice %arg10[%parallel_loop3A_283, %parallel_loop3A_284] : memref<16x4096xf32, #tpu.memory_space<vmem>> -> memref<1x4096xf32, #tpu.memory_space<vmem>>
      %parallel_loop3A_286 = tpu.memref_squeeze %parallel_loop3A_285 : memref<1x4096xf32, #tpu.memory_space<vmem>> -> memref<4096xf32, #tpu.memory_space<vmem>>
      tpu.vector_store_idx %parallel_loop3A_286[%parallel_loop3A_246], %parallel_loop3A_282 {add = true} : memref<4096xf32, #tpu.memory_space<vmem>>[vector<16xi32>], vector<16xf32>,
      %parallel_loop3A_287 = arith.constant 5 : i32
      %parallel_loop3A_288 = arith.index_cast %parallel_loop3A_287 : i32 to index
      %parallel_loop3A_289 = arith.index_cast %parallel_loop3A_244 : i32 to index
      %parallel_loop3A_290 = tpu.vector_load %arg8[%parallel_loop3A_288, %parallel_loop3A_289] {strides = array<i32>} : memref<16x1024xf32, #tpu.memory_space<vmem>>, vector<16xf32>,
      %parallel_loop3A_291 = arith.constant 5 : i32
      %parallel_loop3A_292 = arith.constant 0 : i32
      %parallel_loop3A_293 = tpu.memref_slice %arg10[%parallel_loop3A_291, %parallel_loop3A_292] : memref<16x4096xf32, #tpu.memory_space<vmem>> -> memref<1x4096xf32, #tpu.memory_space<vmem>>
      %parallel_loop3A_294 = tpu.memref_squeeze %parallel_loop3A_293 : memref<1x4096xf32, #tpu.memory_space<vmem>> -> memref<4096xf32, #tpu.memory_space<vmem>>
      tpu.vector_store_idx %parallel_loop3A_294[%parallel_loop3A_246], %parallel_loop3A_290 {add = true} : memref<4096xf32, #tpu.memory_space<vmem>>[vector<16xi32>], vector<16xf32>,
      %parallel_loop3A_295 = arith.constant 6 : i32
      %parallel_loop3A_296 = arith.index_cast %parallel_loop3A_295 : i32 to index
      %parallel_loop3A_297 = arith.index_cast %parallel_loop3A_244 : i32 to index
      %parallel_loop3A_298 = tpu.vector_load %arg8[%parallel_loop3A_296, %parallel_loop3A_297] {strides = array<i32>} : memref<16x1024xf32, #tpu.memory_space<vmem>>, vector<16xf32>,
      %parallel_loop3A_299 = arith.constant 6 : i32
      %parallel_loop3A_300 = arith.constant 0 : i32
      %parallel_loop3A_301 = tpu.memref_slice %arg10[%parallel_loop3A_299, %parallel_loop3A_300] : memref<16x4096xf32, #tpu.memory_space<vmem>> -> memref<1x4096xf32, #tpu.memory_space<vmem>>
      %parallel_loop3A_302 = tpu.memref_squeeze %parallel_loop3A_301 : memref<1x4096xf32, #tpu.memory_space<vmem>> -> memref<4096xf32, #tpu.memory_space<vmem>>
      tpu.vector_store_idx %parallel_loop3A_302[%parallel_loop3A_246], %parallel_loop3A_298 {add = true} : memref<4096xf32, #tpu.memory_space<vmem>>[vector<16xi32>], vector<16xf32>,
      %parallel_loop3A_303 = arith.constant 7 : i32
      %parallel_loop3A_304 = arith.index_cast %parallel_loop3A_303 : i32 to index
      %parallel_loop3A_305 = arith.index_cast %parallel_loop3A_244 : i32 to index
      %parallel_loop3A_306 = tpu.vector_load %arg8[%parallel_loop3A_304, %parallel_loop3A_305] {strides = array<i32>} : memref<16x1024xf32, #tpu.memory_space<vmem>>, vector<16xf32>,
      %parallel_loop3A_307 = arith.constant 7 : i32
      %parallel_loop3A_308 = arith.constant 0 : i32
      %parallel_loop3A_309 = tpu.memref_slice %arg10[%parallel_loop3A_307, %parallel_loop3A_308] : memref<16x4096xf32, #tpu.memory_space<vmem>> -> memref<1x4096xf32, #tpu.memory_space<vmem>>
      %parallel_loop3A_310 = tpu.memref_squeeze %parallel_loop3A_309 : memref<1x4096xf32, #tpu.memory_space<vmem>> -> memref<4096xf32, #tpu.memory_space<vmem>>
      tpu.vector_store_idx %parallel_loop3A_310[%parallel_loop3A_246], %parallel_loop3A_306 {add = true} : memref<4096xf32, #tpu.memory_space<vmem>>[vector<16xi32>], vector<16xf32>,
      %parallel_loop3A_311 = arith.constant 8 : i32
      %parallel_loop3A_312 = arith.index_cast %parallel_loop3A_311 : i32 to index
      %parallel_loop3A_313 = arith.index_cast %parallel_loop3A_244 : i32 to index
      %parallel_loop3A_314 = tpu.vector_load %arg8[%parallel_loop3A_312, %parallel_loop3A_313] {strides = array<i32>} : memref<16x1024xf32, #tpu.memory_space<vmem>>, vector<16xf32>,
      %parallel_loop3A_315 = arith.constant 8 : i32
      %parallel_loop3A_316 = arith.constant 0 : i32
      %parallel_loop3A_317 = tpu.memref_slice %arg10[%parallel_loop3A_315, %parallel_loop3A_316] : memref<16x4096xf32, #tpu.memory_space<vmem>> -> memref<1x4096xf32, #tpu.memory_space<vmem>>
      %parallel_loop3A_318 = tpu.memref_squeeze %parallel_loop3A_317 : memref<1x4096xf32, #tpu.memory_space<vmem>> -> memref<4096xf32, #tpu.memory_space<vmem>>
      tpu.vector_store_idx %parallel_loop3A_318[%parallel_loop3A_246], %parallel_loop3A_314 {add = true} : memref<4096xf32, #tpu.memory_space<vmem>>[vector<16xi32>], vector<16xf32>,
      %parallel_loop3A_319 = arith.constant 9 : i32
      %parallel_loop3A_320 = arith.index_cast %parallel_loop3A_319 : i32 to index
      %parallel_loop3A_321 = arith.index_cast %parallel_loop3A_244 : i32 to index
      %parallel_loop3A_322 = tpu.vector_load %arg8[%parallel_loop3A_320, %parallel_loop3A_321] {strides = array<i32>} : memref<16x1024xf32, #tpu.memory_space<vmem>>, vector<16xf32>,
      %parallel_loop3A_323 = arith.constant 9 : i32
      %parallel_loop3A_324 = arith.constant 0 : i32
      %parallel_loop3A_325 = tpu.memref_slice %arg10[%parallel_loop3A_323, %parallel_loop3A_324] : memref<16x4096xf32, #tpu.memory_space<vmem>> -> memref<1x4096xf32, #tpu.memory_space<vmem>>
      %parallel_loop3A_326 = tpu.memref_squeeze %parallel_loop3A_325 : memref<1x4096xf32, #tpu.memory_space<vmem>> -> memref<4096xf32, #tpu.memory_space<vmem>>
      tpu.vector_store_idx %parallel_loop3A_326[%parallel_loop3A_246], %parallel_loop3A_322 {add = true} : memref<4096xf32, #tpu.memory_space<vmem>>[vector<16xi32>], vector<16xf32>,
      %parallel_loop3A_327 = arith.constant 10 : i32
      %parallel_loop3A_328 = arith.index_cast %parallel_loop3A_327 : i32 to index
      %parallel_loop3A_329 = arith.index_cast %parallel_loop3A_244 : i32 to index
      %parallel_loop3A_330 = tpu.vector_load %arg8[%parallel_loop3A_328, %parallel_loop3A_329] {strides = array<i32>} : memref<16x1024xf32, #tpu.memory_space<vmem>>, vector<16xf32>,
      %parallel_loop3A_331 = arith.constant 10 : i32
      %parallel_loop3A_332 = arith.constant 0 : i32
      %parallel_loop3A_333 = tpu.memref_slice %arg10[%parallel_loop3A_331, %parallel_loop3A_332] : memref<16x4096xf32, #tpu.memory_space<vmem>> -> memref<1x4096xf32, #tpu.memory_space<vmem>>
      %parallel_loop3A_334 = tpu.memref_squeeze %parallel_loop3A_333 : memref<1x4096xf32, #tpu.memory_space<vmem>> -> memref<4096xf32, #tpu.memory_space<vmem>>
      tpu.vector_store_idx %parallel_loop3A_334[%parallel_loop3A_246], %parallel_loop3A_330 {add = true} : memref<4096xf32, #tpu.memory_space<vmem>>[vector<16xi32>], vector<16xf32>,
      %parallel_loop3A_335 = arith.constant 11 : i32
      %parallel_loop3A_336 = arith.index_cast %parallel_loop3A_335 : i32 to index
      %parallel_loop3A_337 = arith.index_cast %parallel_loop3A_244 : i32 to index
      %parallel_loop3A_338 = tpu.vector_load %arg8[%parallel_loop3A_336, %parallel_loop3A_337] {strides = array<i32>} : memref<16x1024xf32, #tpu.memory_space<vmem>>, vector<16xf32>,
      %parallel_loop3A_339 = arith.constant 11 : i32
      %parallel_loop3A_340 = arith.constant 0 : i32
      %parallel_loop3A_341 = tpu.memref_slice %arg10[%parallel_loop3A_339, %parallel_loop3A_340] : memref<16x4096xf32, #tpu.memory_space<vmem>> -> memref<1x4096xf32, #tpu.memory_space<vmem>>
      %parallel_loop3A_342 = tpu.memref_squeeze %parallel_loop3A_341 : memref<1x4096xf32, #tpu.memory_space<vmem>> -> memref<4096xf32, #tpu.memory_space<vmem>>
      tpu.vector_store_idx %parallel_loop3A_342[%parallel_loop3A_246], %parallel_loop3A_338 {add = true} : memref<4096xf32, #tpu.memory_space<vmem>>[vector<16xi32>], vector<16xf32>,
      %parallel_loop3A_343 = arith.constant 12 : i32
      %parallel_loop3A_344 = arith.index_cast %parallel_loop3A_343 : i32 to index
      %parallel_loop3A_345 = arith.index_cast %parallel_loop3A_244 : i32 to index
      %parallel_loop3A_346 = tpu.vector_load %arg8[%parallel_loop3A_344, %parallel_loop3A_345] {strides = array<i32>} : memref<16x1024xf32, #tpu.memory_space<vmem>>, vector<16xf32>,
      %parallel_loop3A_347 = arith.constant 12 : i32
      %parallel_loop3A_348 = arith.constant 0 : i32
      %parallel_loop3A_349 = tpu.memref_slice %arg10[%parallel_loop3A_347, %parallel_loop3A_348] : memref<16x4096xf32, #tpu.memory_space<vmem>> -> memref<1x4096xf32, #tpu.memory_space<vmem>>
      %parallel_loop3A_350 = tpu.memref_squeeze %parallel_loop3A_349 : memref<1x4096xf32, #tpu.memory_space<vmem>> -> memref<4096xf32, #tpu.memory_space<vmem>>
      tpu.vector_store_idx %parallel_loop3A_350[%parallel_loop3A_246], %parallel_loop3A_346 {add = true} : memref<4096xf32, #tpu.memory_space<vmem>>[vector<16xi32>], vector<16xf32>,
      %parallel_loop3A_351 = arith.constant 13 : i32
      %parallel_loop3A_352 = arith.index_cast %parallel_loop3A_351 : i32 to index
      %parallel_loop3A_353 = arith.index_cast %parallel_loop3A_244 : i32 to index
      %parallel_loop3A_354 = tpu.vector_load %arg8[%parallel_loop3A_352, %parallel_loop3A_353] {strides = array<i32>} : memref<16x1024xf32, #tpu.memory_space<vmem>>, vector<16xf32>,
      %parallel_loop3A_355 = arith.constant 13 : i32
      %parallel_loop3A_356 = arith.constant 0 : i32
      %parallel_loop3A_357 = tpu.memref_slice %arg10[%parallel_loop3A_355, %parallel_loop3A_356] : memref<16x4096xf32, #tpu.memory_space<vmem>> -> memref<1x4096xf32, #tpu.memory_space<vmem>>
      %parallel_loop3A_358 = tpu.memref_squeeze %parallel_loop3A_357 : memref<1x4096xf32, #tpu.memory_space<vmem>> -> memref<4096xf32, #tpu.memory_space<vmem>>
      tpu.vector_store_idx %parallel_loop3A_358[%parallel_loop3A_246], %parallel_loop3A_354 {add = true} : memref<4096xf32, #tpu.memory_space<vmem>>[vector<16xi32>], vector<16xf32>,
      %parallel_loop3A_359 = arith.constant 14 : i32
      %parallel_loop3A_360 = arith.index_cast %parallel_loop3A_359 : i32 to index
      %parallel_loop3A_361 = arith.index_cast %parallel_loop3A_244 : i32 to index
      %parallel_loop3A_362 = tpu.vector_load %arg8[%parallel_loop3A_360, %parallel_loop3A_361] {strides = array<i32>} : memref<16x1024xf32, #tpu.memory_space<vmem>>, vector<16xf32>,
      %parallel_loop3A_363 = arith.constant 14 : i32
      %parallel_loop3A_364 = arith.constant 0 : i32
      %parallel_loop3A_365 = tpu.memref_slice %arg10[%parallel_loop3A_363, %parallel_loop3A_364] : memref<16x4096xf32, #tpu.memory_space<vmem>> -> memref<1x4096xf32, #tpu.memory_space<vmem>>
      %parallel_loop3A_366 = tpu.memref_squeeze %parallel_loop3A_365 : memref<1x4096xf32, #tpu.memory_space<vmem>> -> memref<4096xf32, #tpu.memory_space<vmem>>
      tpu.vector_store_idx %parallel_loop3A_366[%parallel_loop3A_246], %parallel_loop3A_362 {add = true} : memref<4096xf32, #tpu.memory_space<vmem>>[vector<16xi32>], vector<16xf32>,
      %parallel_loop3A_367 = arith.constant 15 : i32
      %parallel_loop3A_368 = arith.index_cast %parallel_loop3A_367 : i32 to index
      %parallel_loop3A_369 = arith.index_cast %parallel_loop3A_244 : i32 to index
      %parallel_loop3A_370 = tpu.vector_load %arg8[%parallel_loop3A_368, %parallel_loop3A_369] {strides = array<i32>} : memref<16x1024xf32, #tpu.memory_space<vmem>>, vector<16xf32>,
      %parallel_loop3A_371 = arith.constant 15 : i32
      %parallel_loop3A_372 = arith.constant 0 : i32
      %parallel_loop3A_373 = tpu.memref_slice %arg10[%parallel_loop3A_371, %parallel_loop3A_372] : memref<16x4096xf32, #tpu.memory_space<vmem>> -> memref<1x4096xf32, #tpu.memory_space<vmem>>
      %parallel_loop3A_374 = tpu.memref_squeeze %parallel_loop3A_373 : memref<1x4096xf32, #tpu.memory_space<vmem>> -> memref<4096xf32, #tpu.memory_space<vmem>>
      tpu.vector_store_idx %parallel_loop3A_374[%parallel_loop3A_246], %parallel_loop3A_370 {add = true} : memref<4096xf32, #tpu.memory_space<vmem>>[vector<16xi32>], vector<16xf32>,
    } {sc.loop_unroll_factor = 4 : i64, sc.parallel_access}
    %dma_wait3A_228 = arith.constant 0 : i32
    %dma_wait3A_229 = tpu.memref_slice %arg2[%dma_wait3A_228, %multiple_of3A_206] : memref<2x262144xi32, #tpu.memory_space<hbm>> -> memref<1x1024xi32, #tpu.memory_space<hbm>>
    %dma_wait3A_230 = tpu.memref_squeeze %dma_wait3A_229 : memref<1x1024xi32, #tpu.memory_space<hbm>> -> memref<1024xi32, #tpu.memory_space<hbm>>
    %dma_wait3A_231 = tpu.memref_slice %arg2[%dma_wait3A_228, %multiple_of3A_206] : memref<2x262144xi32, #tpu.memory_space<hbm>> -> memref<1x1024xi32, #tpu.memory_space<hbm>>
    %dma_wait3A_232 = tpu.memref_squeeze %dma_wait3A_231 : memref<1x1024xi32, #tpu.memory_space<hbm>> -> memref<1024xi32, #tpu.memory_space<hbm>>
    tpu.wait_dma2 semaphore(%arg14 : memref<!tpu.dma_semaphore, #tpu.memory_space<semaphore_mem>>) src(%dma_wait3A_232 : memref<1024xi32, #tpu.memory_space<hbm>>) dst(%arg7 : memref<1024xi32, #tpu.memory_space<vmem>>)
    %dma_wait3A_233 = arith.constant 0 : i32
    %dma_wait3A_234 = tpu.memref_slice %arg3[%dma_wait3A_233, %multiple_of3A_206] : memref<16x262144xf32, #tpu.memory_space<hbm>> -> memref<16x1024xf32, #tpu.memory_space<hbm>>
    %dma_wait3A_235 = arith.constant 0 : i32
    %dma_wait3A_236 = tpu.memref_slice %arg3[%dma_wait3A_235, %multiple_of3A_206] : memref<16x262144xf32, #tpu.memory_space<hbm>> -> memref<16x1024xf32, #tpu.memory_space<hbm>>
    tpu.wait_dma2 semaphore(%arg16 : memref<!tpu.dma_semaphore, #tpu.memory_space<semaphore_mem>>) src(%dma_wait3A_236 : memref<16x1024xf32, #tpu.memory_space<hbm>>) dst(%arg9 : memref<16x1024xf32, #tpu.memory_space<vmem>>)
    %parallel_loop3A_237 = arith.constant 0 : i32
    %parallel_loop3A_238 = arith.constant 64 : i32
    %parallel_loop3A_239 = arith.constant 1 : i32
    scf.for %parallel_loop3A_241 = %parallel_loop3A_237 to %parallel_loop3A_238 step %parallel_loop3A_239  : i32 {
      %parallel_loop3A_242 = arith.constant 16 : i32
      %parallel_loop3A_243 = arith.muli %parallel_loop3A_241, %parallel_loop3A_242 : i32
      %parallel_loop3A_244 = tpu.assume_multiple %parallel_loop3A_243, 16 : i32
      %parallel_loop3A_245 = arith.index_cast %parallel_loop3A_244 : i32 to index
      %parallel_loop3A_246 = tpu.vector_load %arg7[%parallel_loop3A_245] {strides = array<i32>} : memref<1024xi32, #tpu.memory_space<vmem>>, vector<16xi32>,
      %parallel_loop3A_247 = arith.constant 0 : i32
      %parallel_loop3A_248 = arith.index_cast %parallel_loop3A_247 : i32 to index
      %parallel_loop3A_249 = arith.index_cast %parallel_loop3A_244 : i32 to index
      %parallel_loop3A_250 = tpu.vector_load %arg9[%parallel_loop3A_248, %parallel_loop3A_249] {strides = array<i32>} : memref<16x1024xf32, #tpu.memory_space<vmem>>, vector<16xf32>,
      %parallel_loop3A_251 = arith.constant 0 : i32
      %parallel_loop3A_252 = arith.constant 0 : i32
      %parallel_loop3A_253 = tpu.memref_slice %arg10[%parallel_loop3A_251, %parallel_loop3A_252] : memref<16x4096xf32, #tpu.memory_space<vmem>> -> memref<1x4096xf32, #tpu.memory_space<vmem>>
      %parallel_loop3A_254 = tpu.memref_squeeze %parallel_loop3A_253 : memref<1x4096xf32, #tpu.memory_space<vmem>> -> memref<4096xf32, #tpu.memory_space<vmem>>
      tpu.vector_store_idx %parallel_loop3A_254[%parallel_loop3A_246], %parallel_loop3A_250 {add = true} : memref<4096xf32, #tpu.memory_space<vmem>>[vector<16xi32>], vector<16xf32>,
      %parallel_loop3A_255 = arith.constant 1 : i32
      %parallel_loop3A_256 = arith.index_cast %parallel_loop3A_255 : i32 to index
      %parallel_loop3A_257 = arith.index_cast %parallel_loop3A_244 : i32 to index
      %parallel_loop3A_258 = tpu.vector_load %arg9[%parallel_loop3A_256, %parallel_loop3A_257] {strides = array<i32>} : memref<16x1024xf32, #tpu.memory_space<vmem>>, vector<16xf32>,
      %parallel_loop3A_259 = arith.constant 1 : i32
      %parallel_loop3A_260 = arith.constant 0 : i32
      %parallel_loop3A_261 = tpu.memref_slice %arg10[%parallel_loop3A_259, %parallel_loop3A_260] : memref<16x4096xf32, #tpu.memory_space<vmem>> -> memref<1x4096xf32, #tpu.memory_space<vmem>>
      %parallel_loop3A_262 = tpu.memref_squeeze %parallel_loop3A_261 : memref<1x4096xf32, #tpu.memory_space<vmem>> -> memref<4096xf32, #tpu.memory_space<vmem>>
      tpu.vector_store_idx %parallel_loop3A_262[%parallel_loop3A_246], %parallel_loop3A_258 {add = true} : memref<4096xf32, #tpu.memory_space<vmem>>[vector<16xi32>], vector<16xf32>,
      %parallel_loop3A_263 = arith.constant 2 : i32
      %parallel_loop3A_264 = arith.index_cast %parallel_loop3A_263 : i32 to index
      %parallel_loop3A_265 = arith.index_cast %parallel_loop3A_244 : i32 to index
      %parallel_loop3A_266 = tpu.vector_load %arg9[%parallel_loop3A_264, %parallel_loop3A_265] {strides = array<i32>} : memref<16x1024xf32, #tpu.memory_space<vmem>>, vector<16xf32>,
      %parallel_loop3A_267 = arith.constant 2 : i32
      %parallel_loop3A_268 = arith.constant 0 : i32
      %parallel_loop3A_269 = tpu.memref_slice %arg10[%parallel_loop3A_267, %parallel_loop3A_268] : memref<16x4096xf32, #tpu.memory_space<vmem>> -> memref<1x4096xf32, #tpu.memory_space<vmem>>
      %parallel_loop3A_270 = tpu.memref_squeeze %parallel_loop3A_269 : memref<1x4096xf32, #tpu.memory_space<vmem>> -> memref<4096xf32, #tpu.memory_space<vmem>>
      tpu.vector_store_idx %parallel_loop3A_270[%parallel_loop3A_246], %parallel_loop3A_266 {add = true} : memref<4096xf32, #tpu.memory_space<vmem>>[vector<16xi32>], vector<16xf32>,
      %parallel_loop3A_271 = arith.constant 3 : i32
      %parallel_loop3A_272 = arith.index_cast %parallel_loop3A_271 : i32 to index
      %parallel_loop3A_273 = arith.index_cast %parallel_loop3A_244 : i32 to index
      %parallel_loop3A_274 = tpu.vector_load %arg9[%parallel_loop3A_272, %parallel_loop3A_273] {strides = array<i32>} : memref<16x1024xf32, #tpu.memory_space<vmem>>, vector<16xf32>,
      %parallel_loop3A_275 = arith.constant 3 : i32
      %parallel_loop3A_276 = arith.constant 0 : i32
      %parallel_loop3A_277 = tpu.memref_slice %arg10[%parallel_loop3A_275, %parallel_loop3A_276] : memref<16x4096xf32, #tpu.memory_space<vmem>> -> memref<1x4096xf32, #tpu.memory_space<vmem>>
      %parallel_loop3A_278 = tpu.memref_squeeze %parallel_loop3A_277 : memref<1x4096xf32, #tpu.memory_space<vmem>> -> memref<4096xf32, #tpu.memory_space<vmem>>
      tpu.vector_store_idx %parallel_loop3A_278[%parallel_loop3A_246], %parallel_loop3A_274 {add = true} : memref<4096xf32, #tpu.memory_space<vmem>>[vector<16xi32>], vector<16xf32>,
      %parallel_loop3A_279 = arith.constant 4 : i32
      %parallel_loop3A_280 = arith.index_cast %parallel_loop3A_279 : i32 to index
      %parallel_loop3A_281 = arith.index_cast %parallel_loop3A_244 : i32 to index
      %parallel_loop3A_282 = tpu.vector_load %arg9[%parallel_loop3A_280, %parallel_loop3A_281] {strides = array<i32>} : memref<16x1024xf32, #tpu.memory_space<vmem>>, vector<16xf32>,
      %parallel_loop3A_283 = arith.constant 4 : i32
      %parallel_loop3A_284 = arith.constant 0 : i32
      %parallel_loop3A_285 = tpu.memref_slice %arg10[%parallel_loop3A_283, %parallel_loop3A_284] : memref<16x4096xf32, #tpu.memory_space<vmem>> -> memref<1x4096xf32, #tpu.memory_space<vmem>>
      %parallel_loop3A_286 = tpu.memref_squeeze %parallel_loop3A_285 : memref<1x4096xf32, #tpu.memory_space<vmem>> -> memref<4096xf32, #tpu.memory_space<vmem>>
      tpu.vector_store_idx %parallel_loop3A_286[%parallel_loop3A_246], %parallel_loop3A_282 {add = true} : memref<4096xf32, #tpu.memory_space<vmem>>[vector<16xi32>], vector<16xf32>,
      %parallel_loop3A_287 = arith.constant 5 : i32
      %parallel_loop3A_288 = arith.index_cast %parallel_loop3A_287 : i32 to index
      %parallel_loop3A_289 = arith.index_cast %parallel_loop3A_244 : i32 to index
      %parallel_loop3A_290 = tpu.vector_load %arg9[%parallel_loop3A_288, %parallel_loop3A_289] {strides = array<i32>} : memref<16x1024xf32, #tpu.memory_space<vmem>>, vector<16xf32>,
      %parallel_loop3A_291 = arith.constant 5 : i32
      %parallel_loop3A_292 = arith.constant 0 : i32
      %parallel_loop3A_293 = tpu.memref_slice %arg10[%parallel_loop3A_291, %parallel_loop3A_292] : memref<16x4096xf32, #tpu.memory_space<vmem>> -> memref<1x4096xf32, #tpu.memory_space<vmem>>
      %parallel_loop3A_294 = tpu.memref_squeeze %parallel_loop3A_293 : memref<1x4096xf32, #tpu.memory_space<vmem>> -> memref<4096xf32, #tpu.memory_space<vmem>>
      tpu.vector_store_idx %parallel_loop3A_294[%parallel_loop3A_246], %parallel_loop3A_290 {add = true} : memref<4096xf32, #tpu.memory_space<vmem>>[vector<16xi32>], vector<16xf32>,
      %parallel_loop3A_295 = arith.constant 6 : i32
      %parallel_loop3A_296 = arith.index_cast %parallel_loop3A_295 : i32 to index
      %parallel_loop3A_297 = arith.index_cast %parallel_loop3A_244 : i32 to index
      %parallel_loop3A_298 = tpu.vector_load %arg9[%parallel_loop3A_296, %parallel_loop3A_297] {strides = array<i32>} : memref<16x1024xf32, #tpu.memory_space<vmem>>, vector<16xf32>,
      %parallel_loop3A_299 = arith.constant 6 : i32
      %parallel_loop3A_300 = arith.constant 0 : i32
      %parallel_loop3A_301 = tpu.memref_slice %arg10[%parallel_loop3A_299, %parallel_loop3A_300] : memref<16x4096xf32, #tpu.memory_space<vmem>> -> memref<1x4096xf32, #tpu.memory_space<vmem>>
      %parallel_loop3A_302 = tpu.memref_squeeze %parallel_loop3A_301 : memref<1x4096xf32, #tpu.memory_space<vmem>> -> memref<4096xf32, #tpu.memory_space<vmem>>
      tpu.vector_store_idx %parallel_loop3A_302[%parallel_loop3A_246], %parallel_loop3A_298 {add = true} : memref<4096xf32, #tpu.memory_space<vmem>>[vector<16xi32>], vector<16xf32>,
      %parallel_loop3A_303 = arith.constant 7 : i32
      %parallel_loop3A_304 = arith.index_cast %parallel_loop3A_303 : i32 to index
      %parallel_loop3A_305 = arith.index_cast %parallel_loop3A_244 : i32 to index
      %parallel_loop3A_306 = tpu.vector_load %arg9[%parallel_loop3A_304, %parallel_loop3A_305] {strides = array<i32>} : memref<16x1024xf32, #tpu.memory_space<vmem>>, vector<16xf32>,
      %parallel_loop3A_307 = arith.constant 7 : i32
      %parallel_loop3A_308 = arith.constant 0 : i32
      %parallel_loop3A_309 = tpu.memref_slice %arg10[%parallel_loop3A_307, %parallel_loop3A_308] : memref<16x4096xf32, #tpu.memory_space<vmem>> -> memref<1x4096xf32, #tpu.memory_space<vmem>>
      %parallel_loop3A_310 = tpu.memref_squeeze %parallel_loop3A_309 : memref<1x4096xf32, #tpu.memory_space<vmem>> -> memref<4096xf32, #tpu.memory_space<vmem>>
      tpu.vector_store_idx %parallel_loop3A_310[%parallel_loop3A_246], %parallel_loop3A_306 {add = true} : memref<4096xf32, #tpu.memory_space<vmem>>[vector<16xi32>], vector<16xf32>,
      %parallel_loop3A_311 = arith.constant 8 : i32
      %parallel_loop3A_312 = arith.index_cast %parallel_loop3A_311 : i32 to index
      %parallel_loop3A_313 = arith.index_cast %parallel_loop3A_244 : i32 to index
      %parallel_loop3A_314 = tpu.vector_load %arg9[%parallel_loop3A_312, %parallel_loop3A_313] {strides = array<i32>} : memref<16x1024xf32, #tpu.memory_space<vmem>>, vector<16xf32>,
      %parallel_loop3A_315 = arith.constant 8 : i32
      %parallel_loop3A_316 = arith.constant 0 : i32
      %parallel_loop3A_317 = tpu.memref_slice %arg10[%parallel_loop3A_315, %parallel_loop3A_316] : memref<16x4096xf32, #tpu.memory_space<vmem>> -> memref<1x4096xf32, #tpu.memory_space<vmem>>
      %parallel_loop3A_318 = tpu.memref_squeeze %parallel_loop3A_317 : memref<1x4096xf32, #tpu.memory_space<vmem>> -> memref<4096xf32, #tpu.memory_space<vmem>>
      tpu.vector_store_idx %parallel_loop3A_318[%parallel_loop3A_246], %parallel_loop3A_314 {add = true} : memref<4096xf32, #tpu.memory_space<vmem>>[vector<16xi32>], vector<16xf32>,
      %parallel_loop3A_319 = arith.constant 9 : i32
      %parallel_loop3A_320 = arith.index_cast %parallel_loop3A_319 : i32 to index
      %parallel_loop3A_321 = arith.index_cast %parallel_loop3A_244 : i32 to index
      %parallel_loop3A_322 = tpu.vector_load %arg9[%parallel_loop3A_320, %parallel_loop3A_321] {strides = array<i32>} : memref<16x1024xf32, #tpu.memory_space<vmem>>, vector<16xf32>,
      %parallel_loop3A_323 = arith.constant 9 : i32
      %parallel_loop3A_324 = arith.constant 0 : i32
      %parallel_loop3A_325 = tpu.memref_slice %arg10[%parallel_loop3A_323, %parallel_loop3A_324] : memref<16x4096xf32, #tpu.memory_space<vmem>> -> memref<1x4096xf32, #tpu.memory_space<vmem>>
      %parallel_loop3A_326 = tpu.memref_squeeze %parallel_loop3A_325 : memref<1x4096xf32, #tpu.memory_space<vmem>> -> memref<4096xf32, #tpu.memory_space<vmem>>
      tpu.vector_store_idx %parallel_loop3A_326[%parallel_loop3A_246], %parallel_loop3A_322 {add = true} : memref<4096xf32, #tpu.memory_space<vmem>>[vector<16xi32>], vector<16xf32>,
      %parallel_loop3A_327 = arith.constant 10 : i32
      %parallel_loop3A_328 = arith.index_cast %parallel_loop3A_327 : i32 to index
      %parallel_loop3A_329 = arith.index_cast %parallel_loop3A_244 : i32 to index
      %parallel_loop3A_330 = tpu.vector_load %arg9[%parallel_loop3A_328, %parallel_loop3A_329] {strides = array<i32>} : memref<16x1024xf32, #tpu.memory_space<vmem>>, vector<16xf32>,
      %parallel_loop3A_331 = arith.constant 10 : i32
      %parallel_loop3A_332 = arith.constant 0 : i32
      %parallel_loop3A_333 = tpu.memref_slice %arg10[%parallel_loop3A_331, %parallel_loop3A_332] : memref<16x4096xf32, #tpu.memory_space<vmem>> -> memref<1x4096xf32, #tpu.memory_space<vmem>>
      %parallel_loop3A_334 = tpu.memref_squeeze %parallel_loop3A_333 : memref<1x4096xf32, #tpu.memory_space<vmem>> -> memref<4096xf32, #tpu.memory_space<vmem>>
      tpu.vector_store_idx %parallel_loop3A_334[%parallel_loop3A_246], %parallel_loop3A_330 {add = true} : memref<4096xf32, #tpu.memory_space<vmem>>[vector<16xi32>], vector<16xf32>,
      %parallel_loop3A_335 = arith.constant 11 : i32
      %parallel_loop3A_336 = arith.index_cast %parallel_loop3A_335 : i32 to index
      %parallel_loop3A_337 = arith.index_cast %parallel_loop3A_244 : i32 to index
      %parallel_loop3A_338 = tpu.vector_load %arg9[%parallel_loop3A_336, %parallel_loop3A_337] {strides = array<i32>} : memref<16x1024xf32, #tpu.memory_space<vmem>>, vector<16xf32>,
      %parallel_loop3A_339 = arith.constant 11 : i32
      %parallel_loop3A_340 = arith.constant 0 : i32
      %parallel_loop3A_341 = tpu.memref_slice %arg10[%parallel_loop3A_339, %parallel_loop3A_340] : memref<16x4096xf32, #tpu.memory_space<vmem>> -> memref<1x4096xf32, #tpu.memory_space<vmem>>
      %parallel_loop3A_342 = tpu.memref_squeeze %parallel_loop3A_341 : memref<1x4096xf32, #tpu.memory_space<vmem>> -> memref<4096xf32, #tpu.memory_space<vmem>>
      tpu.vector_store_idx %parallel_loop3A_342[%parallel_loop3A_246], %parallel_loop3A_338 {add = true} : memref<4096xf32, #tpu.memory_space<vmem>>[vector<16xi32>], vector<16xf32>,
      %parallel_loop3A_343 = arith.constant 12 : i32
      %parallel_loop3A_344 = arith.index_cast %parallel_loop3A_343 : i32 to index
      %parallel_loop3A_345 = arith.index_cast %parallel_loop3A_244 : i32 to index
      %parallel_loop3A_346 = tpu.vector_load %arg9[%parallel_loop3A_344, %parallel_loop3A_345] {strides = array<i32>} : memref<16x1024xf32, #tpu.memory_space<vmem>>, vector<16xf32>,
      %parallel_loop3A_347 = arith.constant 12 : i32
      %parallel_loop3A_348 = arith.constant 0 : i32
      %parallel_loop3A_349 = tpu.memref_slice %arg10[%parallel_loop3A_347, %parallel_loop3A_348] : memref<16x4096xf32, #tpu.memory_space<vmem>> -> memref<1x4096xf32, #tpu.memory_space<vmem>>
      %parallel_loop3A_350 = tpu.memref_squeeze %parallel_loop3A_349 : memref<1x4096xf32, #tpu.memory_space<vmem>> -> memref<4096xf32, #tpu.memory_space<vmem>>
      tpu.vector_store_idx %parallel_loop3A_350[%parallel_loop3A_246], %parallel_loop3A_346 {add = true} : memref<4096xf32, #tpu.memory_space<vmem>>[vector<16xi32>], vector<16xf32>,
      %parallel_loop3A_351 = arith.constant 13 : i32
      %parallel_loop3A_352 = arith.index_cast %parallel_loop3A_351 : i32 to index
      %parallel_loop3A_353 = arith.index_cast %parallel_loop3A_244 : i32 to index
      %parallel_loop3A_354 = tpu.vector_load %arg9[%parallel_loop3A_352, %parallel_loop3A_353] {strides = array<i32>} : memref<16x1024xf32, #tpu.memory_space<vmem>>, vector<16xf32>,
      %parallel_loop3A_355 = arith.constant 13 : i32
      %parallel_loop3A_356 = arith.constant 0 : i32
      %parallel_loop3A_357 = tpu.memref_slice %arg10[%parallel_loop3A_355, %parallel_loop3A_356] : memref<16x4096xf32, #tpu.memory_space<vmem>> -> memref<1x4096xf32, #tpu.memory_space<vmem>>
      %parallel_loop3A_358 = tpu.memref_squeeze %parallel_loop3A_357 : memref<1x4096xf32, #tpu.memory_space<vmem>> -> memref<4096xf32, #tpu.memory_space<vmem>>
      tpu.vector_store_idx %parallel_loop3A_358[%parallel_loop3A_246], %parallel_loop3A_354 {add = true} : memref<4096xf32, #tpu.memory_space<vmem>>[vector<16xi32>], vector<16xf32>,
      %parallel_loop3A_359 = arith.constant 14 : i32
      %parallel_loop3A_360 = arith.index_cast %parallel_loop3A_359 : i32 to index
      %parallel_loop3A_361 = arith.index_cast %parallel_loop3A_244 : i32 to index
      %parallel_loop3A_362 = tpu.vector_load %arg9[%parallel_loop3A_360, %parallel_loop3A_361] {strides = array<i32>} : memref<16x1024xf32, #tpu.memory_space<vmem>>, vector<16xf32>,
      %parallel_loop3A_363 = arith.constant 14 : i32
      %parallel_loop3A_364 = arith.constant 0 : i32
      %parallel_loop3A_365 = tpu.memref_slice %arg10[%parallel_loop3A_363, %parallel_loop3A_364] : memref<16x4096xf32, #tpu.memory_space<vmem>> -> memref<1x4096xf32, #tpu.memory_space<vmem>>
      %parallel_loop3A_366 = tpu.memref_squeeze %parallel_loop3A_365 : memref<1x4096xf32, #tpu.memory_space<vmem>> -> memref<4096xf32, #tpu.memory_space<vmem>>
      tpu.vector_store_idx %parallel_loop3A_366[%parallel_loop3A_246], %parallel_loop3A_362 {add = true} : memref<4096xf32, #tpu.memory_space<vmem>>[vector<16xi32>], vector<16xf32>,
      %parallel_loop3A_367 = arith.constant 15 : i32
      %parallel_loop3A_368 = arith.index_cast %parallel_loop3A_367 : i32 to index
      %parallel_loop3A_369 = arith.index_cast %parallel_loop3A_244 : i32 to index
      %parallel_loop3A_370 = tpu.vector_load %arg9[%parallel_loop3A_368, %parallel_loop3A_369] {strides = array<i32>} : memref<16x1024xf32, #tpu.memory_space<vmem>>, vector<16xf32>,
      %parallel_loop3A_371 = arith.constant 15 : i32
      %parallel_loop3A_372 = arith.constant 0 : i32
      %parallel_loop3A_373 = tpu.memref_slice %arg10[%parallel_loop3A_371, %parallel_loop3A_372] : memref<16x4096xf32, #tpu.memory_space<vmem>> -> memref<1x4096xf32, #tpu.memory_space<vmem>>
      %parallel_loop3A_374 = tpu.memref_squeeze %parallel_loop3A_373 : memref<1x4096xf32, #tpu.memory_space<vmem>> -> memref<4096xf32, #tpu.memory_space<vmem>>
      tpu.vector_store_idx %parallel_loop3A_374[%parallel_loop3A_246], %parallel_loop3A_370 {add = true} : memref<4096xf32, #tpu.memory_space<vmem>>[vector<16xi32>], vector<16xf32>,
    } {sc.loop_unroll_factor = 4 : i64, sc.parallel_access}
    %barrier3A = arith.constant 0 : index
    tpu.barrier barrier_id(%barrier3A)
    "tpu.region"() ({
      %run_scoped3A = tpu.sem_alloc : memref<!tpu.dma_semaphore, #tpu.memory_space<semaphore_mem>>
      %dma_start3A_241 = arith.constant 0 : i32
      %dma_start3A_242 = arith.constant 0 : i32
      %dma_start3A_243 = tpu.memref_slice %arg12[%dma_start3A_241, %dma_start3A_242] : memref<16x4096xf32, #tpu.memory_space<vmem_shared>> -> memref<16x4096xf32, #tpu.memory_space<vmem_shared>>
      tpu.enqueue_indirect_dma source(%arg10 : memref<16x4096xf32, #tpu.memory_space<vmem>>) target(%dma_start3A_243 : memref<16x4096xf32, #tpu.memory_space<vmem_shared>>) offsets(%arg11 : memref<16xi32, #tpu.memory_space<vmem>>) semaphore(%run_scoped3A : memref<!tpu.dma_semaphore, #tpu.memory_space<semaphore_mem>>) {add = true}
      %dma_wait3A_244 = arith.constant 0 : i32
      %dma_wait3A_245 = arith.constant 0 : i32
      %dma_wait3A_246 = tpu.memref_slice %arg12[%dma_wait3A_244, %dma_wait3A_245] : memref<16x4096xf32, #tpu.memory_space<vmem_shared>> -> memref<16x4096xf32, #tpu.memory_space<vmem_shared>>
      tpu.wait_indirect_dma semaphore(%run_scoped3A : memref<!tpu.dma_semaphore, #tpu.memory_space<semaphore_mem>>) src(%arg10 : memref<16x4096xf32, #tpu.memory_space<vmem>>) dst(%dma_wait3A_246 : memref<16x4096xf32, #tpu.memory_space<vmem_shared>>)
      tpu.yield
    }) : () -> ()
    %barrier3A_240 = arith.constant 0 : index
    tpu.barrier barrier_id(%barrier3A_240)
    "tpu.region"() ({
      %run_scoped3A = tpu.sem_alloc : memref<!tpu.dma_semaphore, #tpu.memory_space<semaphore_mem>>
      %dma_start3A_241 = arith.constant 0 : i32
      %dma_start3A_242 = tpu.memref_slice %arg5[%arg0, %dma_start3A_241, %multiple_of3A_15] : memref<2x16x4096xf32, #tpu.memory_space<hbm>> -> memref<1x16x256xf32, #tpu.memory_space<hbm>>
      %dma_start3A_243 = tpu.memref_squeeze %dma_start3A_242 : memref<1x16x256xf32, #tpu.memory_space<hbm>> -> memref<16x256xf32, #tpu.memory_space<hbm>>
      %dma_start3A_244 = arith.constant 0 : i32
      %dma_start3A_245 = tpu.memref_slice %arg12[%dma_start3A_244, %multiple_of3A_15] : memref<16x4096xf32, #tpu.memory_space<vmem_shared>> -> memref<16x256xf32, #tpu.memory_space<vmem_shared>>
      tpu.enqueue_dma source(%dma_start3A_245 : memref<16x256xf32, #tpu.memory_space<vmem_shared>>) target(%dma_start3A_243 : memref<16x256xf32, #tpu.memory_space<hbm>>) target_semaphore(%run_scoped3A : memref<!tpu.dma_semaphore, #tpu.memory_space<semaphore_mem>>)
      %dma_wait3A_246 = arith.constant 0 : i32
      %dma_wait3A_247 = tpu.memref_slice %arg5[%arg0, %dma_wait3A_246, %multiple_of3A_15] : memref<2x16x4096xf32, #tpu.memory_space<hbm>> -> memref<1x16x256xf32, #tpu.memory_space<hbm>>
      %dma_wait3A_248 = tpu.memref_squeeze %dma_wait3A_247 : memref<1x16x256xf32, #tpu.memory_space<hbm>> -> memref<16x256xf32, #tpu.memory_space<hbm>>
      %dma_wait3A_249 = arith.constant 0 : i32
      %dma_wait3A_250 = tpu.memref_slice %arg12[%dma_wait3A_249, %multiple_of3A_15] : memref<16x4096xf32, #tpu.memory_space<vmem_shared>> -> memref<16x256xf32, #tpu.memory_space<vmem_shared>>
      tpu.wait_dma2 semaphore(%run_scoped3A : memref<!tpu.dma_semaphore, #tpu.memory_space<semaphore_mem>>) src(%dma_wait3A_250 : memref<16x256xf32, #tpu.memory_space<vmem_shared>>) dst(%dma_wait3A_248 : memref<16x256xf32, #tpu.memory_space<hbm>>)
      tpu.yield
    }) : () -> ()
    return
  }
}

module attributes {stable_mosaic.version = 14 : i64} {
  func.func @_mlp_body(%arg0: memref<4096x128xf32, #tpu.memory_space<vmem>>, %arg1: memref<2x16x4096xf32, #tpu.memory_space<vmem>>, %arg2: memref<128x128xf32, #tpu.memory_space<vmem>>, %arg3: memref<16x128xf32, #tpu.memory_space<vmem>>, %arg4: memref<1x128xf32, #tpu.memory_space<vmem>>, %arg5: memref<128x128xf32, #tpu.memory_space<vmem>>, %arg6: memref<1x128xf32, #tpu.memory_space<vmem>>, %arg7: memref<128x2xf32, #tpu.memory_space<vmem>>, %arg8: memref<1x2xf32, #tpu.memory_space<vmem>>, %arg9: memref<4096x2xf32, #tpu.memory_space<vmem>>, %arg10: memref<2x4096xf32, #tpu.memory_space<vmem>>, %arg11: memref<4096x1xf32, #tpu.memory_space<vmem>>, %arg12: memref<1x4096xf32, #tpu.memory_space<vmem>>) attributes {dimension_semantics = [], scalar_prefetch = 0 : i64, scratch_operands = 0 : i64, tpu.core_type = #tpu.core_type<tc>} {
    %get3A = arith.constant 0 : index
    %get3A_0 = arith.constant 0 : index
    %get3A_1 = arith.constant 0 : index
    %get3A_2 = vector.load %arg1[%get3A, %get3A_0, %get3A_1] : memref<2x16x4096xf32, #tpu.memory_space<vmem>>, vector<1x16x4096xf32>
    %get3A_3 = vector.shape_cast %get3A_2 : vector<1x16x4096xf32> to vector<16x4096xf32>
    %get3A_4 = arith.constant 1 : index
    %get3A_5 = arith.constant 0 : index
    %get3A_6 = arith.constant 0 : index
    %get3A_7 = vector.load %arg1[%get3A_4, %get3A_5, %get3A_6] : memref<2x16x4096xf32, #tpu.memory_space<vmem>>, vector<1x16x4096xf32>
    %get3A_8 = vector.shape_cast %get3A_7 : vector<1x16x4096xf32> to vector<16x4096xf32>
    %add3A = arith.addf %get3A_3, %get3A_8 : vector<16x4096xf32>
    %get3A_9 = arith.constant 0 : index
    %get3A_10 = arith.constant 0 : index
    %get3A_11 = vector.load %arg0[%get3A_9, %get3A_10] : memref<4096x128xf32, #tpu.memory_space<vmem>>, vector<4096x128xf32>
    %get3A_12 = arith.constant 0 : index
    %get3A_13 = arith.constant 0 : index
    %get3A_14 = vector.load %arg3[%get3A_12, %get3A_13] : memref<16x128xf32, #tpu.memory_space<vmem>>, vector<16x128xf32>
    %dot_general3A = arith.constant dense<0.000000e+00> : vector<4096x128xf32>
    %dot_general3A_15 = tpu.matmul %add3A, %get3A_14, %dot_general3A {dimension_numbers = #tpu.dot_dimension_numbers<[0], [0], [1], [1], [0, 1, 1, 1], [], []>, transpose_lhs_hint = false} : vector<16x4096xf32>, vector<16x128xf32>, vector<4096x128xf32> -> vector<4096x128xf32>
    %get3A_16 = arith.constant 0 : index
    %get3A_17 = arith.constant 0 : index
    %get3A_18 = vector.load %arg2[%get3A_16, %get3A_17] : memref<128x128xf32, #tpu.memory_space<vmem>>, vector<128x128xf32>
    %dot_general3A_19 = arith.constant dense<0.000000e+00> : vector<4096x128xf32>
    %dot_general3A_20 = tpu.matmul %get3A_11, %get3A_18, %dot_general3A_19 {dimension_numbers = #tpu.dot_dimension_numbers<[1], [0], [0], [1], [0, 0, 1, 1], [], []>, transpose_lhs_hint = false} : vector<4096x128xf32>, vector<128x128xf32>, vector<4096x128xf32> -> vector<4096x128xf32>
    %add3A_21 = arith.addf %dot_general3A_20, %dot_general3A_15 : vector<4096x128xf32>
    %get3A_22 = arith.constant 0 : index
    %get3A_23 = arith.constant 0 : index
    %get3A_24 = vector.load %arg4[%get3A_22, %get3A_23] : memref<1x128xf32, #tpu.memory_space<vmem>>, vector<1x128xf32>
    %add3A_25 = vector.broadcast %get3A_24 : vector<1x128xf32> to vector<4096x128xf32>
    %add3A_26 = arith.addf %add3A_21, %add3A_25 : vector<4096x128xf32>
    %get3A_27 = arith.constant 0 : index
    %get3A_28 = arith.constant 0 : index
    %get3A_29 = vector.load %arg5[%get3A_27, %get3A_28] : memref<128x128xf32, #tpu.memory_space<vmem>>, vector<128x128xf32>
    %dot_general3A_30 = arith.constant dense<0.000000e+00> : vector<4096x128xf32>
    %dot_general3A_31 = tpu.matmul %add3A_26, %get3A_29, %dot_general3A_30 {dimension_numbers = #tpu.dot_dimension_numbers<[1], [0], [0], [1], [0, 0, 1, 1], [], []>, transpose_lhs_hint = false} : vector<4096x128xf32>, vector<128x128xf32>, vector<4096x128xf32> -> vector<4096x128xf32>
    %get3A_32 = arith.constant 0 : index
    %get3A_33 = arith.constant 0 : index
    %get3A_34 = vector.load %arg6[%get3A_32, %get3A_33] : memref<1x128xf32, #tpu.memory_space<vmem>>, vector<1x128xf32>
    %add3A_35 = vector.broadcast %get3A_34 : vector<1x128xf32> to vector<4096x128xf32>
    %add3A_36 = arith.addf %dot_general3A_31, %add3A_35 : vector<4096x128xf32>
    %get3A_37 = arith.constant 0 : index
    %get3A_38 = arith.constant 0 : index
    %get3A_39 = vector.load %arg7[%get3A_37, %get3A_38] : memref<128x2xf32, #tpu.memory_space<vmem>>, vector<128x2xf32>
    %dot_general3A_40 = arith.constant dense<0.000000e+00> : vector<4096x2xf32>
    %dot_general3A_41 = tpu.matmul %add3A_36, %get3A_39, %dot_general3A_40 {dimension_numbers = #tpu.dot_dimension_numbers<[1], [0], [0], [1], [0, 0, 1, 1], [], []>, transpose_lhs_hint = false} : vector<4096x128xf32>, vector<128x2xf32>, vector<4096x2xf32> -> vector<4096x2xf32>
    %get3A_42 = arith.constant 0 : index
    %get3A_43 = arith.constant 0 : index
    %get3A_44 = vector.load %arg8[%get3A_42, %get3A_43] : memref<1x2xf32, #tpu.memory_space<vmem>>, vector<1x2xf32>
    %add3A_45 = vector.broadcast %get3A_44 : vector<1x2xf32> to vector<4096x2xf32>
    %add3A_46 = arith.addf %dot_general3A_41, %add3A_45 : vector<4096x2xf32>
    %swap3A = arith.constant 0 : index
    %swap3A_47 = arith.constant 0 : index
    %swap3A_48 = vector.load %arg9[%swap3A, %swap3A_47] : memref<4096x2xf32, #tpu.memory_space<vmem>>, vector<4096x2xf32>
    tpu.vector_store %arg9[%swap3A, %swap3A_47], %add3A_46 {strides = array<i32>} : memref<4096x2xf32, #tpu.memory_space<vmem>>, vector<4096x2xf32>,
    %mul3A = arith.constant -1.000000e+01 : f32
    %mul3A_49 = vector.broadcast %mul3A : f32 to vector<4096x2xf32>
    %mul3A_50 = arith.mulf %mul3A_49, %add3A_46 : vector<4096x2xf32>
    %transpose3A = tpu.transpose %mul3A_50, [1, 0] : vector<4096x2xf32> -> vector<2x4096xf32>
    %swap3A_51 = arith.constant 0 : index
    %swap3A_52 = arith.constant 0 : index
    %swap3A_53 = vector.load %arg10[%swap3A_51, %swap3A_52] : memref<2x4096xf32, #tpu.memory_space<vmem>>, vector<2x4096xf32>
    tpu.vector_store %arg10[%swap3A_51, %swap3A_52], %transpose3A {strides = array<i32>} : memref<2x4096xf32, #tpu.memory_space<vmem>>, vector<2x4096xf32>,
    %mul3A_54 = arith.mulf %add3A_46, %add3A_46 : vector<4096x2xf32>
    %reduce_sum3A = arith.constant dense<0.000000e+00> : vector<4096xf32>
    %reduce_sum3A_55 = vector.multi_reduction <add>, %mul3A_54, %reduce_sum3A [1] : vector<4096x2xf32> to vector<4096xf32>
    %broadcast_in_dim3A = vector.shape_cast %reduce_sum3A_55 : vector<4096xf32> to vector<4096x1xf32>
    %mul3A_56 = arith.constant 5.000000e+00 : f32
    %mul3A_57 = vector.broadcast %mul3A_56 : f32 to vector<4096x1xf32>
    %mul3A_58 = arith.mulf %mul3A_57, %broadcast_in_dim3A : vector<4096x1xf32>
    %swap3A_59 = arith.constant 0 : index
    %swap3A_60 = arith.constant 0 : index
    %swap3A_61 = vector.load %arg11[%swap3A_59, %swap3A_60] : memref<4096x1xf32, #tpu.memory_space<vmem>>, vector<4096x1xf32>
    tpu.vector_store %arg11[%swap3A_59, %swap3A_60], %mul3A_58 {strides = array<i32>} : memref<4096x1xf32, #tpu.memory_space<vmem>>, vector<4096x1xf32>,
    %transpose3A_62 = tpu.transpose %mul3A_58, [1, 0] : vector<4096x1xf32> -> vector<1x4096xf32>
    %sub3A = arith.constant 5.000000e-01 : f32
    %sub3A_63 = vector.broadcast %sub3A : f32 to vector<1x4096xf32>
    %sub3A_64 = arith.subf %transpose3A_62, %sub3A_63 : vector<1x4096xf32>
    %swap3A_65 = arith.constant 0 : index
    %swap3A_66 = arith.constant 0 : index
    %swap3A_67 = vector.load %arg12[%swap3A_65, %swap3A_66] : memref<1x4096xf32, #tpu.memory_space<vmem>>, vector<1x4096xf32>
    tpu.vector_store %arg12[%swap3A_65, %swap3A_66], %sub3A_64 {strides = array<i32>} : memref<1x4096xf32, #tpu.memory_space<vmem>>, vector<1x4096xf32>,
    return
  }
}

module attributes {stable_mosaic.version = 14 : i64} {
  func.func @_decode_body(%arg0: i32, %arg1: memref<512x2xf32, #tpu.memory_space<vmem>>, %arg2: memref<2x4096xf32, #tpu.memory_space<vmem>>, %arg3: memref<512x1xf32, #tpu.memory_space<vmem>>, %arg4: memref<1x4096xf32, #tpu.memory_space<vmem>>, %arg5: memref<512x4096xf32, #tpu.memory_space<vmem>>) attributes {dimension_semantics = [#tpu.dimension_semantics<arbitrary>], iteration_bounds = array<i64: 8>, scalar_prefetch = 0 : i64, scratch_operands = 0 : i64, tpu.core_type = #tpu.core_type<tc>, window_params = [{transform_indices = @transform_0, window_bounds = array<i64: 512, 2>}, {pipeline_mode = #tpu.pipeline_mode<synchronous>, transform_indices = @transform_1, window_bounds = array<i64: 2, 4096>}, {transform_indices = @transform_2, window_bounds = array<i64: 512, 1>}, {pipeline_mode = #tpu.pipeline_mode<synchronous>, transform_indices = @transform_3, window_bounds = array<i64: 1, 4096>}, {transform_indices = @transform_4, window_bounds = array<i64: 512, 4096>}]} {
    %get3A = arith.constant 0 : index
    %get3A_0 = arith.constant 0 : index
    %get3A_1 = vector.load %arg1[%get3A, %get3A_0] : memref<512x2xf32, #tpu.memory_space<vmem>>, vector<512x1xf32>
    %get3A_2 = arith.constant 0 : index
    %get3A_3 = arith.constant 0 : index
    %get3A_4 = vector.load %arg2[%get3A_2, %get3A_3] : memref<2x4096xf32, #tpu.memory_space<vmem>>, vector<1x4096xf32>
    %mul3A = vector.broadcast %get3A_1 : vector<512x1xf32> to vector<512x4096xf32>
    %mul3A_5 = vector.broadcast %get3A_4 : vector<1x4096xf32> to vector<512x4096xf32>
    %mul3A_6 = arith.mulf %mul3A, %mul3A_5 : vector<512x4096xf32>
    %get3A_7 = arith.constant 0 : index
    %get3A_8 = arith.constant 1 : index
    %get3A_9 = vector.load %arg1[%get3A_7, %get3A_8] : memref<512x2xf32, #tpu.memory_space<vmem>>, vector<512x1xf32>
    %get3A_10 = arith.constant 1 : index
    %get3A_11 = arith.constant 0 : index
    %get3A_12 = vector.load %arg2[%get3A_10, %get3A_11] : memref<2x4096xf32, #tpu.memory_space<vmem>>, vector<1x4096xf32>
    %mul3A_13 = vector.broadcast %get3A_9 : vector<512x1xf32> to vector<512x4096xf32>
    %mul3A_14 = vector.broadcast %get3A_12 : vector<1x4096xf32> to vector<512x4096xf32>
    %mul3A_15 = arith.mulf %mul3A_13, %mul3A_14 : vector<512x4096xf32>
    %add3A = arith.addf %mul3A_6, %mul3A_15 : vector<512x4096xf32>
    %get3A_16 = arith.constant 0 : index
    %get3A_17 = arith.constant 0 : index
    %get3A_18 = vector.load %arg3[%get3A_16, %get3A_17] : memref<512x1xf32, #tpu.memory_space<vmem>>, vector<512x1xf32>
    %add3A_19 = vector.broadcast %get3A_18 : vector<512x1xf32> to vector<512x4096xf32>
    %add3A_20 = arith.addf %add3A, %add3A_19 : vector<512x4096xf32>
    %get3A_21 = arith.constant 0 : index
    %get3A_22 = arith.constant 0 : index
    %get3A_23 = vector.load %arg4[%get3A_21, %get3A_22] : memref<1x4096xf32, #tpu.memory_space<vmem>>, vector<1x4096xf32>
    %add3A_24 = vector.broadcast %get3A_23 : vector<1x4096xf32> to vector<512x4096xf32>
    %add3A_25 = arith.addf %add3A_20, %add3A_24 : vector<512x4096xf32>
    %tanh3A = math.tanh %add3A_25 : vector<512x4096xf32>
    %mul3A_26 = arith.constant 5.000000e-01 : f32
    %mul3A_27 = vector.broadcast %mul3A_26 : f32 to vector<512x4096xf32>
    %mul3A_28 = arith.mulf %mul3A_27, %tanh3A : vector<512x4096xf32>
    %add3A_29 = arith.constant 5.000000e-01 : f32
    %add3A_30 = vector.broadcast %add3A_29 : f32 to vector<512x4096xf32>
    %add3A_31 = arith.addf %add3A_30, %mul3A_28 : vector<512x4096xf32>
    %swap3A = arith.constant 0 : index
    %swap3A_32 = arith.constant 0 : index
    %swap3A_33 = vector.load %arg5[%swap3A, %swap3A_32] : memref<512x4096xf32, #tpu.memory_space<vmem>>, vector<512x4096xf32>
    tpu.vector_store %arg5[%swap3A, %swap3A_32], %add3A_31 {strides = array<i32>} : memref<512x4096xf32, #tpu.memory_space<vmem>>, vector<512x4096xf32>,
    %mul3A_34 = arith.constant 512 : i32
    %mul3A_35 = arith.muli %arg0, %mul3A_34 : i32
    %multiple_of3A = tpu.assume_multiple %mul3A_35, 512 : i32
    %get3A_36 = arith.constant 0 : index
    %get3A_37 = arith.index_cast %multiple_of3A : i32 to index
    %get3A_38 = vector.load %arg5[%get3A_36, %get3A_37] : memref<512x4096xf32, #tpu.memory_space<vmem>>, vector<512x512xf32>
    %iota3A = tpu.iota {dimensions = array<i32: 0>} : vector<512x512xi32>
    %iota3A_39 = tpu.iota {dimensions = array<i32: 1>} : vector<512x512xi32>
    %eq3A = arith.cmpi eq, %iota3A, %iota3A_39 : vector<512x512xi32>
    %jit3A = arith.constant 0.000000e+00 : f32
    %broadcast_in_dim3A = vector.broadcast %jit3A : f32 to vector<512x512xf32>
    %select_n3A = arith.select %eq3A, %broadcast_in_dim3A, %get3A_38 : vector<512x512xi1>, vector<512x512xf32>
    %swap3A_40 = arith.constant 0 : index
    %swap3A_41 = arith.index_cast %multiple_of3A : i32 to index
    %swap3A_42 = vector.load %arg5[%swap3A_40, %swap3A_41] : memref<512x4096xf32, #tpu.memory_space<vmem>>, vector<512x512xf32>
    tpu.vector_store %arg5[%swap3A_40, %swap3A_41], %select_n3A {strides = array<i32>} : memref<512x4096xf32, #tpu.memory_space<vmem>>, vector<512x512xf32>,
    return
  }
  func.func @transform_0(%arg0: i32) -> (i32, i32) {
    %c0_i32 = arith.constant 0 : i32
    %c0_i32_0 = arith.constant 0 : i32
    return %arg0, %c0_i32 : i32, i32
  }
  func.func @transform_1(%arg0: i32) -> (i32, i32) {
    %c0_i32 = arith.constant 0 : i32
    %c0_i32_0 = arith.constant 0 : i32
    %c0_i32_1 = arith.constant 0 : i32
    return %c0_i32, %c0_i32_0 : i32, i32
  }
  func.func @transform_2(%arg0: i32) -> (i32, i32) {
    %c0_i32 = arith.constant 0 : i32
    %c0_i32_0 = arith.constant 0 : i32
    return %arg0, %c0_i32 : i32, i32
  }
  func.func @transform_3(%arg0: i32) -> (i32, i32) {
    %c0_i32 = arith.constant 0 : i32
    %c0_i32_0 = arith.constant 0 : i32
    %c0_i32_1 = arith.constant 0 : i32
    return %c0_i32, %c0_i32_0 : i32, i32
  }
  func.func @transform_4(%arg0: i32) -> (i32, i32) {
    %c0_i32 = arith.constant 0 : i32
    %c0_i32_0 = arith.constant 0 : i32
    return %arg0, %c0_i32 : i32, i32
  }
}

</mosaic_0001>

<sc_bundles>
// kernel: kernel.5.cloned.1.call-start
scs
__scs_entry_jumppad:
0x0: {  	(pc) =	sbr.rel $0x88, $3  }
0x1: {  	(tag) =	ssettag $0x0;
	lr =	simm.s32 $0x1  }
0x2: {  	[smem:$0x3F98] =	sst lr;
	_ =	strace $0xD0000000  }
0x3: {  	_ = 	snop  }
0x4: {  	_ = 	snop  }
0x5: {  	_ = 	snop  }
0x6: {  	_ = 	snop  }
0x7: {  	_ = 	snop  }
__scs_overlays_trampoline_lowered:
0x8: {  	[smem:$0x3FA7] =	sst s0  }
0x9: {  	[smem:$0x3FA8] =	sst s1  }
0xa: {  	[smem:$0x3FA9] =	sst s2  }
0xb: {  	[smem:$0x3FAA] =	sst s3  }
0xc: {  	[smem:$0x3FAB] =	sst s4  }
0xd: {  	[smem:$0x3FAC] =	sst s5  }
0xe: {  	[smem:$0x3FAD] =	sst s6  }
0xf: {  	[smem:$0x3FAE] =	sst s7  }
0x10: {  	[smem:$0x3FAF] =	sst s8  }
0x11: {  	[smem:$0x3FB0] =	sst s9;
	s0 =	simm.s32 @!p0 $0x0  }
0x12: {  	s1 =	sld [smem:$0x3F96];
	s0 =	simm.s32 @p0 $0x1  }
0x13: {  	[smem:$0x3FB1] =	sst s0;
	s0 =	simm.s32 @!p1 $0x0  }
0x14: {  	s2 =	sld [smem:$0x3F95];
	s0 =	simm.s32 @p1 $0x1  }
0x15: {  	[smem:$0x3FB2] =	sst s0;
	s0 =	simm.s32 @!p2 $0x0  }
0x16: {  	s3 =	sld [smem:$0x3FDB];
	s0 =	simm.s32 @p2 $0x1  }
0x17: {  	s4 =	simm.s32 $0x1BF5;
	[smem:$0x3FB4] =	sst s0  }
0x18: {  	s0 =	sld [smem:$0x3F97];
	_ =	swait.ge [sflag:s4], $0x0  }
0x19: {  	s7 =	sld [smem:$0x3F98]  }
0x1a: {  	s8 =	sadd.s32 $0xFFFFE003, lr  }
0x1b: {  	s9 =	sadd.s32 $0xFFFFFEF7, lr;
	s5 =	simm.s32 $0xFFFFFFFF;
	p2 =	slt.u32 s8, $0xFFFFF086  }
0x1c: {  	p1 =	slt.u32 s9, $0xF7A;
	s5 =	simm.s32 @!p2 $0x0  }
0x1d: {  	s5 =	simm.s32 @p1 $0x1;
	p0 =	seq.s32 s7, s2  }
0x1e: {  	s7 =	smul.u32 @!p0 $0xF7A, s2;
	p2 =	seq.s32 @!p0 s5, $0x0  }
0x1f: {  	s9 =	smul.u32 $0xF7A, s1;
	s8 =	simm.s32 @!p0 $0x1BF5;
	p2 =	por !p2, p0  }
0x20: {  	[sflag:s8] =	ssyncset.s32 @!p0 $0xFFFFF086;
	s6 =	sadd.s32 @!p0 s3, s7;
	s7 =	simm.s32 @!p0 $0x108  }
0x21: {  	s3 =	sadd.s32 s3, s9;
	s6 =	sadd.s32 @!p0 $0x88, s6;
	s7 =	simm.s32 @p2 $0x1082  }
0x22: {  	[simem:s7], [sflag:s8] =	dma.local @!p0 [hbm:s6], $0xF7A  }
0x23: {  	s9 =	sor.u32 $0xD0000000, s2;
	s6 =	simm.s32 $0x108;
	_ =	swait.ge @!p0 [sflag:s8], $0x0  }
0x24: {  	s3 =	sadd.s32 $0x88, s3;
	s6 =	simm.s32 @!p1 $0x1082;
	[sflag:s4] =	ssyncset.s32 $0xFFFFF086  }
0x25: {  	[simem:s6], [sflag:s4] =	dma.local [hbm:s3], $0xF7A  }
0x26: {  	[smem:$0x3F98] =	sst s1;
	(tag) =	ssettag s2;
	_ =	strace s9  }
0x27: {  	s1 =	sld [smem:$0x3FA8]  }
0x28: {  	s2 =	sld [smem:$0x3FA9]  }
0x29: {  	s4 =	sld [smem:$0x3FAB]  }
0x2a: {  	p0 =	seq.s32 s5, $0x0;
	s5 =	sld [smem:$0x3FAC]  }
0x2b: {  	s6 =	sld [smem:$0x3FAD]  }
0x2c: {  	s7 =	sld [smem:$0x3FAE]  }
0x2d: {  	s3 =	simm.s32 $0x108;
	s8 =	sld [smem:$0x3FAF]  }
0x2e: {  	s3 =	simm.s32 @!p0 $0x1082;
	s9 =	sld [smem:$0x3FB0]  }
0x2f: {  	lr =	sadd.s32 s0, s3;
	s0 =	sld [smem:$0x3FA7]  }
0x30: {  	s3 =	sld [smem:$0x3FAA]  }
0x31: {  	[smem:$0x3FB3] =	sst s10  }
0x32: {  	s10 =	sld [smem:$0x3FB1];
	_ =	sdelay $0x3  }
0x33: {  	p0 =	seq.s32 s10, $0x1;
	s10 =	sld [smem:$0x3FB3];
	_ =	sdelay $0x3  }
0x34: {  	[smem:$0x3FB3] =	sst s10  }
0x35: {  	s10 =	sld [smem:$0x3FB2];
	_ =	sdelay $0x3  }
0x36: {  	p1 =	seq.s32 s10, $0x1;
	s10 =	sld [smem:$0x3FB3];
	_ =	sdelay $0x3  }
0x37: {  	[smem:$0x3FB3] =	sst s10  }
0x38: {  	s10 =	sld [smem:$0x3FB4]  }
0x39: {  	_ = 	snop;
	(pc) =	sbr.ind lr, $3  }
0x3a: {  	_ = 	snop  }
0x3b: {  	_ = 	snop  }
0x3c: {  	p2 =	seq.s32 s10, $0x1;
	s10 =	sld [smem:$0x3FB3]  }
0x3d: {  	_ =	shalt  }
0x3e: {  	_ =	shalt  }
0x3f: {  	_ =	shalt  }
0x40: {  	_ =	shalt  }
0x41: {  	_ =	shalt  }
0x42: {  	_ =	shalt  }
0x43: {  	_ =	shalt  }
0x44: {  	_ =	shalt  }
0x45: {  	_ =	shalt  }
0x46: {  	_ =	shalt  }
0x47: {  	_ =	shalt  }
0x48: {  	_ =	shalt  }
0x49: {  	_ =	shalt  }
0x4a: {  	_ =	shalt  }
0x4b: {  	_ =	shalt  }
0x4c: {  	_ =	shalt  }
0x4d: {  	_ =	shalt  }
0x4e: {  	_ =	shalt  }
0x4f: {  	_ =	shalt  }
0x50: {  	_ =	shalt  }
0x51: {  	_ =	shalt  }
0x52: {  	_ =	shalt  }
0x53: {  	_ =	shalt  }
0x54: {  	_ =	shalt  }
0x55: {  	_ =	shalt  }
0x56: {  	_ =	shalt  }
0x57: {  	_ =	shalt  }
0x58: {  	_ =	shalt  }
0x59: {  	_ =	shalt  }
0x5a: {  	_ =	shalt  }
0x5b: {  	_ =	shalt  }
0x5c: {  	_ =	shalt  }
0x5d: {  	_ =	shalt  }
0x5e: {  	_ =	shalt  }
0x5f: {  	_ =	shalt  }
0x60: {  	_ =	shalt  }
0x61: {  	_ =	shalt  }
0x62: {  	_ =	shalt  }
0x63: {  	_ =	shalt  }
0x64: {  	_ =	shalt  }
0x65: {  	_ =	shalt  }
0x66: {  	_ =	shalt  }
0x67: {  	_ =	shalt  }
0x68: {  	_ =	shalt  }
0x69: {  	_ =	shalt  }
0x6a: {  	_ =	shalt  }
0x6b: {  	_ =	shalt  }
0x6c: {  	_ =	shalt  }
0x6d: {  	_ =	shalt  }
0x6e: {  	_ =	shalt  }
0x6f: {  	_ =	shalt  }
0x70: {  	_ =	shalt  }
0x71: {  	_ =	shalt  }
0x72: {  	_ =	shalt  }
0x73: {  	_ =	shalt  }
0x74: {  	_ =	shalt  }
0x75: {  	_ =	shalt  }
0x76: {  	_ =	shalt  }
0x77: {  	_ =	shalt  }
0x78: {  	_ =	shalt  }
0x79: {  	_ =	shalt  }
0x7a: {  	_ =	shalt  }
0x7b: {  	_ =	shalt  }
0x7c: {  	_ =	shalt  }
0x7d: {  	_ =	shalt  }
0x7e: {  	_ =	shalt  }
0x7f: {  	_ =	shalt  }
0x80: {  	_ =	shalt  }
0x81: {  	_ =	shalt  }
0x82: {  	_ =	shalt  }
0x83: {  	_ =	shalt  }
0x84: {  	_ =	shalt  }
0x85: {  	_ =	shalt  }
0x86: {  	_ =	shalt  }
0x87: {  	_ =	shalt  }
.Lfunc_end0:
.L_simem_size_0:
called_computation_lowered:
.L_overlay_start_0:
0x88: {  	s2 =	sld [smem:$0x3FD9]  }
0x89: {  	s3 =	sld [smem:$0x3FFE];
	_ =	sdelay $0x1  }
0x8a: {  	s1 =	srdreg.scid  }
0x8b: {  	s0 =	sand.u32 $0x1, s1  }
0x8c: {  	s14 =	sshll.u32 s0, $0xA;
	s2 =	sadd.s32 s3, s2  }
0x8d: {  	s2 =	sadd.s32 s2, s14  }
0x8e: {  	[smem:$0x3FBF] =	sst s2  }
0x8f: {  	_ = 	snop  }
0x90: {  	s2 =	sld [smem:$0x3FD0];
	_ =	sdelay $0x2  }
0x91: {  	s15 =	simm.s32 $0xA;
	s4 =	simm.s32 $0x10  }
0x92: {  	[smem:s4], [sflag:s15] =	dma.local [hbm:s2], $0x1  }
0x93: {  	_ =	swait.eq [sflag:s15], $0x1  }
0x94: {  	[sflag:s15] =	ssyncset.done $0x0  }
0x95: {  	[sflag:s15] =	ssyncadd.s32 $0xFFFFFFFF  }
0x96: {  	s16 =	sld [smem:$0x10];
	(tm) =	ssettm $0x1  }
0x97: {  	s17 =	sld [smem:$0x3FFB];
	_ =	sdelay $0x3  }
0x98: {  	_ =	strace s17  }
0x99: {  	s3 =	sld [smem:$0x3FFC];
	_ =	sdelay $0x3  }
0x9a: {  	_ =	strace s3  }
0x9b: {  	s3 =	sld [smem:$0x3FFD];
	_ =	sdelay $0x3  }
0x9c: {  	_ =	strace s3  }
0x9d: {  	_ =	strace $0x8FFFFFFF  }
0x9e: {  	s18 =	sld [smem:$0x3FDB];
	_ =	sdelay $0x1  }
0x9f: {  	s19 =	simm.s32 $_scs_section_size  }
0xa0: {  	s5 =	simm.s32 $_size__tile_overlayer_lowered;
	s6 =	simm.s32 $_tile_overlayer_lowered  }
0xa1: {  	s22 =	simm.s32 $0x1BFF;
	s21 =	sshll.u32 s6, $0x1;
	s3 =	sadd.s32 s19, s18  }
0xa2: {  	s7 =	simm.s32 $0x0;
	s20 =	sshll.u32 s5, $0x1;
	s5 =	sadd.s32 s21, s3  }
0xa3: {  	[timem:s7], [sflag:s22] =	dma.local [hbm:s5], s20  }
0xa4: {  	_ =	swait.ge [sflag:s22], s20  }
0xa5: {  	s4 =	ssub.s32 $0x0, s20;
	[sflag:s22] =	ssyncset.done $0x0  }
0xa6: {  	[sflag:s22] =	ssyncadd.s32 s4;
	_ =	sdelay $0x1  }
0xa7: {  	s23 =	simm.s32 $0x1B8B  }
0xa8: {  	_ =	swait.ge [sflag:s23], $0x1  }
0xa9: {  	[sflag:s23] =	ssyncset.done $0x0  }
0xaa: {  	s25 =	simm.s32 $0x1B8E;
	s24 =	sld [smem:$0x3FFE];
	[sflag:s23] =	ssyncadd.s32 $0xFFFFFFFF  }
0xab: {  	s26 =	simm.s32 $execute0_lowered;
	[smem:$0x3FD2] =	sst s25  }
0xac: {  	s5 =	sshll.u32 s26, $0x1;
	_ =	strace $0x80000046;
	[dreg:$0x1] =	wrdreg $0xFFFFFFFF  }
0xad: {  	s28 =	simm.s32 $_size_execute0_lowered;
	s3 =	sadd.s32 s3, s5;
	[dreg:$0x0] =	wrdreg $0x0  }
0xae: {  	s5 =	sshll.u32 s28, $0x1;
	[dreg:$0x2] =	wrdreg s3  }
0xaf: {  	[dreg:$0x3] =	wrdreg s5  }
0xb0: {  	[dreg:$0x4] =	wrdreg $0xC0  }
0xb1: {  	_ =	task [dreg:s7], $0x5FFFF  }
0xb2: {  	[dreg:$0x1] =	wrdreg $0xFFFFFFFF  }
0xb3: {  	[dreg:$0x0] =	wrdreg $0x60  }
0xb4: {  	[dreg:$0x2] =	wrdreg s24  }
0xb5: {  	[dreg:$0x3] =	wrdreg s16  }
0xb6: {  	[dreg:$0x4] =	wrdreg $0x188100  }
0xb7: {  	[dreg:$0x5] =	wrdreg $0x9  }
0xb8: {  	_ =	task.clear_ibuf [dreg:s7], $0x6FFFF;
	_ =	strace $0x90000046  }
0xb9: {  	s29 =	simm.s32 $0x9;
	_ =	strace $0x80000048  }
0xba: {  	_ =	swait.ge [sflag:s29], $0x1  }
0xbb: {  	[sflag:s29] =	ssyncadd.s32 $0xFFFFFFFF  }
0xbc: {  	_ =	strace $0x90000048  }
0xbd: {  	_ =	sfence  }
0xbe: {  	s30 =	sld [smem:$0x0];
	_ =	sdelay $0x2  }
0xbf: {  	s31 =	sshll.u32 s1, $0xD;
	s1 =	sshrl.u32 s1, $0x2  }
0xc0: {  	s3 =	sand.u32 $0x4000, s31;
	s1 =	sadd.s32 s1, s30  }
0xc1: {  	s0 =	sor.u32 s3, s0;
	s1 =	sshll.u32 s1, $0x11  }
0xc2: {  	s0 =	sor.u32 s1, s0  }
0xc3: {  	s0 =	sadd.s32 $0x8F2B, s0  }
0xc4: {  	[sflag:s0] =	ssyncadd.remote.s32 $0x1  }
0xc5: {  	_ =	sfence.sel $0xFFFF  }
0xc6: {  	[dreg:$0x0] =	wrdreg $0xFFFFFFFF;
	(pc) =	sbr.abs _section_cstart, $3  }
0xc7: {  	[dreg:$0x1] =	wrdreg $0xFFFFFFFF  }
0xc8: {  	_ =	task.clear_ibuf [dreg:s7], $0x2FFFF;
	_ =	strace $0x9FFFFFFF  }
0xc9: {  	(tm) =	ssettm $0x7FFFFFFF  }
tec
execute0_lowered:
.L_overlay_start_1:
0x0: {  	(tag) =	ssettag $0x1  }
0x1: {  	s0 =	rddreg [dreg:$0x0]  }
0x2: {  	s1 =	rddreg [dreg:$0x1]  }
0x3: {  	s11 =	rddreg [dreg:$0x2]  }
0x4: {  	s2 =	srdreg.scid;
	s3 =	simm.s32 $0x0;
	s10 =	stileid.u32  }
0x5: {  	s29 =	simm.s32 $0x8800;
	s30 =	simm.s32 $0x5;
	s31 =	simm.s32 $0x2  }
0x6: {  	s2 =	sand.u32 $0x1, s2;
	[smem:$0x7FF] =	sst s3;
	s4 =	sshll.u32 s10, $0x8  }
0x7: {  	s6 =	sadd.s32 $0x1600, s0;
	s12 =	sadd.s32 $0x11600, s0;
	s9 =	sshll.u32 s10, $0xA  }
0x8: {  	s10 =	sshll.u32 s10, $0x5;
	s5 =	sshll.u32 s2, $0x10;
	_ =	strace $0x80000047  }
0x9: {  	s7 =	ssub.s32 $0x2, s2;
	s2 =	sshll.u32 s2, $0xE;
	[dreg:$0x4] =	wrdreg s12  }
0xa: {  	s13 =	sadd.s32 s12, s10;
	s10 =	simm.s32 $0xE800;
	s12 =	simm.s32 $0x10800  }
0xb: {  	s5 =	sor.u32 s4, s5;
	s8 =	sshrl.u32 s7, $0x1;
	s2 =	sor.u32 s9, s2  }
0xc: {  	s4 =	sadd.s32 s4, s11;
	[dreg:$0x8] =	wrdreg s13;
	s11 =	simm.s32 $0xF800  }
0xd: {  	s13 =	simm.s32 $0x11800;
	s5 =	sshrl.u32 s5, $0x3;
	s28 =	ssub.s32 s7, s8  }
0xe: {  	s8 =	sadd.s32 s6, s2;
	s9 =	sadd.s32 s1, s2;
	[dreg:$0x7] =	wrdreg s4  }
0xf: {  	s14 =	sor.u32 $0x80, s2;
	s16 =	sor.u32 $0x100, s2;
	s18 =	sor.u32 $0x180, s2  }
0x10: {  	s20 =	sor.u32 $0x200, s2;
	s22 =	sor.u32 $0x280, s2;
	[dreg:$0x5] =	wrdreg s8  }
0x11: {  	s24 =	sor.u32 $0x300, s2;
	[dreg:$0x6] =	wrdreg s9;
	s15 =	sadd.s32 s6, s14  }
0x12: {  	s2 =	sor.u32 $0x380, s2;
	s4 =	sadd.s32 s1, s14;
	[dreg:$0x9] =	wrdreg s15  }
0x13: {  	s7 =	simm.s32 $0xB800;
	s17 =	sadd.s32 s6, s16;
	[dreg:$0xa] =	wrdreg s4  }
0x14: {  	s0 =	sadd.s32 s5, s0;
	s19 =	sadd.s32 s6, s18;
	[dreg:$0xb] =	wrdreg s17  }
0x15: {  	s21 =	sadd.s32 s6, s20;
	s23 =	sadd.s32 s6, s22;
	[dreg:$0xd] =	wrdreg s19  }
0x16: {  	s25 =	sadd.s32 s6, s24;
	s26 =	sadd.s32 s6, s2;
	[dreg:$0xf] =	wrdreg s21  }
0x17: {  	s28 =	smax.u32 s28, $0x1;
	s5 =	simm.s32 $0x9800;
	[dreg:$0x11] =	wrdreg s23  }
0x18: {  	s6 =	simm.s32 $0xA800;
	s8 =	simm.s32 $0xC800;
	[dreg:$0x13] =	wrdreg s25  }
0x19: {  	s9 =	simm.s32 $0xD800;
	s14 =	simm.s32 $0x12800;
	[dreg:$0x15] =	wrdreg s26  }
0x1a: {  	s4 =	sadd.s32 s1, s16;
	s0 =	sadd.s32 $0x13600, s0;
	[dreg:$0x18] =	wrdreg s28  }
0x1b: {  	s25 =	simm.s32 $0x400;
	s26 =	simm.s32 $0x40000;
	s15 =	simm.s32 $0x13800  }
0x1c: {  	s16 =	simm.s32 $0x14800;
	s17 =	simm.s32 $0x15800;
	[dreg:$0xc] =	wrdreg s4  }
0x1d: {  	s19 =	simm.s32 $0x17800;
	s4 =	sadd.s32 s1, s18;
	[dreg:$0x17] =	wrdreg s0  }
0x1e: {  	s21 =	simm.s32 $0x0;
	[dreg:$0xe] =	wrdreg s4;
	s4 =	sadd.s32 s1, s20  }
0x1f: {  	s0 =	simm.s32 $0x3;
	[dreg:$0x10] =	wrdreg s4;
	s4 =	sadd.s32 s1, s22  }
0x20: {  	s18 =	simm.s32 $0x16800;
	[dreg:$0x12] =	wrdreg s4;
	s4 =	sadd.s32 s1, s24  }
0x21: {  	s20 =	simm.s32 $0x4;
	s1 =	sadd.s32 s1, s2;
	[dreg:$0x14] =	wrdreg s4  }
0x22: {  	v0 =	vlaneseq.u32;
	s24 =	simm.s32 $0x200;
	[dreg:$0x16] =	wrdreg s1;
	s1 =	simm.s32 $0x1  }
.LBB2_1:
0x23: {  	s2 =	rddreg [dreg:$0x5]  }
0x24: {  	[tilespmem:s3], [sflag:$0x1] =	stream.linear.gather [hbm4b:s2+s3], $0x400, $0x38;
	[tilespmem:$0x19810] =	vst v63  }
0x25: {  	s23 =	rddreg [dreg:$0x6];
	s4 =	simm.s32 $0x800  }
0x26: {  	[tilespmem:s4], [sflag:$0x3] =	stream.strided.gather [hbm4b:s23+s25], $0x4000, s26, s25, $0x38;
	[tilespmem:$0x19810] =	vst v63  }
0x27: {  	s22 =	stileid.u32;
	s4 =	rddreg [dreg:$0x4]  }
0x28: {  	[tilespmem:s29], [sflag:$0x5] =	stream.linear.gather [hbm4b:s4+s3], $0x10000, $0x38;
	[tilespmem:$0x19810] =	vst v63  }
0x29: {  	s2 =	sshll.u32 s22, $0x6;
	_ =	swait.ge [sflag:s30], $0x10000  }
0x2a: {  	s22 =	sor.u32 $0x1C05, s2;
	[sflag:s30] =	ssyncset.done $0x0;
	s23 =	rddreg [dreg:$0x7]  }
0x2b: {  	s4 =	rddreg [dreg:$0x8];
	[sflag:s30] =	ssyncadd.s32 $0xFFFF0000;
	s23 =	sshrl.u32 s23, $0x3  }
0x2c: {  	[spmem:s23@s24], [sflag:s22] =	dma.strided [hbm:s4@s24], $0x200, s31, $0x10   }
0x2d: {  	_ =	swait.ge [sflag:s30], $0x200  }
0x2e: {  	[sflag:s30] =	ssyncset.done $0x0  }
0x2f: {  	[sflag:s30] =	ssyncadd.s32 $0xFFFFFE00  }
0x30: {  	s24 =	rddreg [dreg:$0x9];
	[tilespmem:$0x18800] =	vst v0  }
0x31: {  	[tilespmem:s25], [sflag:$0x2] =	stream.linear.gather [hbm4b:s24+s3], $0x400, $0x38;
	[tilespmem:$0x19810] =	vst v63  }
0x32: {  	s4 =	rddreg [dreg:$0xa];
	s24 =	simm.s32 $0x4800  }
0x33: {  	[tilespmem:s24], [sflag:$0x4] =	stream.strided.gather [hbm4b:s4+s25], $0x4000, s26, s25, $0x38;
	[tilespmem:$0x19810] =	vst v63  }
0x34: {  	_ =	swait.ge [sflag:s1], $0x400  }
0x35: {  	[sflag:s1] =	ssyncset.done $0x0  }
0x36: {  	[sflag:s1] =	ssyncadd.s32 $0xFFFFFC00  }
0x37: {  	_ =	swait.ge [sflag:s0], $0x4000  }
0x38: {  	[sflag:s0] =	ssyncset.done $0x0  }
0x39: {  	s4 =	simm.s32 $0x20;
	[sflag:s0] =	ssyncadd.s32 $0xFFFFC000  }
0x3a: {  	v4 =	vld [tilespmem:s4+$0x10]  }
0x3b: {  	s24 =	simm.s32 $0x2800;
	v1 =	vld [tilespmem:s4+$0xFFFFFFF0]  }
0x3c: {  	v5 =	vld [tilespmem:s24+$0xFFFFE030]  }
0x3d: {  	v2 =	vld [tilespmem:s4+$0x0]  }
0x3e: {  	v3 =	vld [tilespmem:s4+$0xFFFFFFE0]  }
0x3f: {  	v7 =	vld [tilespmem:s24+$0xFFFFE010];
	_ =	sdelay $0x1  }
0x40: {  	v6 =	vld [tilespmem:s24+$0xFFFFE000]  }
0x41: {  	v8 =	vld [tilespmem:s24+$0xFFFFE020]  }
0x42: {  	[tilespmem:v4+s29+$0x0] =	vst.idx.add.f32.msk $0xffff, v5  }
0x43: {  	[tilespmem:v1+s29+$0x0] =	vst.idx.add.f32.msk $0xffff, v7  }
0x44: {  	v5 =	vld [tilespmem:s24+$0xFFFFE430]  }
0x45: {  	[tilespmem:v3+s29+$0x0] =	vst.idx.add.f32.msk $0xffff, v6  }
0x46: {  	[tilespmem:v2+s29+$0x0] =	vst.idx.add.f32.msk $0xffff, v8  }
0x47: {  	v6 =	vld [tilespmem:s24+$0xFFFFE400]  }
0x48: {  	v7 =	vld [tilespmem:s24+$0xFFFFE410]  }
0x49: {  	[tilespmem:v4+s5+$0x0] =	vst.idx.add.f32.msk $0xffff, v5  }
0x4a: {  	v5 =	vld [tilespmem:s24+$0xFFFFE830]  }
0x4b: {  	v8 =	vld [tilespmem:s24+$0xFFFFE420]  }
0x4c: {  	[tilespmem:v3+s5+$0x0] =	vst.idx.add.f32.msk $0xffff, v6  }
0x4d: {  	[tilespmem:v1+s5+$0x0] =	vst.idx.add.f32.msk $0xffff, v7  }
0x4e: {  	v6 =	vld [tilespmem:s24+$0xFFFFE800]  }
0x4f: {  	[tilespmem:v4+s6+$0x0] =	vst.idx.add.f32.msk $0xffff, v5  }
0x50: {  	v5 =	vld [tilespmem:s24+$0xFFFFEC30]  }
0x51: {  	[tilespmem:v2+s5+$0x0] =	vst.idx.add.f32.msk $0xffff, v8  }
0x52: {  	v7 =	vld [tilespmem:s24+$0xFFFFE810]  }
0x53: {  	v8 =	vld [tilespmem:s24+$0xFFFFE820]  }
0x54: {  	[tilespmem:v3+s6+$0x0] =	vst.idx.add.f32.msk $0xffff, v6  }
0x55: {  	[tilespmem:v4+s7+$0x0] =	vst.idx.add.f32.msk $0xffff, v5  }
0x56: {  	v5 =	vld [tilespmem:s24+$0xFFFFF030]  }
0x57: {  	[tilespmem:v1+s6+$0x0] =	vst.idx.add.f32.msk $0xffff, v7  }
0x58: {  	[tilespmem:v2+s6+$0x0] =	vst.idx.add.f32.msk $0xffff, v8  }
0x59: {  	v6 =	vld [tilespmem:s24+$0xFFFFEC00]  }
0x5a: {  	v7 =	vld [tilespmem:s24+$0xFFFFEC10]  }
0x5b: {  	[tilespmem:v4+s8+$0x0] =	vst.idx.add.f32.msk $0xffff, v5  }
0x5c: {  	v5 =	vld [tilespmem:s24+$0xFFFFF430]  }
0x5d: {  	v8 =	vld [tilespmem:s24+$0xFFFFEC20]  }
0x5e: {  	[tilespmem:v3+s7+$0x0] =	vst.idx.add.f32.msk $0xffff, v6  }
0x5f: {  	[tilespmem:v1+s7+$0x0] =	vst.idx.add.f32.msk $0xffff, v7  }
0x60: {  	v6 =	vld [tilespmem:s24+$0xFFFFF000]  }
0x61: {  	[tilespmem:v4+s9+$0x0] =	vst.idx.add.f32.msk $0xffff, v5  }
0x62: {  	v5 =	vld [tilespmem:s24+$0xFFFFF830]  }
0x63: {  	[tilespmem:v2+s7+$0x0] =	vst.idx.add.f32.msk $0xffff, v8  }
0x64: {  	v7 =	vld [tilespmem:s24+$0xFFFFF010]  }
0x65: {  	v8 =	vld [tilespmem:s24+$0xFFFFF020]  }
0x66: {  	[tilespmem:v3+s8+$0x0] =	vst.idx.add.f32.msk $0xffff, v6  }
0x67: {  	[tilespmem:v4+s10+$0x0] =	vst.idx.add.f32.msk $0xffff, v5  }
0x68: {  	v5 =	vld [tilespmem:s24+$0xFFFFFC30]  }
0x69: {  	[tilespmem:v1+s8+$0x0] =	vst.idx.add.f32.msk $0xffff, v7  }
0x6a: {  	[tilespmem:v2+s8+$0x0] =	vst.idx.add.f32.msk $0xffff, v8  }
0x6b: {  	v6 =	vld [tilespmem:s24+$0xFFFFF400]  }
0x6c: {  	v7 =	vld [tilespmem:s24+$0xFFFFF410]  }
0x6d: {  	[tilespmem:v4+s11+$0x0] =	vst.idx.add.f32.msk $0xffff, v5  }
0x6e: {  	v5 =	vld [tilespmem:s24+$0x30]  }
0x6f: {  	v8 =	vld [tilespmem:s24+$0xFFFFF420]  }
0x70: {  	[tilespmem:v3+s9+$0x0] =	vst.idx.add.f32.msk $0xffff, v6  }
0x71: {  	[tilespmem:v1+s9+$0x0] =	vst.idx.add.f32.msk $0xffff, v7  }
0x72: {  	v6 =	vld [tilespmem:s24+$0xFFFFF800]  }
0x73: {  	[tilespmem:v4+s12+$0x0] =	vst.idx.add.f32.msk $0xffff, v5  }
0x74: {  	v5 =	vld [tilespmem:s24+$0x430]  }
0x75: {  	[tilespmem:v2+s9+$0x0] =	vst.idx.add.f32.msk $0xffff, v8  }
0x76: {  	v7 =	vld [tilespmem:s24+$0xFFFFF810]  }
0x77: {  	v8 =	vld [tilespmem:s24+$0xFFFFF820]  }
0x78: {  	[tilespmem:v3+s10+$0x0] =	vst.idx.add.f32.msk $0xffff, v6  }
0x79: {  	[tilespmem:v4+s13+$0x0] =	vst.idx.add.f32.msk $0xffff, v5  }
0x7a: {  	v5 =	vld [tilespmem:s24+$0x830]  }
0x7b: {  	[tilespmem:v1+s10+$0x0] =	vst.idx.add.f32.msk $0xffff, v7  }
0x7c: {  	[tilespmem:v2+s10+$0x0] =	vst.idx.add.f32.msk $0xffff, v8  }
0x7d: {  	v6 =	vld [tilespmem:s24+$0xFFFFFC00]  }
0x7e: {  	v8 =	vld [tilespmem:s24+$0xFFFFFC20]  }
0x7f: {  	[tilespmem:v4+s14+$0x0] =	vst.idx.add.f32.msk $0xffff, v5  }
0x80: {  	v5 =	vld [tilespmem:s24+$0xC30]  }
0x81: {  	v7 =	vld [tilespmem:s24+$0xFFFFFC10]  }
0x82: {  	[tilespmem:v3+s11+$0x0] =	vst.idx.add.f32.msk $0xffff, v6  }
0x83: {  	[tilespmem:v2+s11+$0x0] =	vst.idx.add.f32.msk $0xffff, v8  }
0x84: {  	v8 =	vld [tilespmem:s24+$0x20]  }
0x85: {  	[tilespmem:v4+s15+$0x0] =	vst.idx.add.f32.msk $0xffff, v5  }
0x86: {  	v5 =	vld [tilespmem:s24+$0x1030]  }
0x87: {  	[tilespmem:v1+s11+$0x0] =	vst.idx.add.f32.msk $0xffff, v7  }
0x88: {  	v6 =	vld [tilespmem:s24+$0x0]  }
0x89: {  	[tilespmem:v2+s12+$0x0] =	vst.idx.add.f32.msk $0xffff, v8  }
0x8a: {  	v8 =	vld [tilespmem:s24+$0x420]  }
0x8b: {  	[tilespmem:v4+s16+$0x0] =	vst.idx.add.f32.msk $0xffff, v5  }
0x8c: {  	v5 =	vld [tilespmem:s24+$0x10]  }
0x8d: {  	[tilespmem:v3+s12+$0x0] =	vst.idx.add.f32.msk $0xffff, v6  }
0x8e: {  	v7 =	vld [tilespmem:s24+$0x1430]  }
0x8f: {  	v6 =	vld [tilespmem:s24+$0x400]  }
0x90: {  	[tilespmem:v2+s13+$0x0] =	vst.idx.add.f32.msk $0xffff, v8  }
0x91: {  	[tilespmem:v1+s12+$0x0] =	vst.idx.add.f32.msk $0xffff, v5  }
0x92: {  	v5 =	vld [tilespmem:s24+$0x410]  }
0x93: {  	[tilespmem:v4+s17+$0x0] =	vst.idx.add.f32.msk $0xffff, v7  }
0x94: {  	v7 =	vld [tilespmem:s24+$0x820]  }
0x95: {  	[tilespmem:v3+s13+$0x0] =	vst.idx.add.f32.msk $0xffff, v6  }
0x96: {  	v8 =	vld [tilespmem:s24+$0x1830]  }
0x97: {  	[tilespmem:v1+s13+$0x0] =	vst.idx.add.f32.msk $0xffff, v5  }
0x98: {  	v5 =	vld [tilespmem:s24+$0x800]  }
0x99: {  	[tilespmem:v2+s14+$0x0] =	vst.idx.add.f32.msk $0xffff, v7  }
0x9a: {  	v6 =	vld [tilespmem:s24+$0x810]  }
0x9b: {  	v7 =	vld [tilespmem:s24+$0xC20]  }
0x9c: {  	[tilespmem:v4+s18+$0x0] =	vst.idx.add.f32.msk $0xffff, v8  }
0x9d: {  	[tilespmem:v3+s14+$0x0] =	vst.idx.add.f32.msk $0xffff, v5  }
0x9e: {  	v5 =	vld [tilespmem:s24+$0xC00]  }
0x9f: {  	v8 =	vld [tilespmem:s24+$0x1C30]  }
0xa0: {  	[tilespmem:v1+s14+$0x0] =	vst.idx.add.f32.msk $0xffff, v6  }
0xa1: {  	[tilespmem:v2+s15+$0x0] =	vst.idx.add.f32.msk $0xffff, v7  }
0xa2: {  	v6 =	vld [tilespmem:s24+$0xC10]  }
0xa3: {  	[tilespmem:v3+s15+$0x0] =	vst.idx.add.f32.msk $0xffff, v5  }
0xa4: {  	v5 =	vld [tilespmem:s24+$0x1000]  }
0xa5: {  	v7 =	vld [tilespmem:s24+$0x1020]  }
0xa6: {  	[tilespmem:v4+s19+$0x0] =	vst.idx.add.f32.msk $0xffff, v8  }
0xa7: {  	[tilespmem:v1+s15+$0x0] =	vst.idx.add.f32.msk $0xffff, v6  }
0xa8: {  	v6 =	vld [tilespmem:s24+$0x1010]  }
0xa9: {  	[tilespmem:v3+s16+$0x0] =	vst.idx.add.f32.msk $0xffff, v5  }
0xaa: {  	v5 =	vld [tilespmem:s24+$0x1400]  }
0xab: {  	[tilespmem:v2+s16+$0x0] =	vst.idx.add.f32.msk $0xffff, v7  }
0xac: {  	v7 =	vld [tilespmem:s24+$0x1420]  }
0xad: {  	[tilespmem:v1+s16+$0x0] =	vst.idx.add.f32.msk $0xffff, v6  }
0xae: {  	v6 =	vld [tilespmem:s24+$0x1410]  }
0xaf: {  	[tilespmem:v3+s17+$0x0] =	vst.idx.add.f32.msk $0xffff, v5  }
0xb0: {  	v4 =	vld [tilespmem:s24+$0x1800]  }
0xb1: {  	[tilespmem:v2+s17+$0x0] =	vst.idx.add.f32.msk $0xffff, v7  }
0xb2: {  	v9 =	vld [tilespmem:s24+$0x1820]  }
0xb3: {  	[tilespmem:v1+s17+$0x0] =	vst.idx.add.f32.msk $0xffff, v6  }
0xb4: {  	v10 =	vld [tilespmem:s24+$0x1810]  }
0xb5: {  	[tilespmem:v3+s18+$0x0] =	vst.idx.add.f32.msk $0xffff, v4  }
0xb6: {  	s28 =	simm.s32 $0x0;
	s2 =	simm.s32 $0x60;
	s4 =	simm.s32 $0x2800;
	v5 =	vld [tilespmem:s24+$0x1C00]  }
.LBB2_2:
0xb7: {  	v8 =	vld [tilespmem:s2+$0x10];
	s28 =	sadd.s32 $0x4, s28  }
0xb8: {  	v6 =	vld [tilespmem:s2+$0xFFFFFFF0];
	p0 =	slt.u32 s28, $0x3C  }
0xb9: {  	s24 =	sadd.s32 $0x40, s24;
	v4 =	vld [tilespmem:s2+$0x0]  }
0xba: {  	v11 =	vld [tilespmem:s24+$0xFFFFE030]  }
0xbb: {  	v7 =	vld [tilespmem:s2+$0xFFFFFFE0]  }
0xbc: {  	v12 =	vld [tilespmem:s24+$0xFFFFE000]  }
0xbd: {  	v13 =	vld [tilespmem:s24+$0xFFFFE010]  }
0xbe: {  	v14 =	vld [tilespmem:s24+$0xFFFFE020]  }
0xbf: {  	[tilespmem:v8+s29+$0x0] =	vst.idx.add.f32.msk $0xffff, v11  }
0xc0: {  	v11 =	vld [tilespmem:s24+$0xFFFFE430]  }
0xc1: {  	[tilespmem:v1+s18+$0x0] =	vst.idx.add.f32.msk $0xffff, v10  }
0xc2: {  	[tilespmem:v6+s29+$0x0] =	vst.idx.add.f32.msk $0xffff, v13  }
0xc3: {  	[tilespmem:v7+s29+$0x0] =	vst.idx.add.f32.msk $0xffff, v12  }
0xc4: {  	[tilespmem:v4+s29+$0x0] =	vst.idx.add.f32.msk $0xffff, v14  }
0xc5: {  	[tilespmem:v8+s5+$0x0] =	vst.idx.add.f32.msk $0xffff, v11  }
0xc6: {  	v10 =	vld [tilespmem:s24+$0xFFFFE830]  }
0xc7: {  	v11 =	vld [tilespmem:s24+$0xFFFFE400]  }
0xc8: {  	v12 =	vld [tilespmem:s24+$0xFFFFE410]  }
0xc9: {  	v13 =	vld [tilespmem:s24+$0xFFFFE420]  }
0xca: {  	[tilespmem:v2+s18+$0x0] =	vst.idx.add.f32.msk $0xffff, v9  }
0xcb: {  	[tilespmem:v8+s6+$0x0] =	vst.idx.add.f32.msk $0xffff, v10  }
0xcc: {  	v9 =	vld [tilespmem:s24+$0xFFFFEC30]  }
0xcd: {  	[tilespmem:v7+s5+$0x0] =	vst.idx.add.f32.msk $0xffff, v11  }
0xce: {  	[tilespmem:v6+s5+$0x0] =	vst.idx.add.f32.msk $0xffff, v12  }
0xcf: {  	[tilespmem:v4+s5+$0x0] =	vst.idx.add.f32.msk $0xffff, v13  }
0xd0: {  	v10 =	vld [tilespmem:s24+$0xFFFFE800]  }
0xd1: {  	[tilespmem:v8+s7+$0x0] =	vst.idx.add.f32.msk $0xffff, v9  }
0xd2: {  	v9 =	vld [tilespmem:s24+$0xFFFFF030]  }
0xd3: {  	v11 =	vld [tilespmem:s24+$0xFFFFE810]  }
0xd4: {  	v12 =	vld [tilespmem:s24+$0xFFFFE820]  }
0xd5: {  	[tilespmem:v7+s6+$0x0] =	vst.idx.add.f32.msk $0xffff, v10  }
0xd6: {  	v10 =	vld [tilespmem:s24+$0xFFFFEC00]  }
0xd7: {  	[tilespmem:v8+s8+$0x0] =	vst.idx.add.f32.msk $0xffff, v9  }
0xd8: {  	v9 =	vld [tilespmem:s24+$0xFFFFF430]  }
0xd9: {  	[tilespmem:v6+s6+$0x0] =	vst.idx.add.f32.msk $0xffff, v11  }
0xda: {  	[tilespmem:v4+s6+$0x0] =	vst.idx.add.f32.msk $0xffff, v12  }
0xdb: {  	v11 =	vld [tilespmem:s24+$0xFFFFEC10]  }
0xdc: {  	v12 =	vld [tilespmem:s24+$0xFFFFEC20]  }
0xdd: {  	[tilespmem:v8+s9+$0x0] =	vst.idx.add.f32.msk $0xffff, v9  }
0xde: {  	v9 =	vld [tilespmem:s24+$0xFFFFF830]  }
0xdf: {  	[tilespmem:v7+s7+$0x0] =	vst.idx.add.f32.msk $0xffff, v10  }
0xe0: {  	[tilespmem:v6+s7+$0x0] =	vst.idx.add.f32.msk $0xffff, v11  }
0xe1: {  	[tilespmem:v4+s7+$0x0] =	vst.idx.add.f32.msk $0xffff, v12  }
0xe2: {  	v10 =	vld [tilespmem:s24+$0xFFFFF000]  }
0xe3: {  	[tilespmem:v8+s10+$0x0] =	vst.idx.add.f32.msk $0xffff, v9  }
0xe4: {  	v9 =	vld [tilespmem:s24+$0xFFFFFC30]  }
0xe5: {  	v11 =	vld [tilespmem:s24+$0xFFFFF010]  }
0xe6: {  	v12 =	vld [tilespmem:s24+$0xFFFFF020]  }
0xe7: {  	[tilespmem:v7+s8+$0x0] =	vst.idx.add.f32.msk $0xffff, v10  }
0xe8: {  	v10 =	vld [tilespmem:s24+$0xFFFFF400]  }
0xe9: {  	[tilespmem:v8+s11+$0x0] =	vst.idx.add.f32.msk $0xffff, v9  }
0xea: {  	v9 =	vld [tilespmem:s24+$0x30]  }
0xeb: {  	[tilespmem:v6+s8+$0x0] =	vst.idx.add.f32.msk $0xffff, v11  }
0xec: {  	[tilespmem:v4+s8+$0x0] =	vst.idx.add.f32.msk $0xffff, v12  }
0xed: {  	v11 =	vld [tilespmem:s24+$0xFFFFF410]  }
0xee: {  	v12 =	vld [tilespmem:s24+$0xFFFFF420]  }
0xef: {  	[tilespmem:v8+s12+$0x0] =	vst.idx.add.f32.msk $0xffff, v9  }
0xf0: {  	v9 =	vld [tilespmem:s24+$0x430]  }
0xf1: {  	[tilespmem:v7+s9+$0x0] =	vst.idx.add.f32.msk $0xffff, v10  }
0xf2: {  	[tilespmem:v6+s9+$0x0] =	vst.idx.add.f32.msk $0xffff, v11  }
0xf3: {  	[tilespmem:v4+s9+$0x0] =	vst.idx.add.f32.msk $0xffff, v12  }
0xf4: {  	v10 =	vld [tilespmem:s24+$0xFFFFF800]  }
0xf5: {  	[tilespmem:v8+s13+$0x0] =	vst.idx.add.f32.msk $0xffff, v9  }
0xf6: {  	v9 =	vld [tilespmem:s24+$0x830]  }
0xf7: {  	v11 =	vld [tilespmem:s24+$0xFFFFF810]  }
0xf8: {  	v12 =	vld [tilespmem:s24+$0xFFFFF820]  }
0xf9: {  	[tilespmem:v7+s10+$0x0] =	vst.idx.add.f32.msk $0xffff, v10  }
0xfa: {  	v10 =	vld [tilespmem:s24+$0xFFFFFC00]  }
0xfb: {  	[tilespmem:v8+s14+$0x0] =	vst.idx.add.f32.msk $0xffff, v9  }
0xfc: {  	v9 =	vld [tilespmem:s24+$0xC30]  }
0xfd: {  	[tilespmem:v6+s10+$0x0] =	vst.idx.add.f32.msk $0xffff, v11  }
0xfe: {  	[tilespmem:v4+s10+$0x0] =	vst.idx.add.f32.msk $0xffff, v12  }
0xff: {  	v11 =	vld [tilespmem:s24+$0xFFFFFC10]  }
0x100: {  	v12 =	vld [tilespmem:s24+$0xFFFFFC20]  }
0x101: {  	[tilespmem:v8+s15+$0x0] =	vst.idx.add.f32.msk $0xffff, v9  }
0x102: {  	v9 =	vld [tilespmem:s24+$0x1030]  }
0x103: {  	[tilespmem:v7+s11+$0x0] =	vst.idx.add.f32.msk $0xffff, v10  }
0x104: {  	[tilespmem:v6+s11+$0x0] =	vst.idx.add.f32.msk $0xffff, v11  }
0x105: {  	[tilespmem:v4+s11+$0x0] =	vst.idx.add.f32.msk $0xffff, v12  }
0x106: {  	v10 =	vld [tilespmem:s24+$0x0]  }
0x107: {  	[tilespmem:v8+s16+$0x0] =	vst.idx.add.f32.msk $0xffff, v9  }
0x108: {  	v9 =	vld [tilespmem:s24+$0x1430]  }
0x109: {  	v11 =	vld [tilespmem:s24+$0x10]  }
0x10a: {  	v12 =	vld [tilespmem:s24+$0x20]  }
0x10b: {  	[tilespmem:v7+s12+$0x0] =	vst.idx.add.f32.msk $0xffff, v10  }
0x10c: {  	v10 =	vld [tilespmem:s24+$0x400]  }
0x10d: {  	[tilespmem:v8+s17+$0x0] =	vst.idx.add.f32.msk $0xffff, v9  }
0x10e: {  	v9 =	vld [tilespmem:s24+$0x1830]  }
0x10f: {  	[tilespmem:v6+s12+$0x0] =	vst.idx.add.f32.msk $0xffff, v11  }
0x110: {  	[tilespmem:v4+s12+$0x0] =	vst.idx.add.f32.msk $0xffff, v12  }
0x111: {  	v11 =	vld [tilespmem:s24+$0x410]  }
0x112: {  	v12 =	vld [tilespmem:s24+$0x420]  }
0x113: {  	[tilespmem:v8+s18+$0x0] =	vst.idx.add.f32.msk $0xffff, v9  }
0x114: {  	v9 =	vld [tilespmem:s24+$0x1C30]  }
0x115: {  	[tilespmem:v7+s13+$0x0] =	vst.idx.add.f32.msk $0xffff, v10  }
0x116: {  	[tilespmem:v6+s13+$0x0] =	vst.idx.add.f32.msk $0xffff, v11  }
0x117: {  	[tilespmem:v4+s13+$0x0] =	vst.idx.add.f32.msk $0xffff, v12  }
0x118: {  	v10 =	vld [tilespmem:s24+$0x800]  }
0x119: {  	[tilespmem:v8+s19+$0x0] =	vst.idx.add.f32.msk $0xffff, v9  }
0x11a: {  	v8 =	vld [tilespmem:s24+$0x810]  }
0x11b: {  	v9 =	vld [tilespmem:s24+$0x820]  }
0x11c: {  	v11 =	vld [tilespmem:s4+$0x1C10]  }
0x11d: {  	[tilespmem:v7+s14+$0x0] =	vst.idx.add.f32.msk $0xffff, v10  }
0x11e: {  	v10 =	vld [tilespmem:s24+$0xC00]  }
0x11f: {  	[tilespmem:v6+s14+$0x0] =	vst.idx.add.f32.msk $0xffff, v8  }
0x120: {  	[tilespmem:v4+s14+$0x0] =	vst.idx.add.f32.msk $0xffff, v9  }
0x121: {  	v8 =	vld [tilespmem:s24+$0xC10]  }
0x122: {  	v9 =	vld [tilespmem:s24+$0xC20]  }
0x123: {  	[tilespmem:v7+s15+$0x0] =	vst.idx.add.f32.msk $0xffff, v10  }
0x124: {  	v10 =	vld [tilespmem:s24+$0x1000]  }
0x125: {  	v12 =	vld [tilespmem:s4+$0x1C20];
	s4 =	smov.u32 s24  }
0x126: {  	[tilespmem:v6+s15+$0x0] =	vst.idx.add.f32.msk $0xffff, v8  }
0x127: {  	[tilespmem:v4+s15+$0x0] =	vst.idx.add.f32.msk $0xffff, v9  }
0x128: {  	v8 =	vld [tilespmem:s24+$0x1010]  }
0x129: {  	v9 =	vld [tilespmem:s24+$0x1020]  }
0x12a: {  	[tilespmem:v7+s16+$0x0] =	vst.idx.add.f32.msk $0xffff, v10  }
0x12b: {  	v10 =	vld [tilespmem:s24+$0x1400]  }
0x12c: {  	[tilespmem:v3+s19+$0x0] =	vst.idx.add.f32.msk $0xffff, v5;
	v3 =	vmov v7  }
0x12d: {  	[tilespmem:v6+s16+$0x0] =	vst.idx.add.f32.msk $0xffff, v8  }
0x12e: {  	[tilespmem:v4+s16+$0x0] =	vst.idx.add.f32.msk $0xffff, v9  }
0x12f: {  	v5 =	vld [tilespmem:s24+$0x1410]  }
0x130: {  	v7 =	vld [tilespmem:s24+$0x1420]  }
0x131: {  	[tilespmem:v3+s17+$0x0] =	vst.idx.add.f32.msk $0xffff, v10  }
0x132: {  	v8 =	vld [tilespmem:s24+$0x1800]  }
0x133: {  	[tilespmem:v1+s19+$0x0] =	vst.idx.add.f32.msk $0xffff, v11;
	v1 =	vmov v6  }
0x134: {  	[tilespmem:v6+s17+$0x0] =	vst.idx.add.f32.msk $0xffff, v5  }
0x135: {  	[tilespmem:v4+s17+$0x0] =	vst.idx.add.f32.msk $0xffff, v7  }
.Ltmp0:
0x136: {  	v10 =	vld [tilespmem:s24+$0x1810];
	(pc) =	sbr.rel @p0 .LBB2_2-.Ltmp0, $4  }
0x137: {  	v9 =	vld [tilespmem:s24+$0x1820]  }
0x138: {  	[tilespmem:v3+s18+$0x0] =	vst.idx.add.f32.msk $0xffff, v8  }
0x139: {  	v5 =	vld [tilespmem:s24+$0x1C00]  }
0x13a: {  	s2 =	sadd.s32 $0x40, s2;
	[tilespmem:v2+s19+$0x0] =	vst.idx.add.f32.msk $0xffff, v12;
	v2 =	vmov v4  }
0x13b: {  	_ =	sdelay $0x3  }
0x13c: {  	[tilespmem:v1+s18+$0x0] =	vst.idx.add.f32.msk $0xffff, v10  }
0x13d: {  	[tilespmem:v2+s18+$0x0] =	vst.idx.add.f32.msk $0xffff, v9  }
0x13e: {  	v4 =	vld [tilespmem:s4+$0x1C10]  }
0x13f: {  	v6 =	vld [tilespmem:s4+$0x1C20];
	_ =	sdelay $0x2  }
0x140: {  	[tilespmem:v3+s19+$0x0] =	vst.idx.add.f32.msk $0xffff, v5  }
0x141: {  	[tilespmem:v1+s19+$0x0] =	vst.idx.add.f32.msk $0xffff, v4  }
0x142: {  	[tilespmem:v2+s19+$0x0] =	vst.idx.add.f32.msk $0xffff, v6  }
0x143: {  	s2 =	rddreg [dreg:$0xb]  }
0x144: {  	[tilespmem:s3], [sflag:$0x1] =	stream.linear.gather [hbm4b:s2+s3], $0x400, $0x38;
	[tilespmem:$0x19810] =	vst v63  }
0x145: {  	s24 =	simm.s32 $0x800;
	s4 =	rddreg [dreg:$0xc]  }
0x146: {  	[tilespmem:s24], [sflag:$0x3] =	stream.strided.gather [hbm4b:s4+s25], $0x4000, s26, s25, $0x38;
	[tilespmem:$0x19810] =	vst v63  }
0x147: {  	_ =	swait.ge [sflag:s31], $0x400  }
0x148: {  	[sflag:s31] =	ssyncset.done $0x0  }
0x149: {  	[sflag:s31] =	ssyncadd.s32 $0xFFFFFC00  }
0x14a: {  	_ =	swait.ge [sflag:s20], $0x4000  }
0x14b: {  	[sflag:s20] =	ssyncset.done $0x0  }
0x14c: {  	s4 =	simm.s32 $0x420;
	[sflag:s20] =	ssyncadd.s32 $0xFFFFC000  }
0x14d: {  	v4 =	vld [tilespmem:s4+$0x10]  }
0x14e: {  	s24 =	simm.s32 $0x6800;
	v1 =	vld [tilespmem:s4+$0xFFFFFFF0]  }
0x14f: {  	v5 =	vld [tilespmem:s24+$0xFFFFE030]  }
0x150: {  	v2 =	vld [tilespmem:s4+$0x0]  }
0x151: {  	v3 =	vld [tilespmem:s4+$0xFFFFFFE0]  }
0x152: {  	v7 =	vld [tilespmem:s24+$0xFFFFE010];
	_ =	sdelay $0x1  }
0x153: {  	v6 =	vld [tilespmem:s24+$0xFFFFE000]  }
0x154: {  	v8 =	vld [tilespmem:s24+$0xFFFFE020]  }
0x155: {  	[tilespmem:v4+s29+$0x0] =	vst.idx.add.f32.msk $0xffff, v5  }
0x156: {  	[tilespmem:v1+s29+$0x0] =	vst.idx.add.f32.msk $0xffff, v7  }
0x157: {  	v5 =	vld [tilespmem:s24+$0xFFFFE430]  }
0x158: {  	[tilespmem:v3+s29+$0x0] =	vst.idx.add.f32.msk $0xffff, v6  }
0x159: {  	[tilespmem:v2+s29+$0x0] =	vst.idx.add.f32.msk $0xffff, v8  }
0x15a: {  	v6 =	vld [tilespmem:s24+$0xFFFFE400]  }
0x15b: {  	v7 =	vld [tilespmem:s24+$0xFFFFE410]  }
0x15c: {  	[tilespmem:v4+s5+$0x0] =	vst.idx.add.f32.msk $0xffff, v5  }
0x15d: {  	v5 =	vld [tilespmem:s24+$0xFFFFE830]  }
0x15e: {  	v8 =	vld [tilespmem:s24+$0xFFFFE420]  }
0x15f: {  	[tilespmem:v3+s5+$0x0] =	vst.idx.add.f32.msk $0xffff, v6  }
0x160: {  	[tilespmem:v1+s5+$0x0] =	vst.idx.add.f32.msk $0xffff, v7  }
0x161: {  	v6 =	vld [tilespmem:s24+$0xFFFFE800]  }
0x162: {  	[tilespmem:v4+s6+$0x0] =	vst.idx.add.f32.msk $0xffff, v5  }
0x163: {  	v5 =	vld [tilespmem:s24+$0xFFFFEC30]  }
0x164: {  	[tilespmem:v2+s5+$0x0] =	vst.idx.add.f32.msk $0xffff, v8  }
0x165: {  	v7 =	vld [tilespmem:s24+$0xFFFFE810]  }
0x166: {  	v8 =	vld [tilespmem:s24+$0xFFFFE820]  }
0x167: {  	[tilespmem:v3+s6+$0x0] =	vst.idx.add.f32.msk $0xffff, v6  }
0x168: {  	[tilespmem:v4+s7+$0x0] =	vst.idx.add.f32.msk $0xffff, v5  }
0x169: {  	v5 =	vld [tilespmem:s24+$0xFFFFF030]  }
0x16a: {  	[tilespmem:v1+s6+$0x0] =	vst.idx.add.f32.msk $0xffff, v7  }
0x16b: {  	[tilespmem:v2+s6+$0x0] =	vst.idx.add.f32.msk $0xffff, v8  }
0x16c: {  	v6 =	vld [tilespmem:s24+$0xFFFFEC00]  }
0x16d: {  	v7 =	vld [tilespmem:s24+$0xFFFFEC10]  }
0x16e: {  	[tilespmem:v4+s8+$0x0] =	vst.idx.add.f32.msk $0xffff, v5  }
0x16f: {  	v5 =	vld [tilespmem:s24+$0xFFFFF430]  }
0x170: {  	v8 =	vld [tilespmem:s24+$0xFFFFEC20]  }
0x171: {  	[tilespmem:v3+s7+$0x0] =	vst.idx.add.f32.msk $0xffff, v6  }
0x172: {  	[tilespmem:v1+s7+$0x0] =	vst.idx.add.f32.msk $0xffff, v7  }
0x173: {  	v6 =	vld [tilespmem:s24+$0xFFFFF000]  }
0x174: {  	[tilespmem:v4+s9+$0x0] =	vst.idx.add.f32.msk $0xffff, v5  }
0x175: {  	v5 =	vld [tilespmem:s24+$0xFFFFF830]  }
0x176: {  	[tilespmem:v2+s7+$0x0] =	vst.idx.add.f32.msk $0xffff, v8  }
0x177: {  	v7 =	vld [tilespmem:s24+$0xFFFFF010]  }
0x178: {  	v8 =	vld [tilespmem:s24+$0xFFFFF020]  }
0x179: {  	[tilespmem:v3+s8+$0x0] =	vst.idx.add.f32.msk $0xffff, v6  }
0x17a: {  	[tilespmem:v4+s10+$0x0] =	vst.idx.add.f32.msk $0xffff, v5  }
0x17b: {  	v5 =	vld [tilespmem:s24+$0xFFFFFC30]  }
0x17c: {  	[tilespmem:v1+s8+$0x0] =	vst.idx.add.f32.msk $0xffff, v7  }
0x17d: {  	[tilespmem:v2+s8+$0x0] =	vst.idx.add.f32.msk $0xffff, v8  }
0x17e: {  	v6 =	vld [tilespmem:s24+$0xFFFFF400]  }
0x17f: {  	v7 =	vld [tilespmem:s24+$0xFFFFF410]  }
0x180: {  	[tilespmem:v4+s11+$0x0] =	vst.idx.add.f32.msk $0xffff, v5  }
0x181: {  	v5 =	vld [tilespmem:s24+$0x30]  }
0x182: {  	v8 =	vld [tilespmem:s24+$0xFFFFF420]  }
0x183: {  	[tilespmem:v3+s9+$0x0] =	vst.idx.add.f32.msk $0xffff, v6  }
0x184: {  	[tilespmem:v1+s9+$0x0] =	vst.idx.add.f32.msk $0xffff, v7  }
0x185: {  	v6 =	vld [tilespmem:s24+$0xFFFFF800]  }
0x186: {  	[tilespmem:v4+s12+$0x0] =	vst.idx.add.f32.msk $0xffff, v5  }
0x187: {  	v5 =	vld [tilespmem:s24+$0x430]  }
0x188: {  	[tilespmem:v2+s9+$0x0] =	vst.idx.add.f32.msk $0xffff, v8  }
0x189: {  	v7 =	vld [tilespmem:s24+$0xFFFFF810]  }
0x18a: {  	v8 =	vld [tilespmem:s24+$0xFFFFF820]  }
0x18b: {  	[tilespmem:v3+s10+$0x0] =	vst.idx.add.f32.msk $0xffff, v6  }
0x18c: {  	[tilespmem:v4+s13+$0x0] =	vst.idx.add.f32.msk $0xffff, v5  }
0x18d: {  	v5 =	vld [tilespmem:s24+$0x830]  }
0x18e: {  	[tilespmem:v1+s10+$0x0] =	vst.idx.add.f32.msk $0xffff, v7  }
0x18f: {  	[tilespmem:v2+s10+$0x0] =	vst.idx.add.f32.msk $0xffff, v8  }
0x190: {  	v6 =	vld [tilespmem:s24+$0xFFFFFC00]  }
0x191: {  	v8 =	vld [tilespmem:s24+$0xFFFFFC20]  }
0x192: {  	[tilespmem:v4+s14+$0x0] =	vst.idx.add.f32.msk $0xffff, v5  }
0x193: {  	v5 =	vld [tilespmem:s24+$0xC30]  }
0x194: {  	v7 =	vld [tilespmem:s24+$0xFFFFFC10]  }
0x195: {  	[tilespmem:v3+s11+$0x0] =	vst.idx.add.f32.msk $0xffff, v6  }
0x196: {  	[tilespmem:v2+s11+$0x0] =	vst.idx.add.f32.msk $0xffff, v8  }
0x197: {  	v8 =	vld [tilespmem:s24+$0x20]  }
0x198: {  	[tilespmem:v4+s15+$0x0] =	vst.idx.add.f32.msk $0xffff, v5  }
0x199: {  	v5 =	vld [tilespmem:s24+$0x1030]  }
0x19a: {  	[tilespmem:v1+s11+$0x0] =	vst.idx.add.f32.msk $0xffff, v7  }
0x19b: {  	v6 =	vld [tilespmem:s24+$0x0]  }
0x19c: {  	[tilespmem:v2+s12+$0x0] =	vst.idx.add.f32.msk $0xffff, v8  }
0x19d: {  	v8 =	vld [tilespmem:s24+$0x420]  }
0x19e: {  	[tilespmem:v4+s16+$0x0] =	vst.idx.add.f32.msk $0xffff, v5  }
0x19f: {  	v5 =	vld [tilespmem:s24+$0x10]  }
0x1a0: {  	[tilespmem:v3+s12+$0x0] =	vst.idx.add.f32.msk $0xffff, v6  }
0x1a1: {  	v7 =	vld [tilespmem:s24+$0x1430]  }
0x1a2: {  	v6 =	vld [tilespmem:s24+$0x400]  }
0x1a3: {  	[tilespmem:v2+s13+$0x0] =	vst.idx.add.f32.msk $0xffff, v8  }
0x1a4: {  	[tilespmem:v1+s12+$0x0] =	vst.idx.add.f32.msk $0xffff, v5  }
0x1a5: {  	v5 =	vld [tilespmem:s24+$0x410]  }
0x1a6: {  	[tilespmem:v4+s17+$0x0] =	vst.idx.add.f32.msk $0xffff, v7  }
0x1a7: {  	v7 =	vld [tilespmem:s24+$0x820]  }
0x1a8: {  	[tilespmem:v3+s13+$0x0] =	vst.idx.add.f32.msk $0xffff, v6  }
0x1a9: {  	v8 =	vld [tilespmem:s24+$0x1830]  }
0x1aa: {  	[tilespmem:v1+s13+$0x0] =	vst.idx.add.f32.msk $0xffff, v5  }
0x1ab: {  	v5 =	vld [tilespmem:s24+$0x800]  }
0x1ac: {  	[tilespmem:v2+s14+$0x0] =	vst.idx.add.f32.msk $0xffff, v7  }
0x1ad: {  	v6 =	vld [tilespmem:s24+$0x810]  }
0x1ae: {  	v7 =	vld [tilespmem:s24+$0xC20]  }
0x1af: {  	[tilespmem:v4+s18+$0x0] =	vst.idx.add.f32.msk $0xffff, v8  }
0x1b0: {  	[tilespmem:v3+s14+$0x0] =	vst.idx.add.f32.msk $0xffff, v5  }
0x1b1: {  	v5 =	vld [tilespmem:s24+$0xC00]  }
0x1b2: {  	v8 =	vld [tilespmem:s24+$0x1C30]  }
0x1b3: {  	[tilespmem:v1+s14+$0x0] =	vst.idx.add.f32.msk $0xffff, v6  }
0x1b4: {  	[tilespmem:v2+s15+$0x0] =	vst.idx.add.f32.msk $0xffff, v7  }
0x1b5: {  	v6 =	vld [tilespmem:s24+$0xC10]  }
0x1b6: {  	[tilespmem:v3+s15+$0x0] =	vst.idx.add.f32.msk $0xffff, v5  }
0x1b7: {  	v5 =	vld [tilespmem:s24+$0x1000]  }
0x1b8: {  	v7 =	vld [tilespmem:s24+$0x1020]  }
0x1b9: {  	[tilespmem:v4+s19+$0x0] =	vst.idx.add.f32.msk $0xffff, v8  }
0x1ba: {  	[tilespmem:v1+s15+$0x0] =	vst.idx.add.f32.msk $0xffff, v6  }
0x1bb: {  	v6 =	vld [tilespmem:s24+$0x1010]  }
0x1bc: {  	[tilespmem:v3+s16+$0x0] =	vst.idx.add.f32.msk $0xffff, v5  }
0x1bd: {  	v5 =	vld [tilespmem:s24+$0x1400]  }
0x1be: {  	[tilespmem:v2+s16+$0x0] =	vst.idx.add.f32.msk $0xffff, v7  }
0x1bf: {  	v7 =	vld [tilespmem:s24+$0x1420]  }
0x1c0: {  	[tilespmem:v1+s16+$0x0] =	vst.idx.add.f32.msk $0xffff, v6  }
0x1c1: {  	v6 =	vld [tilespmem:s24+$0x1410]  }
0x1c2: {  	[tilespmem:v3+s17+$0x0] =	vst.idx.add.f32.msk $0xffff, v5  }
0x1c3: {  	v4 =	vld [tilespmem:s24+$0x1800]  }
0x1c4: {  	[tilespmem:v2+s17+$0x0] =	vst.idx.add.f32.msk $0xffff, v7  }
0x1c5: {  	v9 =	vld [tilespmem:s24+$0x1820]  }
0x1c6: {  	[tilespmem:v1+s17+$0x0] =	vst.idx.add.f32.msk $0xffff, v6  }
0x1c7: {  	v10 =	vld [tilespmem:s24+$0x1810]  }
0x1c8: {  	[tilespmem:v3+s18+$0x0] =	vst.idx.add.f32.msk $0xffff, v4  }
0x1c9: {  	s28 =	simm.s32 $0x0;
	s2 =	simm.s32 $0x460;
	s4 =	simm.s32 $0x6800;
	v5 =	vld [tilespmem:s24+$0x1C00]  }
.LBB2_4:
0x1ca: {  	v8 =	vld [tilespmem:s2+$0x10];
	s28 =	sadd.s32 $0x4, s28  }
0x1cb: {  	v6 =	vld [tilespmem:s2+$0xFFFFFFF0];
	p0 =	slt.u32 s28, $0x3C  }
0x1cc: {  	s24 =	sadd.s32 $0x40, s24;
	v4 =	vld [tilespmem:s2+$0x0]  }
0x1cd: {  	v11 =	vld [tilespmem:s24+$0xFFFFE030]  }
0x1ce: {  	v7 =	vld [tilespmem:s2+$0xFFFFFFE0]  }
0x1cf: {  	v12 =	vld [tilespmem:s24+$0xFFFFE000]  }
0x1d0: {  	v13 =	vld [tilespmem:s24+$0xFFFFE010]  }
0x1d1: {  	v14 =	vld [tilespmem:s24+$0xFFFFE020]  }
0x1d2: {  	[tilespmem:v8+s29+$0x0] =	vst.idx.add.f32.msk $0xffff, v11  }
0x1d3: {  	v11 =	vld [tilespmem:s24+$0xFFFFE430]  }
0x1d4: {  	[tilespmem:v1+s18+$0x0] =	vst.idx.add.f32.msk $0xffff, v10  }
0x1d5: {  	[tilespmem:v6+s29+$0x0] =	vst.idx.add.f32.msk $0xffff, v13  }
0x1d6: {  	[tilespmem:v7+s29+$0x0] =	vst.idx.add.f32.msk $0xffff, v12  }
0x1d7: {  	[tilespmem:v4+s29+$0x0] =	vst.idx.add.f32.msk $0xffff, v14  }
0x1d8: {  	[tilespmem:v8+s5+$0x0] =	vst.idx.add.f32.msk $0xffff, v11  }
0x1d9: {  	v10 =	vld [tilespmem:s24+$0xFFFFE830]  }
0x1da: {  	v11 =	vld [tilespmem:s24+$0xFFFFE400]  }
0x1db: {  	v12 =	vld [tilespmem:s24+$0xFFFFE410]  }
0x1dc: {  	v13 =	vld [tilespmem:s24+$0xFFFFE420]  }
0x1dd: {  	[tilespmem:v2+s18+$0x0] =	vst.idx.add.f32.msk $0xffff, v9  }
0x1de: {  	[tilespmem:v8+s6+$0x0] =	vst.idx.add.f32.msk $0xffff, v10  }
0x1df: {  	v9 =	vld [tilespmem:s24+$0xFFFFEC30]  }
0x1e0: {  	[tilespmem:v7+s5+$0x0] =	vst.idx.add.f32.msk $0xffff, v11  }
0x1e1: {  	[tilespmem:v6+s5+$0x0] =	vst.idx.add.f32.msk $0xffff, v12  }
0x1e2: {  	[tilespmem:v4+s5+$0x0] =	vst.idx.add.f32.msk $0xffff, v13  }
0x1e3: {  	v10 =	vld [tilespmem:s24+$0xFFFFE800]  }
0x1e4: {  	[tilespmem:v8+s7+$0x0] =	vst.idx.add.f32.msk $0xffff, v9  }
0x1e5: {  	v9 =	vld [tilespmem:s24+$0xFFFFF030]  }
0x1e6: {  	v11 =	vld [tilespmem:s24+$0xFFFFE810]  }
0x1e7: {  	v12 =	vld [tilespmem:s24+$0xFFFFE820]  }
0x1e8: {  	[tilespmem:v7+s6+$0x0] =	vst.idx.add.f32.msk $0xffff, v10  }
0x1e9: {  	v10 =	vld [tilespmem:s24+$0xFFFFEC00]  }
0x1ea: {  	[tilespmem:v8+s8+$0x0] =	vst.idx.add.f32.msk $0xffff, v9  }
0x1eb: {  	v9 =	vld [tilespmem:s24+$0xFFFFF430]  }
0x1ec: {  	[tilespmem:v6+s6+$0x0] =	vst.idx.add.f32.msk $0xffff, v11  }
0x1ed: {  	[tilespmem:v4+s6+$0x0] =	vst.idx.add.f32.msk $0xffff, v12  }
0x1ee: {  	v11 =	vld [tilespmem:s24+$0xFFFFEC10]  }
0x1ef: {  	v12 =	vld [tilespmem:s24+$0xFFFFEC20]  }
0x1f0: {  	[tilespmem:v8+s9+$0x0] =	vst.idx.add.f32.msk $0xffff, v9  }
0x1f1: {  	v9 =	vld [tilespmem:s24+$0xFFFFF830]  }
0x1f2: {  	[tilespmem:v7+s7+$0x0] =	vst.idx.add.f32.msk $0xffff, v10  }
0x1f3: {  	[tilespmem:v6+s7+$0x0] =	vst.idx.add.f32.msk $0xffff, v11  }
0x1f4: {  	[tilespmem:v4+s7+$0x0] =	vst.idx.add.f32.msk $0xffff, v12  }
0x1f5: {  	v10 =	vld [tilespmem:s24+$0xFFFFF000]  }
0x1f6: {  	[tilespmem:v8+s10+$0x0] =	vst.idx.add.f32.msk $0xffff, v9  }
0x1f7: {  	v9 =	vld [tilespmem:s24+$0xFFFFFC30]  }
0x1f8: {  	v11 =	vld [tilespmem:s24+$0xFFFFF010]  }
0x1f9: {  	v12 =	vld [tilespmem:s24+$0xFFFFF020]  }
0x1fa: {  	[tilespmem:v7+s8+$0x0] =	vst.idx.add.f32.msk $0xffff, v10  }
0x1fb: {  	v10 =	vld [tilespmem:s24+$0xFFFFF400]  }
0x1fc: {  	[tilespmem:v8+s11+$0x0] =	vst.idx.add.f32.msk $0xffff, v9  }
0x1fd: {  	v9 =	vld [tilespmem:s24+$0x30]  }
0x1fe: {  	[tilespmem:v6+s8+$0x0] =	vst.idx.add.f32.msk $0xffff, v11  }
0x1ff: {  	[tilespmem:v4+s8+$0x0] =	vst.idx.add.f32.msk $0xffff, v12  }
0x200: {  	v11 =	vld [tilespmem:s24+$0xFFFFF410]  }
0x201: {  	v12 =	vld [tilespmem:s24+$0xFFFFF420]  }
0x202: {  	[tilespmem:v8+s12+$0x0] =	vst.idx.add.f32.msk $0xffff, v9  }
0x203: {  	v9 =	vld [tilespmem:s24+$0x430]  }
0x204: {  	[tilespmem:v7+s9+$0x0] =	vst.idx.add.f32.msk $0xffff, v10  }
0x205: {  	[tilespmem:v6+s9+$0x0] =	vst.idx.add.f32.msk $0xffff, v11  }
0x206: {  	[tilespmem:v4+s9+$0x0] =	vst.idx.add.f32.msk $0xffff, v12  }
0x207: {  	v10 =	vld [tilespmem:s24+$0xFFFFF800]  }
0x208: {  	[tilespmem:v8+s13+$0x0] =	vst.idx.add.f32.msk $0xffff, v9  }
0x209: {  	v9 =	vld [tilespmem:s24+$0x830]  }
0x20a: {  	v11 =	vld [tilespmem:s24+$0xFFFFF810]  }
0x20b: {  	v12 =	vld [tilespmem:s24+$0xFFFFF820]  }
0x20c: {  	[tilespmem:v7+s10+$0x0] =	vst.idx.add.f32.msk $0xffff, v10  }
0x20d: {  	v10 =	vld [tilespmem:s24+$0xFFFFFC00]  }
0x20e: {  	[tilespmem:v8+s14+$0x0] =	vst.idx.add.f32.msk $0xffff, v9  }
0x20f: {  	v9 =	vld [tilespmem:s24+$0xC30]  }
0x210: {  	[tilespmem:v6+s10+$0x0] =	vst.idx.add.f32.msk $0xffff, v11  }
0x211: {  	[tilespmem:v4+s10+$0x0] =	vst.idx.add.f32.msk $0xffff, v12  }
0x212: {  	v11 =	vld [tilespmem:s24+$0xFFFFFC10]  }
0x213: {  	v12 =	vld [tilespmem:s24+$0xFFFFFC20]  }
0x214: {  	[tilespmem:v8+s15+$0x0] =	vst.idx.add.f32.msk $0xffff, v9  }
0x215: {  	v9 =	vld [tilespmem:s24+$0x1030]  }
0x216: {  	[tilespmem:v7+s11+$0x0] =	vst.idx.add.f32.msk $0xffff, v10  }
0x217: {  	[tilespmem:v6+s11+$0x0] =	vst.idx.add.f32.msk $0xffff, v11  }
0x218: {  	[tilespmem:v4+s11+$0x0] =	vst.idx.add.f32.msk $0xffff, v12  }
0x219: {  	v10 =	vld [tilespmem:s24+$0x0]  }
0x21a: {  	[tilespmem:v8+s16+$0x0] =	vst.idx.add.f32.msk $0xffff, v9  }
0x21b: {  	v9 =	vld [tilespmem:s24+$0x1430]  }
0x21c: {  	v11 =	vld [tilespmem:s24+$0x10]  }
0x21d: {  	v12 =	vld [tilespmem:s24+$0x20]  }
0x21e: {  	[tilespmem:v7+s12+$0x0] =	vst.idx.add.f32.msk $0xffff, v10  }
0x21f: {  	v10 =	vld [tilespmem:s24+$0x400]  }
0x220: {  	[tilespmem:v8+s17+$0x0] =	vst.idx.add.f32.msk $0xffff, v9  }
0x221: {  	v9 =	vld [tilespmem:s24+$0x1830]  }
0x222: {  	[tilespmem:v6+s12+$0x0] =	vst.idx.add.f32.msk $0xffff, v11  }
0x223: {  	[tilespmem:v4+s12+$0x0] =	vst.idx.add.f32.msk $0xffff, v12  }
0x224: {  	v11 =	vld [tilespmem:s24+$0x410]  }
0x225: {  	v12 =	vld [tilespmem:s24+$0x420]  }
0x226: {  	[tilespmem:v8+s18+$0x0] =	vst.idx.add.f32.msk $0xffff, v9  }
0x227: {  	v9 =	vld [tilespmem:s24+$0x1C30]  }
0x228: {  	[tilespmem:v7+s13+$0x0] =	vst.idx.add.f32.msk $0xffff, v10  }
0x229: {  	[tilespmem:v6+s13+$0x0] =	vst.idx.add.f32.msk $0xffff, v11  }
0x22a: {  	[tilespmem:v4+s13+$0x0] =	vst.idx.add.f32.msk $0xffff, v12  }
0x22b: {  	v10 =	vld [tilespmem:s24+$0x800]  }
0x22c: {  	[tilespmem:v8+s19+$0x0] =	vst.idx.add.f32.msk $0xffff, v9  }
0x22d: {  	v8 =	vld [tilespmem:s24+$0x810]  }
0x22e: {  	v9 =	vld [tilespmem:s24+$0x820]  }
0x22f: {  	v11 =	vld [tilespmem:s4+$0x1C10]  }
0x230: {  	[tilespmem:v7+s14+$0x0] =	vst.idx.add.f32.msk $0xffff, v10  }
0x231: {  	v10 =	vld [tilespmem:s24+$0xC00]  }
0x232: {  	[tilespmem:v6+s14+$0x0] =	vst.idx.add.f32.msk $0xffff, v8  }
0x233: {  	[tilespmem:v4+s14+$0x0] =	vst.idx.add.f32.msk $0xffff, v9  }
0x234: {  	v8 =	vld [tilespmem:s24+$0xC10]  }
0x235: {  	v9 =	vld [tilespmem:s24+$0xC20]  }
0x236: {  	[tilespmem:v7+s15+$0x0] =	vst.idx.add.f32.msk $0xffff, v10  }
0x237: {  	v10 =	vld [tilespmem:s24+$0x1000]  }
0x238: {  	v12 =	vld [tilespmem:s4+$0x1C20];
	s4 =	smov.u32 s24  }
0x239: {  	[tilespmem:v6+s15+$0x0] =	vst.idx.add.f32.msk $0xffff, v8  }
0x23a: {  	[tilespmem:v4+s15+$0x0] =	vst.idx.add.f32.msk $0xffff, v9  }
0x23b: {  	v8 =	vld [tilespmem:s24+$0x1010]  }
0x23c: {  	v9 =	vld [tilespmem:s24+$0x1020]  }
0x23d: {  	[tilespmem:v7+s16+$0x0] =	vst.idx.add.f32.msk $0xffff, v10  }
0x23e: {  	v10 =	vld [tilespmem:s24+$0x1400]  }
0x23f: {  	[tilespmem:v3+s19+$0x0] =	vst.idx.add.f32.msk $0xffff, v5;
	v3 =	vmov v7  }
0x240: {  	[tilespmem:v6+s16+$0x0] =	vst.idx.add.f32.msk $0xffff, v8  }
0x241: {  	[tilespmem:v4+s16+$0x0] =	vst.idx.add.f32.msk $0xffff, v9  }
0x242: {  	v5 =	vld [tilespmem:s24+$0x1410]  }
0x243: {  	v7 =	vld [tilespmem:s24+$0x1420]  }
0x244: {  	[tilespmem:v3+s17+$0x0] =	vst.idx.add.f32.msk $0xffff, v10  }
0x245: {  	v8 =	vld [tilespmem:s24+$0x1800]  }
0x246: {  	[tilespmem:v1+s19+$0x0] =	vst.idx.add.f32.msk $0xffff, v11;
	v1 =	vmov v6  }
0x247: {  	[tilespmem:v6+s17+$0x0] =	vst.idx.add.f32.msk $0xffff, v5  }
0x248: {  	[tilespmem:v4+s17+$0x0] =	vst.idx.add.f32.msk $0xffff, v7  }
.Ltmp1:
0x249: {  	v10 =	vld [tilespmem:s24+$0x1810];
	(pc) =	sbr.rel @p0 .LBB2_4-.Ltmp1, $4  }
0x24a: {  	v9 =	vld [tilespmem:s24+$0x1820]  }
0x24b: {  	[tilespmem:v3+s18+$0x0] =	vst.idx.add.f32.msk $0xffff, v8  }
0x24c: {  	v5 =	vld [tilespmem:s24+$0x1C00]  }
0x24d: {  	s2 =	sadd.s32 $0x40, s2;
	[tilespmem:v2+s19+$0x0] =	vst.idx.add.f32.msk $0xffff, v12;
	v2 =	vmov v4  }
0x24e: {  	_ =	sdelay $0x3  }
0x24f: {  	[tilespmem:v1+s18+$0x0] =	vst.idx.add.f32.msk $0xffff, v10  }
0x250: {  	[tilespmem:v2+s18+$0x0] =	vst.idx.add.f32.msk $0xffff, v9  }
0x251: {  	v4 =	vld [tilespmem:s4+$0x1C10]  }
0x252: {  	v6 =	vld [tilespmem:s4+$0x1C20];
	_ =	sdelay $0x2  }
0x253: {  	[tilespmem:v3+s19+$0x0] =	vst.idx.add.f32.msk $0xffff, v5  }
0x254: {  	[tilespmem:v1+s19+$0x0] =	vst.idx.add.f32.msk $0xffff, v4  }
0x255: {  	[tilespmem:v2+s19+$0x0] =	vst.idx.add.f32.msk $0xffff, v6  }
0x256: {  	s2 =	rddreg [dreg:$0xd]  }
0x257: {  	[tilespmem:s25], [sflag:$0x2] =	stream.linear.gather [hbm4b:s2+s3], $0x400, $0x38;
	[tilespmem:$0x19810] =	vst v63  }
0x258: {  	s24 =	simm.s32 $0x4800;
	s4 =	rddreg [dreg:$0xe]  }
0x259: {  	[tilespmem:s24], [sflag:$0x4] =	stream.strided.gather [hbm4b:s4+s25], $0x4000, s26, s25, $0x38;
	[tilespmem:$0x19810] =	vst v63  }
0x25a: {  	_ =	swait.ge [sflag:s1], $0x400  }
0x25b: {  	[sflag:s1] =	ssyncset.done $0x0  }
0x25c: {  	[sflag:s1] =	ssyncadd.s32 $0xFFFFFC00  }
0x25d: {  	_ =	swait.ge [sflag:s0], $0x4000  }
0x25e: {  	[sflag:s0] =	ssyncset.done $0x0  }
0x25f: {  	s4 =	simm.s32 $0x20;
	[sflag:s0] =	ssyncadd.s32 $0xFFFFC000  }
0x260: {  	v4 =	vld [tilespmem:s4+$0x10]  }
0x261: {  	s24 =	simm.s32 $0x2800;
	v1 =	vld [tilespmem:s4+$0xFFFFFFF0]  }
0x262: {  	v5 =	vld [tilespmem:s24+$0xFFFFE030]  }
0x263: {  	v2 =	vld [tilespmem:s4+$0x0]  }
0x264: {  	v3 =	vld [tilespmem:s4+$0xFFFFFFE0]  }
0x265: {  	v7 =	vld [tilespmem:s24+$0xFFFFE010];
	_ =	sdelay $0x1  }
0x266: {  	v6 =	vld [tilespmem:s24+$0xFFFFE000]  }
0x267: {  	v8 =	vld [tilespmem:s24+$0xFFFFE020]  }
0x268: {  	[tilespmem:v4+s29+$0x0] =	vst.idx.add.f32.msk $0xffff, v5  }
0x269: {  	[tilespmem:v1+s29+$0x0] =	vst.idx.add.f32.msk $0xffff, v7  }
0x26a: {  	v5 =	vld [tilespmem:s24+$0xFFFFE430]  }
0x26b: {  	[tilespmem:v3+s29+$0x0] =	vst.idx.add.f32.msk $0xffff, v6  }
0x26c: {  	[tilespmem:v2+s29+$0x0] =	vst.idx.add.f32.msk $0xffff, v8  }
0x26d: {  	v6 =	vld [tilespmem:s24+$0xFFFFE400]  }
0x26e: {  	v7 =	vld [tilespmem:s24+$0xFFFFE410]  }
0x26f: {  	[tilespmem:v4+s5+$0x0] =	vst.idx.add.f32.msk $0xffff, v5  }
0x270: {  	v5 =	vld [tilespmem:s24+$0xFFFFE830]  }
0x271: {  	v8 =	vld [tilespmem:s24+$0xFFFFE420]  }
0x272: {  	[tilespmem:v3+s5+$0x0] =	vst.idx.add.f32.msk $0xffff, v6  }
0x273: {  	[tilespmem:v1+s5+$0x0] =	vst.idx.add.f32.msk $0xffff, v7  }
0x274: {  	v6 =	vld [tilespmem:s24+$0xFFFFE800]  }
0x275: {  	[tilespmem:v4+s6+$0x0] =	vst.idx.add.f32.msk $0xffff, v5  }
0x276: {  	v5 =	vld [tilespmem:s24+$0xFFFFEC30]  }
0x277: {  	[tilespmem:v2+s5+$0x0] =	vst.idx.add.f32.msk $0xffff, v8  }
0x278: {  	v7 =	vld [tilespmem:s24+$0xFFFFE810]  }
0x279: {  	v8 =	vld [tilespmem:s24+$0xFFFFE820]  }
0x27a: {  	[tilespmem:v3+s6+$0x0] =	vst.idx.add.f32.msk $0xffff, v6  }
0x27b: {  	[tilespmem:v4+s7+$0x0] =	vst.idx.add.f32.msk $0xffff, v5  }
0x27c: {  	v5 =	vld [tilespmem:s24+$0xFFFFF030]  }
0x27d: {  	[tilespmem:v1+s6+$0x0] =	vst.idx.add.f32.msk $0xffff, v7  }
0x27e: {  	[tilespmem:v2+s6+$0x0] =	vst.idx.add.f32.msk $0xffff, v8  }
0x27f: {  	v6 =	vld [tilespmem:s24+$0xFFFFEC00]  }
0x280: {  	v7 =	vld [tilespmem:s24+$0xFFFFEC10]  }
0x281: {  	[tilespmem:v4+s8+$0x0] =	vst.idx.add.f32.msk $0xffff, v5  }
0x282: {  	v5 =	vld [tilespmem:s24+$0xFFFFF430]  }
0x283: {  	v8 =	vld [tilespmem:s24+$0xFFFFEC20]  }
0x284: {  	[tilespmem:v3+s7+$0x0] =	vst.idx.add.f32.msk $0xffff, v6  }
0x285: {  	[tilespmem:v1+s7+$0x0] =	vst.idx.add.f32.msk $0xffff, v7  }
0x286: {  	v6 =	vld [tilespmem:s24+$0xFFFFF000]  }
0x287: {  	[tilespmem:v4+s9+$0x0] =	vst.idx.add.f32.msk $0xffff, v5  }
0x288: {  	v5 =	vld [tilespmem:s24+$0xFFFFF830]  }
0x289: {  	[tilespmem:v2+s7+$0x0] =	vst.idx.add.f32.msk $0xffff, v8  }
0x28a: {  	v7 =	vld [tilespmem:s24+$0xFFFFF010]  }
0x28b: {  	v8 =	vld [tilespmem:s24+$0xFFFFF020]  }
0x28c: {  	[tilespmem:v3+s8+$0x0] =	vst.idx.add.f32.msk $0xffff, v6  }
0x28d: {  	[tilespmem:v4+s10+$0x0] =	vst.idx.add.f32.msk $0xffff, v5  }
0x28e: {  	v5 =	vld [tilespmem:s24+$0xFFFFFC30]  }
0x28f: {  	[tilespmem:v1+s8+$0x0] =	vst.idx.add.f32.msk $0xffff, v7  }
0x290: {  	[tilespmem:v2+s8+$0x0] =	vst.idx.add.f32.msk $0xffff, v8  }
0x291: {  	v6 =	vld [tilespmem:s24+$0xFFFFF400]  }
0x292: {  	v7 =	vld [tilespmem:s24+$0xFFFFF410]  }
0x293: {  	[tilespmem:v4+s11+$0x0] =	vst.idx.add.f32.msk $0xffff, v5  }
0x294: {  	v5 =	vld [tilespmem:s24+$0x30]  }
0x295: {  	v8 =	vld [tilespmem:s24+$0xFFFFF420]  }
0x296: {  	[tilespmem:v3+s9+$0x0] =	vst.idx.add.f32.msk $0xffff, v6  }
0x297: {  	[tilespmem:v1+s9+$0x0] =	vst.idx.add.f32.msk $0xffff, v7  }
0x298: {  	v6 =	vld [tilespmem:s24+$0xFFFFF800]  }
0x299: {  	[tilespmem:v4+s12+$0x0] =	vst.idx.add.f32.msk $0xffff, v5  }
0x29a: {  	v5 =	vld [tilespmem:s24+$0x430]  }
0x29b: {  	[tilespmem:v2+s9+$0x0] =	vst.idx.add.f32.msk $0xffff, v8  }
0x29c: {  	v7 =	vld [tilespmem:s24+$0xFFFFF810]  }
0x29d: {  	v8 =	vld [tilespmem:s24+$0xFFFFF820]  }
0x29e: {  	[tilespmem:v3+s10+$0x0] =	vst.idx.add.f32.msk $0xffff, v6  }
0x29f: {  	[tilespmem:v4+s13+$0x0] =	vst.idx.add.f32.msk $0xffff, v5  }
0x2a0: {  	v5 =	vld [tilespmem:s24+$0x830]  }
0x2a1: {  	[tilespmem:v1+s10+$0x0] =	vst.idx.add.f32.msk $0xffff, v7  }
0x2a2: {  	[tilespmem:v2+s10+$0x0] =	vst.idx.add.f32.msk $0xffff, v8  }
0x2a3: {  	v6 =	vld [tilespmem:s24+$0xFFFFFC00]  }
0x2a4: {  	v8 =	vld [tilespmem:s24+$0xFFFFFC20]  }
0x2a5: {  	[tilespmem:v4+s14+$0x0] =	vst.idx.add.f32.msk $0xffff, v5  }
0x2a6: {  	v5 =	vld [tilespmem:s24+$0xC30]  }
0x2a7: {  	v7 =	vld [tilespmem:s24+$0xFFFFFC10]  }
0x2a8: {  	[tilespmem:v3+s11+$0x0] =	vst.idx.add.f32.msk $0xffff, v6  }
0x2a9: {  	[tilespmem:v2+s11+$0x0] =	vst.idx.add.f32.msk $0xffff, v8  }
0x2aa: {  	v8 =	vld [tilespmem:s24+$0x20]  }
0x2ab: {  	[tilespmem:v4+s15+$0x0] =	vst.idx.add.f32.msk $0xffff, v5  }
0x2ac: {  	v5 =	vld [tilespmem:s24+$0x1030]  }
0x2ad: {  	[tilespmem:v1+s11+$0x0] =	vst.idx.add.f32.msk $0xffff, v7  }
0x2ae: {  	v6 =	vld [tilespmem:s24+$0x0]  }
0x2af: {  	[tilespmem:v2+s12+$0x0] =	vst.idx.add.f32.msk $0xffff, v8  }
0x2b0: {  	v8 =	vld [tilespmem:s24+$0x420]  }
0x2b1: {  	[tilespmem:v4+s16+$0x0] =	vst.idx.add.f32.msk $0xffff, v5  }
0x2b2: {  	v5 =	vld [tilespmem:s24+$0x10]  }
0x2b3: {  	[tilespmem:v3+s12+$0x0] =	vst.idx.add.f32.msk $0xffff, v6  }
0x2b4: {  	v7 =	vld [tilespmem:s24+$0x1430]  }
0x2b5: {  	v6 =	vld [tilespmem:s24+$0x400]  }
0x2b6: {  	[tilespmem:v2+s13+$0x0] =	vst.idx.add.f32.msk $0xffff, v8  }
0x2b7: {  	[tilespmem:v1+s12+$0x0] =	vst.idx.add.f32.msk $0xffff, v5  }
0x2b8: {  	v5 =	vld [tilespmem:s24+$0x410]  }
0x2b9: {  	[tilespmem:v4+s17+$0x0] =	vst.idx.add.f32.msk $0xffff, v7  }
0x2ba: {  	v7 =	vld [tilespmem:s24+$0x820]  }
0x2bb: {  	[tilespmem:v3+s13+$0x0] =	vst.idx.add.f32.msk $0xffff, v6  }
0x2bc: {  	v8 =	vld [tilespmem:s24+$0x1830]  }
0x2bd: {  	[tilespmem:v1+s13+$0x0] =	vst.idx.add.f32.msk $0xffff, v5  }
0x2be: {  	v5 =	vld [tilespmem:s24+$0x800]  }
0x2bf: {  	[tilespmem:v2+s14+$0x0] =	vst.idx.add.f32.msk $0xffff, v7  }
0x2c0: {  	v6 =	vld [tilespmem:s24+$0x810]  }
0x2c1: {  	v7 =	vld [tilespmem:s24+$0xC20]  }
0x2c2: {  	[tilespmem:v4+s18+$0x0] =	vst.idx.add.f32.msk $0xffff, v8  }
0x2c3: {  	[tilespmem:v3+s14+$0x0] =	vst.idx.add.f32.msk $0xffff, v5  }
0x2c4: {  	v5 =	vld [tilespmem:s24+$0xC00]  }
0x2c5: {  	v8 =	vld [tilespmem:s24+$0x1C30]  }
0x2c6: {  	[tilespmem:v1+s14+$0x0] =	vst.idx.add.f32.msk $0xffff, v6  }
0x2c7: {  	[tilespmem:v2+s15+$0x0] =	vst.idx.add.f32.msk $0xffff, v7  }
0x2c8: {  	v6 =	vld [tilespmem:s24+$0xC10]  }
0x2c9: {  	[tilespmem:v3+s15+$0x0] =	vst.idx.add.f32.msk $0xffff, v5  }
0x2ca: {  	v5 =	vld [tilespmem:s24+$0x1000]  }
0x2cb: {  	v7 =	vld [tilespmem:s24+$0x1020]  }
0x2cc: {  	[tilespmem:v4+s19+$0x0] =	vst.idx.add.f32.msk $0xffff, v8  }
0x2cd: {  	[tilespmem:v1+s15+$0x0] =	vst.idx.add.f32.msk $0xffff, v6  }
0x2ce: {  	v6 =	vld [tilespmem:s24+$0x1010]  }
0x2cf: {  	[tilespmem:v3+s16+$0x0] =	vst.idx.add.f32.msk $0xffff, v5  }
0x2d0: {  	v5 =	vld [tilespmem:s24+$0x1400]  }
0x2d1: {  	[tilespmem:v2+s16+$0x0] =	vst.idx.add.f32.msk $0xffff, v7  }
0x2d2: {  	v7 =	vld [tilespmem:s24+$0x1420]  }
0x2d3: {  	[tilespmem:v1+s16+$0x0] =	vst.idx.add.f32.msk $0xffff, v6  }
0x2d4: {  	v6 =	vld [tilespmem:s24+$0x1410]  }
0x2d5: {  	[tilespmem:v3+s17+$0x0] =	vst.idx.add.f32.msk $0xffff, v5  }
0x2d6: {  	v4 =	vld [tilespmem:s24+$0x1800]  }
0x2d7: {  	[tilespmem:v2+s17+$0x0] =	vst.idx.add.f32.msk $0xffff, v7  }
0x2d8: {  	v9 =	vld [tilespmem:s24+$0x1820]  }
0x2d9: {  	[tilespmem:v1+s17+$0x0] =	vst.idx.add.f32.msk $0xffff, v6  }
0x2da: {  	v10 =	vld [tilespmem:s24+$0x1810]  }
0x2db: {  	[tilespmem:v3+s18+$0x0] =	vst.idx.add.f32.msk $0xffff, v4  }
0x2dc: {  	s28 =	simm.s32 $0x0;
	s2 =	simm.s32 $0x60;
	s4 =	simm.s32 $0x2800;
	v5 =	vld [tilespmem:s24+$0x1C00]  }
.LBB2_6:
0x2dd: {  	v8 =	vld [tilespmem:s2+$0x10];
	s28 =	sadd.s32 $0x4, s28  }
0x2de: {  	v6 =	vld [tilespmem:s2+$0xFFFFFFF0];
	p0 =	slt.u32 s28, $0x3C  }
0x2df: {  	s24 =	sadd.s32 $0x40, s24;
	v4 =	vld [tilespmem:s2+$0x0]  }
0x2e0: {  	v11 =	vld [tilespmem:s24+$0xFFFFE030]  }
0x2e1: {  	v7 =	vld [tilespmem:s2+$0xFFFFFFE0]  }
0x2e2: {  	v12 =	vld [tilespmem:s24+$0xFFFFE000]  }
0x2e3: {  	v13 =	vld [tilespmem:s24+$0xFFFFE010]  }
0x2e4: {  	v14 =	vld [tilespmem:s24+$0xFFFFE020]  }
0x2e5: {  	[tilespmem:v8+s29+$0x0] =	vst.idx.add.f32.msk $0xffff, v11  }
0x2e6: {  	v11 =	vld [tilespmem:s24+$0xFFFFE430]  }
0x2e7: {  	[tilespmem:v1+s18+$0x0] =	vst.idx.add.f32.msk $0xffff, v10  }
0x2e8: {  	[tilespmem:v6+s29+$0x0] =	vst.idx.add.f32.msk $0xffff, v13  }
0x2e9: {  	[tilespmem:v7+s29+$0x0] =	vst.idx.add.f32.msk $0xffff, v12  }
0x2ea: {  	[tilespmem:v4+s29+$0x0] =	vst.idx.add.f32.msk $0xffff, v14  }
0x2eb: {  	[tilespmem:v8+s5+$0x0] =	vst.idx.add.f32.msk $0xffff, v11  }
0x2ec: {  	v10 =	vld [tilespmem:s24+$0xFFFFE830]  }
0x2ed: {  	v11 =	vld [tilespmem:s24+$0xFFFFE400]  }
0x2ee: {  	v12 =	vld [tilespmem:s24+$0xFFFFE410]  }
0x2ef: {  	v13 =	vld [tilespmem:s24+$0xFFFFE420]  }
0x2f0: {  	[tilespmem:v2+s18+$0x0] =	vst.idx.add.f32.msk $0xffff, v9  }
0x2f1: {  	[tilespmem:v8+s6+$0x0] =	vst.idx.add.f32.msk $0xffff, v10  }
0x2f2: {  	v9 =	vld [tilespmem:s24+$0xFFFFEC30]  }
0x2f3: {  	[tilespmem:v7+s5+$0x0] =	vst.idx.add.f32.msk $0xffff, v11  }
0x2f4: {  	[tilespmem:v6+s5+$0x0] =	vst.idx.add.f32.msk $0xffff, v12  }
0x2f5: {  	[tilespmem:v4+s5+$0x0] =	vst.idx.add.f32.msk $0xffff, v13  }
0x2f6: {  	v10 =	vld [tilespmem:s24+$0xFFFFE800]  }
0x2f7: {  	[tilespmem:v8+s7+$0x0] =	vst.idx.add.f32.msk $0xffff, v9  }
0x2f8: {  	v9 =	vld [tilespmem:s24+$0xFFFFF030]  }
0x2f9: {  	v11 =	vld [tilespmem:s24+$0xFFFFE810]  }
0x2fa: {  	v12 =	vld [tilespmem:s24+$0xFFFFE820]  }
0x2fb: {  	[tilespmem:v7+s6+$0x0] =	vst.idx.add.f32.msk $0xffff, v10  }
0x2fc: {  	v10 =	vld [tilespmem:s24+$0xFFFFEC00]  }
0x2fd: {  	[tilespmem:v8+s8+$0x0] =	vst.idx.add.f32.msk $0xffff, v9  }
0x2fe: {  	v9 =	vld [tilespmem:s24+$0xFFFFF430]  }
0x2ff: {  	[tilespmem:v6+s6+$0x0] =	vst.idx.add.f32.msk $0xffff, v11  }
0x300: {  	[tilespmem:v4+s6+$0x0] =	vst.idx.add.f32.msk $0xffff, v12  }
0x301: {  	v11 =	vld [tilespmem:s24+$0xFFFFEC10]  }
0x302: {  	v12 =	vld [tilespmem:s24+$0xFFFFEC20]  }
0x303: {  	[tilespmem:v8+s9+$0x0] =	vst.idx.add.f32.msk $0xffff, v9  }
0x304: {  	v9 =	vld [tilespmem:s24+$0xFFFFF830]  }
0x305: {  	[tilespmem:v7+s7+$0x0] =	vst.idx.add.f32.msk $0xffff, v10  }
0x306: {  	[tilespmem:v6+s7+$0x0] =	vst.idx.add.f32.msk $0xffff, v11  }
0x307: {  	[tilespmem:v4+s7+$0x0] =	vst.idx.add.f32.msk $0xffff, v12  }
0x308: {  	v10 =	vld [tilespmem:s24+$0xFFFFF000]  }
0x309: {  	[tilespmem:v8+s10+$0x0] =	vst.idx.add.f32.msk $0xffff, v9  }
0x30a: {  	v9 =	vld [tilespmem:s24+$0xFFFFFC30]  }
0x30b: {  	v11 =	vld [tilespmem:s24+$0xFFFFF010]  }
0x30c: {  	v12 =	vld [tilespmem:s24+$0xFFFFF020]  }
0x30d: {  	[tilespmem:v7+s8+$0x0] =	vst.idx.add.f32.msk $0xffff, v10  }
0x30e: {  	v10 =	vld [tilespmem:s24+$0xFFFFF400]  }
0x30f: {  	[tilespmem:v8+s11+$0x0] =	vst.idx.add.f32.msk $0xffff, v9  }
0x310: {  	v9 =	vld [tilespmem:s24+$0x30]  }
0x311: {  	[tilespmem:v6+s8+$0x0] =	vst.idx.add.f32.msk $0xffff, v11  }
0x312: {  	[tilespmem:v4+s8+$0x0] =	vst.idx.add.f32.msk $0xffff, v12  }
0x313: {  	v11 =	vld [tilespmem:s24+$0xFFFFF410]  }
0x314: {  	v12 =	vld [tilespmem:s24+$0xFFFFF420]  }
0x315: {  	[tilespmem:v8+s12+$0x0] =	vst.idx.add.f32.msk $0xffff, v9  }
0x316: {  	v9 =	vld [tilespmem:s24+$0x430]  }
0x317: {  	[tilespmem:v7+s9+$0x0] =	vst.idx.add.f32.msk $0xffff, v10  }
0x318: {  	[tilespmem:v6+s9+$0x0] =	vst.idx.add.f32.msk $0xffff, v11  }
0x319: {  	[tilespmem:v4+s9+$0x0] =	vst.idx.add.f32.msk $0xffff, v12  }
0x31a: {  	v10 =	vld [tilespmem:s24+$0xFFFFF800]  }
0x31b: {  	[tilespmem:v8+s13+$0x0] =	vst.idx.add.f32.msk $0xffff, v9  }
0x31c: {  	v9 =	vld [tilespmem:s24+$0x830]  }
0x31d: {  	v11 =	vld [tilespmem:s24+$0xFFFFF810]  }
0x31e: {  	v12 =	vld [tilespmem:s24+$0xFFFFF820]  }
0x31f: {  	[tilespmem:v7+s10+$0x0] =	vst.idx.add.f32.msk $0xffff, v10  }
0x320: {  	v10 =	vld [tilespmem:s24+$0xFFFFFC00]  }
0x321: {  	[tilespmem:v8+s14+$0x0] =	vst.idx.add.f32.msk $0xffff, v9  }
0x322: {  	v9 =	vld [tilespmem:s24+$0xC30]  }
0x323: {  	[tilespmem:v6+s10+$0x0] =	vst.idx.add.f32.msk $0xffff, v11  }
0x324: {  	[tilespmem:v4+s10+$0x0] =	vst.idx.add.f32.msk $0xffff, v12  }
0x325: {  	v11 =	vld [tilespmem:s24+$0xFFFFFC10]  }
0x326: {  	v12 =	vld [tilespmem:s24+$0xFFFFFC20]  }
0x327: {  	[tilespmem:v8+s15+$0x0] =	vst.idx.add.f32.msk $0xffff, v9  }
0x328: {  	v9 =	vld [tilespmem:s24+$0x1030]  }
0x329: {  	[tilespmem:v7+s11+$0x0] =	vst.idx.add.f32.msk $0xffff, v10  }
0x32a: {  	[tilespmem:v6+s11+$0x0] =	vst.idx.add.f32.msk $0xffff, v11  }
0x32b: {  	[tilespmem:v4+s11+$0x0] =	vst.idx.add.f32.msk $0xffff, v12  }
0x32c: {  	v10 =	vld [tilespmem:s24+$0x0]  }
0x32d: {  	[tilespmem:v8+s16+$0x0] =	vst.idx.add.f32.msk $0xffff, v9  }
0x32e: {  	v9 =	vld [tilespmem:s24+$0x1430]  }
0x32f: {  	v11 =	vld [tilespmem:s24+$0x10]  }
0x330: {  	v12 =	vld [tilespmem:s24+$0x20]  }
0x331: {  	[tilespmem:v7+s12+$0x0] =	vst.idx.add.f32.msk $0xffff, v10  }
0x332: {  	v10 =	vld [tilespmem:s24+$0x400]  }
0x333: {  	[tilespmem:v8+s17+$0x0] =	vst.idx.add.f32.msk $0xffff, v9  }
0x334: {  	v9 =	vld [tilespmem:s24+$0x1830]  }
0x335: {  	[tilespmem:v6+s12+$0x0] =	vst.idx.add.f32.msk $0xffff, v11  }
0x336: {  	[tilespmem:v4+s12+$0x0] =	vst.idx.add.f32.msk $0xffff, v12  }
0x337: {  	v11 =	vld [tilespmem:s24+$0x410]  }
0x338: {  	v12 =	vld [tilespmem:s24+$0x420]  }
0x339: {  	[tilespmem:v8+s18+$0x0] =	vst.idx.add.f32.msk $0xffff, v9  }
0x33a: {  	v9 =	vld [tilespmem:s24+$0x1C30]  }
0x33b: {  	[tilespmem:v7+s13+$0x0] =	vst.idx.add.f32.msk $0xffff, v10  }
0x33c: {  	[tilespmem:v6+s13+$0x0] =	vst.idx.add.f32.msk $0xffff, v11  }
0x33d: {  	[tilespmem:v4+s13+$0x0] =	vst.idx.add.f32.msk $0xffff, v12  }
0x33e: {  	v10 =	vld [tilespmem:s24+$0x800]  }
0x33f: {  	[tilespmem:v8+s19+$0x0] =	vst.idx.add.f32.msk $0xffff, v9  }
0x340: {  	v8 =	vld [tilespmem:s24+$0x810]  }
0x341: {  	v9 =	vld [tilespmem:s24+$0x820]  }
0x342: {  	v11 =	vld [tilespmem:s4+$0x1C10]  }
0x343: {  	[tilespmem:v7+s14+$0x0] =	vst.idx.add.f32.msk $0xffff, v10  }
0x344: {  	v10 =	vld [tilespmem:s24+$0xC00]  }
0x345: {  	[tilespmem:v6+s14+$0x0] =	vst.idx.add.f32.msk $0xffff, v8  }
0x346: {  	[tilespmem:v4+s14+$0x0] =	vst.idx.add.f32.msk $0xffff, v9  }
0x347: {  	v8 =	vld [tilespmem:s24+$0xC10]  }
0x348: {  	v9 =	vld [tilespmem:s24+$0xC20]  }
0x349: {  	[tilespmem:v7+s15+$0x0] =	vst.idx.add.f32.msk $0xffff, v10  }
0x34a: {  	v10 =	vld [tilespmem:s24+$0x1000]  }
0x34b: {  	v12 =	vld [tilespmem:s4+$0x1C20];
	s4 =	smov.u32 s24  }
0x34c: {  	[tilespmem:v6+s15+$0x0] =	vst.idx.add.f32.msk $0xffff, v8  }
0x34d: {  	[tilespmem:v4+s15+$0x0] =	vst.idx.add.f32.msk $0xffff, v9  }
0x34e: {  	v8 =	vld [tilespmem:s24+$0x1010]  }
0x34f: {  	v9 =	vld [tilespmem:s24+$0x1020]  }
0x350: {  	[tilespmem:v7+s16+$0x0] =	vst.idx.add.f32.msk $0xffff, v10  }
0x351: {  	v10 =	vld [tilespmem:s24+$0x1400]  }
0x352: {  	[tilespmem:v3+s19+$0x0] =	vst.idx.add.f32.msk $0xffff, v5;
	v3 =	vmov v7  }
0x353: {  	[tilespmem:v6+s16+$0x0] =	vst.idx.add.f32.msk $0xffff, v8  }
0x354: {  	[tilespmem:v4+s16+$0x0] =	vst.idx.add.f32.msk $0xffff, v9  }
0x355: {  	v5 =	vld [tilespmem:s24+$0x1410]  }
0x356: {  	v7 =	vld [tilespmem:s24+$0x1420]  }
0x357: {  	[tilespmem:v3+s17+$0x0] =	vst.idx.add.f32.msk $0xffff, v10  }
0x358: {  	v8 =	vld [tilespmem:s24+$0x1800]  }
0x359: {  	[tilespmem:v1+s19+$0x0] =	vst.idx.add.f32.msk $0xffff, v11;
	v1 =	vmov v6  }
0x35a: {  	[tilespmem:v6+s17+$0x0] =	vst.idx.add.f32.msk $0xffff, v5  }
0x35b: {  	[tilespmem:v4+s17+$0x0] =	vst.idx.add.f32.msk $0xffff, v7  }
.Ltmp2:
0x35c: {  	v10 =	vld [tilespmem:s24+$0x1810];
	(pc) =	sbr.rel @p0 .LBB2_6-.Ltmp2, $4  }
0x35d: {  	v9 =	vld [tilespmem:s24+$0x1820]  }
0x35e: {  	[tilespmem:v3+s18+$0x0] =	vst.idx.add.f32.msk $0xffff, v8  }
0x35f: {  	v5 =	vld [tilespmem:s24+$0x1C00]  }
0x360: {  	s2 =	sadd.s32 $0x40, s2;
	[tilespmem:v2+s19+$0x0] =	vst.idx.add.f32.msk $0xffff, v12;
	v2 =	vmov v4  }
0x361: {  	_ =	sdelay $0x3  }
0x362: {  	[tilespmem:v1+s18+$0x0] =	vst.idx.add.f32.msk $0xffff, v10  }
0x363: {  	[tilespmem:v2+s18+$0x0] =	vst.idx.add.f32.msk $0xffff, v9  }
0x364: {  	v4 =	vld [tilespmem:s4+$0x1C10]  }
0x365: {  	v6 =	vld [tilespmem:s4+$0x1C20];
	_ =	sdelay $0x2  }
0x366: {  	[tilespmem:v3+s19+$0x0] =	vst.idx.add.f32.msk $0xffff, v5  }
0x367: {  	[tilespmem:v1+s19+$0x0] =	vst.idx.add.f32.msk $0xffff, v4  }
0x368: {  	[tilespmem:v2+s19+$0x0] =	vst.idx.add.f32.msk $0xffff, v6  }
0x369: {  	s2 =	rddreg [dreg:$0xf]  }
0x36a: {  	[tilespmem:s3], [sflag:$0x1] =	stream.linear.gather [hbm4b:s2+s3], $0x400, $0x38;
	[tilespmem:$0x19810] =	vst v63  }
0x36b: {  	s24 =	simm.s32 $0x800;
	s4 =	rddreg [dreg:$0x10]  }
0x36c: {  	[tilespmem:s24], [sflag:$0x3] =	stream.strided.gather [hbm4b:s4+s25], $0x4000, s26, s25, $0x38;
	[tilespmem:$0x19810] =	vst v63  }
0x36d: {  	_ =	swait.ge [sflag:s31], $0x400  }
0x36e: {  	[sflag:s31] =	ssyncset.done $0x0  }
0x36f: {  	[sflag:s31] =	ssyncadd.s32 $0xFFFFFC00  }
0x370: {  	_ =	swait.ge [sflag:s20], $0x4000  }
0x371: {  	[sflag:s20] =	ssyncset.done $0x0  }
0x372: {  	s4 =	simm.s32 $0x420;
	[sflag:s20] =	ssyncadd.s32 $0xFFFFC000  }
0x373: {  	v4 =	vld [tilespmem:s4+$0x10]  }
0x374: {  	s24 =	simm.s32 $0x6800;
	v1 =	vld [tilespmem:s4+$0xFFFFFFF0]  }
0x375: {  	v5 =	vld [tilespmem:s24+$0xFFFFE030]  }
0x376: {  	v2 =	vld [tilespmem:s4+$0x0]  }
0x377: {  	v3 =	vld [tilespmem:s4+$0xFFFFFFE0]  }
0x378: {  	v7 =	vld [tilespmem:s24+$0xFFFFE010];
	_ =	sdelay $0x1  }
0x379: {  	v6 =	vld [tilespmem:s24+$0xFFFFE000]  }
0x37a: {  	v8 =	vld [tilespmem:s24+$0xFFFFE020]  }
0x37b: {  	[tilespmem:v4+s29+$0x0] =	vst.idx.add.f32.msk $0xffff, v5  }
0x37c: {  	[tilespmem:v1+s29+$0x0] =	vst.idx.add.f32.msk $0xffff, v7  }
0x37d: {  	v5 =	vld [tilespmem:s24+$0xFFFFE430]  }
0x37e: {  	[tilespmem:v3+s29+$0x0] =	vst.idx.add.f32.msk $0xffff, v6  }
0x37f: {  	[tilespmem:v2+s29+$0x0] =	vst.idx.add.f32.msk $0xffff, v8  }
0x380: {  	v6 =	vld [tilespmem:s24+$0xFFFFE400]  }
0x381: {  	v7 =	vld [tilespmem:s24+$0xFFFFE410]  }
0x382: {  	[tilespmem:v4+s5+$0x0] =	vst.idx.add.f32.msk $0xffff, v5  }
0x383: {  	v5 =	vld [tilespmem:s24+$0xFFFFE830]  }
0x384: {  	v8 =	vld [tilespmem:s24+$0xFFFFE420]  }
0x385: {  	[tilespmem:v3+s5+$0x0] =	vst.idx.add.f32.msk $0xffff, v6  }
0x386: {  	[tilespmem:v1+s5+$0x0] =	vst.idx.add.f32.msk $0xffff, v7  }
0x387: {  	v6 =	vld [tilespmem:s24+$0xFFFFE800]  }
0x388: {  	[tilespmem:v4+s6+$0x0] =	vst.idx.add.f32.msk $0xffff, v5  }
0x389: {  	v5 =	vld [tilespmem:s24+$0xFFFFEC30]  }
0x38a: {  	[tilespmem:v2+s5+$0x0] =	vst.idx.add.f32.msk $0xffff, v8  }
0x38b: {  	v7 =	vld [tilespmem:s24+$0xFFFFE810]  }
0x38c: {  	v8 =	vld [tilespmem:s24+$0xFFFFE820]  }
0x38d: {  	[tilespmem:v3+s6+$0x0] =	vst.idx.add.f32.msk $0xffff, v6  }
0x38e: {  	[tilespmem:v4+s7+$0x0] =	vst.idx.add.f32.msk $0xffff, v5  }
0x38f: {  	v5 =	vld [tilespmem:s24+$0xFFFFF030]  }
0x390: {  	[tilespmem:v1+s6+$0x0] =	vst.idx.add.f32.msk $0xffff, v7  }
0x391: {  	[tilespmem:v2+s6+$0x0] =	vst.idx.add.f32.msk $0xffff, v8  }
0x392: {  	v6 =	vld [tilespmem:s24+$0xFFFFEC00]  }
0x393: {  	v7 =	vld [tilespmem:s24+$0xFFFFEC10]  }
0x394: {  	[tilespmem:v4+s8+$0x0] =	vst.idx.add.f32.msk $0xffff, v5  }
0x395: {  	v5 =	vld [tilespmem:s24+$0xFFFFF430]  }
0x396: {  	v8 =	vld [tilespmem:s24+$0xFFFFEC20]  }
0x397: {  	[tilespmem:v3+s7+$0x0] =	vst.idx.add.f32.msk $0xffff, v6  }
0x398: {  	[tilespmem:v1+s7+$0x0] =	vst.idx.add.f32.msk $0xffff, v7  }
0x399: {  	v6 =	vld [tilespmem:s24+$0xFFFFF000]  }
0x39a: {  	[tilespmem:v4+s9+$0x0] =	vst.idx.add.f32.msk $0xffff, v5  }
0x39b: {  	v5 =	vld [tilespmem:s24+$0xFFFFF830]  }
0x39c: {  	[tilespmem:v2+s7+$0x0] =	vst.idx.add.f32.msk $0xffff, v8  }
0x39d: {  	v7 =	vld [tilespmem:s24+$0xFFFFF010]  }
0x39e: {  	v8 =	vld [tilespmem:s24+$0xFFFFF020]  }
0x39f: {  	[tilespmem:v3+s8+$0x0] =	vst.idx.add.f32.msk $0xffff, v6  }
0x3a0: {  	[tilespmem:v4+s10+$0x0] =	vst.idx.add.f32.msk $0xffff, v5  }
0x3a1: {  	v5 =	vld [tilespmem:s24+$0xFFFFFC30]  }
0x3a2: {  	[tilespmem:v1+s8+$0x0] =	vst.idx.add.f32.msk $0xffff, v7  }
0x3a3: {  	[tilespmem:v2+s8+$0x0] =	vst.idx.add.f32.msk $0xffff, v8  }
0x3a4: {  	v6 =	vld [tilespmem:s24+$0xFFFFF400]  }
0x3a5: {  	v7 =	vld [tilespmem:s24+$0xFFFFF410]  }
0x3a6: {  	[tilespmem:v4+s11+$0x0] =	vst.idx.add.f32.msk $0xffff, v5  }
0x3a7: {  	v5 =	vld [tilespmem:s24+$0x30]  }
0x3a8: {  	v8 =	vld [tilespmem:s24+$0xFFFFF420]  }
0x3a9: {  	[tilespmem:v3+s9+$0x0] =	vst.idx.add.f32.msk $0xffff, v6  }
0x3aa: {  	[tilespmem:v1+s9+$0x0] =	vst.idx.add.f32.msk $0xffff, v7  }
0x3ab: {  	v6 =	vld [tilespmem:s24+$0xFFFFF800]  }
0x3ac: {  	[tilespmem:v4+s12+$0x0] =	vst.idx.add.f32.msk $0xffff, v5  }
0x3ad: {  	v5 =	vld [tilespmem:s24+$0x430]  }
0x3ae: {  	[tilespmem:v2+s9+$0x0] =	vst.idx.add.f32.msk $0xffff, v8  }
0x3af: {  	v7 =	vld [tilespmem:s24+$0xFFFFF810]  }
0x3b0: {  	v8 =	vld [tilespmem:s24+$0xFFFFF820]  }
0x3b1: {  	[tilespmem:v3+s10+$0x0] =	vst.idx.add.f32.msk $0xffff, v6  }
0x3b2: {  	[tilespmem:v4+s13+$0x0] =	vst.idx.add.f32.msk $0xffff, v5  }
0x3b3: {  	v5 =	vld [tilespmem:s24+$0x830]  }
0x3b4: {  	[tilespmem:v1+s10+$0x0] =	vst.idx.add.f32.msk $0xffff, v7  }
0x3b5: {  	[tilespmem:v2+s10+$0x0] =	vst.idx.add.f32.msk $0xffff, v8  }
0x3b6: {  	v6 =	vld [tilespmem:s24+$0xFFFFFC00]  }
0x3b7: {  	v8 =	vld [tilespmem:s24+$0xFFFFFC20]  }
0x3b8: {  	[tilespmem:v4+s14+$0x0] =	vst.idx.add.f32.msk $0xffff, v5  }
0x3b9: {  	v5 =	vld [tilespmem:s24+$0xC30]  }
0x3ba: {  	v7 =	vld [tilespmem:s24+$0xFFFFFC10]  }
0x3bb: {  	[tilespmem:v3+s11+$0x0] =	vst.idx.add.f32.msk $0xffff, v6  }
0x3bc: {  	[tilespmem:v2+s11+$0x0] =	vst.idx.add.f32.msk $0xffff, v8  }
0x3bd: {  	v8 =	vld [tilespmem:s24+$0x20]  }
0x3be: {  	[tilespmem:v4+s15+$0x0] =	vst.idx.add.f32.msk $0xffff, v5  }
0x3bf: {  	v5 =	vld [tilespmem:s24+$0x1030]  }
0x3c0: {  	[tilespmem:v1+s11+$0x0] =	vst.idx.add.f32.msk $0xffff, v7  }
0x3c1: {  	v6 =	vld [tilespmem:s24+$0x0]  }
0x3c2: {  	[tilespmem:v2+s12+$0x0] =	vst.idx.add.f32.msk $0xffff, v8  }
0x3c3: {  	v8 =	vld [tilespmem:s24+$0x420]  }
0x3c4: {  	[tilespmem:v4+s16+$0x0] =	vst.idx.add.f32.msk $0xffff, v5  }
0x3c5: {  	v5 =	vld [tilespmem:s24+$0x10]  }
0x3c6: {  	[tilespmem:v3+s12+$0x0] =	vst.idx.add.f32.msk $0xffff, v6  }
0x3c7: {  	v7 =	vld [tilespmem:s24+$0x1430]  }
0x3c8: {  	v6 =	vld [tilespmem:s24+$0x400]  }
0x3c9: {  	[tilespmem:v2+s13+$0x0] =	vst.idx.add.f32.msk $0xffff, v8  }
0x3ca: {  	[tilespmem:v1+s12+$0x0] =	vst.idx.add.f32.msk $0xffff, v5  }
0x3cb: {  	v5 =	vld [tilespmem:s24+$0x410]  }
0x3cc: {  	[tilespmem:v4+s17+$0x0] =	vst.idx.add.f32.msk $0xffff, v7  }
0x3cd: {  	v7 =	vld [tilespmem:s24+$0x820]  }
0x3ce: {  	[tilespmem:v3+s13+$0x0] =	vst.idx.add.f32.msk $0xffff, v6  }
0x3cf: {  	v8 =	vld [tilespmem:s24+$0x1830]  }
0x3d0: {  	[tilespmem:v1+s13+$0x0] =	vst.idx.add.f32.msk $0xffff, v5  }
0x3d1: {  	v5 =	vld [tilespmem:s24+$0x800]  }
0x3d2: {  	[tilespmem:v2+s14+$0x0] =	vst.idx.add.f32.msk $0xffff, v7  }
0x3d3: {  	v6 =	vld [tilespmem:s24+$0x810]  }
0x3d4: {  	v7 =	vld [tilespmem:s24+$0xC20]  }
0x3d5: {  	[tilespmem:v4+s18+$0x0] =	vst.idx.add.f32.msk $0xffff, v8  }
0x3d6: {  	[tilespmem:v3+s14+$0x0] =	vst.idx.add.f32.msk $0xffff, v5  }
0x3d7: {  	v5 =	vld [tilespmem:s24+$0xC00]  }
0x3d8: {  	v8 =	vld [tilespmem:s24+$0x1C30]  }
0x3d9: {  	[tilespmem:v1+s14+$0x0] =	vst.idx.add.f32.msk $0xffff, v6  }
0x3da: {  	[tilespmem:v2+s15+$0x0] =	vst.idx.add.f32.msk $0xffff, v7  }
0x3db: {  	v6 =	vld [tilespmem:s24+$0xC10]  }
0x3dc: {  	[tilespmem:v3+s15+$0x0] =	vst.idx.add.f32.msk $0xffff, v5  }
0x3dd: {  	v5 =	vld [tilespmem:s24+$0x1000]  }
0x3de: {  	v7 =	vld [tilespmem:s24+$0x1020]  }
0x3df: {  	[tilespmem:v4+s19+$0x0] =	vst.idx.add.f32.msk $0xffff, v8  }
0x3e0: {  	[tilespmem:v1+s15+$0x0] =	vst.idx.add.f32.msk $0xffff, v6  }
0x3e1: {  	v6 =	vld [tilespmem:s24+$0x1010]  }
0x3e2: {  	[tilespmem:v3+s16+$0x0] =	vst.idx.add.f32.msk $0xffff, v5  }
0x3e3: {  	v5 =	vld [tilespmem:s24+$0x1400]  }
0x3e4: {  	[tilespmem:v2+s16+$0x0] =	vst.idx.add.f32.msk $0xffff, v7  }
0x3e5: {  	v7 =	vld [tilespmem:s24+$0x1420]  }
0x3e6: {  	[tilespmem:v1+s16+$0x0] =	vst.idx.add.f32.msk $0xffff, v6  }
0x3e7: {  	v6 =	vld [tilespmem:s24+$0x1410]  }
0x3e8: {  	[tilespmem:v3+s17+$0x0] =	vst.idx.add.f32.msk $0xffff, v5  }
0x3e9: {  	v4 =	vld [tilespmem:s24+$0x1800]  }
0x3ea: {  	[tilespmem:v2+s17+$0x0] =	vst.idx.add.f32.msk $0xffff, v7  }
0x3eb: {  	v9 =	vld [tilespmem:s24+$0x1820]  }
0x3ec: {  	[tilespmem:v1+s17+$0x0] =	vst.idx.add.f32.msk $0xffff, v6  }
0x3ed: {  	v10 =	vld [tilespmem:s24+$0x1810]  }
0x3ee: {  	[tilespmem:v3+s18+$0x0] =	vst.idx.add.f32.msk $0xffff, v4  }
0x3ef: {  	s28 =	simm.s32 $0x0;
	s2 =	simm.s32 $0x460;
	s4 =	simm.s32 $0x6800;
	v5 =	vld [tilespmem:s24+$0x1C00]  }
.LBB2_8:
0x3f0: {  	v8 =	vld [tilespmem:s2+$0x10];
	s28 =	sadd.s32 $0x4, s28  }
0x3f1: {  	v6 =	vld [tilespmem:s2+$0xFFFFFFF0];
	p0 =	slt.u32 s28, $0x3C  }
0x3f2: {  	s24 =	sadd.s32 $0x40, s24;
	v4 =	vld [tilespmem:s2+$0x0]  }
0x3f3: {  	v11 =	vld [tilespmem:s24+$0xFFFFE030]  }
0x3f4: {  	v7 =	vld [tilespmem:s2+$0xFFFFFFE0]  }
0x3f5: {  	v12 =	vld [tilespmem:s24+$0xFFFFE000]  }
0x3f6: {  	v13 =	vld [tilespmem:s24+$0xFFFFE010]  }
0x3f7: {  	v14 =	vld [tilespmem:s24+$0xFFFFE020]  }
0x3f8: {  	[tilespmem:v8+s29+$0x0] =	vst.idx.add.f32.msk $0xffff, v11  }
0x3f9: {  	v11 =	vld [tilespmem:s24+$0xFFFFE430]  }
0x3fa: {  	[tilespmem:v1+s18+$0x0] =	vst.idx.add.f32.msk $0xffff, v10  }
0x3fb: {  	[tilespmem:v6+s29+$0x0] =	vst.idx.add.f32.msk $0xffff, v13  }
0x3fc: {  	[tilespmem:v7+s29+$0x0] =	vst.idx.add.f32.msk $0xffff, v12  }
0x3fd: {  	[tilespmem:v4+s29+$0x0] =	vst.idx.add.f32.msk $0xffff, v14  }
0x3fe: {  	[tilespmem:v8+s5+$0x0] =	vst.idx.add.f32.msk $0xffff, v11  }
0x3ff: {  	v10 =	vld [tilespmem:s24+$0xFFFFE830]  }
0x400: {  	v11 =	vld [tilespmem:s24+$0xFFFFE400]  }
0x401: {  	v12 =	vld [tilespmem:s24+$0xFFFFE410]  }
0x402: {  	v13 =	vld [tilespmem:s24+$0xFFFFE420]  }
0x403: {  	[tilespmem:v2+s18+$0x0] =	vst.idx.add.f32.msk $0xffff, v9  }
0x404: {  	[tilespmem:v8+s6+$0x0] =	vst.idx.add.f32.msk $0xffff, v10  }
0x405: {  	v9 =	vld [tilespmem:s24+$0xFFFFEC30]  }
0x406: {  	[tilespmem:v7+s5+$0x0] =	vst.idx.add.f32.msk $0xffff, v11  }
0x407: {  	[tilespmem:v6+s5+$0x0] =	vst.idx.add.f32.msk $0xffff, v12  }
0x408: {  	[tilespmem:v4+s5+$0x0] =	vst.idx.add.f32.msk $0xffff, v13  }
0x409: {  	v10 =	vld [tilespmem:s24+$0xFFFFE800]  }
0x40a: {  	[tilespmem:v8+s7+$0x0] =	vst.idx.add.f32.msk $0xffff, v9  }
0x40b: {  	v9 =	vld [tilespmem:s24+$0xFFFFF030]  }
0x40c: {  	v11 =	vld [tilespmem:s24+$0xFFFFE810]  }
0x40d: {  	v12 =	vld [tilespmem:s24+$0xFFFFE820]  }
0x40e: {  	[tilespmem:v7+s6+$0x0] =	vst.idx.add.f32.msk $0xffff, v10  }
0x40f: {  	v10 =	vld [tilespmem:s24+$0xFFFFEC00]  }
0x410: {  	[tilespmem:v8+s8+$0x0] =	vst.idx.add.f32.msk $0xffff, v9  }
0x411: {  	v9 =	vld [tilespmem:s24+$0xFFFFF430]  }
0x412: {  	[tilespmem:v6+s6+$0x0] =	vst.idx.add.f32.msk $0xffff, v11  }
0x413: {  	[tilespmem:v4+s6+$0x0] =	vst.idx.add.f32.msk $0xffff, v12  }
0x414: {  	v11 =	vld [tilespmem:s24+$0xFFFFEC10]  }
0x415: {  	v12 =	vld [tilespmem:s24+$0xFFFFEC20]  }
0x416: {  	[tilespmem:v8+s9+$0x0] =	vst.idx.add.f32.msk $0xffff, v9  }
0x417: {  	v9 =	vld [tilespmem:s24+$0xFFFFF830]  }
0x418: {  	[tilespmem:v7+s7+$0x0] =	vst.idx.add.f32.msk $0xffff, v10  }
0x419: {  	[tilespmem:v6+s7+$0x0] =	vst.idx.add.f32.msk $0xffff, v11  }
0x41a: {  	[tilespmem:v4+s7+$0x0] =	vst.idx.add.f32.msk $0xffff, v12  }
0x41b: {  	v10 =	vld [tilespmem:s24+$0xFFFFF000]  }
0x41c: {  	[tilespmem:v8+s10+$0x0] =	vst.idx.add.f32.msk $0xffff, v9  }
0x41d: {  	v9 =	vld [tilespmem:s24+$0xFFFFFC30]  }
0x41e: {  	v11 =	vld [tilespmem:s24+$0xFFFFF010]  }
0x41f: {  	v12 =	vld [tilespmem:s24+$0xFFFFF020]  }
0x420: {  	[tilespmem:v7+s8+$0x0] =	vst.idx.add.f32.msk $0xffff, v10  }
0x421: {  	v10 =	vld [tilespmem:s24+$0xFFFFF400]  }
0x422: {  	[tilespmem:v8+s11+$0x0] =	vst.idx.add.f32.msk $0xffff, v9  }
0x423: {  	v9 =	vld [tilespmem:s24+$0x30]  }
0x424: {  	[tilespmem:v6+s8+$0x0] =	vst.idx.add.f32.msk $0xffff, v11  }
0x425: {  	[tilespmem:v4+s8+$0x0] =	vst.idx.add.f32.msk $0xffff, v12  }
0x426: {  	v11 =	vld [tilespmem:s24+$0xFFFFF410]  }
0x427: {  	v12 =	vld [tilespmem:s24+$0xFFFFF420]  }
0x428: {  	[tilespmem:v8+s12+$0x0] =	vst.idx.add.f32.msk $0xffff, v9  }
0x429: {  	v9 =	vld [tilespmem:s24+$0x430]  }
0x42a: {  	[tilespmem:v7+s9+$0x0] =	vst.idx.add.f32.msk $0xffff, v10  }
0x42b: {  	[tilespmem:v6+s9+$0x0] =	vst.idx.add.f32.msk $0xffff, v11  }
0x42c: {  	[tilespmem:v4+s9+$0x0] =	vst.idx.add.f32.msk $0xffff, v12  }
0x42d: {  	v10 =	vld [tilespmem:s24+$0xFFFFF800]  }
0x42e: {  	[tilespmem:v8+s13+$0x0] =	vst.idx.add.f32.msk $0xffff, v9  }
0x42f: {  	v9 =	vld [tilespmem:s24+$0x830]  }
0x430: {  	v11 =	vld [tilespmem:s24+$0xFFFFF810]  }
0x431: {  	v12 =	vld [tilespmem:s24+$0xFFFFF820]  }
0x432: {  	[tilespmem:v7+s10+$0x0] =	vst.idx.add.f32.msk $0xffff, v10  }
0x433: {  	v10 =	vld [tilespmem:s24+$0xFFFFFC00]  }
0x434: {  	[tilespmem:v8+s14+$0x0] =	vst.idx.add.f32.msk $0xffff, v9  }
0x435: {  	v9 =	vld [tilespmem:s24+$0xC30]  }
0x436: {  	[tilespmem:v6+s10+$0x0] =	vst.idx.add.f32.msk $0xffff, v11  }
0x437: {  	[tilespmem:v4+s10+$0x0] =	vst.idx.add.f32.msk $0xffff, v12  }
0x438: {  	v11 =	vld [tilespmem:s24+$0xFFFFFC10]  }
0x439: {  	v12 =	vld [tilespmem:s24+$0xFFFFFC20]  }
0x43a: {  	[tilespmem:v8+s15+$0x0] =	vst.idx.add.f32.msk $0xffff, v9  }
0x43b: {  	v9 =	vld [tilespmem:s24+$0x1030]  }
0x43c: {  	[tilespmem:v7+s11+$0x0] =	vst.idx.add.f32.msk $0xffff, v10  }
0x43d: {  	[tilespmem:v6+s11+$0x0] =	vst.idx.add.f32.msk $0xffff, v11  }
0x43e: {  	[tilespmem:v4+s11+$0x0] =	vst.idx.add.f32.msk $0xffff, v12  }
0x43f: {  	v10 =	vld [tilespmem:s24+$0x0]  }
0x440: {  	[tilespmem:v8+s16+$0x0] =	vst.idx.add.f32.msk $0xffff, v9  }
0x441: {  	v9 =	vld [tilespmem:s24+$0x1430]  }
0x442: {  	v11 =	vld [tilespmem:s24+$0x10]  }
0x443: {  	v12 =	vld [tilespmem:s24+$0x20]  }
0x444: {  	[tilespmem:v7+s12+$0x0] =	vst.idx.add.f32.msk $0xffff, v10  }
0x445: {  	v10 =	vld [tilespmem:s24+$0x400]  }
0x446: {  	[tilespmem:v8+s17+$0x0] =	vst.idx.add.f32.msk $0xffff, v9  }
0x447: {  	v9 =	vld [tilespmem:s24+$0x1830]  }
0x448: {  	[tilespmem:v6+s12+$0x0] =	vst.idx.add.f32.msk $0xffff, v11  }
0x449: {  	[tilespmem:v4+s12+$0x0] =	vst.idx.add.f32.msk $0xffff, v12  }
0x44a: {  	v11 =	vld [tilespmem:s24+$0x410]  }
0x44b: {  	v12 =	vld [tilespmem:s24+$0x420]  }
0x44c: {  	[tilespmem:v8+s18+$0x0] =	vst.idx.add.f32.msk $0xffff, v9  }
0x44d: {  	v9 =	vld [tilespmem:s24+$0x1C30]  }
0x44e: {  	[tilespmem:v7+s13+$0x0] =	vst.idx.add.f32.msk $0xffff, v10  }
0x44f: {  	[tilespmem:v6+s13+$0x0] =	vst.idx.add.f32.msk $0xffff, v11  }
0x450: {  	[tilespmem:v4+s13+$0x0] =	vst.idx.add.f32.msk $0xffff, v12  }
0x451: {  	v10 =	vld [tilespmem:s24+$0x800]  }
0x452: {  	[tilespmem:v8+s19+$0x0] =	vst.idx.add.f32.msk $0xffff, v9  }
0x453: {  	v8 =	vld [tilespmem:s24+$0x810]  }
0x454: {  	v9 =	vld [tilespmem:s24+$0x820]  }
0x455: {  	v11 =	vld [tilespmem:s4+$0x1C10]  }
0x456: {  	[tilespmem:v7+s14+$0x0] =	vst.idx.add.f32.msk $0xffff, v10  }
0x457: {  	v10 =	vld [tilespmem:s24+$0xC00]  }
0x458: {  	[tilespmem:v6+s14+$0x0] =	vst.idx.add.f32.msk $0xffff, v8  }
0x459: {  	[tilespmem:v4+s14+$0x0] =	vst.idx.add.f32.msk $0xffff, v9  }
0x45a: {  	v8 =	vld [tilespmem:s24+$0xC10]  }
0x45b: {  	v9 =	vld [tilespmem:s24+$0xC20]  }
0x45c: {  	[tilespmem:v7+s15+$0x0] =	vst.idx.add.f32.msk $0xffff, v10  }
0x45d: {  	v10 =	vld [tilespmem:s24+$0x1000]  }
0x45e: {  	v12 =	vld [tilespmem:s4+$0x1C20];
	s4 =	smov.u32 s24  }
0x45f: {  	[tilespmem:v6+s15+$0x0] =	vst.idx.add.f32.msk $0xffff, v8  }
0x460: {  	[tilespmem:v4+s15+$0x0] =	vst.idx.add.f32.msk $0xffff, v9  }
0x461: {  	v8 =	vld [tilespmem:s24+$0x1010]  }
0x462: {  	v9 =	vld [tilespmem:s24+$0x1020]  }
0x463: {  	[tilespmem:v7+s16+$0x0] =	vst.idx.add.f32.msk $0xffff, v10  }
0x464: {  	v10 =	vld [tilespmem:s24+$0x1400]  }
0x465: {  	[tilespmem:v3+s19+$0x0] =	vst.idx.add.f32.msk $0xffff, v5;
	v3 =	vmov v7  }
0x466: {  	[tilespmem:v6+s16+$0x0] =	vst.idx.add.f32.msk $0xffff, v8  }
0x467: {  	[tilespmem:v4+s16+$0x0] =	vst.idx.add.f32.msk $0xffff, v9  }
0x468: {  	v5 =	vld [tilespmem:s24+$0x1410]  }
0x469: {  	v7 =	vld [tilespmem:s24+$0x1420]  }
0x46a: {  	[tilespmem:v3+s17+$0x0] =	vst.idx.add.f32.msk $0xffff, v10  }
0x46b: {  	v8 =	vld [tilespmem:s24+$0x1800]  }
0x46c: {  	[tilespmem:v1+s19+$0x0] =	vst.idx.add.f32.msk $0xffff, v11;
	v1 =	vmov v6  }
0x46d: {  	[tilespmem:v6+s17+$0x0] =	vst.idx.add.f32.msk $0xffff, v5  }
0x46e: {  	[tilespmem:v4+s17+$0x0] =	vst.idx.add.f32.msk $0xffff, v7  }
.Ltmp3:
0x46f: {  	v10 =	vld [tilespmem:s24+$0x1810];
	(pc) =	sbr.rel @p0 .LBB2_8-.Ltmp3, $4  }
0x470: {  	v9 =	vld [tilespmem:s24+$0x1820]  }
0x471: {  	[tilespmem:v3+s18+$0x0] =	vst.idx.add.f32.msk $0xffff, v8  }
0x472: {  	v5 =	vld [tilespmem:s24+$0x1C00]  }
0x473: {  	s2 =	sadd.s32 $0x40, s2;
	[tilespmem:v2+s19+$0x0] =	vst.idx.add.f32.msk $0xffff, v12;
	v2 =	vmov v4  }
0x474: {  	_ =	sdelay $0x3  }
0x475: {  	[tilespmem:v1+s18+$0x0] =	vst.idx.add.f32.msk $0xffff, v10  }
0x476: {  	[tilespmem:v2+s18+$0x0] =	vst.idx.add.f32.msk $0xffff, v9  }
0x477: {  	v4 =	vld [tilespmem:s4+$0x1C10]  }
0x478: {  	v6 =	vld [tilespmem:s4+$0x1C20];
	_ =	sdelay $0x2  }
0x479: {  	[tilespmem:v3+s19+$0x0] =	vst.idx.add.f32.msk $0xffff, v5  }
0x47a: {  	[tilespmem:v1+s19+$0x0] =	vst.idx.add.f32.msk $0xffff, v4  }
0x47b: {  	[tilespmem:v2+s19+$0x0] =	vst.idx.add.f32.msk $0xffff, v6  }
0x47c: {  	s2 =	rddreg [dreg:$0x11]  }
0x47d: {  	[tilespmem:s25], [sflag:$0x2] =	stream.linear.gather [hbm4b:s2+s3], $0x400, $0x38;
	[tilespmem:$0x19810] =	vst v63  }
0x47e: {  	s24 =	simm.s32 $0x4800;
	s4 =	rddreg [dreg:$0x12]  }
0x47f: {  	[tilespmem:s24], [sflag:$0x4] =	stream.strided.gather [hbm4b:s4+s25], $0x4000, s26, s25, $0x38;
	[tilespmem:$0x19810] =	vst v63  }
0x480: {  	_ =	swait.ge [sflag:s1], $0x400  }
0x481: {  	[sflag:s1] =	ssyncset.done $0x0  }
0x482: {  	[sflag:s1] =	ssyncadd.s32 $0xFFFFFC00  }
0x483: {  	_ =	swait.ge [sflag:s0], $0x4000  }
0x484: {  	[sflag:s0] =	ssyncset.done $0x0  }
0x485: {  	s4 =	simm.s32 $0x20;
	[sflag:s0] =	ssyncadd.s32 $0xFFFFC000  }
0x486: {  	v4 =	vld [tilespmem:s4+$0x10]  }
0x487: {  	s24 =	simm.s32 $0x2800;
	v1 =	vld [tilespmem:s4+$0xFFFFFFF0]  }
0x488: {  	v5 =	vld [tilespmem:s24+$0xFFFFE030]  }
0x489: {  	v2 =	vld [tilespmem:s4+$0x0]  }
0x48a: {  	v3 =	vld [tilespmem:s4+$0xFFFFFFE0]  }
0x48b: {  	v7 =	vld [tilespmem:s24+$0xFFFFE010];
	_ =	sdelay $0x1  }
0x48c: {  	v6 =	vld [tilespmem:s24+$0xFFFFE000]  }
0x48d: {  	v8 =	vld [tilespmem:s24+$0xFFFFE020]  }
0x48e: {  	[tilespmem:v4+s29+$0x0] =	vst.idx.add.f32.msk $0xffff, v5  }
0x48f: {  	[tilespmem:v1+s29+$0x0] =	vst.idx.add.f32.msk $0xffff, v7  }
0x490: {  	v5 =	vld [tilespmem:s24+$0xFFFFE430]  }
0x491: {  	[tilespmem:v3+s29+$0x0] =	vst.idx.add.f32.msk $0xffff, v6  }
0x492: {  	[tilespmem:v2+s29+$0x0] =	vst.idx.add.f32.msk $0xffff, v8  }
0x493: {  	v6 =	vld [tilespmem:s24+$0xFFFFE400]  }
0x494: {  	v7 =	vld [tilespmem:s24+$0xFFFFE410]  }
0x495: {  	[tilespmem:v4+s5+$0x0] =	vst.idx.add.f32.msk $0xffff, v5  }
0x496: {  	v5 =	vld [tilespmem:s24+$0xFFFFE830]  }
0x497: {  	v8 =	vld [tilespmem:s24+$0xFFFFE420]  }
0x498: {  	[tilespmem:v3+s5+$0x0] =	vst.idx.add.f32.msk $0xffff, v6  }
0x499: {  	[tilespmem:v1+s5+$0x0] =	vst.idx.add.f32.msk $0xffff, v7  }
0x49a: {  	v6 =	vld [tilespmem:s24+$0xFFFFE800]  }
0x49b: {  	[tilespmem:v4+s6+$0x0] =	vst.idx.add.f32.msk $0xffff, v5  }
0x49c: {  	v5 =	vld [tilespmem:s24+$0xFFFFEC30]  }
0x49d: {  	[tilespmem:v2+s5+$0x0] =	vst.idx.add.f32.msk $0xffff, v8  }
0x49e: {  	v7 =	vld [tilespmem:s24+$0xFFFFE810]  }
0x49f: {  	v8 =	vld [tilespmem:s24+$0xFFFFE820]  }
0x4a0: {  	[tilespmem:v3+s6+$0x0] =	vst.idx.add.f32.msk $0xffff, v6  }
0x4a1: {  	[tilespmem:v4+s7+$0x0] =	vst.idx.add.f32.msk $0xffff, v5  }
0x4a2: {  	v5 =	vld [tilespmem:s24+$0xFFFFF030]  }
0x4a3: {  	[tilespmem:v1+s6+$0x0] =	vst.idx.add.f32.msk $0xffff, v7  }
0x4a4: {  	[tilespmem:v2+s6+$0x0] =	vst.idx.add.f32.msk $0xffff, v8  }
0x4a5: {  	v6 =	vld [tilespmem:s24+$0xFFFFEC00]  }
0x4a6: {  	v7 =	vld [tilespmem:s24+$0xFFFFEC10]  }
0x4a7: {  	[tilespmem:v4+s8+$0x0] =	vst.idx.add.f32.msk $0xffff, v5  }
0x4a8: {  	v5 =	vld [tilespmem:s24+$0xFFFFF430]  }
0x4a9: {  	v8 =	vld [tilespmem:s24+$0xFFFFEC20]  }
0x4aa: {  	[tilespmem:v3+s7+$0x0] =	vst.idx.add.f32.msk $0xffff, v6  }
0x4ab: {  	[tilespmem:v1+s7+$0x0] =	vst.idx.add.f32.msk $0xffff, v7  }
0x4ac: {  	v6 =	vld [tilespmem:s24+$0xFFFFF000]  }
0x4ad: {  	[tilespmem:v4+s9+$0x0] =	vst.idx.add.f32.msk $0xffff, v5  }
0x4ae: {  	v5 =	vld [tilespmem:s24+$0xFFFFF830]  }
0x4af: {  	[tilespmem:v2+s7+$0x0] =	vst.idx.add.f32.msk $0xffff, v8  }
0x4b0: {  	v7 =	vld [tilespmem:s24+$0xFFFFF010]  }
0x4b1: {  	v8 =	vld [tilespmem:s24+$0xFFFFF020]  }
0x4b2: {  	[tilespmem:v3+s8+$0x0] =	vst.idx.add.f32.msk $0xffff, v6  }
0x4b3: {  	[tilespmem:v4+s10+$0x0] =	vst.idx.add.f32.msk $0xffff, v5  }
0x4b4: {  	v5 =	vld [tilespmem:s24+$0xFFFFFC30]  }
0x4b5: {  	[tilespmem:v1+s8+$0x0] =	vst.idx.add.f32.msk $0xffff, v7  }
0x4b6: {  	[tilespmem:v2+s8+$0x0] =	vst.idx.add.f32.msk $0xffff, v8  }
0x4b7: {  	v6 =	vld [tilespmem:s24+$0xFFFFF400]  }
0x4b8: {  	v7 =	vld [tilespmem:s24+$0xFFFFF410]  }
0x4b9: {  	[tilespmem:v4+s11+$0x0] =	vst.idx.add.f32.msk $0xffff, v5  }
0x4ba: {  	v5 =	vld [tilespmem:s24+$0x30]  }
0x4bb: {  	v8 =	vld [tilespmem:s24+$0xFFFFF420]  }
0x4bc: {  	[tilespmem:v3+s9+$0x0] =	vst.idx.add.f32.msk $0xffff, v6  }
0x4bd: {  	[tilespmem:v1+s9+$0x0] =	vst.idx.add.f32.msk $0xffff, v7  }
0x4be: {  	v6 =	vld [tilespmem:s24+$0xFFFFF800]  }
0x4bf: {  	[tilespmem:v4+s12+$0x0] =	vst.idx.add.f32.msk $0xffff, v5  }
0x4c0: {  	v5 =	vld [tilespmem:s24+$0x430]  }
0x4c1: {  	[tilespmem:v2+s9+$0x0] =	vst.idx.add.f32.msk $0xffff, v8  }
0x4c2: {  	v7 =	vld [tilespmem:s24+$0xFFFFF810]  }
0x4c3: {  	v8 =	vld [tilespmem:s24+$0xFFFFF820]  }
0x4c4: {  	[tilespmem:v3+s10+$0x0] =	vst.idx.add.f32.msk $0xffff, v6  }
0x4c5: {  	[tilespmem:v4+s13+$0x0] =	vst.idx.add.f32.msk $0xffff, v5  }
0x4c6: {  	v5 =	vld [tilespmem:s24+$0x830]  }
0x4c7: {  	[tilespmem:v1+s10+$0x0] =	vst.idx.add.f32.msk $0xffff, v7  }
0x4c8: {  	[tilespmem:v2+s10+$0x0] =	vst.idx.add.f32.msk $0xffff, v8  }
0x4c9: {  	v6 =	vld [tilespmem:s24+$0xFFFFFC00]  }
0x4ca: {  	v8 =	vld [tilespmem:s24+$0xFFFFFC20]  }
0x4cb: {  	[tilespmem:v4+s14+$0x0] =	vst.idx.add.f32.msk $0xffff, v5  }
0x4cc: {  	v5 =	vld [tilespmem:s24+$0xC30]  }
0x4cd: {  	v7 =	vld [tilespmem:s24+$0xFFFFFC10]  }
0x4ce: {  	[tilespmem:v3+s11+$0x0] =	vst.idx.add.f32.msk $0xffff, v6  }
0x4cf: {  	[tilespmem:v2+s11+$0x0] =	vst.idx.add.f32.msk $0xffff, v8  }
0x4d0: {  	v8 =	vld [tilespmem:s24+$0x20]  }
0x4d1: {  	[tilespmem:v4+s15+$0x0] =	vst.idx.add.f32.msk $0xffff, v5  }
0x4d2: {  	v5 =	vld [tilespmem:s24+$0x1030]  }
0x4d3: {  	[tilespmem:v1+s11+$0x0] =	vst.idx.add.f32.msk $0xffff, v7  }
0x4d4: {  	v6 =	vld [tilespmem:s24+$0x0]  }
0x4d5: {  	[tilespmem:v2+s12+$0x0] =	vst.idx.add.f32.msk $0xffff, v8  }
0x4d6: {  	v8 =	vld [tilespmem:s24+$0x420]  }
0x4d7: {  	[tilespmem:v4+s16+$0x0] =	vst.idx.add.f32.msk $0xffff, v5  }
0x4d8: {  	v5 =	vld [tilespmem:s24+$0x10]  }
0x4d9: {  	[tilespmem:v3+s12+$0x0] =	vst.idx.add.f32.msk $0xffff, v6  }
0x4da: {  	v7 =	vld [tilespmem:s24+$0x1430]  }
0x4db: {  	v6 =	vld [tilespmem:s24+$0x400]  }
0x4dc: {  	[tilespmem:v2+s13+$0x0] =	vst.idx.add.f32.msk $0xffff, v8  }
0x4dd: {  	[tilespmem:v1+s12+$0x0] =	vst.idx.add.f32.msk $0xffff, v5  }
0x4de: {  	v5 =	vld [tilespmem:s24+$0x410]  }
0x4df: {  	[tilespmem:v4+s17+$0x0] =	vst.idx.add.f32.msk $0xffff, v7  }
0x4e0: {  	v7 =	vld [tilespmem:s24+$0x820]  }
0x4e1: {  	[tilespmem:v3+s13+$0x0] =	vst.idx.add.f32.msk $0xffff, v6  }
0x4e2: {  	v8 =	vld [tilespmem:s24+$0x1830]  }
0x4e3: {  	[tilespmem:v1+s13+$0x0] =	vst.idx.add.f32.msk $0xffff, v5  }
0x4e4: {  	v5 =	vld [tilespmem:s24+$0x800]  }
0x4e5: {  	[tilespmem:v2+s14+$0x0] =	vst.idx.add.f32.msk $0xffff, v7  }
0x4e6: {  	v6 =	vld [tilespmem:s24+$0x810]  }
0x4e7: {  	v7 =	vld [tilespmem:s24+$0xC20]  }
0x4e8: {  	[tilespmem:v4+s18+$0x0] =	vst.idx.add.f32.msk $0xffff, v8  }
0x4e9: {  	[tilespmem:v3+s14+$0x0] =	vst.idx.add.f32.msk $0xffff, v5  }
0x4ea: {  	v5 =	vld [tilespmem:s24+$0xC00]  }
0x4eb: {  	v8 =	vld [tilespmem:s24+$0x1C30]  }
0x4ec: {  	[tilespmem:v1+s14+$0x0] =	vst.idx.add.f32.msk $0xffff, v6  }
0x4ed: {  	[tilespmem:v2+s15+$0x0] =	vst.idx.add.f32.msk $0xffff, v7  }
0x4ee: {  	v6 =	vld [tilespmem:s24+$0xC10]  }
0x4ef: {  	[tilespmem:v3+s15+$0x0] =	vst.idx.add.f32.msk $0xffff, v5  }
0x4f0: {  	v5 =	vld [tilespmem:s24+$0x1000]  }
0x4f1: {  	v7 =	vld [tilespmem:s24+$0x1020]  }
0x4f2: {  	[tilespmem:v4+s19+$0x0] =	vst.idx.add.f32.msk $0xffff, v8  }
0x4f3: {  	[tilespmem:v1+s15+$0x0] =	vst.idx.add.f32.msk $0xffff, v6  }
0x4f4: {  	v6 =	vld [tilespmem:s24+$0x1010]  }
0x4f5: {  	[tilespmem:v3+s16+$0x0] =	vst.idx.add.f32.msk $0xffff, v5  }
0x4f6: {  	v5 =	vld [tilespmem:s24+$0x1400]  }
0x4f7: {  	[tilespmem:v2+s16+$0x0] =	vst.idx.add.f32.msk $0xffff, v7  }
0x4f8: {  	v7 =	vld [tilespmem:s24+$0x1420]  }
0x4f9: {  	[tilespmem:v1+s16+$0x0] =	vst.idx.add.f32.msk $0xffff, v6  }
0x4fa: {  	v6 =	vld [tilespmem:s24+$0x1410]  }
0x4fb: {  	[tilespmem:v3+s17+$0x0] =	vst.idx.add.f32.msk $0xffff, v5  }
0x4fc: {  	v4 =	vld [tilespmem:s24+$0x1800]  }
0x4fd: {  	[tilespmem:v2+s17+$0x0] =	vst.idx.add.f32.msk $0xffff, v7  }
0x4fe: {  	v9 =	vld [tilespmem:s24+$0x1820]  }
0x4ff: {  	[tilespmem:v1+s17+$0x0] =	vst.idx.add.f32.msk $0xffff, v6  }
0x500: {  	v10 =	vld [tilespmem:s24+$0x1810]  }
0x501: {  	[tilespmem:v3+s18+$0x0] =	vst.idx.add.f32.msk $0xffff, v4  }
0x502: {  	s28 =	simm.s32 $0x0;
	s2 =	simm.s32 $0x60;
	s4 =	simm.s32 $0x2800;
	v5 =	vld [tilespmem:s24+$0x1C00]  }
.LBB2_10:
0x503: {  	v8 =	vld [tilespmem:s2+$0x10];
	s28 =	sadd.s32 $0x4, s28  }
0x504: {  	v6 =	vld [tilespmem:s2+$0xFFFFFFF0];
	p0 =	slt.u32 s28, $0x3C  }
0x505: {  	s24 =	sadd.s32 $0x40, s24;
	v4 =	vld [tilespmem:s2+$0x0]  }
0x506: {  	v11 =	vld [tilespmem:s24+$0xFFFFE030]  }
0x507: {  	v7 =	vld [tilespmem:s2+$0xFFFFFFE0]  }
0x508: {  	v12 =	vld [tilespmem:s24+$0xFFFFE000]  }
0x509: {  	v13 =	vld [tilespmem:s24+$0xFFFFE010]  }
0x50a: {  	v14 =	vld [tilespmem:s24+$0xFFFFE020]  }
0x50b: {  	[tilespmem:v8+s29+$0x0] =	vst.idx.add.f32.msk $0xffff, v11  }
0x50c: {  	v11 =	vld [tilespmem:s24+$0xFFFFE430]  }
0x50d: {  	[tilespmem:v1+s18+$0x0] =	vst.idx.add.f32.msk $0xffff, v10  }
0x50e: {  	[tilespmem:v6+s29+$0x0] =	vst.idx.add.f32.msk $0xffff, v13  }
0x50f: {  	[tilespmem:v7+s29+$0x0] =	vst.idx.add.f32.msk $0xffff, v12  }
0x510: {  	[tilespmem:v4+s29+$0x0] =	vst.idx.add.f32.msk $0xffff, v14  }
0x511: {  	[tilespmem:v8+s5+$0x0] =	vst.idx.add.f32.msk $0xffff, v11  }
0x512: {  	v10 =	vld [tilespmem:s24+$0xFFFFE830]  }
0x513: {  	v11 =	vld [tilespmem:s24+$0xFFFFE400]  }
0x514: {  	v12 =	vld [tilespmem:s24+$0xFFFFE410]  }
0x515: {  	v13 =	vld [tilespmem:s24+$0xFFFFE420]  }
0x516: {  	[tilespmem:v2+s18+$0x0] =	vst.idx.add.f32.msk $0xffff, v9  }
0x517: {  	[tilespmem:v8+s6+$0x0] =	vst.idx.add.f32.msk $0xffff, v10  }
0x518: {  	v9 =	vld [tilespmem:s24+$0xFFFFEC30]  }
0x519: {  	[tilespmem:v7+s5+$0x0] =	vst.idx.add.f32.msk $0xffff, v11  }
0x51a: {  	[tilespmem:v6+s5+$0x0] =	vst.idx.add.f32.msk $0xffff, v12  }
0x51b: {  	[tilespmem:v4+s5+$0x0] =	vst.idx.add.f32.msk $0xffff, v13  }
0x51c: {  	v10 =	vld [tilespmem:s24+$0xFFFFE800]  }
0x51d: {  	[tilespmem:v8+s7+$0x0] =	vst.idx.add.f32.msk $0xffff, v9  }
0x51e: {  	v9 =	vld [tilespmem:s24+$0xFFFFF030]  }
0x51f: {  	v11 =	vld [tilespmem:s24+$0xFFFFE810]  }
0x520: {  	v12 =	vld [tilespmem:s24+$0xFFFFE820]  }
0x521: {  	[tilespmem:v7+s6+$0x0] =	vst.idx.add.f32.msk $0xffff, v10  }
0x522: {  	v10 =	vld [tilespmem:s24+$0xFFFFEC00]  }
0x523: {  	[tilespmem:v8+s8+$0x0] =	vst.idx.add.f32.msk $0xffff, v9  }
0x524: {  	v9 =	vld [tilespmem:s24+$0xFFFFF430]  }
0x525: {  	[tilespmem:v6+s6+$0x0] =	vst.idx.add.f32.msk $0xffff, v11  }
0x526: {  	[tilespmem:v4+s6+$0x0] =	vst.idx.add.f32.msk $0xffff, v12  }
0x527: {  	v11 =	vld [tilespmem:s24+$0xFFFFEC10]  }
0x528: {  	v12 =	vld [tilespmem:s24+$0xFFFFEC20]  }
0x529: {  	[tilespmem:v8+s9+$0x0] =	vst.idx.add.f32.msk $0xffff, v9  }
0x52a: {  	v9 =	vld [tilespmem:s24+$0xFFFFF830]  }
0x52b: {  	[tilespmem:v7+s7+$0x0] =	vst.idx.add.f32.msk $0xffff, v10  }
0x52c: {  	[tilespmem:v6+s7+$0x0] =	vst.idx.add.f32.msk $0xffff, v11  }
0x52d: {  	[tilespmem:v4+s7+$0x0] =	vst.idx.add.f32.msk $0xffff, v12  }
0x52e: {  	v10 =	vld [tilespmem:s24+$0xFFFFF000]  }
0x52f: {  	[tilespmem:v8+s10+$0x0] =	vst.idx.add.f32.msk $0xffff, v9  }
0x530: {  	v9 =	vld [tilespmem:s24+$0xFFFFFC30]  }
0x531: {  	v11 =	vld [tilespmem:s24+$0xFFFFF010]  }
0x532: {  	v12 =	vld [tilespmem:s24+$0xFFFFF020]  }
0x533: {  	[tilespmem:v7+s8+$0x0] =	vst.idx.add.f32.msk $0xffff, v10  }
0x534: {  	v10 =	vld [tilespmem:s24+$0xFFFFF400]  }
0x535: {  	[tilespmem:v8+s11+$0x0] =	vst.idx.add.f32.msk $0xffff, v9  }
0x536: {  	v9 =	vld [tilespmem:s24+$0x30]  }
0x537: {  	[tilespmem:v6+s8+$0x0] =	vst.idx.add.f32.msk $0xffff, v11  }
0x538: {  	[tilespmem:v4+s8+$0x0] =	vst.idx.add.f32.msk $0xffff, v12  }
0x539: {  	v11 =	vld [tilespmem:s24+$0xFFFFF410]  }
0x53a: {  	v12 =	vld [tilespmem:s24+$0xFFFFF420]  }
0x53b: {  	[tilespmem:v8+s12+$0x0] =	vst.idx.add.f32.msk $0xffff, v9  }
0x53c: {  	v9 =	vld [tilespmem:s24+$0x430]  }
0x53d: {  	[tilespmem:v7+s9+$0x0] =	vst.idx.add.f32.msk $0xffff, v10  }
0x53e: {  	[tilespmem:v6+s9+$0x0] =	vst.idx.add.f32.msk $0xffff, v11  }
0x53f: {  	[tilespmem:v4+s9+$0x0] =	vst.idx.add.f32.msk $0xffff, v12  }
0x540: {  	v10 =	vld [tilespmem:s24+$0xFFFFF800]  }
0x541: {  	[tilespmem:v8+s13+$0x0] =	vst.idx.add.f32.msk $0xffff, v9  }
0x542: {  	v9 =	vld [tilespmem:s24+$0x830]  }
0x543: {  	v11 =	vld [tilespmem:s24+$0xFFFFF810]  }
0x544: {  	v12 =	vld [tilespmem:s24+$0xFFFFF820]  }
0x545: {  	[tilespmem:v7+s10+$0x0] =	vst.idx.add.f32.msk $0xffff, v10  }
0x546: {  	v10 =	vld [tilespmem:s24+$0xFFFFFC00]  }
0x547: {  	[tilespmem:v8+s14+$0x0] =	vst.idx.add.f32.msk $0xffff, v9  }
0x548: {  	v9 =	vld [tilespmem:s24+$0xC30]  }
0x549: {  	[tilespmem:v6+s10+$0x0] =	vst.idx.add.f32.msk $0xffff, v11  }
0x54a: {  	[tilespmem:v4+s10+$0x0] =	vst.idx.add.f32.msk $0xffff, v12  }
0x54b: {  	v11 =	vld [tilespmem:s24+$0xFFFFFC10]  }
0x54c: {  	v12 =	vld [tilespmem:s24+$0xFFFFFC20]  }
0x54d: {  	[tilespmem:v8+s15+$0x0] =	vst.idx.add.f32.msk $0xffff, v9  }
0x54e: {  	v9 =	vld [tilespmem:s24+$0x1030]  }
0x54f: {  	[tilespmem:v7+s11+$0x0] =	vst.idx.add.f32.msk $0xffff, v10  }
0x550: {  	[tilespmem:v6+s11+$0x0] =	vst.idx.add.f32.msk $0xffff, v11  }
0x551: {  	[tilespmem:v4+s11+$0x0] =	vst.idx.add.f32.msk $0xffff, v12  }
0x552: {  	v10 =	vld [tilespmem:s24+$0x0]  }
0x553: {  	[tilespmem:v8+s16+$0x0] =	vst.idx.add.f32.msk $0xffff, v9  }
0x554: {  	v9 =	vld [tilespmem:s24+$0x1430]  }
0x555: {  	v11 =	vld [tilespmem:s24+$0x10]  }
0x556: {  	v12 =	vld [tilespmem:s24+$0x20]  }
0x557: {  	[tilespmem:v7+s12+$0x0] =	vst.idx.add.f32.msk $0xffff, v10  }
0x558: {  	v10 =	vld [tilespmem:s24+$0x400]  }
0x559: {  	[tilespmem:v8+s17+$0x0] =	vst.idx.add.f32.msk $0xffff, v9  }
0x55a: {  	v9 =	vld [tilespmem:s24+$0x1830]  }
0x55b: {  	[tilespmem:v6+s12+$0x0] =	vst.idx.add.f32.msk $0xffff, v11  }
0x55c: {  	[tilespmem:v4+s12+$0x0] =	vst.idx.add.f32.msk $0xffff, v12  }
0x55d: {  	v11 =	vld [tilespmem:s24+$0x410]  }
0x55e: {  	v12 =	vld [tilespmem:s24+$0x420]  }
0x55f: {  	[tilespmem:v8+s18+$0x0] =	vst.idx.add.f32.msk $0xffff, v9  }
0x560: {  	v9 =	vld [tilespmem:s24+$0x1C30]  }
0x561: {  	[tilespmem:v7+s13+$0x0] =	vst.idx.add.f32.msk $0xffff, v10  }
0x562: {  	[tilespmem:v6+s13+$0x0] =	vst.idx.add.f32.msk $0xffff, v11  }
0x563: {  	[tilespmem:v4+s13+$0x0] =	vst.idx.add.f32.msk $0xffff, v12  }
0x564: {  	v10 =	vld [tilespmem:s24+$0x800]  }
0x565: {  	[tilespmem:v8+s19+$0x0] =	vst.idx.add.f32.msk $0xffff, v9  }
0x566: {  	v8 =	vld [tilespmem:s24+$0x810]  }
0x567: {  	v9 =	vld [tilespmem:s24+$0x820]  }
0x568: {  	v11 =	vld [tilespmem:s4+$0x1C10]  }
0x569: {  	[tilespmem:v7+s14+$0x0] =	vst.idx.add.f32.msk $0xffff, v10  }
0x56a: {  	v10 =	vld [tilespmem:s24+$0xC00]  }
0x56b: {  	[tilespmem:v6+s14+$0x0] =	vst.idx.add.f32.msk $0xffff, v8  }
0x56c: {  	[tilespmem:v4+s14+$0x0] =	vst.idx.add.f32.msk $0xffff, v9  }
0x56d: {  	v8 =	vld [tilespmem:s24+$0xC10]  }
0x56e: {  	v9 =	vld [tilespmem:s24+$0xC20]  }
0x56f: {  	[tilespmem:v7+s15+$0x0] =	vst.idx.add.f32.msk $0xffff, v10  }
0x570: {  	v10 =	vld [tilespmem:s24+$0x1000]  }
0x571: {  	v12 =	vld [tilespmem:s4+$0x1C20];
	s4 =	smov.u32 s24  }
0x572: {  	[tilespmem:v6+s15+$0x0] =	vst.idx.add.f32.msk $0xffff, v8  }
0x573: {  	[tilespmem:v4+s15+$0x0] =	vst.idx.add.f32.msk $0xffff, v9  }
0x574: {  	v8 =	vld [tilespmem:s24+$0x1010]  }
0x575: {  	v9 =	vld [tilespmem:s24+$0x1020]  }
0x576: {  	[tilespmem:v7+s16+$0x0] =	vst.idx.add.f32.msk $0xffff, v10  }
0x577: {  	v10 =	vld [tilespmem:s24+$0x1400]  }
0x578: {  	[tilespmem:v3+s19+$0x0] =	vst.idx.add.f32.msk $0xffff, v5;
	v3 =	vmov v7  }
0x579: {  	[tilespmem:v6+s16+$0x0] =	vst.idx.add.f32.msk $0xffff, v8  }
0x57a: {  	[tilespmem:v4+s16+$0x0] =	vst.idx.add.f32.msk $0xffff, v9  }
0x57b: {  	v5 =	vld [tilespmem:s24+$0x1410]  }
0x57c: {  	v7 =	vld [tilespmem:s24+$0x1420]  }
0x57d: {  	[tilespmem:v3+s17+$0x0] =	vst.idx.add.f32.msk $0xffff, v10  }
0x57e: {  	v8 =	vld [tilespmem:s24+$0x1800]  }
0x57f: {  	[tilespmem:v1+s19+$0x0] =	vst.idx.add.f32.msk $0xffff, v11;
	v1 =	vmov v6  }
0x580: {  	[tilespmem:v6+s17+$0x0] =	vst.idx.add.f32.msk $0xffff, v5  }
0x581: {  	[tilespmem:v4+s17+$0x0] =	vst.idx.add.f32.msk $0xffff, v7  }
.Ltmp4:
0x582: {  	v10 =	vld [tilespmem:s24+$0x1810];
	(pc) =	sbr.rel @p0 .LBB2_10-.Ltmp4, $4  }
0x583: {  	v9 =	vld [tilespmem:s24+$0x1820]  }
0x584: {  	[tilespmem:v3+s18+$0x0] =	vst.idx.add.f32.msk $0xffff, v8  }
0x585: {  	v5 =	vld [tilespmem:s24+$0x1C00]  }
0x586: {  	s2 =	sadd.s32 $0x40, s2;
	[tilespmem:v2+s19+$0x0] =	vst.idx.add.f32.msk $0xffff, v12;
	v2 =	vmov v4  }
0x587: {  	_ =	sdelay $0x3  }
0x588: {  	[tilespmem:v1+s18+$0x0] =	vst.idx.add.f32.msk $0xffff, v10  }
0x589: {  	[tilespmem:v2+s18+$0x0] =	vst.idx.add.f32.msk $0xffff, v9  }
0x58a: {  	v4 =	vld [tilespmem:s4+$0x1C10]  }
0x58b: {  	v6 =	vld [tilespmem:s4+$0x1C20];
	_ =	sdelay $0x2  }
0x58c: {  	[tilespmem:v3+s19+$0x0] =	vst.idx.add.f32.msk $0xffff, v5  }
0x58d: {  	[tilespmem:v1+s19+$0x0] =	vst.idx.add.f32.msk $0xffff, v4  }
0x58e: {  	[tilespmem:v2+s19+$0x0] =	vst.idx.add.f32.msk $0xffff, v6  }
0x58f: {  	s2 =	rddreg [dreg:$0x13]  }
0x590: {  	[tilespmem:s3], [sflag:$0x1] =	stream.linear.gather [hbm4b:s2+s3], $0x400, $0x38;
	[tilespmem:$0x19810] =	vst v63  }
0x591: {  	s24 =	simm.s32 $0x800;
	s4 =	rddreg [dreg:$0x14]  }
0x592: {  	[tilespmem:s24], [sflag:$0x3] =	stream.strided.gather [hbm4b:s4+s25], $0x4000, s26, s25, $0x38;
	[tilespmem:$0x19810] =	vst v63  }
0x593: {  	_ =	swait.ge [sflag:s31], $0x400  }
0x594: {  	[sflag:s31] =	ssyncset.done $0x0  }
0x595: {  	[sflag:s31] =	ssyncadd.s32 $0xFFFFFC00  }
0x596: {  	_ =	swait.ge [sflag:s20], $0x4000  }
0x597: {  	[sflag:s20] =	ssyncset.done $0x0  }
0x598: {  	s4 =	simm.s32 $0x420;
	[sflag:s20] =	ssyncadd.s32 $0xFFFFC000  }
0x599: {  	v4 =	vld [tilespmem:s4+$0x10]  }
0x59a: {  	s24 =	simm.s32 $0x6800;
	v1 =	vld [tilespmem:s4+$0xFFFFFFF0]  }
0x59b: {  	v5 =	vld [tilespmem:s24+$0xFFFFE030]  }
0x59c: {  	v2 =	vld [tilespmem:s4+$0x0]  }
0x59d: {  	v3 =	vld [tilespmem:s4+$0xFFFFFFE0]  }
0x59e: {  	v7 =	vld [tilespmem:s24+$0xFFFFE010];
	_ =	sdelay $0x1  }
0x59f: {  	v6 =	vld [tilespmem:s24+$0xFFFFE000]  }
0x5a0: {  	v8 =	vld [tilespmem:s24+$0xFFFFE020]  }
0x5a1: {  	[tilespmem:v4+s29+$0x0] =	vst.idx.add.f32.msk $0xffff, v5  }
0x5a2: {  	[tilespmem:v1+s29+$0x0] =	vst.idx.add.f32.msk $0xffff, v7  }
0x5a3: {  	v5 =	vld [tilespmem:s24+$0xFFFFE430]  }
0x5a4: {  	[tilespmem:v3+s29+$0x0] =	vst.idx.add.f32.msk $0xffff, v6  }
0x5a5: {  	[tilespmem:v2+s29+$0x0] =	vst.idx.add.f32.msk $0xffff, v8  }
0x5a6: {  	v6 =	vld [tilespmem:s24+$0xFFFFE400]  }
0x5a7: {  	v7 =	vld [tilespmem:s24+$0xFFFFE410]  }
0x5a8: {  	[tilespmem:v4+s5+$0x0] =	vst.idx.add.f32.msk $0xffff, v5  }
0x5a9: {  	v5 =	vld [tilespmem:s24+$0xFFFFE830]  }
0x5aa: {  	v8 =	vld [tilespmem:s24+$0xFFFFE420]  }
0x5ab: {  	[tilespmem:v3+s5+$0x0] =	vst.idx.add.f32.msk $0xffff, v6  }
0x5ac: {  	[tilespmem:v1+s5+$0x0] =	vst.idx.add.f32.msk $0xffff, v7  }
0x5ad: {  	v6 =	vld [tilespmem:s24+$0xFFFFE800]  }
0x5ae: {  	[tilespmem:v4+s6+$0x0] =	vst.idx.add.f32.msk $0xffff, v5  }
0x5af: {  	v5 =	vld [tilespmem:s24+$0xFFFFEC30]  }
0x5b0: {  	[tilespmem:v2+s5+$0x0] =	vst.idx.add.f32.msk $0xffff, v8  }
0x5b1: {  	v7 =	vld [tilespmem:s24+$0xFFFFE810]  }
0x5b2: {  	v8 =	vld [tilespmem:s24+$0xFFFFE820]  }
0x5b3: {  	[tilespmem:v3+s6+$0x0] =	vst.idx.add.f32.msk $0xffff, v6  }
0x5b4: {  	[tilespmem:v4+s7+$0x0] =	vst.idx.add.f32.msk $0xffff, v5  }
0x5b5: {  	v5 =	vld [tilespmem:s24+$0xFFFFF030]  }
0x5b6: {  	[tilespmem:v1+s6+$0x0] =	vst.idx.add.f32.msk $0xffff, v7  }
0x5b7: {  	[tilespmem:v2+s6+$0x0] =	vst.idx.add.f32.msk $0xffff, v8  }
0x5b8: {  	v6 =	vld [tilespmem:s24+$0xFFFFEC00]  }
0x5b9: {  	v7 =	vld [tilespmem:s24+$0xFFFFEC10]  }
0x5ba: {  	[tilespmem:v4+s8+$0x0] =	vst.idx.add.f32.msk $0xffff, v5  }
0x5bb: {  	v5 =	vld [tilespmem:s24+$0xFFFFF430]  }
0x5bc: {  	v8 =	vld [tilespmem:s24+$0xFFFFEC20]  }
0x5bd: {  	[tilespmem:v3+s7+$0x0] =	vst.idx.add.f32.msk $0xffff, v6  }
0x5be: {  	[tilespmem:v1+s7+$0x0] =	vst.idx.add.f32.msk $0xffff, v7  }
0x5bf: {  	v6 =	vld [tilespmem:s24+$0xFFFFF000]  }
0x5c0: {  	[tilespmem:v4+s9+$0x0] =	vst.idx.add.f32.msk $0xffff, v5  }
0x5c1: {  	v5 =	vld [tilespmem:s24+$0xFFFFF830]  }
0x5c2: {  	[tilespmem:v2+s7+$0x0] =	vst.idx.add.f32.msk $0xffff, v8  }
0x5c3: {  	v7 =	vld [tilespmem:s24+$0xFFFFF010]  }
0x5c4: {  	v8 =	vld [tilespmem:s24+$0xFFFFF020]  }
0x5c5: {  	[tilespmem:v3+s8+$0x0] =	vst.idx.add.f32.msk $0xffff, v6  }
0x5c6: {  	[tilespmem:v4+s10+$0x0] =	vst.idx.add.f32.msk $0xffff, v5  }
0x5c7: {  	v5 =	vld [tilespmem:s24+$0xFFFFFC30]  }
0x5c8: {  	[tilespmem:v1+s8+$0x0] =	vst.idx.add.f32.msk $0xffff, v7  }
0x5c9: {  	[tilespmem:v2+s8+$0x0] =	vst.idx.add.f32.msk $0xffff, v8  }
0x5ca: {  	v6 =	vld [tilespmem:s24+$0xFFFFF400]  }
0x5cb: {  	v7 =	vld [tilespmem:s24+$0xFFFFF410]  }
0x5cc: {  	[tilespmem:v4+s11+$0x0] =	vst.idx.add.f32.msk $0xffff, v5  }
0x5cd: {  	v5 =	vld [tilespmem:s24+$0x30]  }
0x5ce: {  	v8 =	vld [tilespmem:s24+$0xFFFFF420]  }
0x5cf: {  	[tilespmem:v3+s9+$0x0] =	vst.idx.add.f32.msk $0xffff, v6  }
0x5d0: {  	[tilespmem:v1+s9+$0x0] =	vst.idx.add.f32.msk $0xffff, v7  }
0x5d1: {  	v6 =	vld [tilespmem:s24+$0xFFFFF800]  }
0x5d2: {  	[tilespmem:v4+s12+$0x0] =	vst.idx.add.f32.msk $0xffff, v5  }
0x5d3: {  	v5 =	vld [tilespmem:s24+$0x430]  }
0x5d4: {  	[tilespmem:v2+s9+$0x0] =	vst.idx.add.f32.msk $0xffff, v8  }
0x5d5: {  	v7 =	vld [tilespmem:s24+$0xFFFFF810]  }
0x5d6: {  	v8 =	vld [tilespmem:s24+$0xFFFFF820]  }
0x5d7: {  	[tilespmem:v3+s10+$0x0] =	vst.idx.add.f32.msk $0xffff, v6  }
0x5d8: {  	[tilespmem:v4+s13+$0x0] =	vst.idx.add.f32.msk $0xffff, v5  }
0x5d9: {  	v5 =	vld [tilespmem:s24+$0x830]  }
0x5da: {  	[tilespmem:v1+s10+$0x0] =	vst.idx.add.f32.msk $0xffff, v7  }
0x5db: {  	[tilespmem:v2+s10+$0x0] =	vst.idx.add.f32.msk $0xffff, v8  }
0x5dc: {  	v6 =	vld [tilespmem:s24+$0xFFFFFC00]  }
0x5dd: {  	v8 =	vld [tilespmem:s24+$0xFFFFFC20]  }
0x5de: {  	[tilespmem:v4+s14+$0x0] =	vst.idx.add.f32.msk $0xffff, v5  }
0x5df: {  	v5 =	vld [tilespmem:s24+$0xC30]  }
0x5e0: {  	v7 =	vld [tilespmem:s24+$0xFFFFFC10]  }
0x5e1: {  	[tilespmem:v3+s11+$0x0] =	vst.idx.add.f32.msk $0xffff, v6  }
0x5e2: {  	[tilespmem:v2+s11+$0x0] =	vst.idx.add.f32.msk $0xffff, v8  }
0x5e3: {  	v8 =	vld [tilespmem:s24+$0x20]  }
0x5e4: {  	[tilespmem:v4+s15+$0x0] =	vst.idx.add.f32.msk $0xffff, v5  }
0x5e5: {  	v5 =	vld [tilespmem:s24+$0x1030]  }
0x5e6: {  	[tilespmem:v1+s11+$0x0] =	vst.idx.add.f32.msk $0xffff, v7  }
0x5e7: {  	v6 =	vld [tilespmem:s24+$0x0]  }
0x5e8: {  	[tilespmem:v2+s12+$0x0] =	vst.idx.add.f32.msk $0xffff, v8  }
0x5e9: {  	v8 =	vld [tilespmem:s24+$0x420]  }
0x5ea: {  	[tilespmem:v4+s16+$0x0] =	vst.idx.add.f32.msk $0xffff, v5  }
0x5eb: {  	v5 =	vld [tilespmem:s24+$0x10]  }
0x5ec: {  	[tilespmem:v3+s12+$0x0] =	vst.idx.add.f32.msk $0xffff, v6  }
0x5ed: {  	v7 =	vld [tilespmem:s24+$0x1430]  }
0x5ee: {  	v6 =	vld [tilespmem:s24+$0x400]  }
0x5ef: {  	[tilespmem:v2+s13+$0x0] =	vst.idx.add.f32.msk $0xffff, v8  }
0x5f0: {  	[tilespmem:v1+s12+$0x0] =	vst.idx.add.f32.msk $0xffff, v5  }
0x5f1: {  	v5 =	vld [tilespmem:s24+$0x410]  }
0x5f2: {  	[tilespmem:v4+s17+$0x0] =	vst.idx.add.f32.msk $0xffff, v7  }
0x5f3: {  	v7 =	vld [tilespmem:s24+$0x820]  }
0x5f4: {  	[tilespmem:v3+s13+$0x0] =	vst.idx.add.f32.msk $0xffff, v6  }
0x5f5: {  	v8 =	vld [tilespmem:s24+$0x1830]  }
0x5f6: {  	[tilespmem:v1+s13+$0x0] =	vst.idx.add.f32.msk $0xffff, v5  }
0x5f7: {  	v5 =	vld [tilespmem:s24+$0x800]  }
0x5f8: {  	[tilespmem:v2+s14+$0x0] =	vst.idx.add.f32.msk $0xffff, v7  }
0x5f9: {  	v6 =	vld [tilespmem:s24+$0x810]  }
0x5fa: {  	v7 =	vld [tilespmem:s24+$0xC20]  }
0x5fb: {  	[tilespmem:v4+s18+$0x0] =	vst.idx.add.f32.msk $0xffff, v8  }
0x5fc: {  	[tilespmem:v3+s14+$0x0] =	vst.idx.add.f32.msk $0xffff, v5  }
0x5fd: {  	v5 =	vld [tilespmem:s24+$0xC00]  }
0x5fe: {  	v8 =	vld [tilespmem:s24+$0x1C30]  }
0x5ff: {  	[tilespmem:v1+s14+$0x0] =	vst.idx.add.f32.msk $0xffff, v6  }
0x600: {  	[tilespmem:v2+s15+$0x0] =	vst.idx.add.f32.msk $0xffff, v7  }
0x601: {  	v6 =	vld [tilespmem:s24+$0xC10]  }
0x602: {  	[tilespmem:v3+s15+$0x0] =	vst.idx.add.f32.msk $0xffff, v5  }
0x603: {  	v5 =	vld [tilespmem:s24+$0x1000]  }
0x604: {  	v7 =	vld [tilespmem:s24+$0x1020]  }
0x605: {  	[tilespmem:v4+s19+$0x0] =	vst.idx.add.f32.msk $0xffff, v8  }
0x606: {  	[tilespmem:v1+s15+$0x0] =	vst.idx.add.f32.msk $0xffff, v6  }
0x607: {  	v6 =	vld [tilespmem:s24+$0x1010]  }
0x608: {  	[tilespmem:v3+s16+$0x0] =	vst.idx.add.f32.msk $0xffff, v5  }
0x609: {  	v5 =	vld [tilespmem:s24+$0x1400]  }
0x60a: {  	[tilespmem:v2+s16+$0x0] =	vst.idx.add.f32.msk $0xffff, v7  }
0x60b: {  	v7 =	vld [tilespmem:s24+$0x1420]  }
0x60c: {  	[tilespmem:v1+s16+$0x0] =	vst.idx.add.f32.msk $0xffff, v6  }
0x60d: {  	v6 =	vld [tilespmem:s24+$0x1410]  }
0x60e: {  	[tilespmem:v3+s17+$0x0] =	vst.idx.add.f32.msk $0xffff, v5  }
0x60f: {  	v4 =	vld [tilespmem:s24+$0x1800]  }
0x610: {  	[tilespmem:v2+s17+$0x0] =	vst.idx.add.f32.msk $0xffff, v7  }
0x611: {  	v9 =	vld [tilespmem:s24+$0x1820]  }
0x612: {  	[tilespmem:v1+s17+$0x0] =	vst.idx.add.f32.msk $0xffff, v6  }
0x613: {  	v10 =	vld [tilespmem:s24+$0x1810]  }
0x614: {  	[tilespmem:v3+s18+$0x0] =	vst.idx.add.f32.msk $0xffff, v4  }
0x615: {  	s28 =	simm.s32 $0x0;
	s2 =	simm.s32 $0x460;
	s4 =	simm.s32 $0x6800;
	v5 =	vld [tilespmem:s24+$0x1C00]  }
.LBB2_12:
0x616: {  	v8 =	vld [tilespmem:s2+$0x10];
	s28 =	sadd.s32 $0x4, s28  }
0x617: {  	v6 =	vld [tilespmem:s2+$0xFFFFFFF0];
	p0 =	slt.u32 s28, $0x3C  }
0x618: {  	s24 =	sadd.s32 $0x40, s24;
	v4 =	vld [tilespmem:s2+$0x0]  }
0x619: {  	v11 =	vld [tilespmem:s24+$0xFFFFE030]  }
0x61a: {  	v7 =	vld [tilespmem:s2+$0xFFFFFFE0]  }
0x61b: {  	v12 =	vld [tilespmem:s24+$0xFFFFE000]  }
0x61c: {  	v13 =	vld [tilespmem:s24+$0xFFFFE010]  }
0x61d: {  	v14 =	vld [tilespmem:s24+$0xFFFFE020]  }
0x61e: {  	[tilespmem:v8+s29+$0x0] =	vst.idx.add.f32.msk $0xffff, v11  }
0x61f: {  	v11 =	vld [tilespmem:s24+$0xFFFFE430]  }
0x620: {  	[tilespmem:v1+s18+$0x0] =	vst.idx.add.f32.msk $0xffff, v10  }
0x621: {  	[tilespmem:v6+s29+$0x0] =	vst.idx.add.f32.msk $0xffff, v13  }
0x622: {  	[tilespmem:v7+s29+$0x0] =	vst.idx.add.f32.msk $0xffff, v12  }
0x623: {  	[tilespmem:v4+s29+$0x0] =	vst.idx.add.f32.msk $0xffff, v14  }
0x624: {  	[tilespmem:v8+s5+$0x0] =	vst.idx.add.f32.msk $0xffff, v11  }
0x625: {  	v10 =	vld [tilespmem:s24+$0xFFFFE830]  }
0x626: {  	v11 =	vld [tilespmem:s24+$0xFFFFE400]  }
0x627: {  	v12 =	vld [tilespmem:s24+$0xFFFFE410]  }
0x628: {  	v13 =	vld [tilespmem:s24+$0xFFFFE420]  }
0x629: {  	[tilespmem:v2+s18+$0x0] =	vst.idx.add.f32.msk $0xffff, v9  }
0x62a: {  	[tilespmem:v8+s6+$0x0] =	vst.idx.add.f32.msk $0xffff, v10  }
0x62b: {  	v9 =	vld [tilespmem:s24+$0xFFFFEC30]  }
0x62c: {  	[tilespmem:v7+s5+$0x0] =	vst.idx.add.f32.msk $0xffff, v11  }
0x62d: {  	[tilespmem:v6+s5+$0x0] =	vst.idx.add.f32.msk $0xffff, v12  }
0x62e: {  	[tilespmem:v4+s5+$0x0] =	vst.idx.add.f32.msk $0xffff, v13  }
0x62f: {  	v10 =	vld [tilespmem:s24+$0xFFFFE800]  }
0x630: {  	[tilespmem:v8+s7+$0x0] =	vst.idx.add.f32.msk $0xffff, v9  }
0x631: {  	v9 =	vld [tilespmem:s24+$0xFFFFF030]  }
0x632: {  	v11 =	vld [tilespmem:s24+$0xFFFFE810]  }
0x633: {  	v12 =	vld [tilespmem:s24+$0xFFFFE820]  }
0x634: {  	[tilespmem:v7+s6+$0x0] =	vst.idx.add.f32.msk $0xffff, v10  }
0x635: {  	v10 =	vld [tilespmem:s24+$0xFFFFEC00]  }
0x636: {  	[tilespmem:v8+s8+$0x0] =	vst.idx.add.f32.msk $0xffff, v9  }
0x637: {  	v9 =	vld [tilespmem:s24+$0xFFFFF430]  }
0x638: {  	[tilespmem:v6+s6+$0x0] =	vst.idx.add.f32.msk $0xffff, v11  }
0x639: {  	[tilespmem:v4+s6+$0x0] =	vst.idx.add.f32.msk $0xffff, v12  }
0x63a: {  	v11 =	vld [tilespmem:s24+$0xFFFFEC10]  }
0x63b: {  	v12 =	vld [tilespmem:s24+$0xFFFFEC20]  }
0x63c: {  	[tilespmem:v8+s9+$0x0] =	vst.idx.add.f32.msk $0xffff, v9  }
0x63d: {  	v9 =	vld [tilespmem:s24+$0xFFFFF830]  }
0x63e: {  	[tilespmem:v7+s7+$0x0] =	vst.idx.add.f32.msk $0xffff, v10  }
0x63f: {  	[tilespmem:v6+s7+$0x0] =	vst.idx.add.f32.msk $0xffff, v11  }
0x640: {  	[tilespmem:v4+s7+$0x0] =	vst.idx.add.f32.msk $0xffff, v12  }
0x641: {  	v10 =	vld [tilespmem:s24+$0xFFFFF000]  }
0x642: {  	[tilespmem:v8+s10+$0x0] =	vst.idx.add.f32.msk $0xffff, v9  }
0x643: {  	v9 =	vld [tilespmem:s24+$0xFFFFFC30]  }
0x644: {  	v11 =	vld [tilespmem:s24+$0xFFFFF010]  }
0x645: {  	v12 =	vld [tilespmem:s24+$0xFFFFF020]  }
0x646: {  	[tilespmem:v7+s8+$0x0] =	vst.idx.add.f32.msk $0xffff, v10  }
0x647: {  	v10 =	vld [tilespmem:s24+$0xFFFFF400]  }
0x648: {  	[tilespmem:v8+s11+$0x0] =	vst.idx.add.f32.msk $0xffff, v9  }
0x649: {  	v9 =	vld [tilespmem:s24+$0x30]  }
0x64a: {  	[tilespmem:v6+s8+$0x0] =	vst.idx.add.f32.msk $0xffff, v11  }
0x64b: {  	[tilespmem:v4+s8+$0x0] =	vst.idx.add.f32.msk $0xffff, v12  }
0x64c: {  	v11 =	vld [tilespmem:s24+$0xFFFFF410]  }
0x64d: {  	v12 =	vld [tilespmem:s24+$0xFFFFF420]  }
0x64e: {  	[tilespmem:v8+s12+$0x0] =	vst.idx.add.f32.msk $0xffff, v9  }
0x64f: {  	v9 =	vld [tilespmem:s24+$0x430]  }
0x650: {  	[tilespmem:v7+s9+$0x0] =	vst.idx.add.f32.msk $0xffff, v10  }
0x651: {  	[tilespmem:v6+s9+$0x0] =	vst.idx.add.f32.msk $0xffff, v11  }
0x652: {  	[tilespmem:v4+s9+$0x0] =	vst.idx.add.f32.msk $0xffff, v12  }
0x653: {  	v10 =	vld [tilespmem:s24+$0xFFFFF800]  }
0x654: {  	[tilespmem:v8+s13+$0x0] =	vst.idx.add.f32.msk $0xffff, v9  }
0x655: {  	v9 =	vld [tilespmem:s24+$0x830]  }
0x656: {  	v11 =	vld [tilespmem:s24+$0xFFFFF810]  }
0x657: {  	v12 =	vld [tilespmem:s24+$0xFFFFF820]  }
0x658: {  	[tilespmem:v7+s10+$0x0] =	vst.idx.add.f32.msk $0xffff, v10  }
0x659: {  	v10 =	vld [tilespmem:s24+$0xFFFFFC00]  }
0x65a: {  	[tilespmem:v8+s14+$0x0] =	vst.idx.add.f32.msk $0xffff, v9  }
0x65b: {  	v9 =	vld [tilespmem:s24+$0xC30]  }
0x65c: {  	[tilespmem:v6+s10+$0x0] =	vst.idx.add.f32.msk $0xffff, v11  }
0x65d: {  	[tilespmem:v4+s10+$0x0] =	vst.idx.add.f32.msk $0xffff, v12  }
0x65e: {  	v11 =	vld [tilespmem:s24+$0xFFFFFC10]  }
0x65f: {  	v12 =	vld [tilespmem:s24+$0xFFFFFC20]  }
0x660: {  	[tilespmem:v8+s15+$0x0] =	vst.idx.add.f32.msk $0xffff, v9  }
0x661: {  	v9 =	vld [tilespmem:s24+$0x1030]  }
0x662: {  	[tilespmem:v7+s11+$0x0] =	vst.idx.add.f32.msk $0xffff, v10  }
0x663: {  	[tilespmem:v6+s11+$0x0] =	vst.idx.add.f32.msk $0xffff, v11  }
0x664: {  	[tilespmem:v4+s11+$0x0] =	vst.idx.add.f32.msk $0xffff, v12  }
0x665: {  	v10 =	vld [tilespmem:s24+$0x0]  }
0x666: {  	[tilespmem:v8+s16+$0x0] =	vst.idx.add.f32.msk $0xffff, v9  }
0x667: {  	v9 =	vld [tilespmem:s24+$0x1430]  }
0x668: {  	v11 =	vld [tilespmem:s24+$0x10]  }
0x669: {  	v12 =	vld [tilespmem:s24+$0x20]  }
0x66a: {  	[tilespmem:v7+s12+$0x0] =	vst.idx.add.f32.msk $0xffff, v10  }
0x66b: {  	v10 =	vld [tilespmem:s24+$0x400]  }
0x66c: {  	[tilespmem:v8+s17+$0x0] =	vst.idx.add.f32.msk $0xffff, v9  }
0x66d: {  	v9 =	vld [tilespmem:s24+$0x1830]  }
0x66e: {  	[tilespmem:v6+s12+$0x0] =	vst.idx.add.f32.msk $0xffff, v11  }
0x66f: {  	[tilespmem:v4+s12+$0x0] =	vst.idx.add.f32.msk $0xffff, v12  }
0x670: {  	v11 =	vld [tilespmem:s24+$0x410]  }
0x671: {  	v12 =	vld [tilespmem:s24+$0x420]  }
0x672: {  	[tilespmem:v8+s18+$0x0] =	vst.idx.add.f32.msk $0xffff, v9  }
0x673: {  	v9 =	vld [tilespmem:s24+$0x1C30]  }
0x674: {  	[tilespmem:v7+s13+$0x0] =	vst.idx.add.f32.msk $0xffff, v10  }
0x675: {  	[tilespmem:v6+s13+$0x0] =	vst.idx.add.f32.msk $0xffff, v11  }
0x676: {  	[tilespmem:v4+s13+$0x0] =	vst.idx.add.f32.msk $0xffff, v12  }
0x677: {  	v10 =	vld [tilespmem:s24+$0x800]  }
0x678: {  	[tilespmem:v8+s19+$0x0] =	vst.idx.add.f32.msk $0xffff, v9  }
0x679: {  	v8 =	vld [tilespmem:s24+$0x810]  }
0x67a: {  	v9 =	vld [tilespmem:s24+$0x820]  }
0x67b: {  	v11 =	vld [tilespmem:s4+$0x1C10]  }
0x67c: {  	[tilespmem:v7+s14+$0x0] =	vst.idx.add.f32.msk $0xffff, v10  }
0x67d: {  	v10 =	vld [tilespmem:s24+$0xC00]  }
0x67e: {  	[tilespmem:v6+s14+$0x0] =	vst.idx.add.f32.msk $0xffff, v8  }
0x67f: {  	[tilespmem:v4+s14+$0x0] =	vst.idx.add.f32.msk $0xffff, v9  }
0x680: {  	v8 =	vld [tilespmem:s24+$0xC10]  }
0x681: {  	v9 =	vld [tilespmem:s24+$0xC20]  }
0x682: {  	[tilespmem:v7+s15+$0x0] =	vst.idx.add.f32.msk $0xffff, v10  }
0x683: {  	v10 =	vld [tilespmem:s24+$0x1000]  }
0x684: {  	v12 =	vld [tilespmem:s4+$0x1C20];
	s4 =	smov.u32 s24  }
0x685: {  	[tilespmem:v6+s15+$0x0] =	vst.idx.add.f32.msk $0xffff, v8  }
0x686: {  	[tilespmem:v4+s15+$0x0] =	vst.idx.add.f32.msk $0xffff, v9  }
0x687: {  	v8 =	vld [tilespmem:s24+$0x1010]  }
0x688: {  	v9 =	vld [tilespmem:s24+$0x1020]  }
0x689: {  	[tilespmem:v7+s16+$0x0] =	vst.idx.add.f32.msk $0xffff, v10  }
0x68a: {  	v10 =	vld [tilespmem:s24+$0x1400]  }
0x68b: {  	[tilespmem:v3+s19+$0x0] =	vst.idx.add.f32.msk $0xffff, v5;
	v3 =	vmov v7  }
0x68c: {  	[tilespmem:v6+s16+$0x0] =	vst.idx.add.f32.msk $0xffff, v8  }
0x68d: {  	[tilespmem:v4+s16+$0x0] =	vst.idx.add.f32.msk $0xffff, v9  }
0x68e: {  	v5 =	vld [tilespmem:s24+$0x1410]  }
0x68f: {  	v7 =	vld [tilespmem:s24+$0x1420]  }
0x690: {  	[tilespmem:v3+s17+$0x0] =	vst.idx.add.f32.msk $0xffff, v10  }
0x691: {  	v8 =	vld [tilespmem:s24+$0x1800]  }
0x692: {  	[tilespmem:v1+s19+$0x0] =	vst.idx.add.f32.msk $0xffff, v11;
	v1 =	vmov v6  }
0x693: {  	[tilespmem:v6+s17+$0x0] =	vst.idx.add.f32.msk $0xffff, v5  }
0x694: {  	[tilespmem:v4+s17+$0x0] =	vst.idx.add.f32.msk $0xffff, v7  }
.Ltmp5:
0x695: {  	v10 =	vld [tilespmem:s24+$0x1810];
	(pc) =	sbr.rel @p0 .LBB2_12-.Ltmp5, $4  }
0x696: {  	v9 =	vld [tilespmem:s24+$0x1820]  }
0x697: {  	[tilespmem:v3+s18+$0x0] =	vst.idx.add.f32.msk $0xffff, v8  }
0x698: {  	v5 =	vld [tilespmem:s24+$0x1C00]  }
0x699: {  	s2 =	sadd.s32 $0x40, s2;
	[tilespmem:v2+s19+$0x0] =	vst.idx.add.f32.msk $0xffff, v12;
	v2 =	vmov v4  }
0x69a: {  	_ =	sdelay $0x3  }
0x69b: {  	[tilespmem:v1+s18+$0x0] =	vst.idx.add.f32.msk $0xffff, v10  }
0x69c: {  	[tilespmem:v2+s18+$0x0] =	vst.idx.add.f32.msk $0xffff, v9  }
0x69d: {  	v4 =	vld [tilespmem:s4+$0x1C10]  }
0x69e: {  	v6 =	vld [tilespmem:s4+$0x1C20];
	_ =	sdelay $0x2  }
0x69f: {  	[tilespmem:v3+s19+$0x0] =	vst.idx.add.f32.msk $0xffff, v5  }
0x6a0: {  	[tilespmem:v1+s19+$0x0] =	vst.idx.add.f32.msk $0xffff, v4  }
0x6a1: {  	[tilespmem:v2+s19+$0x0] =	vst.idx.add.f32.msk $0xffff, v6  }
0x6a2: {  	s2 =	rddreg [dreg:$0x15]  }
0x6a3: {  	[tilespmem:s25], [sflag:$0x2] =	stream.linear.gather [hbm4b:s2+s3], $0x400, $0x38;
	[tilespmem:$0x19810] =	vst v63  }
0x6a4: {  	s24 =	simm.s32 $0x4800;
	s4 =	rddreg [dreg:$0x16]  }
0x6a5: {  	[tilespmem:s24], [sflag:$0x4] =	stream.strided.gather [hbm4b:s4+s25], $0x4000, s26, s25, $0x38;
	[tilespmem:$0x19810] =	vst v63  }
0x6a6: {  	_ =	swait.ge [sflag:s1], $0x400  }
0x6a7: {  	[sflag:s1] =	ssyncset.done $0x0  }
0x6a8: {  	[sflag:s1] =	ssyncadd.s32 $0xFFFFFC00  }
0x6a9: {  	_ =	swait.ge [sflag:s0], $0x4000  }
0x6aa: {  	[sflag:s0] =	ssyncset.done $0x0  }
0x6ab: {  	s4 =	simm.s32 $0x20;
	[sflag:s0] =	ssyncadd.s32 $0xFFFFC000  }
0x6ac: {  	v4 =	vld [tilespmem:s4+$0x10]  }
0x6ad: {  	s24 =	simm.s32 $0x2800;
	v1 =	vld [tilespmem:s4+$0xFFFFFFF0]  }
0x6ae: {  	v5 =	vld [tilespmem:s24+$0xFFFFE030]  }
0x6af: {  	v2 =	vld [tilespmem:s4+$0x0]  }
0x6b0: {  	v3 =	vld [tilespmem:s4+$0xFFFFFFE0]  }
0x6b1: {  	v7 =	vld [tilespmem:s24+$0xFFFFE010];
	_ =	sdelay $0x1  }
0x6b2: {  	v6 =	vld [tilespmem:s24+$0xFFFFE000]  }
0x6b3: {  	v8 =	vld [tilespmem:s24+$0xFFFFE020]  }
0x6b4: {  	[tilespmem:v4+s29+$0x0] =	vst.idx.add.f32.msk $0xffff, v5  }
0x6b5: {  	[tilespmem:v1+s29+$0x0] =	vst.idx.add.f32.msk $0xffff, v7  }
0x6b6: {  	v5 =	vld [tilespmem:s24+$0xFFFFE430]  }
0x6b7: {  	[tilespmem:v3+s29+$0x0] =	vst.idx.add.f32.msk $0xffff, v6  }
0x6b8: {  	[tilespmem:v2+s29+$0x0] =	vst.idx.add.f32.msk $0xffff, v8  }
0x6b9: {  	v6 =	vld [tilespmem:s24+$0xFFFFE400]  }
0x6ba: {  	v7 =	vld [tilespmem:s24+$0xFFFFE410]  }
0x6bb: {  	[tilespmem:v4+s5+$0x0] =	vst.idx.add.f32.msk $0xffff, v5  }
0x6bc: {  	v5 =	vld [tilespmem:s24+$0xFFFFE830]  }
0x6bd: {  	v8 =	vld [tilespmem:s24+$0xFFFFE420]  }
0x6be: {  	[tilespmem:v3+s5+$0x0] =	vst.idx.add.f32.msk $0xffff, v6  }
0x6bf: {  	[tilespmem:v1+s5+$0x0] =	vst.idx.add.f32.msk $0xffff, v7  }
0x6c0: {  	v6 =	vld [tilespmem:s24+$0xFFFFE800]  }
0x6c1: {  	[tilespmem:v4+s6+$0x0] =	vst.idx.add.f32.msk $0xffff, v5  }
0x6c2: {  	v5 =	vld [tilespmem:s24+$0xFFFFEC30]  }
0x6c3: {  	[tilespmem:v2+s5+$0x0] =	vst.idx.add.f32.msk $0xffff, v8  }
0x6c4: {  	v7 =	vld [tilespmem:s24+$0xFFFFE810]  }
0x6c5: {  	v8 =	vld [tilespmem:s24+$0xFFFFE820]  }
0x6c6: {  	[tilespmem:v3+s6+$0x0] =	vst.idx.add.f32.msk $0xffff, v6  }
0x6c7: {  	[tilespmem:v4+s7+$0x0] =	vst.idx.add.f32.msk $0xffff, v5  }
0x6c8: {  	v5 =	vld [tilespmem:s24+$0xFFFFF030]  }
0x6c9: {  	[tilespmem:v1+s6+$0x0] =	vst.idx.add.f32.msk $0xffff, v7  }
0x6ca: {  	[tilespmem:v2+s6+$0x0] =	vst.idx.add.f32.msk $0xffff, v8  }
0x6cb: {  	v6 =	vld [tilespmem:s24+$0xFFFFEC00]  }
0x6cc: {  	v7 =	vld [tilespmem:s24+$0xFFFFEC10]  }
0x6cd: {  	[tilespmem:v4+s8+$0x0] =	vst.idx.add.f32.msk $0xffff, v5  }
0x6ce: {  	v5 =	vld [tilespmem:s24+$0xFFFFF430]  }
0x6cf: {  	v8 =	vld [tilespmem:s24+$0xFFFFEC20]  }
0x6d0: {  	[tilespmem:v3+s7+$0x0] =	vst.idx.add.f32.msk $0xffff, v6  }
0x6d1: {  	[tilespmem:v1+s7+$0x0] =	vst.idx.add.f32.msk $0xffff, v7  }
0x6d2: {  	v6 =	vld [tilespmem:s24+$0xFFFFF000]  }
0x6d3: {  	[tilespmem:v4+s9+$0x0] =	vst.idx.add.f32.msk $0xffff, v5  }
0x6d4: {  	v5 =	vld [tilespmem:s24+$0xFFFFF830]  }
0x6d5: {  	[tilespmem:v2+s7+$0x0] =	vst.idx.add.f32.msk $0xffff, v8  }
0x6d6: {  	v7 =	vld [tilespmem:s24+$0xFFFFF010]  }
0x6d7: {  	v8 =	vld [tilespmem:s24+$0xFFFFF020]  }
0x6d8: {  	[tilespmem:v3+s8+$0x0] =	vst.idx.add.f32.msk $0xffff, v6  }
0x6d9: {  	[tilespmem:v4+s10+$0x0] =	vst.idx.add.f32.msk $0xffff, v5  }
0x6da: {  	v5 =	vld [tilespmem:s24+$0xFFFFFC30]  }
0x6db: {  	[tilespmem:v1+s8+$0x0] =	vst.idx.add.f32.msk $0xffff, v7  }
0x6dc: {  	[tilespmem:v2+s8+$0x0] =	vst.idx.add.f32.msk $0xffff, v8  }
0x6dd: {  	v6 =	vld [tilespmem:s24+$0xFFFFF400]  }
0x6de: {  	v7 =	vld [tilespmem:s24+$0xFFFFF410]  }
0x6df: {  	[tilespmem:v4+s11+$0x0] =	vst.idx.add.f32.msk $0xffff, v5  }
0x6e0: {  	v5 =	vld [tilespmem:s24+$0x30]  }
0x6e1: {  	v8 =	vld [tilespmem:s24+$0xFFFFF420]  }
0x6e2: {  	[tilespmem:v3+s9+$0x0] =	vst.idx.add.f32.msk $0xffff, v6  }
0x6e3: {  	[tilespmem:v1+s9+$0x0] =	vst.idx.add.f32.msk $0xffff, v7  }
0x6e4: {  	v6 =	vld [tilespmem:s24+$0xFFFFF800]  }
0x6e5: {  	[tilespmem:v4+s12+$0x0] =	vst.idx.add.f32.msk $0xffff, v5  }
0x6e6: {  	v5 =	vld [tilespmem:s24+$0x430]  }
0x6e7: {  	[tilespmem:v2+s9+$0x0] =	vst.idx.add.f32.msk $0xffff, v8  }
0x6e8: {  	v7 =	vld [tilespmem:s24+$0xFFFFF810]  }
0x6e9: {  	v8 =	vld [tilespmem:s24+$0xFFFFF820]  }
0x6ea: {  	[tilespmem:v3+s10+$0x0] =	vst.idx.add.f32.msk $0xffff, v6  }
0x6eb: {  	[tilespmem:v4+s13+$0x0] =	vst.idx.add.f32.msk $0xffff, v5  }
0x6ec: {  	v5 =	vld [tilespmem:s24+$0x830]  }
0x6ed: {  	[tilespmem:v1+s10+$0x0] =	vst.idx.add.f32.msk $0xffff, v7  }
0x6ee: {  	[tilespmem:v2+s10+$0x0] =	vst.idx.add.f32.msk $0xffff, v8  }
0x6ef: {  	v6 =	vld [tilespmem:s24+$0xFFFFFC00]  }
0x6f0: {  	v8 =	vld [tilespmem:s24+$0xFFFFFC20]  }
0x6f1: {  	[tilespmem:v4+s14+$0x0] =	vst.idx.add.f32.msk $0xffff, v5  }
0x6f2: {  	v5 =	vld [tilespmem:s24+$0xC30]  }
0x6f3: {  	v7 =	vld [tilespmem:s24+$0xFFFFFC10]  }
0x6f4: {  	[tilespmem:v3+s11+$0x0] =	vst.idx.add.f32.msk $0xffff, v6  }
0x6f5: {  	[tilespmem:v2+s11+$0x0] =	vst.idx.add.f32.msk $0xffff, v8  }
0x6f6: {  	v8 =	vld [tilespmem:s24+$0x20]  }
0x6f7: {  	[tilespmem:v4+s15+$0x0] =	vst.idx.add.f32.msk $0xffff, v5  }
0x6f8: {  	v5 =	vld [tilespmem:s24+$0x1030]  }
0x6f9: {  	[tilespmem:v1+s11+$0x0] =	vst.idx.add.f32.msk $0xffff, v7  }
0x6fa: {  	v6 =	vld [tilespmem:s24+$0x0]  }
0x6fb: {  	[tilespmem:v2+s12+$0x0] =	vst.idx.add.f32.msk $0xffff, v8  }
0x6fc: {  	v8 =	vld [tilespmem:s24+$0x420]  }
0x6fd: {  	[tilespmem:v4+s16+$0x0] =	vst.idx.add.f32.msk $0xffff, v5  }
0x6fe: {  	v5 =	vld [tilespmem:s24+$0x10]  }
0x6ff: {  	[tilespmem:v3+s12+$0x0] =	vst.idx.add.f32.msk $0xffff, v6  }
0x700: {  	v7 =	vld [tilespmem:s24+$0x1430]  }
0x701: {  	v6 =	vld [tilespmem:s24+$0x400]  }
0x702: {  	[tilespmem:v2+s13+$0x0] =	vst.idx.add.f32.msk $0xffff, v8  }
0x703: {  	[tilespmem:v1+s12+$0x0] =	vst.idx.add.f32.msk $0xffff, v5  }
0x704: {  	v5 =	vld [tilespmem:s24+$0x410]  }
0x705: {  	[tilespmem:v4+s17+$0x0] =	vst.idx.add.f32.msk $0xffff, v7  }
0x706: {  	v7 =	vld [tilespmem:s24+$0x820]  }
0x707: {  	[tilespmem:v3+s13+$0x0] =	vst.idx.add.f32.msk $0xffff, v6  }
0x708: {  	v8 =	vld [tilespmem:s24+$0x1830]  }
0x709: {  	[tilespmem:v1+s13+$0x0] =	vst.idx.add.f32.msk $0xffff, v5  }
0x70a: {  	v5 =	vld [tilespmem:s24+$0x800]  }
0x70b: {  	[tilespmem:v2+s14+$0x0] =	vst.idx.add.f32.msk $0xffff, v7  }
0x70c: {  	v6 =	vld [tilespmem:s24+$0x810]  }
0x70d: {  	v7 =	vld [tilespmem:s24+$0xC20]  }
0x70e: {  	[tilespmem:v4+s18+$0x0] =	vst.idx.add.f32.msk $0xffff, v8  }
0x70f: {  	[tilespmem:v3+s14+$0x0] =	vst.idx.add.f32.msk $0xffff, v5  }
0x710: {  	v5 =	vld [tilespmem:s24+$0xC00]  }
0x711: {  	v8 =	vld [tilespmem:s24+$0x1C30]  }
0x712: {  	[tilespmem:v1+s14+$0x0] =	vst.idx.add.f32.msk $0xffff, v6  }
0x713: {  	[tilespmem:v2+s15+$0x0] =	vst.idx.add.f32.msk $0xffff, v7  }
0x714: {  	v6 =	vld [tilespmem:s24+$0xC10]  }
0x715: {  	[tilespmem:v3+s15+$0x0] =	vst.idx.add.f32.msk $0xffff, v5  }
0x716: {  	v5 =	vld [tilespmem:s24+$0x1000]  }
0x717: {  	v7 =	vld [tilespmem:s24+$0x1020]  }
0x718: {  	[tilespmem:v4+s19+$0x0] =	vst.idx.add.f32.msk $0xffff, v8  }
0x719: {  	[tilespmem:v1+s15+$0x0] =	vst.idx.add.f32.msk $0xffff, v6  }
0x71a: {  	v6 =	vld [tilespmem:s24+$0x1010]  }
0x71b: {  	[tilespmem:v3+s16+$0x0] =	vst.idx.add.f32.msk $0xffff, v5  }
0x71c: {  	v5 =	vld [tilespmem:s24+$0x1400]  }
0x71d: {  	[tilespmem:v2+s16+$0x0] =	vst.idx.add.f32.msk $0xffff, v7  }
0x71e: {  	v7 =	vld [tilespmem:s24+$0x1420]  }
0x71f: {  	[tilespmem:v1+s16+$0x0] =	vst.idx.add.f32.msk $0xffff, v6  }
0x720: {  	v6 =	vld [tilespmem:s24+$0x1410]  }
0x721: {  	[tilespmem:v3+s17+$0x0] =	vst.idx.add.f32.msk $0xffff, v5  }
0x722: {  	v4 =	vld [tilespmem:s24+$0x1800]  }
0x723: {  	[tilespmem:v2+s17+$0x0] =	vst.idx.add.f32.msk $0xffff, v7  }
0x724: {  	v9 =	vld [tilespmem:s24+$0x1820]  }
0x725: {  	[tilespmem:v1+s17+$0x0] =	vst.idx.add.f32.msk $0xffff, v6  }
0x726: {  	v10 =	vld [tilespmem:s24+$0x1810]  }
0x727: {  	[tilespmem:v3+s18+$0x0] =	vst.idx.add.f32.msk $0xffff, v4  }
0x728: {  	s28 =	simm.s32 $0x0;
	s2 =	simm.s32 $0x60;
	s4 =	simm.s32 $0x2800;
	v5 =	vld [tilespmem:s24+$0x1C00]  }
.LBB2_14:
0x729: {  	v8 =	vld [tilespmem:s2+$0x10];
	s28 =	sadd.s32 $0x4, s28  }
0x72a: {  	v6 =	vld [tilespmem:s2+$0xFFFFFFF0];
	p0 =	slt.u32 s28, $0x3C  }
0x72b: {  	s24 =	sadd.s32 $0x40, s24;
	v4 =	vld [tilespmem:s2+$0x0]  }
0x72c: {  	v11 =	vld [tilespmem:s24+$0xFFFFE030]  }
0x72d: {  	v7 =	vld [tilespmem:s2+$0xFFFFFFE0]  }
0x72e: {  	v12 =	vld [tilespmem:s24+$0xFFFFE000]  }
0x72f: {  	v13 =	vld [tilespmem:s24+$0xFFFFE010]  }
0x730: {  	v14 =	vld [tilespmem:s24+$0xFFFFE020]  }
0x731: {  	[tilespmem:v8+s29+$0x0] =	vst.idx.add.f32.msk $0xffff, v11  }
0x732: {  	v11 =	vld [tilespmem:s24+$0xFFFFE430]  }
0x733: {  	[tilespmem:v1+s18+$0x0] =	vst.idx.add.f32.msk $0xffff, v10  }
0x734: {  	[tilespmem:v6+s29+$0x0] =	vst.idx.add.f32.msk $0xffff, v13  }
0x735: {  	[tilespmem:v7+s29+$0x0] =	vst.idx.add.f32.msk $0xffff, v12  }
0x736: {  	[tilespmem:v4+s29+$0x0] =	vst.idx.add.f32.msk $0xffff, v14  }
0x737: {  	[tilespmem:v8+s5+$0x0] =	vst.idx.add.f32.msk $0xffff, v11  }
0x738: {  	v10 =	vld [tilespmem:s24+$0xFFFFE830]  }
0x739: {  	v11 =	vld [tilespmem:s24+$0xFFFFE400]  }
0x73a: {  	v12 =	vld [tilespmem:s24+$0xFFFFE410]  }
0x73b: {  	v13 =	vld [tilespmem:s24+$0xFFFFE420]  }
0x73c: {  	[tilespmem:v2+s18+$0x0] =	vst.idx.add.f32.msk $0xffff, v9  }
0x73d: {  	[tilespmem:v8+s6+$0x0] =	vst.idx.add.f32.msk $0xffff, v10  }
0x73e: {  	v9 =	vld [tilespmem:s24+$0xFFFFEC30]  }
0x73f: {  	[tilespmem:v7+s5+$0x0] =	vst.idx.add.f32.msk $0xffff, v11  }
0x740: {  	[tilespmem:v6+s5+$0x0] =	vst.idx.add.f32.msk $0xffff, v12  }
0x741: {  	[tilespmem:v4+s5+$0x0] =	vst.idx.add.f32.msk $0xffff, v13  }
0x742: {  	v10 =	vld [tilespmem:s24+$0xFFFFE800]  }
0x743: {  	[tilespmem:v8+s7+$0x0] =	vst.idx.add.f32.msk $0xffff, v9  }
0x744: {  	v9 =	vld [tilespmem:s24+$0xFFFFF030]  }
0x745: {  	v11 =	vld [tilespmem:s24+$0xFFFFE810]  }
0x746: {  	v12 =	vld [tilespmem:s24+$0xFFFFE820]  }
0x747: {  	[tilespmem:v7+s6+$0x0] =	vst.idx.add.f32.msk $0xffff, v10  }
0x748: {  	v10 =	vld [tilespmem:s24+$0xFFFFEC00]  }
0x749: {  	[tilespmem:v8+s8+$0x0] =	vst.idx.add.f32.msk $0xffff, v9  }
0x74a: {  	v9 =	vld [tilespmem:s24+$0xFFFFF430]  }
0x74b: {  	[tilespmem:v6+s6+$0x0] =	vst.idx.add.f32.msk $0xffff, v11  }
0x74c: {  	[tilespmem:v4+s6+$0x0] =	vst.idx.add.f32.msk $0xffff, v12  }
0x74d: {  	v11 =	vld [tilespmem:s24+$0xFFFFEC10]  }
0x74e: {  	v12 =	vld [tilespmem:s24+$0xFFFFEC20]  }
0x74f: {  	[tilespmem:v8+s9+$0x0] =	vst.idx.add.f32.msk $0xffff, v9  }
0x750: {  	v9 =	vld [tilespmem:s24+$0xFFFFF830]  }
0x751: {  	[tilespmem:v7+s7+$0x0] =	vst.idx.add.f32.msk $0xffff, v10  }
0x752: {  	[tilespmem:v6+s7+$0x0] =	vst.idx.add.f32.msk $0xffff, v11  }
0x753: {  	[tilespmem:v4+s7+$0x0] =	vst.idx.add.f32.msk $0xffff, v12  }
0x754: {  	v10 =	vld [tilespmem:s24+$0xFFFFF000]  }
0x755: {  	[tilespmem:v8+s10+$0x0] =	vst.idx.add.f32.msk $0xffff, v9  }
0x756: {  	v9 =	vld [tilespmem:s24+$0xFFFFFC30]  }
0x757: {  	v11 =	vld [tilespmem:s24+$0xFFFFF010]  }
0x758: {  	v12 =	vld [tilespmem:s24+$0xFFFFF020]  }
0x759: {  	[tilespmem:v7+s8+$0x0] =	vst.idx.add.f32.msk $0xffff, v10  }
0x75a: {  	v10 =	vld [tilespmem:s24+$0xFFFFF400]  }
0x75b: {  	[tilespmem:v8+s11+$0x0] =	vst.idx.add.f32.msk $0xffff, v9  }
0x75c: {  	v9 =	vld [tilespmem:s24+$0x30]  }
0x75d: {  	[tilespmem:v6+s8+$0x0] =	vst.idx.add.f32.msk $0xffff, v11  }
0x75e: {  	[tilespmem:v4+s8+$0x0] =	vst.idx.add.f32.msk $0xffff, v12  }
0x75f: {  	v11 =	vld [tilespmem:s24+$0xFFFFF410]  }
0x760: {  	v12 =	vld [tilespmem:s24+$0xFFFFF420]  }
0x761: {  	[tilespmem:v8+s12+$0x0] =	vst.idx.add.f32.msk $0xffff, v9  }
0x762: {  	v9 =	vld [tilespmem:s24+$0x430]  }
0x763: {  	[tilespmem:v7+s9+$0x0] =	vst.idx.add.f32.msk $0xffff, v10  }
0x764: {  	[tilespmem:v6+s9+$0x0] =	vst.idx.add.f32.msk $0xffff, v11  }
0x765: {  	[tilespmem:v4+s9+$0x0] =	vst.idx.add.f32.msk $0xffff, v12  }
0x766: {  	v10 =	vld [tilespmem:s24+$0xFFFFF800]  }
0x767: {  	[tilespmem:v8+s13+$0x0] =	vst.idx.add.f32.msk $0xffff, v9  }
0x768: {  	v9 =	vld [tilespmem:s24+$0x830]  }
0x769: {  	v11 =	vld [tilespmem:s24+$0xFFFFF810]  }
0x76a: {  	v12 =	vld [tilespmem:s24+$0xFFFFF820]  }
0x76b: {  	[tilespmem:v7+s10+$0x0] =	vst.idx.add.f32.msk $0xffff, v10  }
0x76c: {  	v10 =	vld [tilespmem:s24+$0xFFFFFC00]  }
0x76d: {  	[tilespmem:v8+s14+$0x0] =	vst.idx.add.f32.msk $0xffff, v9  }
0x76e: {  	v9 =	vld [tilespmem:s24+$0xC30]  }
0x76f: {  	[tilespmem:v6+s10+$0x0] =	vst.idx.add.f32.msk $0xffff, v11  }
0x770: {  	[tilespmem:v4+s10+$0x0] =	vst.idx.add.f32.msk $0xffff, v12  }
0x771: {  	v11 =	vld [tilespmem:s24+$0xFFFFFC10]  }
0x772: {  	v12 =	vld [tilespmem:s24+$0xFFFFFC20]  }
0x773: {  	[tilespmem:v8+s15+$0x0] =	vst.idx.add.f32.msk $0xffff, v9  }
0x774: {  	v9 =	vld [tilespmem:s24+$0x1030]  }
0x775: {  	[tilespmem:v7+s11+$0x0] =	vst.idx.add.f32.msk $0xffff, v10  }
0x776: {  	[tilespmem:v6+s11+$0x0] =	vst.idx.add.f32.msk $0xffff, v11  }
0x777: {  	[tilespmem:v4+s11+$0x0] =	vst.idx.add.f32.msk $0xffff, v12  }
0x778: {  	v10 =	vld [tilespmem:s24+$0x0]  }
0x779: {  	[tilespmem:v8+s16+$0x0] =	vst.idx.add.f32.msk $0xffff, v9  }
0x77a: {  	v9 =	vld [tilespmem:s24+$0x1430]  }
0x77b: {  	v11 =	vld [tilespmem:s24+$0x10]  }
0x77c: {  	v12 =	vld [tilespmem:s24+$0x20]  }
0x77d: {  	[tilespmem:v7+s12+$0x0] =	vst.idx.add.f32.msk $0xffff, v10  }
0x77e: {  	v10 =	vld [tilespmem:s24+$0x400]  }
0x77f: {  	[tilespmem:v8+s17+$0x0] =	vst.idx.add.f32.msk $0xffff, v9  }
0x780: {  	v9 =	vld [tilespmem:s24+$0x1830]  }
0x781: {  	[tilespmem:v6+s12+$0x0] =	vst.idx.add.f32.msk $0xffff, v11  }
0x782: {  	[tilespmem:v4+s12+$0x0] =	vst.idx.add.f32.msk $0xffff, v12  }
0x783: {  	v11 =	vld [tilespmem:s24+$0x410]  }
0x784: {  	v12 =	vld [tilespmem:s24+$0x420]  }
0x785: {  	[tilespmem:v8+s18+$0x0] =	vst.idx.add.f32.msk $0xffff, v9  }
0x786: {  	v9 =	vld [tilespmem:s24+$0x1C30]  }
0x787: {  	[tilespmem:v7+s13+$0x0] =	vst.idx.add.f32.msk $0xffff, v10  }
0x788: {  	[tilespmem:v6+s13+$0x0] =	vst.idx.add.f32.msk $0xffff, v11  }
0x789: {  	[tilespmem:v4+s13+$0x0] =	vst.idx.add.f32.msk $0xffff, v12  }
0x78a: {  	v10 =	vld [tilespmem:s24+$0x800]  }
0x78b: {  	[tilespmem:v8+s19+$0x0] =	vst.idx.add.f32.msk $0xffff, v9  }
0x78c: {  	v8 =	vld [tilespmem:s24+$0x810]  }
0x78d: {  	v9 =	vld [tilespmem:s24+$0x820]  }
0x78e: {  	v11 =	vld [tilespmem:s4+$0x1C10]  }
0x78f: {  	[tilespmem:v7+s14+$0x0] =	vst.idx.add.f32.msk $0xffff, v10  }
0x790: {  	v10 =	vld [tilespmem:s24+$0xC00]  }
0x791: {  	[tilespmem:v6+s14+$0x0] =	vst.idx.add.f32.msk $0xffff, v8  }
0x792: {  	[tilespmem:v4+s14+$0x0] =	vst.idx.add.f32.msk $0xffff, v9  }
0x793: {  	v8 =	vld [tilespmem:s24+$0xC10]  }
0x794: {  	v9 =	vld [tilespmem:s24+$0xC20]  }
0x795: {  	[tilespmem:v7+s15+$0x0] =	vst.idx.add.f32.msk $0xffff, v10  }
0x796: {  	v10 =	vld [tilespmem:s24+$0x1000]  }
0x797: {  	v12 =	vld [tilespmem:s4+$0x1C20];
	s4 =	smov.u32 s24  }
0x798: {  	[tilespmem:v6+s15+$0x0] =	vst.idx.add.f32.msk $0xffff, v8  }
0x799: {  	[tilespmem:v4+s15+$0x0] =	vst.idx.add.f32.msk $0xffff, v9  }
0x79a: {  	v8 =	vld [tilespmem:s24+$0x1010]  }
0x79b: {  	v9 =	vld [tilespmem:s24+$0x1020]  }
0x79c: {  	[tilespmem:v7+s16+$0x0] =	vst.idx.add.f32.msk $0xffff, v10  }
0x79d: {  	v10 =	vld [tilespmem:s24+$0x1400]  }
0x79e: {  	[tilespmem:v3+s19+$0x0] =	vst.idx.add.f32.msk $0xffff, v5;
	v3 =	vmov v7  }
0x79f: {  	[tilespmem:v6+s16+$0x0] =	vst.idx.add.f32.msk $0xffff, v8  }
0x7a0: {  	[tilespmem:v4+s16+$0x0] =	vst.idx.add.f32.msk $0xffff, v9  }
0x7a1: {  	v5 =	vld [tilespmem:s24+$0x1410]  }
0x7a2: {  	v7 =	vld [tilespmem:s24+$0x1420]  }
0x7a3: {  	[tilespmem:v3+s17+$0x0] =	vst.idx.add.f32.msk $0xffff, v10  }
0x7a4: {  	v8 =	vld [tilespmem:s24+$0x1800]  }
0x7a5: {  	[tilespmem:v1+s19+$0x0] =	vst.idx.add.f32.msk $0xffff, v11;
	v1 =	vmov v6  }
0x7a6: {  	[tilespmem:v6+s17+$0x0] =	vst.idx.add.f32.msk $0xffff, v5  }
0x7a7: {  	[tilespmem:v4+s17+$0x0] =	vst.idx.add.f32.msk $0xffff, v7  }
.Ltmp6:
0x7a8: {  	v10 =	vld [tilespmem:s24+$0x1810];
	(pc) =	sbr.rel @p0 .LBB2_14-.Ltmp6, $4  }
0x7a9: {  	v9 =	vld [tilespmem:s24+$0x1820]  }
0x7aa: {  	[tilespmem:v3+s18+$0x0] =	vst.idx.add.f32.msk $0xffff, v8  }
0x7ab: {  	v5 =	vld [tilespmem:s24+$0x1C00]  }
0x7ac: {  	s2 =	sadd.s32 $0x40, s2;
	[tilespmem:v2+s19+$0x0] =	vst.idx.add.f32.msk $0xffff, v12;
	v2 =	vmov v4  }
0x7ad: {  	_ =	sdelay $0x3  }
0x7ae: {  	[tilespmem:v1+s18+$0x0] =	vst.idx.add.f32.msk $0xffff, v10  }
0x7af: {  	[tilespmem:v2+s18+$0x0] =	vst.idx.add.f32.msk $0xffff, v9  }
0x7b0: {  	v4 =	vld [tilespmem:s4+$0x1C10]  }
0x7b1: {  	v6 =	vld [tilespmem:s4+$0x1C20];
	_ =	sdelay $0x2  }
0x7b2: {  	[tilespmem:v3+s19+$0x0] =	vst.idx.add.f32.msk $0xffff, v5  }
0x7b3: {  	[tilespmem:v1+s19+$0x0] =	vst.idx.add.f32.msk $0xffff, v4  }
0x7b4: {  	[tilespmem:v2+s19+$0x0] =	vst.idx.add.f32.msk $0xffff, v6  }
0x7b5: {  	_ =	swait.ge [sflag:s31], $0x400  }
0x7b6: {  	[sflag:s31] =	ssyncset.done $0x0  }
0x7b7: {  	[sflag:s31] =	ssyncadd.s32 $0xFFFFFC00  }
0x7b8: {  	_ =	swait.ge [sflag:s20], $0x4000  }
0x7b9: {  	[sflag:s20] =	ssyncset.done $0x0  }
0x7ba: {  	s2 =	simm.s32 $0x420;
	[sflag:s20] =	ssyncadd.s32 $0xFFFFC000  }
0x7bb: {  	v4 =	vld [tilespmem:s2+$0x10]  }
0x7bc: {  	s24 =	simm.s32 $0x6800;
	v1 =	vld [tilespmem:s2+$0xFFFFFFF0]  }
0x7bd: {  	v5 =	vld [tilespmem:s24+$0xFFFFE030]  }
0x7be: {  	v2 =	vld [tilespmem:s2+$0x0]  }
0x7bf: {  	v3 =	vld [tilespmem:s2+$0xFFFFFFE0]  }
0x7c0: {  	v7 =	vld [tilespmem:s24+$0xFFFFE010];
	_ =	sdelay $0x1  }
0x7c1: {  	v6 =	vld [tilespmem:s24+$0xFFFFE000]  }
0x7c2: {  	v8 =	vld [tilespmem:s24+$0xFFFFE020]  }
0x7c3: {  	[tilespmem:v4+s29+$0x0] =	vst.idx.add.f32.msk $0xffff, v5  }
0x7c4: {  	[tilespmem:v1+s29+$0x0] =	vst.idx.add.f32.msk $0xffff, v7  }
0x7c5: {  	v5 =	vld [tilespmem:s24+$0xFFFFE430]  }
0x7c6: {  	[tilespmem:v3+s29+$0x0] =	vst.idx.add.f32.msk $0xffff, v6  }
0x7c7: {  	[tilespmem:v2+s29+$0x0] =	vst.idx.add.f32.msk $0xffff, v8  }
0x7c8: {  	v6 =	vld [tilespmem:s24+$0xFFFFE400]  }
0x7c9: {  	v7 =	vld [tilespmem:s24+$0xFFFFE410]  }
0x7ca: {  	[tilespmem:v4+s5+$0x0] =	vst.idx.add.f32.msk $0xffff, v5  }
0x7cb: {  	v5 =	vld [tilespmem:s24+$0xFFFFE830]  }
0x7cc: {  	v8 =	vld [tilespmem:s24+$0xFFFFE420]  }
0x7cd: {  	[tilespmem:v3+s5+$0x0] =	vst.idx.add.f32.msk $0xffff, v6  }
0x7ce: {  	[tilespmem:v1+s5+$0x0] =	vst.idx.add.f32.msk $0xffff, v7  }
0x7cf: {  	v6 =	vld [tilespmem:s24+$0xFFFFE800]  }
0x7d0: {  	[tilespmem:v4+s6+$0x0] =	vst.idx.add.f32.msk $0xffff, v5  }
0x7d1: {  	v5 =	vld [tilespmem:s24+$0xFFFFEC30]  }
0x7d2: {  	[tilespmem:v2+s5+$0x0] =	vst.idx.add.f32.msk $0xffff, v8  }
0x7d3: {  	v7 =	vld [tilespmem:s24+$0xFFFFE810]  }
0x7d4: {  	v8 =	vld [tilespmem:s24+$0xFFFFE820]  }
0x7d5: {  	[tilespmem:v3+s6+$0x0] =	vst.idx.add.f32.msk $0xffff, v6  }
0x7d6: {  	[tilespmem:v4+s7+$0x0] =	vst.idx.add.f32.msk $0xffff, v5  }
0x7d7: {  	v5 =	vld [tilespmem:s24+$0xFFFFF030]  }
0x7d8: {  	[tilespmem:v1+s6+$0x0] =	vst.idx.add.f32.msk $0xffff, v7  }
0x7d9: {  	[tilespmem:v2+s6+$0x0] =	vst.idx.add.f32.msk $0xffff, v8  }
0x7da: {  	v6 =	vld [tilespmem:s24+$0xFFFFEC00]  }
0x7db: {  	v7 =	vld [tilespmem:s24+$0xFFFFEC10]  }
0x7dc: {  	[tilespmem:v4+s8+$0x0] =	vst.idx.add.f32.msk $0xffff, v5  }
0x7dd: {  	v5 =	vld [tilespmem:s24+$0xFFFFF430]  }
0x7de: {  	v8 =	vld [tilespmem:s24+$0xFFFFEC20]  }
0x7df: {  	[tilespmem:v3+s7+$0x0] =	vst.idx.add.f32.msk $0xffff, v6  }
0x7e0: {  	[tilespmem:v1+s7+$0x0] =	vst.idx.add.f32.msk $0xffff, v7  }
0x7e1: {  	v6 =	vld [tilespmem:s24+$0xFFFFF000]  }
0x7e2: {  	[tilespmem:v4+s9+$0x0] =	vst.idx.add.f32.msk $0xffff, v5  }
0x7e3: {  	v5 =	vld [tilespmem:s24+$0xFFFFF830]  }
0x7e4: {  	[tilespmem:v2+s7+$0x0] =	vst.idx.add.f32.msk $0xffff, v8  }
0x7e5: {  	v7 =	vld [tilespmem:s24+$0xFFFFF010]  }
0x7e6: {  	v8 =	vld [tilespmem:s24+$0xFFFFF020]  }
0x7e7: {  	[tilespmem:v3+s8+$0x0] =	vst.idx.add.f32.msk $0xffff, v6  }
0x7e8: {  	[tilespmem:v4+s10+$0x0] =	vst.idx.add.f32.msk $0xffff, v5  }
0x7e9: {  	v5 =	vld [tilespmem:s24+$0xFFFFFC30]  }
0x7ea: {  	[tilespmem:v1+s8+$0x0] =	vst.idx.add.f32.msk $0xffff, v7  }
0x7eb: {  	[tilespmem:v2+s8+$0x0] =	vst.idx.add.f32.msk $0xffff, v8  }
0x7ec: {  	v6 =	vld [tilespmem:s24+$0xFFFFF400]  }
0x7ed: {  	v7 =	vld [tilespmem:s24+$0xFFFFF410]  }
0x7ee: {  	[tilespmem:v4+s11+$0x0] =	vst.idx.add.f32.msk $0xffff, v5  }
0x7ef: {  	v5 =	vld [tilespmem:s24+$0x30]  }
0x7f0: {  	v8 =	vld [tilespmem:s24+$0xFFFFF420]  }
0x7f1: {  	[tilespmem:v3+s9+$0x0] =	vst.idx.add.f32.msk $0xffff, v6  }
0x7f2: {  	[tilespmem:v1+s9+$0x0] =	vst.idx.add.f32.msk $0xffff, v7  }
0x7f3: {  	v6 =	vld [tilespmem:s24+$0xFFFFF800]  }
0x7f4: {  	[tilespmem:v4+s12+$0x0] =	vst.idx.add.f32.msk $0xffff, v5  }
0x7f5: {  	v5 =	vld [tilespmem:s24+$0x430]  }
0x7f6: {  	[tilespmem:v2+s9+$0x0] =	vst.idx.add.f32.msk $0xffff, v8  }
0x7f7: {  	v7 =	vld [tilespmem:s24+$0xFFFFF810]  }
0x7f8: {  	v8 =	vld [tilespmem:s24+$0xFFFFF820]  }
0x7f9: {  	[tilespmem:v3+s10+$0x0] =	vst.idx.add.f32.msk $0xffff, v6  }
0x7fa: {  	[tilespmem:v4+s13+$0x0] =	vst.idx.add.f32.msk $0xffff, v5  }
0x7fb: {  	v5 =	vld [tilespmem:s24+$0x830]  }
0x7fc: {  	[tilespmem:v1+s10+$0x0] =	vst.idx.add.f32.msk $0xffff, v7  }
0x7fd: {  	[tilespmem:v2+s10+$0x0] =	vst.idx.add.f32.msk $0xffff, v8  }
0x7fe: {  	v6 =	vld [tilespmem:s24+$0xFFFFFC00]  }
0x7ff: {  	v8 =	vld [tilespmem:s24+$0xFFFFFC20]  }
0x800: {  	[tilespmem:v4+s14+$0x0] =	vst.idx.add.f32.msk $0xffff, v5  }
0x801: {  	v5 =	vld [tilespmem:s24+$0xC30]  }
0x802: {  	v7 =	vld [tilespmem:s24+$0xFFFFFC10]  }
0x803: {  	[tilespmem:v3+s11+$0x0] =	vst.idx.add.f32.msk $0xffff, v6  }
0x804: {  	[tilespmem:v2+s11+$0x0] =	vst.idx.add.f32.msk $0xffff, v8  }
0x805: {  	v8 =	vld [tilespmem:s24+$0x20]  }
0x806: {  	[tilespmem:v4+s15+$0x0] =	vst.idx.add.f32.msk $0xffff, v5  }
0x807: {  	v5 =	vld [tilespmem:s24+$0x1030]  }
0x808: {  	[tilespmem:v1+s11+$0x0] =	vst.idx.add.f32.msk $0xffff, v7  }
0x809: {  	v6 =	vld [tilespmem:s24+$0x0]  }
0x80a: {  	[tilespmem:v2+s12+$0x0] =	vst.idx.add.f32.msk $0xffff, v8  }
0x80b: {  	v8 =	vld [tilespmem:s24+$0x420]  }
0x80c: {  	[tilespmem:v4+s16+$0x0] =	vst.idx.add.f32.msk $0xffff, v5  }
0x80d: {  	v5 =	vld [tilespmem:s24+$0x10]  }
0x80e: {  	[tilespmem:v3+s12+$0x0] =	vst.idx.add.f32.msk $0xffff, v6  }
0x80f: {  	v7 =	vld [tilespmem:s24+$0x1430]  }
0x810: {  	v6 =	vld [tilespmem:s24+$0x400]  }
0x811: {  	[tilespmem:v2+s13+$0x0] =	vst.idx.add.f32.msk $0xffff, v8  }
0x812: {  	[tilespmem:v1+s12+$0x0] =	vst.idx.add.f32.msk $0xffff, v5  }
0x813: {  	v5 =	vld [tilespmem:s24+$0x410]  }
0x814: {  	[tilespmem:v4+s17+$0x0] =	vst.idx.add.f32.msk $0xffff, v7  }
0x815: {  	v7 =	vld [tilespmem:s24+$0x820]  }
0x816: {  	[tilespmem:v3+s13+$0x0] =	vst.idx.add.f32.msk $0xffff, v6  }
0x817: {  	v8 =	vld [tilespmem:s24+$0x1830]  }
0x818: {  	[tilespmem:v1+s13+$0x0] =	vst.idx.add.f32.msk $0xffff, v5  }
0x819: {  	v5 =	vld [tilespmem:s24+$0x800]  }
0x81a: {  	[tilespmem:v2+s14+$0x0] =	vst.idx.add.f32.msk $0xffff, v7  }
0x81b: {  	v6 =	vld [tilespmem:s24+$0x810]  }
0x81c: {  	v7 =	vld [tilespmem:s24+$0xC20]  }
0x81d: {  	[tilespmem:v4+s18+$0x0] =	vst.idx.add.f32.msk $0xffff, v8  }
0x81e: {  	[tilespmem:v3+s14+$0x0] =	vst.idx.add.f32.msk $0xffff, v5  }
0x81f: {  	v5 =	vld [tilespmem:s24+$0xC00]  }
0x820: {  	v8 =	vld [tilespmem:s24+$0x1C30]  }
0x821: {  	[tilespmem:v1+s14+$0x0] =	vst.idx.add.f32.msk $0xffff, v6  }
0x822: {  	[tilespmem:v2+s15+$0x0] =	vst.idx.add.f32.msk $0xffff, v7  }
0x823: {  	v6 =	vld [tilespmem:s24+$0xC10]  }
0x824: {  	[tilespmem:v3+s15+$0x0] =	vst.idx.add.f32.msk $0xffff, v5  }
0x825: {  	v5 =	vld [tilespmem:s24+$0x1000]  }
0x826: {  	v7 =	vld [tilespmem:s24+$0x1020]  }
0x827: {  	[tilespmem:v4+s19+$0x0] =	vst.idx.add.f32.msk $0xffff, v8  }
0x828: {  	[tilespmem:v1+s15+$0x0] =	vst.idx.add.f32.msk $0xffff, v6  }
0x829: {  	v6 =	vld [tilespmem:s24+$0x1010]  }
0x82a: {  	[tilespmem:v3+s16+$0x0] =	vst.idx.add.f32.msk $0xffff, v5  }
0x82b: {  	v5 =	vld [tilespmem:s24+$0x1400]  }
0x82c: {  	[tilespmem:v2+s16+$0x0] =	vst.idx.add.f32.msk $0xffff, v7  }
0x82d: {  	v7 =	vld [tilespmem:s24+$0x1420]  }
0x82e: {  	[tilespmem:v1+s16+$0x0] =	vst.idx.add.f32.msk $0xffff, v6  }
0x82f: {  	v6 =	vld [tilespmem:s24+$0x1410]  }
0x830: {  	[tilespmem:v3+s17+$0x0] =	vst.idx.add.f32.msk $0xffff, v5  }
0x831: {  	v4 =	vld [tilespmem:s24+$0x1800]  }
0x832: {  	[tilespmem:v2+s17+$0x0] =	vst.idx.add.f32.msk $0xffff, v7  }
0x833: {  	v9 =	vld [tilespmem:s24+$0x1820]  }
0x834: {  	[tilespmem:v1+s17+$0x0] =	vst.idx.add.f32.msk $0xffff, v6  }
0x835: {  	v10 =	vld [tilespmem:s24+$0x1810]  }
0x836: {  	[tilespmem:v3+s18+$0x0] =	vst.idx.add.f32.msk $0xffff, v4  }
0x837: {  	s28 =	simm.s32 $0x0;
	s4 =	simm.s32 $0x6800;
	s2 =	simm.s32 $0x460;
	v5 =	vld [tilespmem:s24+$0x1C00]  }
.LBB2_16:
0x838: {  	v8 =	vld [tilespmem:s2+$0x10];
	s28 =	sadd.s32 $0x4, s28  }
0x839: {  	v6 =	vld [tilespmem:s2+$0xFFFFFFF0];
	p0 =	slt.u32 s28, $0x3C  }
0x83a: {  	s24 =	sadd.s32 $0x40, s24;
	v4 =	vld [tilespmem:s2+$0x0]  }
0x83b: {  	v11 =	vld [tilespmem:s24+$0xFFFFE030]  }
0x83c: {  	v7 =	vld [tilespmem:s2+$0xFFFFFFE0]  }
0x83d: {  	v12 =	vld [tilespmem:s24+$0xFFFFE000]  }
0x83e: {  	v13 =	vld [tilespmem:s24+$0xFFFFE010]  }
0x83f: {  	v14 =	vld [tilespmem:s24+$0xFFFFE020]  }
0x840: {  	[tilespmem:v8+s29+$0x0] =	vst.idx.add.f32.msk $0xffff, v11  }
0x841: {  	v11 =	vld [tilespmem:s24+$0xFFFFE430]  }
0x842: {  	[tilespmem:v1+s18+$0x0] =	vst.idx.add.f32.msk $0xffff, v10  }
0x843: {  	[tilespmem:v6+s29+$0x0] =	vst.idx.add.f32.msk $0xffff, v13  }
0x844: {  	[tilespmem:v7+s29+$0x0] =	vst.idx.add.f32.msk $0xffff, v12  }
0x845: {  	[tilespmem:v4+s29+$0x0] =	vst.idx.add.f32.msk $0xffff, v14  }
0x846: {  	[tilespmem:v8+s5+$0x0] =	vst.idx.add.f32.msk $0xffff, v11  }
0x847: {  	v10 =	vld [tilespmem:s24+$0xFFFFE830]  }
0x848: {  	v11 =	vld [tilespmem:s24+$0xFFFFE400]  }
0x849: {  	v12 =	vld [tilespmem:s24+$0xFFFFE410]  }
0x84a: {  	v13 =	vld [tilespmem:s24+$0xFFFFE420]  }
0x84b: {  	[tilespmem:v2+s18+$0x0] =	vst.idx.add.f32.msk $0xffff, v9  }
0x84c: {  	[tilespmem:v8+s6+$0x0] =	vst.idx.add.f32.msk $0xffff, v10  }
0x84d: {  	v9 =	vld [tilespmem:s24+$0xFFFFEC30]  }
0x84e: {  	[tilespmem:v7+s5+$0x0] =	vst.idx.add.f32.msk $0xffff, v11  }
0x84f: {  	[tilespmem:v6+s5+$0x0] =	vst.idx.add.f32.msk $0xffff, v12  }
0x850: {  	[tilespmem:v4+s5+$0x0] =	vst.idx.add.f32.msk $0xffff, v13  }
0x851: {  	v10 =	vld [tilespmem:s24+$0xFFFFE800]  }
0x852: {  	[tilespmem:v8+s7+$0x0] =	vst.idx.add.f32.msk $0xffff, v9  }
0x853: {  	v9 =	vld [tilespmem:s24+$0xFFFFF030]  }
0x854: {  	v11 =	vld [tilespmem:s24+$0xFFFFE810]  }
0x855: {  	v12 =	vld [tilespmem:s24+$0xFFFFE820]  }
0x856: {  	[tilespmem:v7+s6+$0x0] =	vst.idx.add.f32.msk $0xffff, v10  }
0x857: {  	v10 =	vld [tilespmem:s24+$0xFFFFEC00]  }
0x858: {  	[tilespmem:v8+s8+$0x0] =	vst.idx.add.f32.msk $0xffff, v9  }
0x859: {  	v9 =	vld [tilespmem:s24+$0xFFFFF430]  }
0x85a: {  	[tilespmem:v6+s6+$0x0] =	vst.idx.add.f32.msk $0xffff, v11  }
0x85b: {  	[tilespmem:v4+s6+$0x0] =	vst.idx.add.f32.msk $0xffff, v12  }
0x85c: {  	v11 =	vld [tilespmem:s24+$0xFFFFEC10]  }
0x85d: {  	v12 =	vld [tilespmem:s24+$0xFFFFEC20]  }
0x85e: {  	[tilespmem:v8+s9+$0x0] =	vst.idx.add.f32.msk $0xffff, v9  }
0x85f: {  	v9 =	vld [tilespmem:s24+$0xFFFFF830]  }
0x860: {  	[tilespmem:v7+s7+$0x0] =	vst.idx.add.f32.msk $0xffff, v10  }
0x861: {  	[tilespmem:v6+s7+$0x0] =	vst.idx.add.f32.msk $0xffff, v11  }
0x862: {  	[tilespmem:v4+s7+$0x0] =	vst.idx.add.f32.msk $0xffff, v12  }
0x863: {  	v10 =	vld [tilespmem:s24+$0xFFFFF000]  }
0x864: {  	[tilespmem:v8+s10+$0x0] =	vst.idx.add.f32.msk $0xffff, v9  }
0x865: {  	v9 =	vld [tilespmem:s24+$0xFFFFFC30]  }
0x866: {  	v11 =	vld [tilespmem:s24+$0xFFFFF010]  }
0x867: {  	v12 =	vld [tilespmem:s24+$0xFFFFF020]  }
0x868: {  	[tilespmem:v7+s8+$0x0] =	vst.idx.add.f32.msk $0xffff, v10  }
0x869: {  	v10 =	vld [tilespmem:s24+$0xFFFFF400]  }
0x86a: {  	[tilespmem:v8+s11+$0x0] =	vst.idx.add.f32.msk $0xffff, v9  }
0x86b: {  	v9 =	vld [tilespmem:s24+$0x30]  }
0x86c: {  	[tilespmem:v6+s8+$0x0] =	vst.idx.add.f32.msk $0xffff, v11  }
0x86d: {  	[tilespmem:v4+s8+$0x0] =	vst.idx.add.f32.msk $0xffff, v12  }
0x86e: {  	v11 =	vld [tilespmem:s24+$0xFFFFF410]  }
0x86f: {  	v12 =	vld [tilespmem:s24+$0xFFFFF420]  }
0x870: {  	[tilespmem:v8+s12+$0x0] =	vst.idx.add.f32.msk $0xffff, v9  }
0x871: {  	v9 =	vld [tilespmem:s24+$0x430]  }
0x872: {  	[tilespmem:v7+s9+$0x0] =	vst.idx.add.f32.msk $0xffff, v10  }
0x873: {  	[tilespmem:v6+s9+$0x0] =	vst.idx.add.f32.msk $0xffff, v11  }
0x874: {  	[tilespmem:v4+s9+$0x0] =	vst.idx.add.f32.msk $0xffff, v12  }
0x875: {  	v10 =	vld [tilespmem:s24+$0xFFFFF800]  }
0x876: {  	[tilespmem:v8+s13+$0x0] =	vst.idx.add.f32.msk $0xffff, v9  }
0x877: {  	v9 =	vld [tilespmem:s24+$0x830]  }
0x878: {  	v11 =	vld [tilespmem:s24+$0xFFFFF810]  }
0x879: {  	v12 =	vld [tilespmem:s24+$0xFFFFF820]  }
0x87a: {  	[tilespmem:v7+s10+$0x0] =	vst.idx.add.f32.msk $0xffff, v10  }
0x87b: {  	v10 =	vld [tilespmem:s24+$0xFFFFFC00]  }
0x87c: {  	[tilespmem:v8+s14+$0x0] =	vst.idx.add.f32.msk $0xffff, v9  }
0x87d: {  	v9 =	vld [tilespmem:s24+$0xC30]  }
0x87e: {  	[tilespmem:v6+s10+$0x0] =	vst.idx.add.f32.msk $0xffff, v11  }
0x87f: {  	[tilespmem:v4+s10+$0x0] =	vst.idx.add.f32.msk $0xffff, v12  }
0x880: {  	v11 =	vld [tilespmem:s24+$0xFFFFFC10]  }
0x881: {  	v12 =	vld [tilespmem:s24+$0xFFFFFC20]  }
0x882: {  	[tilespmem:v8+s15+$0x0] =	vst.idx.add.f32.msk $0xffff, v9  }
0x883: {  	v9 =	vld [tilespmem:s24+$0x1030]  }
0x884: {  	[tilespmem:v7+s11+$0x0] =	vst.idx.add.f32.msk $0xffff, v10  }
0x885: {  	[tilespmem:v6+s11+$0x0] =	vst.idx.add.f32.msk $0xffff, v11  }
0x886: {  	[tilespmem:v4+s11+$0x0] =	vst.idx.add.f32.msk $0xffff, v12  }
0x887: {  	v10 =	vld [tilespmem:s24+$0x0]  }
0x888: {  	[tilespmem:v8+s16+$0x0] =	vst.idx.add.f32.msk $0xffff, v9  }
0x889: {  	v9 =	vld [tilespmem:s24+$0x1430]  }
0x88a: {  	v11 =	vld [tilespmem:s24+$0x10]  }
0x88b: {  	v12 =	vld [tilespmem:s24+$0x20]  }
0x88c: {  	[tilespmem:v7+s12+$0x0] =	vst.idx.add.f32.msk $0xffff, v10  }
0x88d: {  	v10 =	vld [tilespmem:s24+$0x400]  }
0x88e: {  	[tilespmem:v8+s17+$0x0] =	vst.idx.add.f32.msk $0xffff, v9  }
0x88f: {  	v9 =	vld [tilespmem:s24+$0x1830]  }
0x890: {  	[tilespmem:v6+s12+$0x0] =	vst.idx.add.f32.msk $0xffff, v11  }
0x891: {  	[tilespmem:v4+s12+$0x0] =	vst.idx.add.f32.msk $0xffff, v12  }
0x892: {  	v11 =	vld [tilespmem:s24+$0x410]  }
0x893: {  	v12 =	vld [tilespmem:s24+$0x420]  }
0x894: {  	[tilespmem:v8+s18+$0x0] =	vst.idx.add.f32.msk $0xffff, v9  }
0x895: {  	v9 =	vld [tilespmem:s24+$0x1C30]  }
0x896: {  	[tilespmem:v7+s13+$0x0] =	vst.idx.add.f32.msk $0xffff, v10  }
0x897: {  	[tilespmem:v6+s13+$0x0] =	vst.idx.add.f32.msk $0xffff, v11  }
0x898: {  	[tilespmem:v4+s13+$0x0] =	vst.idx.add.f32.msk $0xffff, v12  }
0x899: {  	v10 =	vld [tilespmem:s24+$0x800]  }
0x89a: {  	[tilespmem:v8+s19+$0x0] =	vst.idx.add.f32.msk $0xffff, v9  }
0x89b: {  	v8 =	vld [tilespmem:s24+$0x810]  }
0x89c: {  	v9 =	vld [tilespmem:s24+$0x820]  }
0x89d: {  	v11 =	vld [tilespmem:s4+$0x1C10]  }
0x89e: {  	[tilespmem:v7+s14+$0x0] =	vst.idx.add.f32.msk $0xffff, v10  }
0x89f: {  	v10 =	vld [tilespmem:s24+$0xC00]  }
0x8a0: {  	[tilespmem:v6+s14+$0x0] =	vst.idx.add.f32.msk $0xffff, v8  }
0x8a1: {  	[tilespmem:v4+s14+$0x0] =	vst.idx.add.f32.msk $0xffff, v9  }
0x8a2: {  	v8 =	vld [tilespmem:s24+$0xC10]  }
0x8a3: {  	v9 =	vld [tilespmem:s24+$0xC20]  }
0x8a4: {  	[tilespmem:v7+s15+$0x0] =	vst.idx.add.f32.msk $0xffff, v10  }
0x8a5: {  	v10 =	vld [tilespmem:s24+$0x1000]  }
0x8a6: {  	v12 =	vld [tilespmem:s4+$0x1C20];
	s4 =	smov.u32 s24  }
0x8a7: {  	[tilespmem:v6+s15+$0x0] =	vst.idx.add.f32.msk $0xffff, v8  }
0x8a8: {  	[tilespmem:v4+s15+$0x0] =	vst.idx.add.f32.msk $0xffff, v9  }
0x8a9: {  	v8 =	vld [tilespmem:s24+$0x1010]  }
0x8aa: {  	v9 =	vld [tilespmem:s24+$0x1020]  }
0x8ab: {  	[tilespmem:v7+s16+$0x0] =	vst.idx.add.f32.msk $0xffff, v10  }
0x8ac: {  	v10 =	vld [tilespmem:s24+$0x1400]  }
0x8ad: {  	[tilespmem:v3+s19+$0x0] =	vst.idx.add.f32.msk $0xffff, v5;
	v3 =	vmov v7  }
0x8ae: {  	[tilespmem:v6+s16+$0x0] =	vst.idx.add.f32.msk $0xffff, v8  }
0x8af: {  	[tilespmem:v4+s16+$0x0] =	vst.idx.add.f32.msk $0xffff, v9  }
0x8b0: {  	v5 =	vld [tilespmem:s24+$0x1410]  }
0x8b1: {  	v7 =	vld [tilespmem:s24+$0x1420]  }
0x8b2: {  	[tilespmem:v3+s17+$0x0] =	vst.idx.add.f32.msk $0xffff, v10  }
0x8b3: {  	v8 =	vld [tilespmem:s24+$0x1800]  }
0x8b4: {  	[tilespmem:v1+s19+$0x0] =	vst.idx.add.f32.msk $0xffff, v11;
	v1 =	vmov v6  }
0x8b5: {  	[tilespmem:v6+s17+$0x0] =	vst.idx.add.f32.msk $0xffff, v5  }
0x8b6: {  	[tilespmem:v4+s17+$0x0] =	vst.idx.add.f32.msk $0xffff, v7  }
.Ltmp7:
0x8b7: {  	v10 =	vld [tilespmem:s24+$0x1810];
	(pc) =	sbr.rel @p0 .LBB2_16-.Ltmp7, $4  }
0x8b8: {  	v9 =	vld [tilespmem:s24+$0x1820]  }
0x8b9: {  	[tilespmem:v3+s18+$0x0] =	vst.idx.add.f32.msk $0xffff, v8  }
0x8ba: {  	v5 =	vld [tilespmem:s24+$0x1C00]  }
0x8bb: {  	s2 =	sadd.s32 $0x40, s2;
	[tilespmem:v2+s19+$0x0] =	vst.idx.add.f32.msk $0xffff, v12;
	v2 =	vmov v4  }
0x8bc: {  	_ =	sdelay $0x3  }
0x8bd: {  	[tilespmem:v1+s18+$0x0] =	vst.idx.add.f32.msk $0xffff, v10  }
0x8be: {  	[tilespmem:v2+s18+$0x0] =	vst.idx.add.f32.msk $0xffff, v9  }
0x8bf: {  	v4 =	vld [tilespmem:s4+$0x1C10]  }
0x8c0: {  	v6 =	vld [tilespmem:s4+$0x1C20];
	_ =	sdelay $0x2  }
0x8c1: {  	[tilespmem:v3+s19+$0x0] =	vst.idx.add.f32.msk $0xffff, v5  }
0x8c2: {  	[tilespmem:v1+s19+$0x0] =	vst.idx.add.f32.msk $0xffff, v4  }
0x8c3: {  	[tilespmem:v2+s19+$0x0] =	vst.idx.add.f32.msk $0xffff, v6  }
0x8c4: {  	[bflag:$0x0] =	sbarrier.arrive $0xFFFF  }
0x8c5: {  	s28 =	simm.s32 $0x10;
	s24 =	simm.s32 $0x18800;
	s2 =	rddreg [dreg:$0x2]  }
0x8c6: {  	[spmem:s2] =	stream.indirect.scatter.add.f32 [tilespmem:s29], [sflag:$0x5], $0x1000, s24, s28, $0xb8;
	[tilespmem:$0x19810] =	vst v63  }
0x8c7: {  	_ =	swait.ge [sflag:s30], $0x10000  }
0x8c8: {  	[sflag:s30] =	ssyncset.done $0x0  }
0x8c9: {  	[sflag:s30] =	ssyncadd.s32 $0xFFFF0000  }
0x8ca: {  	[bflag:$0x0] =	sbarrier.arrive $0xFFFF  }
0x8cb: {  	s24 =	simm.s32 $0x200;
	s4 =	rddreg [dreg:$0x17]  }
0x8cc: {  	[hbm:s4@s24], [sflag:s22] =	dma.strided [spmem:s23@s24], $0x200, s31, $0x10   }
0x8cd: {  	_ =	swait.ge [sflag:s30], $0x200  }
0x8ce: {  	s21 =	sadd.s32 $0x1, s21;
	s28 =	rddreg [dreg:$0x18]  }
0x8cf: {  	p0 =	sne.s32 s21, s28  }
.Ltmp8:
0x8d0: {  	_ = 	snop;
	(pc) =	sbr.rel @p0 .LBB2_1-.Ltmp8, $3  }
0x8d1: {  	_ =	sdelay $0x1  }
0x8d2: {  	[sflag:s30] =	ssyncset.done $0x0  }
0x8d3: {  	[sflag:s30] =	ssyncadd.s32 $0xFFFFFE00  }
0x8d4: {  	_ =	sfence.sel $0x180000  }
0x8d5: {  	[bflag:$0x0] =	sbarrier.arrive $0xFFFF  }
0x8d6: {  	_ =	strace $0x90000047  }
0x8d7: {  	s0 =	stileid.u32;
	[bflag:$0x2] =	sbarrier.arrive $0xFFFF  }
0x8d8: {  	p0 =	sne.s32 s0, $0x0;
	s0 =	rddreg [dreg:$0x3]  }
0x8d9: {  	s0 =	sadd.s32 @!p0 $0x100000, s0  }
0x8da: {  	[sflag:s0] =	ssyncadd.tile.s32 @!p0 $0x1;
	_ =	shalt  }
.Lfunc_end2:
_tile_overlayer_lowered:
.L_overlay_start_2:
0x8db: {  	(tag) =	ssettag $0x2  }
0x8dc: {  	s0 =	rddreg [dreg:$0x0];
	s2 =	stileid.u32  }
0x8dd: {  	s1 =	rddreg [dreg:$0x1];
	p0 =	sne.s32 s2, $0x0  }
0x8de: {  	s3 =	rddreg [dreg:$0x2];
	[bflag:$0x3] =	sbarrier.arrive $0xFFFF;
	s2 =	simm.s32 @!p0 $0x1C05  }
0x8df: {  	[timem:s3], [sflag:s2] =	dma.local @!p0 [hbm:s0], s1  }
0x8e0: {  	s0 =	simm.s32 @!p0 $0x5  }
0x8e1: {  	_ =	swait.ge @!p0 [sflag:s0], s1  }
0x8e2: {  	s1 =	ssub.s32 @!p0 $0x0, s1;
	[sflag:s0] =	ssyncset.done @!p0 $0x0  }
0x8e3: {  	[sflag:s0] =	ssyncadd.s32 @!p0 s1  }
0x8e4: {  	[bflag:$0x3] =	sbarrier.arrive $0xFFFF  }
0x8e5: {  	_ =	shalt  }

</sc_bundles>
